<compile_context>
chip_gen: v7x
topology: tpu7x:2x2x1
jax: 0.10.2.dev20260603
libtpu: 0.0.44.dev20260713+nightly
codegen_flags: <defaults>
</compile_context>

<pallas_src>
import functools

import jax
import jax.numpy as jnp
from jax import lax
from jax.experimental import pallas as pl
from jax.experimental.pallas import tpu as pltpu
from jax.experimental.pallas import tpu_sc as plsc

B = 64
NB = 4
V = 100000
EOS = 2
REP = 1.2
BN = B * NB

NC, NS, LANES = 2, 16, 16
NW = NC * NS
ROWS_PER_TILE = BN // NW
CHUNK = 2000
NCHUNK = V // CHUNK
CVECS = CHUNK // LANES
TOKP = 64
TOKVECS = TOKP // LANES
CMAXP = 64
CAND_CAP = 256
CANDVECS = CAND_CAP // LANES
DEPTH = 5
K = 2 * NB
NEG = -3.0e38
BIGI = 2**30


def _iota16(off):
    return lax.iota(jnp.int32, 16) + off


def _store1(ref, pos, val):
    lane0 = lax.iota(jnp.int32, LANES) == 0
    plsc.store_scatter(ref, [jnp.broadcast_to(pos, (LANES,))],
                       jnp.broadcast_to(val, (LANES,)), mask=lane0)


def _load1(ref, pos):
    g = plsc.load_gather(ref, [jnp.broadcast_to(pos, (LANES,))])
    return jnp.max(g)


def _argmax_sweep(ref, nvecs):
    def body(i, carry):
        mv, av = carry
        x = ref[pl.ds(i * LANES, LANES)]
        idx = _iota16(i * LANES)
        upd = x > mv
        return jnp.maximum(mv, x), jnp.where(upd, idx, av)
    mv, av = lax.fori_loop(
        0, nvecs, body,
        (jnp.full((LANES,), NEG, jnp.float32), jnp.full((LANES,), BIGI, jnp.int32)),
        unroll=4)
    m = jnp.max(mv)
    pos = jnp.min(jnp.where(mv >= m, av, BIGI))
    return m, pos


def _sc_stage(scores, tokens_p):
    mesh = plsc.VectorSubcoreMesh(core_axis_name="c", subcore_axis_name="s")

    @functools.partial(
        pl.kernel,
        out_type=(
            jax.ShapeDtypeStruct((BN * K,), jnp.float32),
            jax.ShapeDtypeStruct((BN * K,), jnp.int32),
            jax.ShapeDtypeStruct((BN,), jnp.float32),
            jax.ShapeDtypeStruct((BN,), jnp.float32),
        ),
        mesh=mesh,
        compiler_params=pltpu.CompilerParams(needs_layout_passes=False),
        scratch_types=[
            pltpu.VMEM((V,), jnp.float32),
            pltpu.VMEM((TOKP,), jnp.int32),
            pltpu.VMEM((CMAXP,), jnp.float32),
            pltpu.VMEM((CMAXP,), jnp.float32),
            pltpu.VMEM((CAND_CAP,), jnp.float32),
            pltpu.VMEM((CAND_CAP,), jnp.int32),
            pltpu.VMEM((ROWS_PER_TILE * K,), jnp.float32),
            pltpu.VMEM((ROWS_PER_TILE * K,), jnp.int32),
            pltpu.VMEM((ROWS_PER_TILE,), jnp.float32),
            pltpu.VMEM((ROWS_PER_TILE,), jnp.float32),
        ] + [pltpu.SemaphoreType.DMA] * DEPTH,
    )
    def sc_kernel(scores_hbm, tok_hbm, ov_hbm, oc_hbm, om_hbm, os_hbm,
                  buf, tokbuf, cmax, cmax2, candv, candc, t8v, t8c, m8, s8,
                  *sems):
        wid = lax.axis_index("s") * NC + lax.axis_index("c")
        base = wid * ROWS_PER_TILE

        def do_row(k_row, _):
            row = base + k_row
            pltpu.sync_copy(tok_hbm.at[pl.ds(row * TOKP, TOKP)], tokbuf)
            for i in range(CMAXP // LANES):
                cmax[pl.ds(i * LANES, LANES)] = jnp.full((LANES,), NEG, jnp.float32)
            for i in range(CANDVECS):
                candv[pl.ds(i * LANES, LANES)] = jnp.full((LANES,), NEG, jnp.float32)

            def start(c, sem):
                pltpu.async_copy(
                    scores_hbm.at[pl.ds(row * V + c * CHUNK, CHUNK)],
                    buf.at[pl.ds(c * CHUNK, CHUNK)], sem)

            def wait(sem):
                pltpu.make_async_copy(scores_hbm.at[pl.ds(0, CHUNK)],
                                      buf.at[pl.ds(0, CHUNK)], sem).wait()

            for d in range(DEPTH):
                start(d, sems[d])

            def process(c, carry):
                m_run, s_run = carry
                c0 = c * CHUNK
                for t in range(TOKVECS):
                    tok = tokbuf[pl.ds(t * LANES, LANES)]
                    msk = (tok >= c0) & (tok < c0 + CHUNK)
                    tokc = jnp.where(msk, tok, 0)
                    g = plsc.load_gather(buf, [tokc], mask=msk)
                    pen = jnp.where(g < 0.0, g * REP, g * (1.0 / REP))
                    plsc.store_scatter(buf, [tokc], pen, mask=msk)

                def bmax(i, mv):
                    return jnp.maximum(mv, buf[pl.ds(c0 + i * LANES, LANES)])
                mv = lax.fori_loop(0, CVECS, bmax,
                                   jnp.full((LANES,), NEG, jnp.float32),
                                   unroll=25)
                m_c = jnp.max(mv)
                _store1(cmax, c, m_c)
                m_new = jnp.maximum(m_run, m_c)
                s_run = s_run * jnp.exp(jnp.broadcast_to(m_run - m_new, (LANES,)))

                def bsum(i, acc):
                    x = buf[pl.ds(c0 + i * LANES, LANES)]
                    return acc + jnp.exp(x - m_new)
                s_run = lax.fori_loop(0, CVECS, bsum, s_run, unroll=25)
                return m_new, s_run

            def group_a(g, carry):
                for d in range(DEPTH):
                    c = g * DEPTH + d
                    wait(sems[d])
                    nxt = c + DEPTH
                    lax.cond(nxt < NCHUNK,
                             lambda: start(nxt, sems[d]), lambda: None)
                    carry = process(c, carry)
                return carry

            m_row, s_vec = lax.fori_loop(
                0, NCHUNK // DEPTH, group_a,
                (jnp.float32(NEG), jnp.zeros((LANES,), jnp.float32)))

            for i in range(CMAXP // LANES):
                cmax2[pl.ds(i * LANES, LANES)] = cmax[pl.ds(i * LANES, LANES)]

            def tstep(j, t):
                m, pos = _argmax_sweep(cmax, CMAXP // LANES)
                _store1(cmax, pos, jnp.float32(NEG))
                return m
            t_thr = lax.fori_loop(0, K, tstep, jnp.float32(NEG))

            def chunk_c(c, cnt):
                c0 = c * CHUNK

                def collect(cnt):
                    def bcol(i, cnt):
                        x = buf[pl.ds(c0 + i * LANES, LANES)]
                        msk = x >= t_thr
                        cnt = jnp.minimum(cnt, CAND_CAP - LANES)
                        plsc.store_compressed(candv.at[pl.ds(cnt, LANES)], x,
                                              mask=msk)
                        plsc.store_compressed(candc.at[pl.ds(cnt, LANES)],
                                              _iota16(c0 + i * LANES), mask=msk)
                        return cnt + jnp.sum(msk.astype(jnp.int32))
                    return lax.fori_loop(0, CVECS, bcol, cnt)

                return lax.cond(_load1(cmax2, c) >= t_thr, collect,
                                lambda n: n, cnt)

            lax.fori_loop(0, NCHUNK, chunk_c, jnp.int32(0))

            def dstep(j, _):
                m, pos = _argmax_sweep(candv, CANDVECS)
                col = _load1(candc, pos)
                _store1(candv, pos, jnp.float32(NEG))
                _store1(t8v, k_row * K + j, m)
                _store1(t8c, k_row * K + j, col)
                return 0
            lax.fori_loop(0, K, dstep, 0)

            _store1(m8, k_row, m_row)
            _store1(s8, k_row, jnp.sum(s_vec))
            return 0

        lax.fori_loop(0, ROWS_PER_TILE, do_row, 0)
        pltpu.sync_copy(t8v, ov_hbm.at[pl.ds(base * K, ROWS_PER_TILE * K)])
        pltpu.sync_copy(t8c, oc_hbm.at[pl.ds(base * K, ROWS_PER_TILE * K)])
        pltpu.sync_copy(m8, om_hbm.at[pl.ds(base, ROWS_PER_TILE)])
        pltpu.sync_copy(s8, os_hbm.at[pl.ds(base, ROWS_PER_TILE)])

    return sc_kernel(scores.reshape(-1), tokens_p.reshape(-1))


def _tc_merge_body(v_ref, c_ref, m_ref, s_ref, b_ref,
                   ks_ref, kt_ref, kb_ref, ri_ref):
    x = v_ref[:]
    cols = c_ref[:]
    logp = x - m_ref[:] - jnp.log(s_ref[:]) + b_ref[:]
    pos = lax.broadcasted_iota(jnp.int32, (B, NB * K), 1)

    remaining = logp
    nb_seen = jnp.zeros((B, 1), jnp.int32)
    ks = [jnp.zeros((B, 1), jnp.float32) for _ in range(NB)]
    kt = [jnp.zeros((B, 1), jnp.int32) for _ in range(NB)]
    kb = [jnp.zeros((B, 1), jnp.int32) for _ in range(NB)]
    for _ in range(K):
        mx = jnp.max(remaining, axis=1, keepdims=True)
        p = jnp.min(jnp.where(remaining >= mx, pos, BIGI), axis=1, keepdims=True)
        hit = pos == p
        tok = jnp.sum(jnp.where(hit, cols, 0), axis=1, keepdims=True)
        beam = p // K
        remaining = jnp.where(hit, NEG, remaining)
        not_eos = (tok != EOS).astype(jnp.int32)
        rank = nb_seen + not_eos
        for q in range(NB):
            keep = (not_eos == 1) & (rank == q + 1)
            ks[q] = jnp.where(keep, mx, ks[q])
            kt[q] = jnp.where(keep, tok, kt[q])
            kb[q] = jnp.where(keep, beam, kb[q])
        nb_seen = nb_seen + not_eos

    ks_ref[:] = jnp.concatenate(ks, axis=1)
    kt_ref[:] = jnp.concatenate(kt, axis=1)
    kbm = jnp.concatenate(kb, axis=1)
    kb_ref[:] = kbm
    ri_ref[:] = kbm + jnp.arange(B, dtype=jnp.int32)[:, None] * NB


def _tc_merge(vals, cols, m, s, beam_scores):
    v32 = vals.reshape(B, NB * K)
    c32 = cols.reshape(B, NB * K)
    m32 = jnp.repeat(m.reshape(B, NB), K, axis=1)
    s32 = jnp.repeat(s.reshape(B, NB), K, axis=1)
    b32 = jnp.repeat(beam_scores.reshape(B, NB), K, axis=1)
    ks, kt, kb, ri = pl.pallas_call(
        _tc_merge_body,
        out_shape=(
            jax.ShapeDtypeStruct((B, NB), jnp.float32),
            jax.ShapeDtypeStruct((B, NB), jnp.int32),
            jax.ShapeDtypeStruct((B, NB), jnp.int32),
            jax.ShapeDtypeStruct((B, NB), jnp.int32),
        ),
    )(v32, c32, m32, s32, b32)
    return ks, kt, kb, ri.reshape(-1)


def kernel(scores, beam_scores, token_ids):
    tokens_p = jnp.pad(token_ids, ((0, 0), (0, TOKP - token_ids.shape[1])),
                       constant_values=BIGI)
    vals, cols, m, s = _sc_stage(scores, tokens_p)
    return _tc_merge(vals, cols, m, s, beam_scores)

# --- scband reference (transcript-rebuilt; emitter-appended) ---
"""Pipeline reference for scband-sequence-generator-model-38740605010268 (READ-ONLY COPY).

The authoritative reference and input builder live on the scoring server;
editing this copy changes nothing except your own understanding.
"""

import jax, jax.numpy as jnp
import numpy as np

B = 64          # batch size
NB = 4          # num_beams
V = 100000      # vocab size
L = 50          # current decoded length
EOS = 2         # eos_token_id
REP = 1.2       # repetition_penalty


def setup_inputs(seed: int = 0) -> dict:
    key = jax.random.key(seed)
    k1, k2, k3 = jax.random.split(key, 3)
    scores = jax.random.normal(k1, (B * NB, V), dtype=jnp.float32)
    beam_scores = jax.random.normal(k2, (B * NB,), dtype=jnp.float32)
    token_ids = jax.random.randint(k3, (B * NB, L), 0, V, dtype=jnp.int32)
    return {"scores": scores, "beam_scores": beam_scores, "token_ids": token_ids}


def reference(scores, beam_scores, token_ids):
    # One beam-search expansion step (the top-k masking core of _beam_search_generate).
    bn = scores.shape[0]
    # --- repetition penalty: gather scores at previously generated tokens,
    #     penalize, scatter back (torch scores.gather / scores.scatter_) ---
    token_scores = jnp.take_along_axis(scores, token_ids, axis=1)
    lt_zero = token_scores < 0
    penalized = jnp.where(lt_zero, REP * token_scores, token_scores / REP)
    row_idx = jnp.arange(bn)[:, None]
    scores = scores.at[row_idx, token_ids].set(penalized)
    # --- log_softmax over vocab, add running beam scores ---
    logp = jax.nn.log_softmax(scores, axis=-1)
    _scores = logp + beam_scores[:, None]
    _scores = _scores.reshape(B, NB * V)
    # --- top 2*num_beams over (beams x vocab) ---
    next_scores, ids = jax.lax.top_k(_scores, 2 * NB)
    from_which_beam = ids // V
    next_tokens = ids % V
    # --- keep first num_beams non-EOS candidates per row
    #     (torch: not_eos_mask.cumsum(1).le(num_beams) & not_eos_mask, masked_select) ---
    not_eos = next_tokens != EOS
    order = jnp.argsort(jnp.logical_not(not_eos).astype(jnp.int32), axis=1, stable=True)
    sel = order[:, :NB]
    kept_scores = jnp.take_along_axis(next_scores, sel, axis=1)
    kept_tokens = jnp.take_along_axis(next_tokens, sel, axis=1)
    kept_beam = jnp.take_along_axis(from_which_beam, sel, axis=1)
    # reorder indices for state reordering
    batch_inds = (jnp.arange(B) * NB)[:, None]
    reorder_inds = (batch_inds + kept_beam).reshape(-1)
    return kept_scores, kept_tokens, kept_beam, reorder_inds

if __name__ == "__main__":
    import jax
    _d = setup_inputs()
    print(jax.jit(kernel)(*tuple(_d.values())))

</pallas_src>

<mosaic_0001>
#map = affine_map<(d0, d1) -> (0)>
module attributes {stable_mosaic.version = 14 : i64} {
  func.func @sc_kernel(%arg0: i32, %arg1: i32, %arg2: memref<25600000xf32, #tpu.memory_space<hbm>>, %arg3: memref<16384xi32, #tpu.memory_space<hbm>>, %arg4: memref<2048xf32, #tpu.memory_space<hbm>>, %arg5: memref<2048xi32, #tpu.memory_space<hbm>>, %arg6: memref<256xf32, #tpu.memory_space<hbm>>, %arg7: memref<256xf32, #tpu.memory_space<hbm>>, %arg8: memref<100000xf32, #tpu.memory_space<vmem>>, %arg9: memref<64xi32, #tpu.memory_space<vmem>>, %arg10: memref<64xf32, #tpu.memory_space<vmem>>, %arg11: memref<64xf32, #tpu.memory_space<vmem>>, %arg12: memref<256xf32, #tpu.memory_space<vmem>>, %arg13: memref<256xi32, #tpu.memory_space<vmem>>, %arg14: memref<64xf32, #tpu.memory_space<vmem>>, %arg15: memref<64xi32, #tpu.memory_space<vmem>>, %arg16: memref<8xf32, #tpu.memory_space<vmem>>, %arg17: memref<8xf32, #tpu.memory_space<vmem>>, %arg18: memref<!tpu.dma_semaphore, #tpu.memory_space<semaphore_mem>>, %arg19: memref<!tpu.dma_semaphore, #tpu.memory_space<semaphore_mem>>, %arg20: memref<!tpu.dma_semaphore, #tpu.memory_space<semaphore_mem>>, %arg21: memref<!tpu.dma_semaphore, #tpu.memory_space<semaphore_mem>>, %arg22: memref<!tpu.dma_semaphore, #tpu.memory_space<semaphore_mem>>) attributes {dimension_semantics = [#tpu.dimension_semantics<core_parallel>, #tpu.dimension_semantics<subcore_parallel>], iteration_bounds = array<i64: 2, 16>, scalar_prefetch = 0 : i64, scratch_operands = 15 : i64, tpu.core_type = #tpu.core_type<sc_vector_subcore>, window_params = [{transform_indices = #map}, {transform_indices = #map}, {transform_indices = #map}, {transform_indices = #map}, {transform_indices = #map}, {transform_indices = #map}]} {
    %mul3A = arith.constant 2 : i32
    %mul3A_0 = arith.muli %arg1, %mul3A : i32
    %add3A = arith.addi %mul3A_0, %arg0 : i32
    %mul3A_1 = arith.constant 8 : i32
    %mul3A_2 = arith.muli %add3A, %mul3A_1 : i32
    %scan3A = arith.constant 0 : i32
    %scan3A_3 = arith.constant 0 : i32
    %scan3A_4 = arith.constant 8 : i32
    %scan3A_5 = arith.addi %scan3A_3, %scan3A_4 : i32
    %scan3A_6 = arith.constant 1 : i32
    %scan3A_7 = scf.for %scan3A_13 = %scan3A_3 to %scan3A_5 step %scan3A_6 iter_args(%scan3A_14 = %scan3A) -> (i32)  : i32 {
      %add3A_15 = arith.addi %mul3A_2, %scan3A_13 : i32
      %mul3A_16 = arith.constant 64 : i32
      %mul3A_17 = arith.muli %add3A_15, %mul3A_16 : i32
      "tpu.region"() ({
        %run_scoped3A = tpu.sem_alloc : memref<!tpu.dma_semaphore, #tpu.memory_space<semaphore_mem>>
        %dma_start3A_204 = tpu.memref_slice %arg3[%mul3A_17] : memref<16384xi32, #tpu.memory_space<hbm>> -> memref<64xi32, #tpu.memory_space<hbm>>
        %dma_start3A_205 = tpu.memref_slice %arg3[%mul3A_17] : memref<16384xi32, #tpu.memory_space<hbm>> -> memref<64xi32, #tpu.memory_space<hbm>>
        tpu.enqueue_dma source(%dma_start3A_205 : memref<64xi32, #tpu.memory_space<hbm>>) target(%arg9 : memref<64xi32, #tpu.memory_space<vmem>>) target_semaphore(%run_scoped3A : memref<!tpu.dma_semaphore, #tpu.memory_space<semaphore_mem>>)
        %dma_wait3A = tpu.memref_slice %arg3[%mul3A_17] : memref<16384xi32, #tpu.memory_space<hbm>> -> memref<64xi32, #tpu.memory_space<hbm>>
        %dma_wait3A_206 = tpu.memref_slice %arg3[%mul3A_17] : memref<16384xi32, #tpu.memory_space<hbm>> -> memref<64xi32, #tpu.memory_space<hbm>>
        tpu.wait_dma2 semaphore(%run_scoped3A : memref<!tpu.dma_semaphore, #tpu.memory_space<semaphore_mem>>) src(%dma_wait3A_206 : memref<64xi32, #tpu.memory_space<hbm>>) dst(%arg9 : memref<64xi32, #tpu.memory_space<vmem>>)
        tpu.yield
      }) : () -> ()
      %broadcast_in_dim3A = arith.constant -3.000000e+38 : f32
      %broadcast_in_dim3A_18 = vector.broadcast %broadcast_in_dim3A : f32 to vector<16xf32>
      %swap3A = arith.constant 0 : index
      %swap3A_19 = tpu.vector_load %arg10[%swap3A] {strides = array<i32>} : memref<64xf32, #tpu.memory_space<vmem>>, vector<16xf32>,
      tpu.vector_store %arg10[%swap3A], %broadcast_in_dim3A_18 {strides = array<i32>} : memref<64xf32, #tpu.memory_space<vmem>>, vector<16xf32>,
      %broadcast_in_dim3A_20 = arith.constant -3.000000e+38 : f32
      %broadcast_in_dim3A_21 = vector.broadcast %broadcast_in_dim3A_20 : f32 to vector<16xf32>
      %swap3A_22 = arith.constant 16 : index
      %swap3A_23 = tpu.vector_load %arg10[%swap3A_22] {strides = array<i32>} : memref<64xf32, #tpu.memory_space<vmem>>, vector<16xf32>,
      tpu.vector_store %arg10[%swap3A_22], %broadcast_in_dim3A_21 {strides = array<i32>} : memref<64xf32, #tpu.memory_space<vmem>>, vector<16xf32>,
      %broadcast_in_dim3A_24 = arith.constant -3.000000e+38 : f32
      %broadcast_in_dim3A_25 = vector.broadcast %broadcast_in_dim3A_24 : f32 to vector<16xf32>
      %swap3A_26 = arith.constant 32 : index
      %swap3A_27 = tpu.vector_load %arg10[%swap3A_26] {strides = array<i32>} : memref<64xf32, #tpu.memory_space<vmem>>, vector<16xf32>,
      tpu.vector_store %arg10[%swap3A_26], %broadcast_in_dim3A_25 {strides = array<i32>} : memref<64xf32, #tpu.memory_space<vmem>>, vector<16xf32>,
      %broadcast_in_dim3A_28 = arith.constant -3.000000e+38 : f32
      %broadcast_in_dim3A_29 = vector.broadcast %broadcast_in_dim3A_28 : f32 to vector<16xf32>
      %swap3A_30 = arith.constant 48 : index
      %swap3A_31 = tpu.vector_load %arg10[%swap3A_30] {strides = array<i32>} : memref<64xf32, #tpu.memory_space<vmem>>, vector<16xf32>,
      tpu.vector_store %arg10[%swap3A_30], %broadcast_in_dim3A_29 {strides = array<i32>} : memref<64xf32, #tpu.memory_space<vmem>>, vector<16xf32>,
      %broadcast_in_dim3A_32 = arith.constant -3.000000e+38 : f32
      %broadcast_in_dim3A_33 = vector.broadcast %broadcast_in_dim3A_32 : f32 to vector<16xf32>
      %swap3A_34 = arith.constant 0 : index
      %swap3A_35 = tpu.vector_load %arg12[%swap3A_34] {strides = array<i32>} : memref<256xf32, #tpu.memory_space<vmem>>, vector<16xf32>,
      tpu.vector_store %arg12[%swap3A_34], %broadcast_in_dim3A_33 {strides = array<i32>} : memref<256xf32, #tpu.memory_space<vmem>>, vector<16xf32>,
      %broadcast_in_dim3A_36 = arith.constant -3.000000e+38 : f32
      %broadcast_in_dim3A_37 = vector.broadcast %broadcast_in_dim3A_36 : f32 to vector<16xf32>
      %swap3A_38 = arith.constant 16 : index
      %swap3A_39 = tpu.vector_load %arg12[%swap3A_38] {strides = array<i32>} : memref<256xf32, #tpu.memory_space<vmem>>, vector<16xf32>,
      tpu.vector_store %arg12[%swap3A_38], %broadcast_in_dim3A_37 {strides = array<i32>} : memref<256xf32, #tpu.memory_space<vmem>>, vector<16xf32>,
      %broadcast_in_dim3A_40 = arith.constant -3.000000e+38 : f32
      %broadcast_in_dim3A_41 = vector.broadcast %broadcast_in_dim3A_40 : f32 to vector<16xf32>
      %swap3A_42 = arith.constant 32 : index
      %swap3A_43 = tpu.vector_load %arg12[%swap3A_42] {strides = array<i32>} : memref<256xf32, #tpu.memory_space<vmem>>, vector<16xf32>,
      tpu.vector_store %arg12[%swap3A_42], %broadcast_in_dim3A_41 {strides = array<i32>} : memref<256xf32, #tpu.memory_space<vmem>>, vector<16xf32>,
      %broadcast_in_dim3A_44 = arith.constant -3.000000e+38 : f32
      %broadcast_in_dim3A_45 = vector.broadcast %broadcast_in_dim3A_44 : f32 to vector<16xf32>
      %swap3A_46 = arith.constant 48 : index
      %swap3A_47 = tpu.vector_load %arg12[%swap3A_46] {strides = array<i32>} : memref<256xf32, #tpu.memory_space<vmem>>, vector<16xf32>,
      tpu.vector_store %arg12[%swap3A_46], %broadcast_in_dim3A_45 {strides = array<i32>} : memref<256xf32, #tpu.memory_space<vmem>>, vector<16xf32>,
      %broadcast_in_dim3A_48 = arith.constant -3.000000e+38 : f32
      %broadcast_in_dim3A_49 = vector.broadcast %broadcast_in_dim3A_48 : f32 to vector<16xf32>
      %swap3A_50 = arith.constant 64 : index
      %swap3A_51 = tpu.vector_load %arg12[%swap3A_50] {strides = array<i32>} : memref<256xf32, #tpu.memory_space<vmem>>, vector<16xf32>,
      tpu.vector_store %arg12[%swap3A_50], %broadcast_in_dim3A_49 {strides = array<i32>} : memref<256xf32, #tpu.memory_space<vmem>>, vector<16xf32>,
      %broadcast_in_dim3A_52 = arith.constant -3.000000e+38 : f32
      %broadcast_in_dim3A_53 = vector.broadcast %broadcast_in_dim3A_52 : f32 to vector<16xf32>
      %swap3A_54 = arith.constant 80 : index
      %swap3A_55 = tpu.vector_load %arg12[%swap3A_54] {strides = array<i32>} : memref<256xf32, #tpu.memory_space<vmem>>, vector<16xf32>,
      tpu.vector_store %arg12[%swap3A_54], %broadcast_in_dim3A_53 {strides = array<i32>} : memref<256xf32, #tpu.memory_space<vmem>>, vector<16xf32>,
      %broadcast_in_dim3A_56 = arith.constant -3.000000e+38 : f32
      %broadcast_in_dim3A_57 = vector.broadcast %broadcast_in_dim3A_56 : f32 to vector<16xf32>
      %swap3A_58 = arith.constant 96 : index
      %swap3A_59 = tpu.vector_load %arg12[%swap3A_58] {strides = array<i32>} : memref<256xf32, #tpu.memory_space<vmem>>, vector<16xf32>,
      tpu.vector_store %arg12[%swap3A_58], %broadcast_in_dim3A_57 {strides = array<i32>} : memref<256xf32, #tpu.memory_space<vmem>>, vector<16xf32>,
      %broadcast_in_dim3A_60 = arith.constant -3.000000e+38 : f32
      %broadcast_in_dim3A_61 = vector.broadcast %broadcast_in_dim3A_60 : f32 to vector<16xf32>
      %swap3A_62 = arith.constant 112 : index
      %swap3A_63 = tpu.vector_load %arg12[%swap3A_62] {strides = array<i32>} : memref<256xf32, #tpu.memory_space<vmem>>, vector<16xf32>,
      tpu.vector_store %arg12[%swap3A_62], %broadcast_in_dim3A_61 {strides = array<i32>} : memref<256xf32, #tpu.memory_space<vmem>>, vector<16xf32>,
      %broadcast_in_dim3A_64 = arith.constant -3.000000e+38 : f32
      %broadcast_in_dim3A_65 = vector.broadcast %broadcast_in_dim3A_64 : f32 to vector<16xf32>
      %swap3A_66 = arith.constant 128 : index
      %swap3A_67 = tpu.vector_load %arg12[%swap3A_66] {strides = array<i32>} : memref<256xf32, #tpu.memory_space<vmem>>, vector<16xf32>,
      tpu.vector_store %arg12[%swap3A_66], %broadcast_in_dim3A_65 {strides = array<i32>} : memref<256xf32, #tpu.memory_space<vmem>>, vector<16xf32>,
      %broadcast_in_dim3A_68 = arith.constant -3.000000e+38 : f32
      %broadcast_in_dim3A_69 = vector.broadcast %broadcast_in_dim3A_68 : f32 to vector<16xf32>
      %swap3A_70 = arith.constant 144 : index
      %swap3A_71 = tpu.vector_load %arg12[%swap3A_70] {strides = array<i32>} : memref<256xf32, #tpu.memory_space<vmem>>, vector<16xf32>,
      tpu.vector_store %arg12[%swap3A_70], %broadcast_in_dim3A_69 {strides = array<i32>} : memref<256xf32, #tpu.memory_space<vmem>>, vector<16xf32>,
      %broadcast_in_dim3A_72 = arith.constant -3.000000e+38 : f32
      %broadcast_in_dim3A_73 = vector.broadcast %broadcast_in_dim3A_72 : f32 to vector<16xf32>
      %swap3A_74 = arith.constant 160 : index
      %swap3A_75 = tpu.vector_load %arg12[%swap3A_74] {strides = array<i32>} : memref<256xf32, #tpu.memory_space<vmem>>, vector<16xf32>,
      tpu.vector_store %arg12[%swap3A_74], %broadcast_in_dim3A_73 {strides = array<i32>} : memref<256xf32, #tpu.memory_space<vmem>>, vector<16xf32>,
      %broadcast_in_dim3A_76 = arith.constant -3.000000e+38 : f32
      %broadcast_in_dim3A_77 = vector.broadcast %broadcast_in_dim3A_76 : f32 to vector<16xf32>
      %swap3A_78 = arith.constant 176 : index
      %swap3A_79 = tpu.vector_load %arg12[%swap3A_78] {strides = array<i32>} : memref<256xf32, #tpu.memory_space<vmem>>, vector<16xf32>,
      tpu.vector_store %arg12[%swap3A_78], %broadcast_in_dim3A_77 {strides = array<i32>} : memref<256xf32, #tpu.memory_space<vmem>>, vector<16xf32>,
      %broadcast_in_dim3A_80 = arith.constant -3.000000e+38 : f32
      %broadcast_in_dim3A_81 = vector.broadcast %broadcast_in_dim3A_80 : f32 to vector<16xf32>
      %swap3A_82 = arith.constant 192 : index
      %swap3A_83 = tpu.vector_load %arg12[%swap3A_82] {strides = array<i32>} : memref<256xf32, #tpu.memory_space<vmem>>, vector<16xf32>,
      tpu.vector_store %arg12[%swap3A_82], %broadcast_in_dim3A_81 {strides = array<i32>} : memref<256xf32, #tpu.memory_space<vmem>>, vector<16xf32>,
      %broadcast_in_dim3A_84 = arith.constant -3.000000e+38 : f32
      %broadcast_in_dim3A_85 = vector.broadcast %broadcast_in_dim3A_84 : f32 to vector<16xf32>
      %swap3A_86 = arith.constant 208 : index
      %swap3A_87 = tpu.vector_load %arg12[%swap3A_86] {strides = array<i32>} : memref<256xf32, #tpu.memory_space<vmem>>, vector<16xf32>,
      tpu.vector_store %arg12[%swap3A_86], %broadcast_in_dim3A_85 {strides = array<i32>} : memref<256xf32, #tpu.memory_space<vmem>>, vector<16xf32>,
      %broadcast_in_dim3A_88 = arith.constant -3.000000e+38 : f32
      %broadcast_in_dim3A_89 = vector.broadcast %broadcast_in_dim3A_88 : f32 to vector<16xf32>
      %swap3A_90 = arith.constant 224 : index
      %swap3A_91 = tpu.vector_load %arg12[%swap3A_90] {strides = array<i32>} : memref<256xf32, #tpu.memory_space<vmem>>, vector<16xf32>,
      tpu.vector_store %arg12[%swap3A_90], %broadcast_in_dim3A_89 {strides = array<i32>} : memref<256xf32, #tpu.memory_space<vmem>>, vector<16xf32>,
      %broadcast_in_dim3A_92 = arith.constant -3.000000e+38 : f32
      %broadcast_in_dim3A_93 = vector.broadcast %broadcast_in_dim3A_92 : f32 to vector<16xf32>
      %swap3A_94 = arith.constant 240 : index
      %swap3A_95 = tpu.vector_load %arg12[%swap3A_94] {strides = array<i32>} : memref<256xf32, #tpu.memory_space<vmem>>, vector<16xf32>,
      tpu.vector_store %arg12[%swap3A_94], %broadcast_in_dim3A_93 {strides = array<i32>} : memref<256xf32, #tpu.memory_space<vmem>>, vector<16xf32>,
      %mul3A_96 = arith.constant 100000 : i32
      %mul3A_97 = arith.muli %add3A_15, %mul3A_96 : i32
      %add3A_98 = arith.constant 0 : i32
      %add3A_99 = arith.addi %mul3A_97, %add3A_98 : i32
      %dma_start3A = arith.constant 0 : i32
      %dma_start3A_100 = tpu.memref_slice %arg8[%dma_start3A] : memref<100000xf32, #tpu.memory_space<vmem>> -> memref<2000xf32, #tpu.memory_space<vmem>>
      %dma_start3A_101 = tpu.memref_slice %arg2[%add3A_99] : memref<25600000xf32, #tpu.memory_space<hbm>> -> memref<2000xf32, #tpu.memory_space<hbm>>
      %dma_start3A_102 = arith.constant 0 : i32
      %dma_start3A_103 = tpu.memref_slice %arg8[%dma_start3A_102] : memref<100000xf32, #tpu.memory_space<vmem>> -> memref<2000xf32, #tpu.memory_space<vmem>>
      %dma_start3A_104 = tpu.memref_slice %arg2[%add3A_99] : memref<25600000xf32, #tpu.memory_space<hbm>> -> memref<2000xf32, #tpu.memory_space<hbm>>
      tpu.enqueue_dma source(%dma_start3A_104 : memref<2000xf32, #tpu.memory_space<hbm>>) target(%dma_start3A_103 : memref<2000xf32, #tpu.memory_space<vmem>>) target_semaphore(%arg18 : memref<!tpu.dma_semaphore, #tpu.memory_space<semaphore_mem>>)
      %mul3A_105 = arith.constant 100000 : i32
      %mul3A_106 = arith.muli %add3A_15, %mul3A_105 : i32
      %add3A_107 = arith.constant 2000 : i32
      %add3A_108 = arith.addi %mul3A_106, %add3A_107 : i32
      %dma_start3A_109 = arith.constant 2000 : i32
      %dma_start3A_110 = tpu.memref_slice %arg8[%dma_start3A_109] : memref<100000xf32, #tpu.memory_space<vmem>> -> memref<2000xf32, #tpu.memory_space<vmem>>
      %dma_start3A_111 = tpu.memref_slice %arg2[%add3A_108] : memref<25600000xf32, #tpu.memory_space<hbm>> -> memref<2000xf32, #tpu.memory_space<hbm>>
      %dma_start3A_112 = arith.constant 2000 : i32
      %dma_start3A_113 = tpu.memref_slice %arg8[%dma_start3A_112] : memref<100000xf32, #tpu.memory_space<vmem>> -> memref<2000xf32, #tpu.memory_space<vmem>>
      %dma_start3A_114 = tpu.memref_slice %arg2[%add3A_108] : memref<25600000xf32, #tpu.memory_space<hbm>> -> memref<2000xf32, #tpu.memory_space<hbm>>
      tpu.enqueue_dma source(%dma_start3A_114 : memref<2000xf32, #tpu.memory_space<hbm>>) target(%dma_start3A_113 : memref<2000xf32, #tpu.memory_space<vmem>>) target_semaphore(%arg19 : memref<!tpu.dma_semaphore, #tpu.memory_space<semaphore_mem>>)
      %mul3A_115 = arith.constant 100000 : i32
      %mul3A_116 = arith.muli %add3A_15, %mul3A_115 : i32
      %add3A_117 = arith.constant 4000 : i32
      %add3A_118 = arith.addi %mul3A_116, %add3A_117 : i32
      %dma_start3A_119 = arith.constant 4000 : i32
      %dma_start3A_120 = tpu.memref_slice %arg8[%dma_start3A_119] : memref<100000xf32, #tpu.memory_space<vmem>> -> memref<2000xf32, #tpu.memory_space<vmem>>
      %dma_start3A_121 = tpu.memref_slice %arg2[%add3A_118] : memref<25600000xf32, #tpu.memory_space<hbm>> -> memref<2000xf32, #tpu.memory_space<hbm>>
      %dma_start3A_122 = arith.constant 4000 : i32
      %dma_start3A_123 = tpu.memref_slice %arg8[%dma_start3A_122] : memref<100000xf32, #tpu.memory_space<vmem>> -> memref<2000xf32, #tpu.memory_space<vmem>>
      %dma_start3A_124 = tpu.memref_slice %arg2[%add3A_118] : memref<25600000xf32, #tpu.memory_space<hbm>> -> memref<2000xf32, #tpu.memory_space<hbm>>
      tpu.enqueue_dma source(%dma_start3A_124 : memref<2000xf32, #tpu.memory_space<hbm>>) target(%dma_start3A_123 : memref<2000xf32, #tpu.memory_space<vmem>>) target_semaphore(%arg20 : memref<!tpu.dma_semaphore, #tpu.memory_space<semaphore_mem>>)
      %mul3A_125 = arith.constant 100000 : i32
      %mul3A_126 = arith.muli %add3A_15, %mul3A_125 : i32
      %add3A_127 = arith.constant 6000 : i32
      %add3A_128 = arith.addi %mul3A_126, %add3A_127 : i32
      %dma_start3A_129 = arith.constant 6000 : i32
      %dma_start3A_130 = tpu.memref_slice %arg8[%dma_start3A_129] : memref<100000xf32, #tpu.memory_space<vmem>> -> memref<2000xf32, #tpu.memory_space<vmem>>
      %dma_start3A_131 = tpu.memref_slice %arg2[%add3A_128] : memref<25600000xf32, #tpu.memory_space<hbm>> -> memref<2000xf32, #tpu.memory_space<hbm>>
      %dma_start3A_132 = arith.constant 6000 : i32
      %dma_start3A_133 = tpu.memref_slice %arg8[%dma_start3A_132] : memref<100000xf32, #tpu.memory_space<vmem>> -> memref<2000xf32, #tpu.memory_space<vmem>>
      %dma_start3A_134 = tpu.memref_slice %arg2[%add3A_128] : memref<25600000xf32, #tpu.memory_space<hbm>> -> memref<2000xf32, #tpu.memory_space<hbm>>
      tpu.enqueue_dma source(%dma_start3A_134 : memref<2000xf32, #tpu.memory_space<hbm>>) target(%dma_start3A_133 : memref<2000xf32, #tpu.memory_space<vmem>>) target_semaphore(%arg21 : memref<!tpu.dma_semaphore, #tpu.memory_space<semaphore_mem>>)
      %mul3A_135 = arith.constant 100000 : i32
      %mul3A_136 = arith.muli %add3A_15, %mul3A_135 : i32
      %add3A_137 = arith.constant 8000 : i32
      %add3A_138 = arith.addi %mul3A_136, %add3A_137 : i32
      %dma_start3A_139 = arith.constant 8000 : i32
      %dma_start3A_140 = tpu.memref_slice %arg8[%dma_start3A_139] : memref<100000xf32, #tpu.memory_space<vmem>> -> memref<2000xf32, #tpu.memory_space<vmem>>
      %dma_start3A_141 = tpu.memref_slice %arg2[%add3A_138] : memref<25600000xf32, #tpu.memory_space<hbm>> -> memref<2000xf32, #tpu.memory_space<hbm>>
      %dma_start3A_142 = arith.constant 8000 : i32
      %dma_start3A_143 = tpu.memref_slice %arg8[%dma_start3A_142] : memref<100000xf32, #tpu.memory_space<vmem>> -> memref<2000xf32, #tpu.memory_space<vmem>>
      %dma_start3A_144 = tpu.memref_slice %arg2[%add3A_138] : memref<25600000xf32, #tpu.memory_space<hbm>> -> memref<2000xf32, #tpu.memory_space<hbm>>
      tpu.enqueue_dma source(%dma_start3A_144 : memref<2000xf32, #tpu.memory_space<hbm>>) target(%dma_start3A_143 : memref<2000xf32, #tpu.memory_space<vmem>>) target_semaphore(%arg22 : memref<!tpu.dma_semaphore, #tpu.memory_space<semaphore_mem>>)
      %broadcast_in_dim3A_145 = arith.constant 0.000000e+00 : f32
      %broadcast_in_dim3A_146 = vector.broadcast %broadcast_in_dim3A_145 : f32 to vector<16xf32>
      %scan3A_147 = arith.constant -3.000000e+38 : f32
      %scan3A_148 = arith.constant 0 : i32
      %scan3A_149 = arith.constant 10 : i32
      %scan3A_150 = arith.addi %scan3A_148, %scan3A_149 : i32
      %scan3A_151 = arith.constant 1 : i32
      %scan3A_152:2 = scf.for %scan3A_204 = %scan3A_148 to %scan3A_150 step %scan3A_151 iter_args(%scan3A_205 = %scan3A_147, %scan3A_206 = %broadcast_in_dim3A_146) -> (f32, vector<16xf32>)  : i32 {
        %mul3A_207 = arith.constant 5 : i32
        %mul3A_208 = arith.muli %scan3A_204, %mul3A_207 : i32
        %add3A_209 = arith.constant 0 : i32
        %add3A_210 = arith.addi %mul3A_208, %add3A_209 : i32
        %dma_wait3A = arith.constant 0 : i32
        %dma_wait3A_211 = tpu.memref_slice %arg8[%dma_wait3A] : memref<100000xf32, #tpu.memory_space<vmem>> -> memref<2000xf32, #tpu.memory_space<vmem>>
        %dma_wait3A_212 = arith.constant 0 : i32
        %dma_wait3A_213 = tpu.memref_slice %arg2[%dma_wait3A_212] : memref<25600000xf32, #tpu.memory_space<hbm>> -> memref<2000xf32, #tpu.memory_space<hbm>>
        %dma_wait3A_214 = arith.constant 0 : i32
        %dma_wait3A_215 = tpu.memref_slice %arg8[%dma_wait3A_214] : memref<100000xf32, #tpu.memory_space<vmem>> -> memref<2000xf32, #tpu.memory_space<vmem>>
        %dma_wait3A_216 = arith.constant 0 : i32
        %dma_wait3A_217 = tpu.memref_slice %arg2[%dma_wait3A_216] : memref<25600000xf32, #tpu.memory_space<hbm>> -> memref<2000xf32, #tpu.memory_space<hbm>>
        tpu.wait_dma2 semaphore(%arg18 : memref<!tpu.dma_semaphore, #tpu.memory_space<semaphore_mem>>) src(%dma_wait3A_217 : memref<2000xf32, #tpu.memory_space<hbm>>) dst(%dma_wait3A_215 : memref<2000xf32, #tpu.memory_space<vmem>>)
        %add3A_218 = arith.constant 5 : i32
        %add3A_219 = arith.addi %add3A_210, %add3A_218 : i32
        %lt3A = arith.constant 50 : i32
        %lt3A_220 = arith.cmpi slt, %add3A_219, %lt3A : i32
        %convert_element_type3A = arith.extui %lt3A_220 : i1 to i32
        %cond3A = arith.constant 0 : i32
        %cond3A_221 = arith.cmpi ne, %convert_element_type3A, %cond3A : i32
        scf.if %cond3A_221 {
          %mul3A_904 = arith.constant 100000 : i32
          %mul3A_905 = arith.muli %add3A_15, %mul3A_904 : i32
          %mul3A_906 = arith.constant 2000 : i32
          %mul3A_907 = arith.muli %add3A_219, %mul3A_906 : i32
          %add3A_908 = arith.addi %mul3A_905, %mul3A_907 : i32
          %mul3A_909 = arith.constant 2000 : i32
          %mul3A_910 = arith.muli %add3A_219, %mul3A_909 : i32
          %dma_start3A_911 = tpu.memref_slice %arg8[%mul3A_910] : memref<100000xf32, #tpu.memory_space<vmem>> -> memref<2000xf32, #tpu.memory_space<vmem>>
          %dma_start3A_912 = tpu.memref_slice %arg2[%add3A_908] : memref<25600000xf32, #tpu.memory_space<hbm>> -> memref<2000xf32, #tpu.memory_space<hbm>>
          %dma_start3A_913 = tpu.memref_slice %arg8[%mul3A_910] : memref<100000xf32, #tpu.memory_space<vmem>> -> memref<2000xf32, #tpu.memory_space<vmem>>
          %dma_start3A_914 = tpu.memref_slice %arg2[%add3A_908] : memref<25600000xf32, #tpu.memory_space<hbm>> -> memref<2000xf32, #tpu.memory_space<hbm>>
          tpu.enqueue_dma source(%dma_start3A_914 : memref<2000xf32, #tpu.memory_space<hbm>>) target(%dma_start3A_913 : memref<2000xf32, #tpu.memory_space<vmem>>) target_semaphore(%arg18 : memref<!tpu.dma_semaphore, #tpu.memory_space<semaphore_mem>>)
        } else {
        }
        %mul3A_222 = arith.constant 2000 : i32
        %mul3A_223 = arith.muli %add3A_210, %mul3A_222 : i32
        %get3A_224 = arith.constant 0 : index
        %get3A_225 = tpu.vector_load %arg9[%get3A_224] {strides = array<i32>} : memref<64xi32, #tpu.memory_space<vmem>>, vector<16xi32>,
        %ge3A = vector.broadcast %mul3A_223 : i32 to vector<16xi32>
        %ge3A_226 = arith.cmpi sge, %get3A_225, %ge3A : vector<16xi32>
        %add3A_227 = arith.constant 2000 : i32
        %add3A_228 = arith.addi %mul3A_223, %add3A_227 : i32
        %lt3A_229 = vector.broadcast %add3A_228 : i32 to vector<16xi32>
        %lt3A_230 = arith.cmpi slt, %get3A_225, %lt3A_229 : vector<16xi32>
        %and3A = arith.andi %ge3A_226, %lt3A_230 : vector<16xi1>
        %jit3A = arith.constant 0 : i32
        %broadcast_in_dim3A_231 = vector.broadcast %jit3A : i32 to vector<16xi32>
        %select_n3A = arith.select %and3A, %get3A_225, %broadcast_in_dim3A_231 : vector<16xi1>, vector<16xi32>
        %gather3A = tpu.vector_load_idx %arg8[%select_n3A] masked %and3A : memref<100000xf32, #tpu.memory_space<vmem>>[vector<16xi32>], vector<16xf32>, vector<16xi1>
        %lt3A_232 = arith.constant 0.000000e+00 : f32
        %lt3A_233 = vector.broadcast %lt3A_232 : f32 to vector<16xf32>
        %lt3A_234 = arith.cmpf olt, %gather3A, %lt3A_233 : vector<16xf32>
        %mul3A_235 = arith.constant 1.200000e+00 : f32
        %mul3A_236 = vector.broadcast %mul3A_235 : f32 to vector<16xf32>
        %mul3A_237 = arith.mulf %gather3A, %mul3A_236 : vector<16xf32>
        %mul3A_238 = arith.constant 0.833333313 : f32
        %mul3A_239 = vector.broadcast %mul3A_238 : f32 to vector<16xf32>
        %mul3A_240 = arith.mulf %gather3A, %mul3A_239 : vector<16xf32>
        %select_n3A_241 = arith.select %lt3A_234, %mul3A_237, %mul3A_240 : vector<16xi1>, vector<16xf32>
        tpu.vector_store_idx %arg8[%select_n3A], %select_n3A_241 masked %and3A : memref<100000xf32, #tpu.memory_space<vmem>>[vector<16xi32>], vector<16xf32>, vector<16xi1>
        %get3A_242 = arith.constant 16 : index
        %get3A_243 = tpu.vector_load %arg9[%get3A_242] {strides = array<i32>} : memref<64xi32, #tpu.memory_space<vmem>>, vector<16xi32>,
        %ge3A_244 = vector.broadcast %mul3A_223 : i32 to vector<16xi32>
        %ge3A_245 = arith.cmpi sge, %get3A_243, %ge3A_244 : vector<16xi32>
        %add3A_246 = arith.constant 2000 : i32
        %add3A_247 = arith.addi %mul3A_223, %add3A_246 : i32
        %lt3A_248 = vector.broadcast %add3A_247 : i32 to vector<16xi32>
        %lt3A_249 = arith.cmpi slt, %get3A_243, %lt3A_248 : vector<16xi32>
        %and3A_250 = arith.andi %ge3A_245, %lt3A_249 : vector<16xi1>
        %jit3A_251 = arith.constant 0 : i32
        %broadcast_in_dim3A_252 = vector.broadcast %jit3A_251 : i32 to vector<16xi32>
        %select_n3A_253 = arith.select %and3A_250, %get3A_243, %broadcast_in_dim3A_252 : vector<16xi1>, vector<16xi32>
        %gather3A_254 = tpu.vector_load_idx %arg8[%select_n3A_253] masked %and3A_250 : memref<100000xf32, #tpu.memory_space<vmem>>[vector<16xi32>], vector<16xf32>, vector<16xi1>
        %lt3A_255 = arith.constant 0.000000e+00 : f32
        %lt3A_256 = vector.broadcast %lt3A_255 : f32 to vector<16xf32>
        %lt3A_257 = arith.cmpf olt, %gather3A_254, %lt3A_256 : vector<16xf32>
        %mul3A_258 = arith.constant 1.200000e+00 : f32
        %mul3A_259 = vector.broadcast %mul3A_258 : f32 to vector<16xf32>
        %mul3A_260 = arith.mulf %gather3A_254, %mul3A_259 : vector<16xf32>
        %mul3A_261 = arith.constant 0.833333313 : f32
        %mul3A_262 = vector.broadcast %mul3A_261 : f32 to vector<16xf32>
        %mul3A_263 = arith.mulf %gather3A_254, %mul3A_262 : vector<16xf32>
        %select_n3A_264 = arith.select %lt3A_257, %mul3A_260, %mul3A_263 : vector<16xi1>, vector<16xf32>
        tpu.vector_store_idx %arg8[%select_n3A_253], %select_n3A_264 masked %and3A_250 : memref<100000xf32, #tpu.memory_space<vmem>>[vector<16xi32>], vector<16xf32>, vector<16xi1>
        %get3A_265 = arith.constant 32 : index
        %get3A_266 = tpu.vector_load %arg9[%get3A_265] {strides = array<i32>} : memref<64xi32, #tpu.memory_space<vmem>>, vector<16xi32>,
        %ge3A_267 = vector.broadcast %mul3A_223 : i32 to vector<16xi32>
        %ge3A_268 = arith.cmpi sge, %get3A_266, %ge3A_267 : vector<16xi32>
        %add3A_269 = arith.constant 2000 : i32
        %add3A_270 = arith.addi %mul3A_223, %add3A_269 : i32
        %lt3A_271 = vector.broadcast %add3A_270 : i32 to vector<16xi32>
        %lt3A_272 = arith.cmpi slt, %get3A_266, %lt3A_271 : vector<16xi32>
        %and3A_273 = arith.andi %ge3A_268, %lt3A_272 : vector<16xi1>
        %jit3A_274 = arith.constant 0 : i32
        %broadcast_in_dim3A_275 = vector.broadcast %jit3A_274 : i32 to vector<16xi32>
        %select_n3A_276 = arith.select %and3A_273, %get3A_266, %broadcast_in_dim3A_275 : vector<16xi1>, vector<16xi32>
        %gather3A_277 = tpu.vector_load_idx %arg8[%select_n3A_276] masked %and3A_273 : memref<100000xf32, #tpu.memory_space<vmem>>[vector<16xi32>], vector<16xf32>, vector<16xi1>
        %lt3A_278 = arith.constant 0.000000e+00 : f32
        %lt3A_279 = vector.broadcast %lt3A_278 : f32 to vector<16xf32>
        %lt3A_280 = arith.cmpf olt, %gather3A_277, %lt3A_279 : vector<16xf32>
        %mul3A_281 = arith.constant 1.200000e+00 : f32
        %mul3A_282 = vector.broadcast %mul3A_281 : f32 to vector<16xf32>
        %mul3A_283 = arith.mulf %gather3A_277, %mul3A_282 : vector<16xf32>
        %mul3A_284 = arith.constant 0.833333313 : f32
        %mul3A_285 = vector.broadcast %mul3A_284 : f32 to vector<16xf32>
        %mul3A_286 = arith.mulf %gather3A_277, %mul3A_285 : vector<16xf32>
        %select_n3A_287 = arith.select %lt3A_280, %mul3A_283, %mul3A_286 : vector<16xi1>, vector<16xf32>
        tpu.vector_store_idx %arg8[%select_n3A_276], %select_n3A_287 masked %and3A_273 : memref<100000xf32, #tpu.memory_space<vmem>>[vector<16xi32>], vector<16xf32>, vector<16xi1>
        %get3A_288 = arith.constant 48 : index
        %get3A_289 = tpu.vector_load %arg9[%get3A_288] {strides = array<i32>} : memref<64xi32, #tpu.memory_space<vmem>>, vector<16xi32>,
        %ge3A_290 = vector.broadcast %mul3A_223 : i32 to vector<16xi32>
        %ge3A_291 = arith.cmpi sge, %get3A_289, %ge3A_290 : vector<16xi32>
        %add3A_292 = arith.constant 2000 : i32
        %add3A_293 = arith.addi %mul3A_223, %add3A_292 : i32
        %lt3A_294 = vector.broadcast %add3A_293 : i32 to vector<16xi32>
        %lt3A_295 = arith.cmpi slt, %get3A_289, %lt3A_294 : vector<16xi32>
        %and3A_296 = arith.andi %ge3A_291, %lt3A_295 : vector<16xi1>
        %jit3A_297 = arith.constant 0 : i32
        %broadcast_in_dim3A_298 = vector.broadcast %jit3A_297 : i32 to vector<16xi32>
        %select_n3A_299 = arith.select %and3A_296, %get3A_289, %broadcast_in_dim3A_298 : vector<16xi1>, vector<16xi32>
        %gather3A_300 = tpu.vector_load_idx %arg8[%select_n3A_299] masked %and3A_296 : memref<100000xf32, #tpu.memory_space<vmem>>[vector<16xi32>], vector<16xf32>, vector<16xi1>
        %lt3A_301 = arith.constant 0.000000e+00 : f32
        %lt3A_302 = vector.broadcast %lt3A_301 : f32 to vector<16xf32>
        %lt3A_303 = arith.cmpf olt, %gather3A_300, %lt3A_302 : vector<16xf32>
        %mul3A_304 = arith.constant 1.200000e+00 : f32
        %mul3A_305 = vector.broadcast %mul3A_304 : f32 to vector<16xf32>
        %mul3A_306 = arith.mulf %gather3A_300, %mul3A_305 : vector<16xf32>
        %mul3A_307 = arith.constant 0.833333313 : f32
        %mul3A_308 = vector.broadcast %mul3A_307 : f32 to vector<16xf32>
        %mul3A_309 = arith.mulf %gather3A_300, %mul3A_308 : vector<16xf32>
        %select_n3A_310 = arith.select %lt3A_303, %mul3A_306, %mul3A_309 : vector<16xi1>, vector<16xf32>
        tpu.vector_store_idx %arg8[%select_n3A_299], %select_n3A_310 masked %and3A_296 : memref<100000xf32, #tpu.memory_space<vmem>>[vector<16xi32>], vector<16xf32>, vector<16xi1>
        %broadcast_in_dim3A_311 = arith.constant -3.000000e+38 : f32
        %broadcast_in_dim3A_312 = vector.broadcast %broadcast_in_dim3A_311 : f32 to vector<16xf32>
        %scan3A_313 = arith.constant 0 : i32
        %scan3A_314 = arith.constant 125 : i32
        %scan3A_315 = arith.addi %scan3A_313, %scan3A_314 : i32
        %scan3A_316 = arith.constant 25 : i32
        %scan3A_317 = scf.for %scan3A_904 = %scan3A_313 to %scan3A_315 step %scan3A_316 iter_args(%scan3A_905 = %broadcast_in_dim3A_312) -> (vector<16xf32>)  : i32 {
          %mul3A_906 = arith.constant 16 : i32
          %mul3A_907 = arith.muli %scan3A_904, %mul3A_906 : i32
          %add3A_908 = arith.addi %mul3A_223, %mul3A_907 : i32
          %get3A_909 = arith.index_cast %add3A_908 : i32 to index
          %get3A_910 = tpu.vector_load %arg8[%get3A_909] {strides = array<i32>} : memref<100000xf32, #tpu.memory_space<vmem>>, vector<16xf32>,
          %max3A_911 = arith.maximumf %scan3A_905, %get3A_910 : vector<16xf32>
          %scan3A_912 = arith.constant 1 : i32
          %scan3A_913 = arith.addi %scan3A_904, %scan3A_912 : i32
          %mul3A_914 = arith.constant 16 : i32
          %mul3A_915 = arith.muli %scan3A_913, %mul3A_914 : i32
          %add3A_916 = arith.addi %mul3A_223, %mul3A_915 : i32
          %get3A_917 = arith.index_cast %add3A_916 : i32 to index
          %get3A_918 = tpu.vector_load %arg8[%get3A_917] {strides = array<i32>} : memref<100000xf32, #tpu.memory_space<vmem>>, vector<16xf32>,
          %max3A_919 = arith.maximumf %max3A_911, %get3A_918 : vector<16xf32>
          %scan3A_920 = arith.constant 2 : i32
          %scan3A_921 = arith.addi %scan3A_904, %scan3A_920 : i32
          %mul3A_922 = arith.constant 16 : i32
          %mul3A_923 = arith.muli %scan3A_921, %mul3A_922 : i32
          %add3A_924 = arith.addi %mul3A_223, %mul3A_923 : i32
          %get3A_925 = arith.index_cast %add3A_924 : i32 to index
          %get3A_926 = tpu.vector_load %arg8[%get3A_925] {strides = array<i32>} : memref<100000xf32, #tpu.memory_space<vmem>>, vector<16xf32>,
          %max3A_927 = arith.maximumf %max3A_919, %get3A_926 : vector<16xf32>
          %scan3A_928 = arith.constant 3 : i32
          %scan3A_929 = arith.addi %scan3A_904, %scan3A_928 : i32
          %mul3A_930 = arith.constant 16 : i32
          %mul3A_931 = arith.muli %scan3A_929, %mul3A_930 : i32
          %add3A_932 = arith.addi %mul3A_223, %mul3A_931 : i32
          %get3A_933 = arith.index_cast %add3A_932 : i32 to index
          %get3A_934 = tpu.vector_load %arg8[%get3A_933] {strides = array<i32>} : memref<100000xf32, #tpu.memory_space<vmem>>, vector<16xf32>,
          %max3A_935 = arith.maximumf %max3A_927, %get3A_934 : vector<16xf32>
          %scan3A_936 = arith.constant 4 : i32
          %scan3A_937 = arith.addi %scan3A_904, %scan3A_936 : i32
          %mul3A_938 = arith.constant 16 : i32
          %mul3A_939 = arith.muli %scan3A_937, %mul3A_938 : i32
          %add3A_940 = arith.addi %mul3A_223, %mul3A_939 : i32
          %get3A_941 = arith.index_cast %add3A_940 : i32 to index
          %get3A_942 = tpu.vector_load %arg8[%get3A_941] {strides = array<i32>} : memref<100000xf32, #tpu.memory_space<vmem>>, vector<16xf32>,
          %max3A_943 = arith.maximumf %max3A_935, %get3A_942 : vector<16xf32>
          %scan3A_944 = arith.constant 5 : i32
          %scan3A_945 = arith.addi %scan3A_904, %scan3A_944 : i32
          %mul3A_946 = arith.constant 16 : i32
          %mul3A_947 = arith.muli %scan3A_945, %mul3A_946 : i32
          %add3A_948 = arith.addi %mul3A_223, %mul3A_947 : i32
          %get3A_949 = arith.index_cast %add3A_948 : i32 to index
          %get3A_950 = tpu.vector_load %arg8[%get3A_949] {strides = array<i32>} : memref<100000xf32, #tpu.memory_space<vmem>>, vector<16xf32>,
          %max3A_951 = arith.maximumf %max3A_943, %get3A_950 : vector<16xf32>
          %scan3A_952 = arith.constant 6 : i32
          %scan3A_953 = arith.addi %scan3A_904, %scan3A_952 : i32
          %mul3A_954 = arith.constant 16 : i32
          %mul3A_955 = arith.muli %scan3A_953, %mul3A_954 : i32
          %add3A_956 = arith.addi %mul3A_223, %mul3A_955 : i32
          %get3A_957 = arith.index_cast %add3A_956 : i32 to index
          %get3A_958 = tpu.vector_load %arg8[%get3A_957] {strides = array<i32>} : memref<100000xf32, #tpu.memory_space<vmem>>, vector<16xf32>,
          %max3A_959 = arith.maximumf %max3A_951, %get3A_958 : vector<16xf32>
          %scan3A_960 = arith.constant 7 : i32
          %scan3A_961 = arith.addi %scan3A_904, %scan3A_960 : i32
          %mul3A_962 = arith.constant 16 : i32
          %mul3A_963 = arith.muli %scan3A_961, %mul3A_962 : i32
          %add3A_964 = arith.addi %mul3A_223, %mul3A_963 : i32
          %get3A_965 = arith.index_cast %add3A_964 : i32 to index
          %get3A_966 = tpu.vector_load %arg8[%get3A_965] {strides = array<i32>} : memref<100000xf32, #tpu.memory_space<vmem>>, vector<16xf32>,
          %max3A_967 = arith.maximumf %max3A_959, %get3A_966 : vector<16xf32>
          %scan3A_968 = arith.constant 8 : i32
          %scan3A_969 = arith.addi %scan3A_904, %scan3A_968 : i32
          %mul3A_970 = arith.constant 16 : i32
          %mul3A_971 = arith.muli %scan3A_969, %mul3A_970 : i32
          %add3A_972 = arith.addi %mul3A_223, %mul3A_971 : i32
          %get3A_973 = arith.index_cast %add3A_972 : i32 to index
          %get3A_974 = tpu.vector_load %arg8[%get3A_973] {strides = array<i32>} : memref<100000xf32, #tpu.memory_space<vmem>>, vector<16xf32>,
          %max3A_975 = arith.maximumf %max3A_967, %get3A_974 : vector<16xf32>
          %scan3A_976 = arith.constant 9 : i32
          %scan3A_977 = arith.addi %scan3A_904, %scan3A_976 : i32
          %mul3A_978 = arith.constant 16 : i32
          %mul3A_979 = arith.muli %scan3A_977, %mul3A_978 : i32
          %add3A_980 = arith.addi %mul3A_223, %mul3A_979 : i32
          %get3A_981 = arith.index_cast %add3A_980 : i32 to index
          %get3A_982 = tpu.vector_load %arg8[%get3A_981] {strides = array<i32>} : memref<100000xf32, #tpu.memory_space<vmem>>, vector<16xf32>,
          %max3A_983 = arith.maximumf %max3A_975, %get3A_982 : vector<16xf32>
          %scan3A_984 = arith.constant 10 : i32
          %scan3A_985 = arith.addi %scan3A_904, %scan3A_984 : i32
          %mul3A_986 = arith.constant 16 : i32
          %mul3A_987 = arith.muli %scan3A_985, %mul3A_986 : i32
          %add3A_988 = arith.addi %mul3A_223, %mul3A_987 : i32
          %get3A_989 = arith.index_cast %add3A_988 : i32 to index
          %get3A_990 = tpu.vector_load %arg8[%get3A_989] {strides = array<i32>} : memref<100000xf32, #tpu.memory_space<vmem>>, vector<16xf32>,
          %max3A_991 = arith.maximumf %max3A_983, %get3A_990 : vector<16xf32>
          %scan3A_992 = arith.constant 11 : i32
          %scan3A_993 = arith.addi %scan3A_904, %scan3A_992 : i32
          %mul3A_994 = arith.constant 16 : i32
          %mul3A_995 = arith.muli %scan3A_993, %mul3A_994 : i32
          %add3A_996 = arith.addi %mul3A_223, %mul3A_995 : i32
          %get3A_997 = arith.index_cast %add3A_996 : i32 to index
          %get3A_998 = tpu.vector_load %arg8[%get3A_997] {strides = array<i32>} : memref<100000xf32, #tpu.memory_space<vmem>>, vector<16xf32>,
          %max3A_999 = arith.maximumf %max3A_991, %get3A_998 : vector<16xf32>
          %scan3A_1000 = arith.constant 12 : i32
          %scan3A_1001 = arith.addi %scan3A_904, %scan3A_1000 : i32
          %mul3A_1002 = arith.constant 16 : i32
          %mul3A_1003 = arith.muli %scan3A_1001, %mul3A_1002 : i32
          %add3A_1004 = arith.addi %mul3A_223, %mul3A_1003 : i32
          %get3A_1005 = arith.index_cast %add3A_1004 : i32 to index
          %get3A_1006 = tpu.vector_load %arg8[%get3A_1005] {strides = array<i32>} : memref<100000xf32, #tpu.memory_space<vmem>>, vector<16xf32>,
          %max3A_1007 = arith.maximumf %max3A_999, %get3A_1006 : vector<16xf32>
          %scan3A_1008 = arith.constant 13 : i32
          %scan3A_1009 = arith.addi %scan3A_904, %scan3A_1008 : i32
          %mul3A_1010 = arith.constant 16 : i32
          %mul3A_1011 = arith.muli %scan3A_1009, %mul3A_1010 : i32
          %add3A_1012 = arith.addi %mul3A_223, %mul3A_1011 : i32
          %get3A_1013 = arith.index_cast %add3A_1012 : i32 to index
          %get3A_1014 = tpu.vector_load %arg8[%get3A_1013] {strides = array<i32>} : memref<100000xf32, #tpu.memory_space<vmem>>, vector<16xf32>,
          %max3A_1015 = arith.maximumf %max3A_1007, %get3A_1014 : vector<16xf32>
          %scan3A_1016 = arith.constant 14 : i32
          %scan3A_1017 = arith.addi %scan3A_904, %scan3A_1016 : i32
          %mul3A_1018 = arith.constant 16 : i32
          %mul3A_1019 = arith.muli %scan3A_1017, %mul3A_1018 : i32
          %add3A_1020 = arith.addi %mul3A_223, %mul3A_1019 : i32
          %get3A_1021 = arith.index_cast %add3A_1020 : i32 to index
          %get3A_1022 = tpu.vector_load %arg8[%get3A_1021] {strides = array<i32>} : memref<100000xf32, #tpu.memory_space<vmem>>, vector<16xf32>,
          %max3A_1023 = arith.maximumf %max3A_1015, %get3A_1022 : vector<16xf32>
          %scan3A_1024 = arith.constant 15 : i32
          %scan3A_1025 = arith.addi %scan3A_904, %scan3A_1024 : i32
          %mul3A_1026 = arith.constant 16 : i32
          %mul3A_1027 = arith.muli %scan3A_1025, %mul3A_1026 : i32
          %add3A_1028 = arith.addi %mul3A_223, %mul3A_1027 : i32
          %get3A_1029 = arith.index_cast %add3A_1028 : i32 to index
          %get3A_1030 = tpu.vector_load %arg8[%get3A_1029] {strides = array<i32>} : memref<100000xf32, #tpu.memory_space<vmem>>, vector<16xf32>,
          %max3A_1031 = arith.maximumf %max3A_1023, %get3A_1030 : vector<16xf32>
          %scan3A_1032 = arith.constant 16 : i32
          %scan3A_1033 = arith.addi %scan3A_904, %scan3A_1032 : i32
          %mul3A_1034 = arith.constant 16 : i32
          %mul3A_1035 = arith.muli %scan3A_1033, %mul3A_1034 : i32
          %add3A_1036 = arith.addi %mul3A_223, %mul3A_1035 : i32
          %get3A_1037 = arith.index_cast %add3A_1036 : i32 to index
          %get3A_1038 = tpu.vector_load %arg8[%get3A_1037] {strides = array<i32>} : memref<100000xf32, #tpu.memory_space<vmem>>, vector<16xf32>,
          %max3A_1039 = arith.maximumf %max3A_1031, %get3A_1038 : vector<16xf32>
          %scan3A_1040 = arith.constant 17 : i32
          %scan3A_1041 = arith.addi %scan3A_904, %scan3A_1040 : i32
          %mul3A_1042 = arith.constant 16 : i32
          %mul3A_1043 = arith.muli %scan3A_1041, %mul3A_1042 : i32
          %add3A_1044 = arith.addi %mul3A_223, %mul3A_1043 : i32
          %get3A_1045 = arith.index_cast %add3A_1044 : i32 to index
          %get3A_1046 = tpu.vector_load %arg8[%get3A_1045] {strides = array<i32>} : memref<100000xf32, #tpu.memory_space<vmem>>, vector<16xf32>,
          %max3A_1047 = arith.maximumf %max3A_1039, %get3A_1046 : vector<16xf32>
          %scan3A_1048 = arith.constant 18 : i32
          %scan3A_1049 = arith.addi %scan3A_904, %scan3A_1048 : i32
          %mul3A_1050 = arith.constant 16 : i32
          %mul3A_1051 = arith.muli %scan3A_1049, %mul3A_1050 : i32
          %add3A_1052 = arith.addi %mul3A_223, %mul3A_1051 : i32
          %get3A_1053 = arith.index_cast %add3A_1052 : i32 to index
          %get3A_1054 = tpu.vector_load %arg8[%get3A_1053] {strides = array<i32>} : memref<100000xf32, #tpu.memory_space<vmem>>, vector<16xf32>,
          %max3A_1055 = arith.maximumf %max3A_1047, %get3A_1054 : vector<16xf32>
          %scan3A_1056 = arith.constant 19 : i32
          %scan3A_1057 = arith.addi %scan3A_904, %scan3A_1056 : i32
          %mul3A_1058 = arith.constant 16 : i32
          %mul3A_1059 = arith.muli %scan3A_1057, %mul3A_1058 : i32
          %add3A_1060 = arith.addi %mul3A_223, %mul3A_1059 : i32
          %get3A_1061 = arith.index_cast %add3A_1060 : i32 to index
          %get3A_1062 = tpu.vector_load %arg8[%get3A_1061] {strides = array<i32>} : memref<100000xf32, #tpu.memory_space<vmem>>, vector<16xf32>,
          %max3A_1063 = arith.maximumf %max3A_1055, %get3A_1062 : vector<16xf32>
          %scan3A_1064 = arith.constant 20 : i32
          %scan3A_1065 = arith.addi %scan3A_904, %scan3A_1064 : i32
          %mul3A_1066 = arith.constant 16 : i32
          %mul3A_1067 = arith.muli %scan3A_1065, %mul3A_1066 : i32
          %add3A_1068 = arith.addi %mul3A_223, %mul3A_1067 : i32
          %get3A_1069 = arith.index_cast %add3A_1068 : i32 to index
          %get3A_1070 = tpu.vector_load %arg8[%get3A_1069] {strides = array<i32>} : memref<100000xf32, #tpu.memory_space<vmem>>, vector<16xf32>,
          %max3A_1071 = arith.maximumf %max3A_1063, %get3A_1070 : vector<16xf32>
          %scan3A_1072 = arith.constant 21 : i32
          %scan3A_1073 = arith.addi %scan3A_904, %scan3A_1072 : i32
          %mul3A_1074 = arith.constant 16 : i32
          %mul3A_1075 = arith.muli %scan3A_1073, %mul3A_1074 : i32
          %add3A_1076 = arith.addi %mul3A_223, %mul3A_1075 : i32
          %get3A_1077 = arith.index_cast %add3A_1076 : i32 to index
          %get3A_1078 = tpu.vector_load %arg8[%get3A_1077] {strides = array<i32>} : memref<100000xf32, #tpu.memory_space<vmem>>, vector<16xf32>,
          %max3A_1079 = arith.maximumf %max3A_1071, %get3A_1078 : vector<16xf32>
          %scan3A_1080 = arith.constant 22 : i32
          %scan3A_1081 = arith.addi %scan3A_904, %scan3A_1080 : i32
          %mul3A_1082 = arith.constant 16 : i32
          %mul3A_1083 = arith.muli %scan3A_1081, %mul3A_1082 : i32
          %add3A_1084 = arith.addi %mul3A_223, %mul3A_1083 : i32
          %get3A_1085 = arith.index_cast %add3A_1084 : i32 to index
          %get3A_1086 = tpu.vector_load %arg8[%get3A_1085] {strides = array<i32>} : memref<100000xf32, #tpu.memory_space<vmem>>, vector<16xf32>,
          %max3A_1087 = arith.maximumf %max3A_1079, %get3A_1086 : vector<16xf32>
          %scan3A_1088 = arith.constant 23 : i32
          %scan3A_1089 = arith.addi %scan3A_904, %scan3A_1088 : i32
          %mul3A_1090 = arith.constant 16 : i32
          %mul3A_1091 = arith.muli %scan3A_1089, %mul3A_1090 : i32
          %add3A_1092 = arith.addi %mul3A_223, %mul3A_1091 : i32
          %get3A_1093 = arith.index_cast %add3A_1092 : i32 to index
          %get3A_1094 = tpu.vector_load %arg8[%get3A_1093] {strides = array<i32>} : memref<100000xf32, #tpu.memory_space<vmem>>, vector<16xf32>,
          %max3A_1095 = arith.maximumf %max3A_1087, %get3A_1094 : vector<16xf32>
          %scan3A_1096 = arith.constant 24 : i32
          %scan3A_1097 = arith.addi %scan3A_904, %scan3A_1096 : i32
          %mul3A_1098 = arith.constant 16 : i32
          %mul3A_1099 = arith.muli %scan3A_1097, %mul3A_1098 : i32
          %add3A_1100 = arith.addi %mul3A_223, %mul3A_1099 : i32
          %get3A_1101 = arith.index_cast %add3A_1100 : i32 to index
          %get3A_1102 = tpu.vector_load %arg8[%get3A_1101] {strides = array<i32>} : memref<100000xf32, #tpu.memory_space<vmem>>, vector<16xf32>,
          %max3A_1103 = arith.maximumf %max3A_1095, %get3A_1102 : vector<16xf32>
          scf.yield %max3A_1103 : vector<16xf32>
        }
        %scan3A_318 = arith.constant 125 : i32
        %reduce_max3A = arith.constant true
        %reduce_max3A_319 = vector.broadcast %reduce_max3A : i1 to vector<16xi1>
        %reduce_max3A_320 = tpu.scan <max>, %scan3A_317 masked %reduce_max3A_319 : vector<16xf32>, vector<16xi1> -> vector<16xf32>
        %reduce_max3A_321 = vector.extract %reduce_max3A_320[15] : f32 from vector<16xf32>
        %iota3A_322 = tpu.iota {dimensions = array<i32: 0>} : vector<16xi32>
        %eq3A_323 = arith.constant 0 : i32
        %eq3A_324 = vector.broadcast %eq3A_323 : i32 to vector<16xi32>
        %eq3A_325 = arith.cmpi eq, %iota3A_322, %eq3A_324 : vector<16xi32>
        %broadcast_in_dim3A_326 = vector.broadcast %add3A_210 : i32 to vector<16xi32>
        %broadcast_in_dim3A_327 = vector.broadcast %reduce_max3A_321 : f32 to vector<16xf32>
        tpu.vector_store_idx %arg10[%broadcast_in_dim3A_326], %broadcast_in_dim3A_327 masked %eq3A_325 : memref<64xf32, #tpu.memory_space<vmem>>[vector<16xi32>], vector<16xf32>, vector<16xi1>
        %max3A = arith.maximumf %scan3A_205, %reduce_max3A_321 : f32
        %sub3A = arith.subf %scan3A_205, %max3A : f32
        %broadcast_in_dim3A_328 = vector.broadcast %sub3A : f32 to vector<16xf32>
        %exp3A = math.exp %broadcast_in_dim3A_328 : vector<16xf32>
        %mul3A_329 = arith.mulf %scan3A_206, %exp3A : vector<16xf32>
        %scan3A_330 = arith.constant 0 : i32
        %scan3A_331 = arith.constant 125 : i32
        %scan3A_332 = arith.addi %scan3A_330, %scan3A_331 : i32
        %scan3A_333 = arith.constant 25 : i32
        %scan3A_334 = scf.for %scan3A_904 = %scan3A_330 to %scan3A_332 step %scan3A_333 iter_args(%scan3A_905 = %mul3A_329) -> (vector<16xf32>)  : i32 {
          %mul3A_906 = arith.constant 16 : i32
          %mul3A_907 = arith.muli %scan3A_904, %mul3A_906 : i32
          %add3A_908 = arith.addi %mul3A_223, %mul3A_907 : i32
          %get3A_909 = arith.index_cast %add3A_908 : i32 to index
          %get3A_910 = tpu.vector_load %arg8[%get3A_909] {strides = array<i32>} : memref<100000xf32, #tpu.memory_space<vmem>>, vector<16xf32>,
          %sub3A_911 = vector.broadcast %max3A : f32 to vector<16xf32>
          %sub3A_912 = arith.subf %get3A_910, %sub3A_911 : vector<16xf32>
          %exp3A_913 = math.exp %sub3A_912 : vector<16xf32>
          %add3A_914 = arith.addf %scan3A_905, %exp3A_913 : vector<16xf32>
          %scan3A_915 = arith.constant 1 : i32
          %scan3A_916 = arith.addi %scan3A_904, %scan3A_915 : i32
          %mul3A_917 = arith.constant 16 : i32
          %mul3A_918 = arith.muli %scan3A_916, %mul3A_917 : i32
          %add3A_919 = arith.addi %mul3A_223, %mul3A_918 : i32
          %get3A_920 = arith.index_cast %add3A_919 : i32 to index
          %get3A_921 = tpu.vector_load %arg8[%get3A_920] {strides = array<i32>} : memref<100000xf32, #tpu.memory_space<vmem>>, vector<16xf32>,
          %sub3A_922 = vector.broadcast %max3A : f32 to vector<16xf32>
          %sub3A_923 = arith.subf %get3A_921, %sub3A_922 : vector<16xf32>
          %exp3A_924 = math.exp %sub3A_923 : vector<16xf32>
          %add3A_925 = arith.addf %add3A_914, %exp3A_924 : vector<16xf32>
          %scan3A_926 = arith.constant 2 : i32
          %scan3A_927 = arith.addi %scan3A_904, %scan3A_926 : i32
          %mul3A_928 = arith.constant 16 : i32
          %mul3A_929 = arith.muli %scan3A_927, %mul3A_928 : i32
          %add3A_930 = arith.addi %mul3A_223, %mul3A_929 : i32
          %get3A_931 = arith.index_cast %add3A_930 : i32 to index
          %get3A_932 = tpu.vector_load %arg8[%get3A_931] {strides = array<i32>} : memref<100000xf32, #tpu.memory_space<vmem>>, vector<16xf32>,
          %sub3A_933 = vector.broadcast %max3A : f32 to vector<16xf32>
          %sub3A_934 = arith.subf %get3A_932, %sub3A_933 : vector<16xf32>
          %exp3A_935 = math.exp %sub3A_934 : vector<16xf32>
          %add3A_936 = arith.addf %add3A_925, %exp3A_935 : vector<16xf32>
          %scan3A_937 = arith.constant 3 : i32
          %scan3A_938 = arith.addi %scan3A_904, %scan3A_937 : i32
          %mul3A_939 = arith.constant 16 : i32
          %mul3A_940 = arith.muli %scan3A_938, %mul3A_939 : i32
          %add3A_941 = arith.addi %mul3A_223, %mul3A_940 : i32
          %get3A_942 = arith.index_cast %add3A_941 : i32 to index
          %get3A_943 = tpu.vector_load %arg8[%get3A_942] {strides = array<i32>} : memref<100000xf32, #tpu.memory_space<vmem>>, vector<16xf32>,
          %sub3A_944 = vector.broadcast %max3A : f32 to vector<16xf32>
          %sub3A_945 = arith.subf %get3A_943, %sub3A_944 : vector<16xf32>
          %exp3A_946 = math.exp %sub3A_945 : vector<16xf32>
          %add3A_947 = arith.addf %add3A_936, %exp3A_946 : vector<16xf32>
          %scan3A_948 = arith.constant 4 : i32
          %scan3A_949 = arith.addi %scan3A_904, %scan3A_948 : i32
          %mul3A_950 = arith.constant 16 : i32
          %mul3A_951 = arith.muli %scan3A_949, %mul3A_950 : i32
          %add3A_952 = arith.addi %mul3A_223, %mul3A_951 : i32
          %get3A_953 = arith.index_cast %add3A_952 : i32 to index
          %get3A_954 = tpu.vector_load %arg8[%get3A_953] {strides = array<i32>} : memref<100000xf32, #tpu.memory_space<vmem>>, vector<16xf32>,
          %sub3A_955 = vector.broadcast %max3A : f32 to vector<16xf32>
          %sub3A_956 = arith.subf %get3A_954, %sub3A_955 : vector<16xf32>
          %exp3A_957 = math.exp %sub3A_956 : vector<16xf32>
          %add3A_958 = arith.addf %add3A_947, %exp3A_957 : vector<16xf32>
          %scan3A_959 = arith.constant 5 : i32
          %scan3A_960 = arith.addi %scan3A_904, %scan3A_959 : i32
          %mul3A_961 = arith.constant 16 : i32
          %mul3A_962 = arith.muli %scan3A_960, %mul3A_961 : i32
          %add3A_963 = arith.addi %mul3A_223, %mul3A_962 : i32
          %get3A_964 = arith.index_cast %add3A_963 : i32 to index
          %get3A_965 = tpu.vector_load %arg8[%get3A_964] {strides = array<i32>} : memref<100000xf32, #tpu.memory_space<vmem>>, vector<16xf32>,
          %sub3A_966 = vector.broadcast %max3A : f32 to vector<16xf32>
          %sub3A_967 = arith.subf %get3A_965, %sub3A_966 : vector<16xf32>
          %exp3A_968 = math.exp %sub3A_967 : vector<16xf32>
          %add3A_969 = arith.addf %add3A_958, %exp3A_968 : vector<16xf32>
          %scan3A_970 = arith.constant 6 : i32
          %scan3A_971 = arith.addi %scan3A_904, %scan3A_970 : i32
          %mul3A_972 = arith.constant 16 : i32
          %mul3A_973 = arith.muli %scan3A_971, %mul3A_972 : i32
          %add3A_974 = arith.addi %mul3A_223, %mul3A_973 : i32
          %get3A_975 = arith.index_cast %add3A_974 : i32 to index
          %get3A_976 = tpu.vector_load %arg8[%get3A_975] {strides = array<i32>} : memref<100000xf32, #tpu.memory_space<vmem>>, vector<16xf32>,
          %sub3A_977 = vector.broadcast %max3A : f32 to vector<16xf32>
          %sub3A_978 = arith.subf %get3A_976, %sub3A_977 : vector<16xf32>
          %exp3A_979 = math.exp %sub3A_978 : vector<16xf32>
          %add3A_980 = arith.addf %add3A_969, %exp3A_979 : vector<16xf32>
          %scan3A_981 = arith.constant 7 : i32
          %scan3A_982 = arith.addi %scan3A_904, %scan3A_981 : i32
          %mul3A_983 = arith.constant 16 : i32
          %mul3A_984 = arith.muli %scan3A_982, %mul3A_983 : i32
          %add3A_985 = arith.addi %mul3A_223, %mul3A_984 : i32
          %get3A_986 = arith.index_cast %add3A_985 : i32 to index
          %get3A_987 = tpu.vector_load %arg8[%get3A_986] {strides = array<i32>} : memref<100000xf32, #tpu.memory_space<vmem>>, vector<16xf32>,
          %sub3A_988 = vector.broadcast %max3A : f32 to vector<16xf32>
          %sub3A_989 = arith.subf %get3A_987, %sub3A_988 : vector<16xf32>
          %exp3A_990 = math.exp %sub3A_989 : vector<16xf32>
          %add3A_991 = arith.addf %add3A_980, %exp3A_990 : vector<16xf32>
          %scan3A_992 = arith.constant 8 : i32
          %scan3A_993 = arith.addi %scan3A_904, %scan3A_992 : i32
          %mul3A_994 = arith.constant 16 : i32
          %mul3A_995 = arith.muli %scan3A_993, %mul3A_994 : i32
          %add3A_996 = arith.addi %mul3A_223, %mul3A_995 : i32
          %get3A_997 = arith.index_cast %add3A_996 : i32 to index
          %get3A_998 = tpu.vector_load %arg8[%get3A_997] {strides = array<i32>} : memref<100000xf32, #tpu.memory_space<vmem>>, vector<16xf32>,
          %sub3A_999 = vector.broadcast %max3A : f32 to vector<16xf32>
          %sub3A_1000 = arith.subf %get3A_998, %sub3A_999 : vector<16xf32>
          %exp3A_1001 = math.exp %sub3A_1000 : vector<16xf32>
          %add3A_1002 = arith.addf %add3A_991, %exp3A_1001 : vector<16xf32>
          %scan3A_1003 = arith.constant 9 : i32
          %scan3A_1004 = arith.addi %scan3A_904, %scan3A_1003 : i32
          %mul3A_1005 = arith.constant 16 : i32
          %mul3A_1006 = arith.muli %scan3A_1004, %mul3A_1005 : i32
          %add3A_1007 = arith.addi %mul3A_223, %mul3A_1006 : i32
          %get3A_1008 = arith.index_cast %add3A_1007 : i32 to index
          %get3A_1009 = tpu.vector_load %arg8[%get3A_1008] {strides = array<i32>} : memref<100000xf32, #tpu.memory_space<vmem>>, vector<16xf32>,
          %sub3A_1010 = vector.broadcast %max3A : f32 to vector<16xf32>
          %sub3A_1011 = arith.subf %get3A_1009, %sub3A_1010 : vector<16xf32>
          %exp3A_1012 = math.exp %sub3A_1011 : vector<16xf32>
          %add3A_1013 = arith.addf %add3A_1002, %exp3A_1012 : vector<16xf32>
          %scan3A_1014 = arith.constant 10 : i32
          %scan3A_1015 = arith.addi %scan3A_904, %scan3A_1014 : i32
          %mul3A_1016 = arith.constant 16 : i32
          %mul3A_1017 = arith.muli %scan3A_1015, %mul3A_1016 : i32
          %add3A_1018 = arith.addi %mul3A_223, %mul3A_1017 : i32
          %get3A_1019 = arith.index_cast %add3A_1018 : i32 to index
          %get3A_1020 = tpu.vector_load %arg8[%get3A_1019] {strides = array<i32>} : memref<100000xf32, #tpu.memory_space<vmem>>, vector<16xf32>,
          %sub3A_1021 = vector.broadcast %max3A : f32 to vector<16xf32>
          %sub3A_1022 = arith.subf %get3A_1020, %sub3A_1021 : vector<16xf32>
          %exp3A_1023 = math.exp %sub3A_1022 : vector<16xf32>
          %add3A_1024 = arith.addf %add3A_1013, %exp3A_1023 : vector<16xf32>
          %scan3A_1025 = arith.constant 11 : i32
          %scan3A_1026 = arith.addi %scan3A_904, %scan3A_1025 : i32
          %mul3A_1027 = arith.constant 16 : i32
          %mul3A_1028 = arith.muli %scan3A_1026, %mul3A_1027 : i32
          %add3A_1029 = arith.addi %mul3A_223, %mul3A_1028 : i32
          %get3A_1030 = arith.index_cast %add3A_1029 : i32 to index
          %get3A_1031 = tpu.vector_load %arg8[%get3A_1030] {strides = array<i32>} : memref<100000xf32, #tpu.memory_space<vmem>>, vector<16xf32>,
          %sub3A_1032 = vector.broadcast %max3A : f32 to vector<16xf32>
          %sub3A_1033 = arith.subf %get3A_1031, %sub3A_1032 : vector<16xf32>
          %exp3A_1034 = math.exp %sub3A_1033 : vector<16xf32>
          %add3A_1035 = arith.addf %add3A_1024, %exp3A_1034 : vector<16xf32>
          %scan3A_1036 = arith.constant 12 : i32
          %scan3A_1037 = arith.addi %scan3A_904, %scan3A_1036 : i32
          %mul3A_1038 = arith.constant 16 : i32
          %mul3A_1039 = arith.muli %scan3A_1037, %mul3A_1038 : i32
          %add3A_1040 = arith.addi %mul3A_223, %mul3A_1039 : i32
          %get3A_1041 = arith.index_cast %add3A_1040 : i32 to index
          %get3A_1042 = tpu.vector_load %arg8[%get3A_1041] {strides = array<i32>} : memref<100000xf32, #tpu.memory_space<vmem>>, vector<16xf32>,
          %sub3A_1043 = vector.broadcast %max3A : f32 to vector<16xf32>
          %sub3A_1044 = arith.subf %get3A_1042, %sub3A_1043 : vector<16xf32>
          %exp3A_1045 = math.exp %sub3A_1044 : vector<16xf32>
          %add3A_1046 = arith.addf %add3A_1035, %exp3A_1045 : vector<16xf32>
          %scan3A_1047 = arith.constant 13 : i32
          %scan3A_1048 = arith.addi %scan3A_904, %scan3A_1047 : i32
          %mul3A_1049 = arith.constant 16 : i32
          %mul3A_1050 = arith.muli %scan3A_1048, %mul3A_1049 : i32
          %add3A_1051 = arith.addi %mul3A_223, %mul3A_1050 : i32
          %get3A_1052 = arith.index_cast %add3A_1051 : i32 to index
          %get3A_1053 = tpu.vector_load %arg8[%get3A_1052] {strides = array<i32>} : memref<100000xf32, #tpu.memory_space<vmem>>, vector<16xf32>,
          %sub3A_1054 = vector.broadcast %max3A : f32 to vector<16xf32>
          %sub3A_1055 = arith.subf %get3A_1053, %sub3A_1054 : vector<16xf32>
          %exp3A_1056 = math.exp %sub3A_1055 : vector<16xf32>
          %add3A_1057 = arith.addf %add3A_1046, %exp3A_1056 : vector<16xf32>
          %scan3A_1058 = arith.constant 14 : i32
          %scan3A_1059 = arith.addi %scan3A_904, %scan3A_1058 : i32
          %mul3A_1060 = arith.constant 16 : i32
          %mul3A_1061 = arith.muli %scan3A_1059, %mul3A_1060 : i32
          %add3A_1062 = arith.addi %mul3A_223, %mul3A_1061 : i32
          %get3A_1063 = arith.index_cast %add3A_1062 : i32 to index
          %get3A_1064 = tpu.vector_load %arg8[%get3A_1063] {strides = array<i32>} : memref<100000xf32, #tpu.memory_space<vmem>>, vector<16xf32>,
          %sub3A_1065 = vector.broadcast %max3A : f32 to vector<16xf32>
          %sub3A_1066 = arith.subf %get3A_1064, %sub3A_1065 : vector<16xf32>
          %exp3A_1067 = math.exp %sub3A_1066 : vector<16xf32>
          %add3A_1068 = arith.addf %add3A_1057, %exp3A_1067 : vector<16xf32>
          %scan3A_1069 = arith.constant 15 : i32
          %scan3A_1070 = arith.addi %scan3A_904, %scan3A_1069 : i32
          %mul3A_1071 = arith.constant 16 : i32
          %mul3A_1072 = arith.muli %scan3A_1070, %mul3A_1071 : i32
          %add3A_1073 = arith.addi %mul3A_223, %mul3A_1072 : i32
          %get3A_1074 = arith.index_cast %add3A_1073 : i32 to index
          %get3A_1075 = tpu.vector_load %arg8[%get3A_1074] {strides = array<i32>} : memref<100000xf32, #tpu.memory_space<vmem>>, vector<16xf32>,
          %sub3A_1076 = vector.broadcast %max3A : f32 to vector<16xf32>
          %sub3A_1077 = arith.subf %get3A_1075, %sub3A_1076 : vector<16xf32>
          %exp3A_1078 = math.exp %sub3A_1077 : vector<16xf32>
          %add3A_1079 = arith.addf %add3A_1068, %exp3A_1078 : vector<16xf32>
          %scan3A_1080 = arith.constant 16 : i32
          %scan3A_1081 = arith.addi %scan3A_904, %scan3A_1080 : i32
          %mul3A_1082 = arith.constant 16 : i32
          %mul3A_1083 = arith.muli %scan3A_1081, %mul3A_1082 : i32
          %add3A_1084 = arith.addi %mul3A_223, %mul3A_1083 : i32
          %get3A_1085 = arith.index_cast %add3A_1084 : i32 to index
          %get3A_1086 = tpu.vector_load %arg8[%get3A_1085] {strides = array<i32>} : memref<100000xf32, #tpu.memory_space<vmem>>, vector<16xf32>,
          %sub3A_1087 = vector.broadcast %max3A : f32 to vector<16xf32>
          %sub3A_1088 = arith.subf %get3A_1086, %sub3A_1087 : vector<16xf32>
          %exp3A_1089 = math.exp %sub3A_1088 : vector<16xf32>
          %add3A_1090 = arith.addf %add3A_1079, %exp3A_1089 : vector<16xf32>
          %scan3A_1091 = arith.constant 17 : i32
          %scan3A_1092 = arith.addi %scan3A_904, %scan3A_1091 : i32
          %mul3A_1093 = arith.constant 16 : i32
          %mul3A_1094 = arith.muli %scan3A_1092, %mul3A_1093 : i32
          %add3A_1095 = arith.addi %mul3A_223, %mul3A_1094 : i32
          %get3A_1096 = arith.index_cast %add3A_1095 : i32 to index
          %get3A_1097 = tpu.vector_load %arg8[%get3A_1096] {strides = array<i32>} : memref<100000xf32, #tpu.memory_space<vmem>>, vector<16xf32>,
          %sub3A_1098 = vector.broadcast %max3A : f32 to vector<16xf32>
          %sub3A_1099 = arith.subf %get3A_1097, %sub3A_1098 : vector<16xf32>
          %exp3A_1100 = math.exp %sub3A_1099 : vector<16xf32>
          %add3A_1101 = arith.addf %add3A_1090, %exp3A_1100 : vector<16xf32>
          %scan3A_1102 = arith.constant 18 : i32
          %scan3A_1103 = arith.addi %scan3A_904, %scan3A_1102 : i32
          %mul3A_1104 = arith.constant 16 : i32
          %mul3A_1105 = arith.muli %scan3A_1103, %mul3A_1104 : i32
          %add3A_1106 = arith.addi %mul3A_223, %mul3A_1105 : i32
          %get3A_1107 = arith.index_cast %add3A_1106 : i32 to index
          %get3A_1108 = tpu.vector_load %arg8[%get3A_1107] {strides = array<i32>} : memref<100000xf32, #tpu.memory_space<vmem>>, vector<16xf32>,
          %sub3A_1109 = vector.broadcast %max3A : f32 to vector<16xf32>
          %sub3A_1110 = arith.subf %get3A_1108, %sub3A_1109 : vector<16xf32>
          %exp3A_1111 = math.exp %sub3A_1110 : vector<16xf32>
          %add3A_1112 = arith.addf %add3A_1101, %exp3A_1111 : vector<16xf32>
          %scan3A_1113 = arith.constant 19 : i32
          %scan3A_1114 = arith.addi %scan3A_904, %scan3A_1113 : i32
          %mul3A_1115 = arith.constant 16 : i32
          %mul3A_1116 = arith.muli %scan3A_1114, %mul3A_1115 : i32
          %add3A_1117 = arith.addi %mul3A_223, %mul3A_1116 : i32
          %get3A_1118 = arith.index_cast %add3A_1117 : i32 to index
          %get3A_1119 = tpu.vector_load %arg8[%get3A_1118] {strides = array<i32>} : memref<100000xf32, #tpu.memory_space<vmem>>, vector<16xf32>,
          %sub3A_1120 = vector.broadcast %max3A : f32 to vector<16xf32>
          %sub3A_1121 = arith.subf %get3A_1119, %sub3A_1120 : vector<16xf32>
          %exp3A_1122 = math.exp %sub3A_1121 : vector<16xf32>
          %add3A_1123 = arith.addf %add3A_1112, %exp3A_1122 : vector<16xf32>
          %scan3A_1124 = arith.constant 20 : i32
          %scan3A_1125 = arith.addi %scan3A_904, %scan3A_1124 : i32
          %mul3A_1126 = arith.constant 16 : i32
          %mul3A_1127 = arith.muli %scan3A_1125, %mul3A_1126 : i32
          %add3A_1128 = arith.addi %mul3A_223, %mul3A_1127 : i32
          %get3A_1129 = arith.index_cast %add3A_1128 : i32 to index
          %get3A_1130 = tpu.vector_load %arg8[%get3A_1129] {strides = array<i32>} : memref<100000xf32, #tpu.memory_space<vmem>>, vector<16xf32>,
          %sub3A_1131 = vector.broadcast %max3A : f32 to vector<16xf32>
          %sub3A_1132 = arith.subf %get3A_1130, %sub3A_1131 : vector<16xf32>
          %exp3A_1133 = math.exp %sub3A_1132 : vector<16xf32>
          %add3A_1134 = arith.addf %add3A_1123, %exp3A_1133 : vector<16xf32>
          %scan3A_1135 = arith.constant 21 : i32
          %scan3A_1136 = arith.addi %scan3A_904, %scan3A_1135 : i32
          %mul3A_1137 = arith.constant 16 : i32
          %mul3A_1138 = arith.muli %scan3A_1136, %mul3A_1137 : i32
          %add3A_1139 = arith.addi %mul3A_223, %mul3A_1138 : i32
          %get3A_1140 = arith.index_cast %add3A_1139 : i32 to index
          %get3A_1141 = tpu.vector_load %arg8[%get3A_1140] {strides = array<i32>} : memref<100000xf32, #tpu.memory_space<vmem>>, vector<16xf32>,
          %sub3A_1142 = vector.broadcast %max3A : f32 to vector<16xf32>
          %sub3A_1143 = arith.subf %get3A_1141, %sub3A_1142 : vector<16xf32>
          %exp3A_1144 = math.exp %sub3A_1143 : vector<16xf32>
          %add3A_1145 = arith.addf %add3A_1134, %exp3A_1144 : vector<16xf32>
          %scan3A_1146 = arith.constant 22 : i32
          %scan3A_1147 = arith.addi %scan3A_904, %scan3A_1146 : i32
          %mul3A_1148 = arith.constant 16 : i32
          %mul3A_1149 = arith.muli %scan3A_1147, %mul3A_1148 : i32
          %add3A_1150 = arith.addi %mul3A_223, %mul3A_1149 : i32
          %get3A_1151 = arith.index_cast %add3A_1150 : i32 to index
          %get3A_1152 = tpu.vector_load %arg8[%get3A_1151] {strides = array<i32>} : memref<100000xf32, #tpu.memory_space<vmem>>, vector<16xf32>,
          %sub3A_1153 = vector.broadcast %max3A : f32 to vector<16xf32>
          %sub3A_1154 = arith.subf %get3A_1152, %sub3A_1153 : vector<16xf32>
          %exp3A_1155 = math.exp %sub3A_1154 : vector<16xf32>
          %add3A_1156 = arith.addf %add3A_1145, %exp3A_1155 : vector<16xf32>
          %scan3A_1157 = arith.constant 23 : i32
          %scan3A_1158 = arith.addi %scan3A_904, %scan3A_1157 : i32
          %mul3A_1159 = arith.constant 16 : i32
          %mul3A_1160 = arith.muli %scan3A_1158, %mul3A_1159 : i32
          %add3A_1161 = arith.addi %mul3A_223, %mul3A_1160 : i32
          %get3A_1162 = arith.index_cast %add3A_1161 : i32 to index
          %get3A_1163 = tpu.vector_load %arg8[%get3A_1162] {strides = array<i32>} : memref<100000xf32, #tpu.memory_space<vmem>>, vector<16xf32>,
          %sub3A_1164 = vector.broadcast %max3A : f32 to vector<16xf32>
          %sub3A_1165 = arith.subf %get3A_1163, %sub3A_1164 : vector<16xf32>
          %exp3A_1166 = math.exp %sub3A_1165 : vector<16xf32>
          %add3A_1167 = arith.addf %add3A_1156, %exp3A_1166 : vector<16xf32>
          %scan3A_1168 = arith.constant 24 : i32
          %scan3A_1169 = arith.addi %scan3A_904, %scan3A_1168 : i32
          %mul3A_1170 = arith.constant 16 : i32
          %mul3A_1171 = arith.muli %scan3A_1169, %mul3A_1170 : i32
          %add3A_1172 = arith.addi %mul3A_223, %mul3A_1171 : i32
          %get3A_1173 = arith.index_cast %add3A_1172 : i32 to index
          %get3A_1174 = tpu.vector_load %arg8[%get3A_1173] {strides = array<i32>} : memref<100000xf32, #tpu.memory_space<vmem>>, vector<16xf32>,
          %sub3A_1175 = vector.broadcast %max3A : f32 to vector<16xf32>
          %sub3A_1176 = arith.subf %get3A_1174, %sub3A_1175 : vector<16xf32>
          %exp3A_1177 = math.exp %sub3A_1176 : vector<16xf32>
          %add3A_1178 = arith.addf %add3A_1167, %exp3A_1177 : vector<16xf32>
          scf.yield %add3A_1178 : vector<16xf32>
        }
        %scan3A_335 = arith.constant 125 : i32
        %mul3A_336 = arith.constant 5 : i32
        %mul3A_337 = arith.muli %scan3A_204, %mul3A_336 : i32
        %add3A_338 = arith.constant 1 : i32
        %add3A_339 = arith.addi %mul3A_337, %add3A_338 : i32
        %dma_wait3A_340 = arith.constant 0 : i32
        %dma_wait3A_341 = tpu.memref_slice %arg8[%dma_wait3A_340] : memref<100000xf32, #tpu.memory_space<vmem>> -> memref<2000xf32, #tpu.memory_space<vmem>>
        %dma_wait3A_342 = arith.constant 0 : i32
        %dma_wait3A_343 = tpu.memref_slice %arg2[%dma_wait3A_342] : memref<25600000xf32, #tpu.memory_space<hbm>> -> memref<2000xf32, #tpu.memory_space<hbm>>
        %dma_wait3A_344 = arith.constant 0 : i32
        %dma_wait3A_345 = tpu.memref_slice %arg8[%dma_wait3A_344] : memref<100000xf32, #tpu.memory_space<vmem>> -> memref<2000xf32, #tpu.memory_space<vmem>>
        %dma_wait3A_346 = arith.constant 0 : i32
        %dma_wait3A_347 = tpu.memref_slice %arg2[%dma_wait3A_346] : memref<25600000xf32, #tpu.memory_space<hbm>> -> memref<2000xf32, #tpu.memory_space<hbm>>
        tpu.wait_dma2 semaphore(%arg19 : memref<!tpu.dma_semaphore, #tpu.memory_space<semaphore_mem>>) src(%dma_wait3A_347 : memref<2000xf32, #tpu.memory_space<hbm>>) dst(%dma_wait3A_345 : memref<2000xf32, #tpu.memory_space<vmem>>)
        %add3A_348 = arith.constant 5 : i32
        %add3A_349 = arith.addi %add3A_339, %add3A_348 : i32
        %lt3A_350 = arith.constant 50 : i32
        %lt3A_351 = arith.cmpi slt, %add3A_349, %lt3A_350 : i32
        %convert_element_type3A_352 = arith.extui %lt3A_351 : i1 to i32
        %cond3A_353 = arith.constant 0 : i32
        %cond3A_354 = arith.cmpi ne, %convert_element_type3A_352, %cond3A_353 : i32
        scf.if %cond3A_354 {
          %mul3A_904 = arith.constant 100000 : i32
          %mul3A_905 = arith.muli %add3A_15, %mul3A_904 : i32
          %mul3A_906 = arith.constant 2000 : i32
          %mul3A_907 = arith.muli %add3A_349, %mul3A_906 : i32
          %add3A_908 = arith.addi %mul3A_905, %mul3A_907 : i32
          %mul3A_909 = arith.constant 2000 : i32
          %mul3A_910 = arith.muli %add3A_349, %mul3A_909 : i32
          %dma_start3A_911 = tpu.memref_slice %arg8[%mul3A_910] : memref<100000xf32, #tpu.memory_space<vmem>> -> memref<2000xf32, #tpu.memory_space<vmem>>
          %dma_start3A_912 = tpu.memref_slice %arg2[%add3A_908] : memref<25600000xf32, #tpu.memory_space<hbm>> -> memref<2000xf32, #tpu.memory_space<hbm>>
          %dma_start3A_913 = tpu.memref_slice %arg8[%mul3A_910] : memref<100000xf32, #tpu.memory_space<vmem>> -> memref<2000xf32, #tpu.memory_space<vmem>>
          %dma_start3A_914 = tpu.memref_slice %arg2[%add3A_908] : memref<25600000xf32, #tpu.memory_space<hbm>> -> memref<2000xf32, #tpu.memory_space<hbm>>
          tpu.enqueue_dma source(%dma_start3A_914 : memref<2000xf32, #tpu.memory_space<hbm>>) target(%dma_start3A_913 : memref<2000xf32, #tpu.memory_space<vmem>>) target_semaphore(%arg19 : memref<!tpu.dma_semaphore, #tpu.memory_space<semaphore_mem>>)
        } else {
        }
        %mul3A_355 = arith.constant 2000 : i32
        %mul3A_356 = arith.muli %add3A_339, %mul3A_355 : i32
        %get3A_357 = arith.constant 0 : index
        %get3A_358 = tpu.vector_load %arg9[%get3A_357] {strides = array<i32>} : memref<64xi32, #tpu.memory_space<vmem>>, vector<16xi32>,
        %ge3A_359 = vector.broadcast %mul3A_356 : i32 to vector<16xi32>
        %ge3A_360 = arith.cmpi sge, %get3A_358, %ge3A_359 : vector<16xi32>
        %add3A_361 = arith.constant 2000 : i32
        %add3A_362 = arith.addi %mul3A_356, %add3A_361 : i32
        %lt3A_363 = vector.broadcast %add3A_362 : i32 to vector<16xi32>
        %lt3A_364 = arith.cmpi slt, %get3A_358, %lt3A_363 : vector<16xi32>
        %and3A_365 = arith.andi %ge3A_360, %lt3A_364 : vector<16xi1>
        %jit3A_366 = arith.constant 0 : i32
        %broadcast_in_dim3A_367 = vector.broadcast %jit3A_366 : i32 to vector<16xi32>
        %select_n3A_368 = arith.select %and3A_365, %get3A_358, %broadcast_in_dim3A_367 : vector<16xi1>, vector<16xi32>
        %gather3A_369 = tpu.vector_load_idx %arg8[%select_n3A_368] masked %and3A_365 : memref<100000xf32, #tpu.memory_space<vmem>>[vector<16xi32>], vector<16xf32>, vector<16xi1>
        %lt3A_370 = arith.constant 0.000000e+00 : f32
        %lt3A_371 = vector.broadcast %lt3A_370 : f32 to vector<16xf32>
        %lt3A_372 = arith.cmpf olt, %gather3A_369, %lt3A_371 : vector<16xf32>
        %mul3A_373 = arith.constant 1.200000e+00 : f32
        %mul3A_374 = vector.broadcast %mul3A_373 : f32 to vector<16xf32>
        %mul3A_375 = arith.mulf %gather3A_369, %mul3A_374 : vector<16xf32>
        %mul3A_376 = arith.constant 0.833333313 : f32
        %mul3A_377 = vector.broadcast %mul3A_376 : f32 to vector<16xf32>
        %mul3A_378 = arith.mulf %gather3A_369, %mul3A_377 : vector<16xf32>
        %select_n3A_379 = arith.select %lt3A_372, %mul3A_375, %mul3A_378 : vector<16xi1>, vector<16xf32>
        tpu.vector_store_idx %arg8[%select_n3A_368], %select_n3A_379 masked %and3A_365 : memref<100000xf32, #tpu.memory_space<vmem>>[vector<16xi32>], vector<16xf32>, vector<16xi1>
        %get3A_380 = arith.constant 16 : index
        %get3A_381 = tpu.vector_load %arg9[%get3A_380] {strides = array<i32>} : memref<64xi32, #tpu.memory_space<vmem>>, vector<16xi32>,
        %ge3A_382 = vector.broadcast %mul3A_356 : i32 to vector<16xi32>
        %ge3A_383 = arith.cmpi sge, %get3A_381, %ge3A_382 : vector<16xi32>
        %add3A_384 = arith.constant 2000 : i32
        %add3A_385 = arith.addi %mul3A_356, %add3A_384 : i32
        %lt3A_386 = vector.broadcast %add3A_385 : i32 to vector<16xi32>
        %lt3A_387 = arith.cmpi slt, %get3A_381, %lt3A_386 : vector<16xi32>
        %and3A_388 = arith.andi %ge3A_383, %lt3A_387 : vector<16xi1>
        %jit3A_389 = arith.constant 0 : i32
        %broadcast_in_dim3A_390 = vector.broadcast %jit3A_389 : i32 to vector<16xi32>
        %select_n3A_391 = arith.select %and3A_388, %get3A_381, %broadcast_in_dim3A_390 : vector<16xi1>, vector<16xi32>
        %gather3A_392 = tpu.vector_load_idx %arg8[%select_n3A_391] masked %and3A_388 : memref<100000xf32, #tpu.memory_space<vmem>>[vector<16xi32>], vector<16xf32>, vector<16xi1>
        %lt3A_393 = arith.constant 0.000000e+00 : f32
        %lt3A_394 = vector.broadcast %lt3A_393 : f32 to vector<16xf32>
        %lt3A_395 = arith.cmpf olt, %gather3A_392, %lt3A_394 : vector<16xf32>
        %mul3A_396 = arith.constant 1.200000e+00 : f32
        %mul3A_397 = vector.broadcast %mul3A_396 : f32 to vector<16xf32>
        %mul3A_398 = arith.mulf %gather3A_392, %mul3A_397 : vector<16xf32>
        %mul3A_399 = arith.constant 0.833333313 : f32
        %mul3A_400 = vector.broadcast %mul3A_399 : f32 to vector<16xf32>
        %mul3A_401 = arith.mulf %gather3A_392, %mul3A_400 : vector<16xf32>
        %select_n3A_402 = arith.select %lt3A_395, %mul3A_398, %mul3A_401 : vector<16xi1>, vector<16xf32>
        tpu.vector_store_idx %arg8[%select_n3A_391], %select_n3A_402 masked %and3A_388 : memref<100000xf32, #tpu.memory_space<vmem>>[vector<16xi32>], vector<16xf32>, vector<16xi1>
        %get3A_403 = arith.constant 32 : index
        %get3A_404 = tpu.vector_load %arg9[%get3A_403] {strides = array<i32>} : memref<64xi32, #tpu.memory_space<vmem>>, vector<16xi32>,
        %ge3A_405 = vector.broadcast %mul3A_356 : i32 to vector<16xi32>
        %ge3A_406 = arith.cmpi sge, %get3A_404, %ge3A_405 : vector<16xi32>
        %add3A_407 = arith.constant 2000 : i32
        %add3A_408 = arith.addi %mul3A_356, %add3A_407 : i32
        %lt3A_409 = vector.broadcast %add3A_408 : i32 to vector<16xi32>
        %lt3A_410 = arith.cmpi slt, %get3A_404, %lt3A_409 : vector<16xi32>
        %and3A_411 = arith.andi %ge3A_406, %lt3A_410 : vector<16xi1>
        %jit3A_412 = arith.constant 0 : i32
        %broadcast_in_dim3A_413 = vector.broadcast %jit3A_412 : i32 to vector<16xi32>
        %select_n3A_414 = arith.select %and3A_411, %get3A_404, %broadcast_in_dim3A_413 : vector<16xi1>, vector<16xi32>
        %gather3A_415 = tpu.vector_load_idx %arg8[%select_n3A_414] masked %and3A_411 : memref<100000xf32, #tpu.memory_space<vmem>>[vector<16xi32>], vector<16xf32>, vector<16xi1>
        %lt3A_416 = arith.constant 0.000000e+00 : f32
        %lt3A_417 = vector.broadcast %lt3A_416 : f32 to vector<16xf32>
        %lt3A_418 = arith.cmpf olt, %gather3A_415, %lt3A_417 : vector<16xf32>
        %mul3A_419 = arith.constant 1.200000e+00 : f32
        %mul3A_420 = vector.broadcast %mul3A_419 : f32 to vector<16xf32>
        %mul3A_421 = arith.mulf %gather3A_415, %mul3A_420 : vector<16xf32>
        %mul3A_422 = arith.constant 0.833333313 : f32
        %mul3A_423 = vector.broadcast %mul3A_422 : f32 to vector<16xf32>
        %mul3A_424 = arith.mulf %gather3A_415, %mul3A_423 : vector<16xf32>
        %select_n3A_425 = arith.select %lt3A_418, %mul3A_421, %mul3A_424 : vector<16xi1>, vector<16xf32>
        tpu.vector_store_idx %arg8[%select_n3A_414], %select_n3A_425 masked %and3A_411 : memref<100000xf32, #tpu.memory_space<vmem>>[vector<16xi32>], vector<16xf32>, vector<16xi1>
        %get3A_426 = arith.constant 48 : index
        %get3A_427 = tpu.vector_load %arg9[%get3A_426] {strides = array<i32>} : memref<64xi32, #tpu.memory_space<vmem>>, vector<16xi32>,
        %ge3A_428 = vector.broadcast %mul3A_356 : i32 to vector<16xi32>
        %ge3A_429 = arith.cmpi sge, %get3A_427, %ge3A_428 : vector<16xi32>
        %add3A_430 = arith.constant 2000 : i32
        %add3A_431 = arith.addi %mul3A_356, %add3A_430 : i32
        %lt3A_432 = vector.broadcast %add3A_431 : i32 to vector<16xi32>
        %lt3A_433 = arith.cmpi slt, %get3A_427, %lt3A_432 : vector<16xi32>
        %and3A_434 = arith.andi %ge3A_429, %lt3A_433 : vector<16xi1>
        %jit3A_435 = arith.constant 0 : i32
        %broadcast_in_dim3A_436 = vector.broadcast %jit3A_435 : i32 to vector<16xi32>
        %select_n3A_437 = arith.select %and3A_434, %get3A_427, %broadcast_in_dim3A_436 : vector<16xi1>, vector<16xi32>
        %gather3A_438 = tpu.vector_load_idx %arg8[%select_n3A_437] masked %and3A_434 : memref<100000xf32, #tpu.memory_space<vmem>>[vector<16xi32>], vector<16xf32>, vector<16xi1>
        %lt3A_439 = arith.constant 0.000000e+00 : f32
        %lt3A_440 = vector.broadcast %lt3A_439 : f32 to vector<16xf32>
        %lt3A_441 = arith.cmpf olt, %gather3A_438, %lt3A_440 : vector<16xf32>
        %mul3A_442 = arith.constant 1.200000e+00 : f32
        %mul3A_443 = vector.broadcast %mul3A_442 : f32 to vector<16xf32>
        %mul3A_444 = arith.mulf %gather3A_438, %mul3A_443 : vector<16xf32>
        %mul3A_445 = arith.constant 0.833333313 : f32
        %mul3A_446 = vector.broadcast %mul3A_445 : f32 to vector<16xf32>
        %mul3A_447 = arith.mulf %gather3A_438, %mul3A_446 : vector<16xf32>
        %select_n3A_448 = arith.select %lt3A_441, %mul3A_444, %mul3A_447 : vector<16xi1>, vector<16xf32>
        tpu.vector_store_idx %arg8[%select_n3A_437], %select_n3A_448 masked %and3A_434 : memref<100000xf32, #tpu.memory_space<vmem>>[vector<16xi32>], vector<16xf32>, vector<16xi1>
        %broadcast_in_dim3A_449 = arith.constant -3.000000e+38 : f32
        %broadcast_in_dim3A_450 = vector.broadcast %broadcast_in_dim3A_449 : f32 to vector<16xf32>
        %scan3A_451 = arith.constant 0 : i32
        %scan3A_452 = arith.constant 125 : i32
        %scan3A_453 = arith.addi %scan3A_451, %scan3A_452 : i32
        %scan3A_454 = arith.constant 25 : i32
        %scan3A_455 = scf.for %scan3A_904 = %scan3A_451 to %scan3A_453 step %scan3A_454 iter_args(%scan3A_905 = %broadcast_in_dim3A_450) -> (vector<16xf32>)  : i32 {
          %mul3A_906 = arith.constant 16 : i32
          %mul3A_907 = arith.muli %scan3A_904, %mul3A_906 : i32
          %add3A_908 = arith.addi %mul3A_356, %mul3A_907 : i32
          %get3A_909 = arith.index_cast %add3A_908 : i32 to index
          %get3A_910 = tpu.vector_load %arg8[%get3A_909] {strides = array<i32>} : memref<100000xf32, #tpu.memory_space<vmem>>, vector<16xf32>,
          %max3A_911 = arith.maximumf %scan3A_905, %get3A_910 : vector<16xf32>
          %scan3A_912 = arith.constant 1 : i32
          %scan3A_913 = arith.addi %scan3A_904, %scan3A_912 : i32
          %mul3A_914 = arith.constant 16 : i32
          %mul3A_915 = arith.muli %scan3A_913, %mul3A_914 : i32
          %add3A_916 = arith.addi %mul3A_356, %mul3A_915 : i32
          %get3A_917 = arith.index_cast %add3A_916 : i32 to index
          %get3A_918 = tpu.vector_load %arg8[%get3A_917] {strides = array<i32>} : memref<100000xf32, #tpu.memory_space<vmem>>, vector<16xf32>,
          %max3A_919 = arith.maximumf %max3A_911, %get3A_918 : vector<16xf32>
          %scan3A_920 = arith.constant 2 : i32
          %scan3A_921 = arith.addi %scan3A_904, %scan3A_920 : i32
          %mul3A_922 = arith.constant 16 : i32
          %mul3A_923 = arith.muli %scan3A_921, %mul3A_922 : i32
          %add3A_924 = arith.addi %mul3A_356, %mul3A_923 : i32
          %get3A_925 = arith.index_cast %add3A_924 : i32 to index
          %get3A_926 = tpu.vector_load %arg8[%get3A_925] {strides = array<i32>} : memref<100000xf32, #tpu.memory_space<vmem>>, vector<16xf32>,
          %max3A_927 = arith.maximumf %max3A_919, %get3A_926 : vector<16xf32>
          %scan3A_928 = arith.constant 3 : i32
          %scan3A_929 = arith.addi %scan3A_904, %scan3A_928 : i32
          %mul3A_930 = arith.constant 16 : i32
          %mul3A_931 = arith.muli %scan3A_929, %mul3A_930 : i32
          %add3A_932 = arith.addi %mul3A_356, %mul3A_931 : i32
          %get3A_933 = arith.index_cast %add3A_932 : i32 to index
          %get3A_934 = tpu.vector_load %arg8[%get3A_933] {strides = array<i32>} : memref<100000xf32, #tpu.memory_space<vmem>>, vector<16xf32>,
          %max3A_935 = arith.maximumf %max3A_927, %get3A_934 : vector<16xf32>
          %scan3A_936 = arith.constant 4 : i32
          %scan3A_937 = arith.addi %scan3A_904, %scan3A_936 : i32
          %mul3A_938 = arith.constant 16 : i32
          %mul3A_939 = arith.muli %scan3A_937, %mul3A_938 : i32
          %add3A_940 = arith.addi %mul3A_356, %mul3A_939 : i32
          %get3A_941 = arith.index_cast %add3A_940 : i32 to index
          %get3A_942 = tpu.vector_load %arg8[%get3A_941] {strides = array<i32>} : memref<100000xf32, #tpu.memory_space<vmem>>, vector<16xf32>,
          %max3A_943 = arith.maximumf %max3A_935, %get3A_942 : vector<16xf32>
          %scan3A_944 = arith.constant 5 : i32
          %scan3A_945 = arith.addi %scan3A_904, %scan3A_944 : i32
          %mul3A_946 = arith.constant 16 : i32
          %mul3A_947 = arith.muli %scan3A_945, %mul3A_946 : i32
          %add3A_948 = arith.addi %mul3A_356, %mul3A_947 : i32
          %get3A_949 = arith.index_cast %add3A_948 : i32 to index
          %get3A_950 = tpu.vector_load %arg8[%get3A_949] {strides = array<i32>} : memref<100000xf32, #tpu.memory_space<vmem>>, vector<16xf32>,
          %max3A_951 = arith.maximumf %max3A_943, %get3A_950 : vector<16xf32>
          %scan3A_952 = arith.constant 6 : i32
          %scan3A_953 = arith.addi %scan3A_904, %scan3A_952 : i32
          %mul3A_954 = arith.constant 16 : i32
          %mul3A_955 = arith.muli %scan3A_953, %mul3A_954 : i32
          %add3A_956 = arith.addi %mul3A_356, %mul3A_955 : i32
          %get3A_957 = arith.index_cast %add3A_956 : i32 to index
          %get3A_958 = tpu.vector_load %arg8[%get3A_957] {strides = array<i32>} : memref<100000xf32, #tpu.memory_space<vmem>>, vector<16xf32>,
          %max3A_959 = arith.maximumf %max3A_951, %get3A_958 : vector<16xf32>
          %scan3A_960 = arith.constant 7 : i32
          %scan3A_961 = arith.addi %scan3A_904, %scan3A_960 : i32
          %mul3A_962 = arith.constant 16 : i32
          %mul3A_963 = arith.muli %scan3A_961, %mul3A_962 : i32
          %add3A_964 = arith.addi %mul3A_356, %mul3A_963 : i32
          %get3A_965 = arith.index_cast %add3A_964 : i32 to index
          %get3A_966 = tpu.vector_load %arg8[%get3A_965] {strides = array<i32>} : memref<100000xf32, #tpu.memory_space<vmem>>, vector<16xf32>,
          %max3A_967 = arith.maximumf %max3A_959, %get3A_966 : vector<16xf32>
          %scan3A_968 = arith.constant 8 : i32
          %scan3A_969 = arith.addi %scan3A_904, %scan3A_968 : i32
          %mul3A_970 = arith.constant 16 : i32
          %mul3A_971 = arith.muli %scan3A_969, %mul3A_970 : i32
          %add3A_972 = arith.addi %mul3A_356, %mul3A_971 : i32
          %get3A_973 = arith.index_cast %add3A_972 : i32 to index
          %get3A_974 = tpu.vector_load %arg8[%get3A_973] {strides = array<i32>} : memref<100000xf32, #tpu.memory_space<vmem>>, vector<16xf32>,
          %max3A_975 = arith.maximumf %max3A_967, %get3A_974 : vector<16xf32>
          %scan3A_976 = arith.constant 9 : i32
          %scan3A_977 = arith.addi %scan3A_904, %scan3A_976 : i32
          %mul3A_978 = arith.constant 16 : i32
          %mul3A_979 = arith.muli %scan3A_977, %mul3A_978 : i32
          %add3A_980 = arith.addi %mul3A_356, %mul3A_979 : i32
          %get3A_981 = arith.index_cast %add3A_980 : i32 to index
          %get3A_982 = tpu.vector_load %arg8[%get3A_981] {strides = array<i32>} : memref<100000xf32, #tpu.memory_space<vmem>>, vector<16xf32>,
          %max3A_983 = arith.maximumf %max3A_975, %get3A_982 : vector<16xf32>
          %scan3A_984 = arith.constant 10 : i32
          %scan3A_985 = arith.addi %scan3A_904, %scan3A_984 : i32
          %mul3A_986 = arith.constant 16 : i32
          %mul3A_987 = arith.muli %scan3A_985, %mul3A_986 : i32
          %add3A_988 = arith.addi %mul3A_356, %mul3A_987 : i32
          %get3A_989 = arith.index_cast %add3A_988 : i32 to index
          %get3A_990 = tpu.vector_load %arg8[%get3A_989] {strides = array<i32>} : memref<100000xf32, #tpu.memory_space<vmem>>, vector<16xf32>,
          %max3A_991 = arith.maximumf %max3A_983, %get3A_990 : vector<16xf32>
          %scan3A_992 = arith.constant 11 : i32
          %scan3A_993 = arith.addi %scan3A_904, %scan3A_992 : i32
          %mul3A_994 = arith.constant 16 : i32
          %mul3A_995 = arith.muli %scan3A_993, %mul3A_994 : i32
          %add3A_996 = arith.addi %mul3A_356, %mul3A_995 : i32
          %get3A_997 = arith.index_cast %add3A_996 : i32 to index
          %get3A_998 = tpu.vector_load %arg8[%get3A_997] {strides = array<i32>} : memref<100000xf32, #tpu.memory_space<vmem>>, vector<16xf32>,
          %max3A_999 = arith.maximumf %max3A_991, %get3A_998 : vector<16xf32>
          %scan3A_1000 = arith.constant 12 : i32
          %scan3A_1001 = arith.addi %scan3A_904, %scan3A_1000 : i32
          %mul3A_1002 = arith.constant 16 : i32
          %mul3A_1003 = arith.muli %scan3A_1001, %mul3A_1002 : i32
          %add3A_1004 = arith.addi %mul3A_356, %mul3A_1003 : i32
          %get3A_1005 = arith.index_cast %add3A_1004 : i32 to index
          %get3A_1006 = tpu.vector_load %arg8[%get3A_1005] {strides = array<i32>} : memref<100000xf32, #tpu.memory_space<vmem>>, vector<16xf32>,
          %max3A_1007 = arith.maximumf %max3A_999, %get3A_1006 : vector<16xf32>
          %scan3A_1008 = arith.constant 13 : i32
          %scan3A_1009 = arith.addi %scan3A_904, %scan3A_1008 : i32
          %mul3A_1010 = arith.constant 16 : i32
          %mul3A_1011 = arith.muli %scan3A_1009, %mul3A_1010 : i32
          %add3A_1012 = arith.addi %mul3A_356, %mul3A_1011 : i32
          %get3A_1013 = arith.index_cast %add3A_1012 : i32 to index
          %get3A_1014 = tpu.vector_load %arg8[%get3A_1013] {strides = array<i32>} : memref<100000xf32, #tpu.memory_space<vmem>>, vector<16xf32>,
          %max3A_1015 = arith.maximumf %max3A_1007, %get3A_1014 : vector<16xf32>
          %scan3A_1016 = arith.constant 14 : i32
          %scan3A_1017 = arith.addi %scan3A_904, %scan3A_1016 : i32
          %mul3A_1018 = arith.constant 16 : i32
          %mul3A_1019 = arith.muli %scan3A_1017, %mul3A_1018 : i32
          %add3A_1020 = arith.addi %mul3A_356, %mul3A_1019 : i32
          %get3A_1021 = arith.index_cast %add3A_1020 : i32 to index
          %get3A_1022 = tpu.vector_load %arg8[%get3A_1021] {strides = array<i32>} : memref<100000xf32, #tpu.memory_space<vmem>>, vector<16xf32>,
          %max3A_1023 = arith.maximumf %max3A_1015, %get3A_1022 : vector<16xf32>
          %scan3A_1024 = arith.constant 15 : i32
          %scan3A_1025 = arith.addi %scan3A_904, %scan3A_1024 : i32
          %mul3A_1026 = arith.constant 16 : i32
          %mul3A_1027 = arith.muli %scan3A_1025, %mul3A_1026 : i32
          %add3A_1028 = arith.addi %mul3A_356, %mul3A_1027 : i32
          %get3A_1029 = arith.index_cast %add3A_1028 : i32 to index
          %get3A_1030 = tpu.vector_load %arg8[%get3A_1029] {strides = array<i32>} : memref<100000xf32, #tpu.memory_space<vmem>>, vector<16xf32>,
          %max3A_1031 = arith.maximumf %max3A_1023, %get3A_1030 : vector<16xf32>
          %scan3A_1032 = arith.constant 16 : i32
          %scan3A_1033 = arith.addi %scan3A_904, %scan3A_1032 : i32
          %mul3A_1034 = arith.constant 16 : i32
          %mul3A_1035 = arith.muli %scan3A_1033, %mul3A_1034 : i32
          %add3A_1036 = arith.addi %mul3A_356, %mul3A_1035 : i32
          %get3A_1037 = arith.index_cast %add3A_1036 : i32 to index
          %get3A_1038 = tpu.vector_load %arg8[%get3A_1037] {strides = array<i32>} : memref<100000xf32, #tpu.memory_space<vmem>>, vector<16xf32>,
          %max3A_1039 = arith.maximumf %max3A_1031, %get3A_1038 : vector<16xf32>
          %scan3A_1040 = arith.constant 17 : i32
          %scan3A_1041 = arith.addi %scan3A_904, %scan3A_1040 : i32
          %mul3A_1042 = arith.constant 16 : i32
          %mul3A_1043 = arith.muli %scan3A_1041, %mul3A_1042 : i32
          %add3A_1044 = arith.addi %mul3A_356, %mul3A_1043 : i32
          %get3A_1045 = arith.index_cast %add3A_1044 : i32 to index
          %get3A_1046 = tpu.vector_load %arg8[%get3A_1045] {strides = array<i32>} : memref<100000xf32, #tpu.memory_space<vmem>>, vector<16xf32>,
          %max3A_1047 = arith.maximumf %max3A_1039, %get3A_1046 : vector<16xf32>
          %scan3A_1048 = arith.constant 18 : i32
          %scan3A_1049 = arith.addi %scan3A_904, %scan3A_1048 : i32
          %mul3A_1050 = arith.constant 16 : i32
          %mul3A_1051 = arith.muli %scan3A_1049, %mul3A_1050 : i32
          %add3A_1052 = arith.addi %mul3A_356, %mul3A_1051 : i32
          %get3A_1053 = arith.index_cast %add3A_1052 : i32 to index
          %get3A_1054 = tpu.vector_load %arg8[%get3A_1053] {strides = array<i32>} : memref<100000xf32, #tpu.memory_space<vmem>>, vector<16xf32>,
          %max3A_1055 = arith.maximumf %max3A_1047, %get3A_1054 : vector<16xf32>
          %scan3A_1056 = arith.constant 19 : i32
          %scan3A_1057 = arith.addi %scan3A_904, %scan3A_1056 : i32
          %mul3A_1058 = arith.constant 16 : i32
          %mul3A_1059 = arith.muli %scan3A_1057, %mul3A_1058 : i32
          %add3A_1060 = arith.addi %mul3A_356, %mul3A_1059 : i32
          %get3A_1061 = arith.index_cast %add3A_1060 : i32 to index
          %get3A_1062 = tpu.vector_load %arg8[%get3A_1061] {strides = array<i32>} : memref<100000xf32, #tpu.memory_space<vmem>>, vector<16xf32>,
          %max3A_1063 = arith.maximumf %max3A_1055, %get3A_1062 : vector<16xf32>
          %scan3A_1064 = arith.constant 20 : i32
          %scan3A_1065 = arith.addi %scan3A_904, %scan3A_1064 : i32
          %mul3A_1066 = arith.constant 16 : i32
          %mul3A_1067 = arith.muli %scan3A_1065, %mul3A_1066 : i32
          %add3A_1068 = arith.addi %mul3A_356, %mul3A_1067 : i32
          %get3A_1069 = arith.index_cast %add3A_1068 : i32 to index
          %get3A_1070 = tpu.vector_load %arg8[%get3A_1069] {strides = array<i32>} : memref<100000xf32, #tpu.memory_space<vmem>>, vector<16xf32>,
          %max3A_1071 = arith.maximumf %max3A_1063, %get3A_1070 : vector<16xf32>
          %scan3A_1072 = arith.constant 21 : i32
          %scan3A_1073 = arith.addi %scan3A_904, %scan3A_1072 : i32
          %mul3A_1074 = arith.constant 16 : i32
          %mul3A_1075 = arith.muli %scan3A_1073, %mul3A_1074 : i32
          %add3A_1076 = arith.addi %mul3A_356, %mul3A_1075 : i32
          %get3A_1077 = arith.index_cast %add3A_1076 : i32 to index
          %get3A_1078 = tpu.vector_load %arg8[%get3A_1077] {strides = array<i32>} : memref<100000xf32, #tpu.memory_space<vmem>>, vector<16xf32>,
          %max3A_1079 = arith.maximumf %max3A_1071, %get3A_1078 : vector<16xf32>
          %scan3A_1080 = arith.constant 22 : i32
          %scan3A_1081 = arith.addi %scan3A_904, %scan3A_1080 : i32
          %mul3A_1082 = arith.constant 16 : i32
          %mul3A_1083 = arith.muli %scan3A_1081, %mul3A_1082 : i32
          %add3A_1084 = arith.addi %mul3A_356, %mul3A_1083 : i32
          %get3A_1085 = arith.index_cast %add3A_1084 : i32 to index
          %get3A_1086 = tpu.vector_load %arg8[%get3A_1085] {strides = array<i32>} : memref<100000xf32, #tpu.memory_space<vmem>>, vector<16xf32>,
          %max3A_1087 = arith.maximumf %max3A_1079, %get3A_1086 : vector<16xf32>
          %scan3A_1088 = arith.constant 23 : i32
          %scan3A_1089 = arith.addi %scan3A_904, %scan3A_1088 : i32
          %mul3A_1090 = arith.constant 16 : i32
          %mul3A_1091 = arith.muli %scan3A_1089, %mul3A_1090 : i32
          %add3A_1092 = arith.addi %mul3A_356, %mul3A_1091 : i32
          %get3A_1093 = arith.index_cast %add3A_1092 : i32 to index
          %get3A_1094 = tpu.vector_load %arg8[%get3A_1093] {strides = array<i32>} : memref<100000xf32, #tpu.memory_space<vmem>>, vector<16xf32>,
          %max3A_1095 = arith.maximumf %max3A_1087, %get3A_1094 : vector<16xf32>
          %scan3A_1096 = arith.constant 24 : i32
          %scan3A_1097 = arith.addi %scan3A_904, %scan3A_1096 : i32
          %mul3A_1098 = arith.constant 16 : i32
          %mul3A_1099 = arith.muli %scan3A_1097, %mul3A_1098 : i32
          %add3A_1100 = arith.addi %mul3A_356, %mul3A_1099 : i32
          %get3A_1101 = arith.index_cast %add3A_1100 : i32 to index
          %get3A_1102 = tpu.vector_load %arg8[%get3A_1101] {strides = array<i32>} : memref<100000xf32, #tpu.memory_space<vmem>>, vector<16xf32>,
          %max3A_1103 = arith.maximumf %max3A_1095, %get3A_1102 : vector<16xf32>
          scf.yield %max3A_1103 : vector<16xf32>
        }
        %scan3A_456 = arith.constant 125 : i32
        %reduce_max3A_457 = arith.constant true
        %reduce_max3A_458 = vector.broadcast %reduce_max3A_457 : i1 to vector<16xi1>
        %reduce_max3A_459 = tpu.scan <max>, %scan3A_455 masked %reduce_max3A_458 : vector<16xf32>, vector<16xi1> -> vector<16xf32>
        %reduce_max3A_460 = vector.extract %reduce_max3A_459[15] : f32 from vector<16xf32>
        %iota3A_461 = tpu.iota {dimensions = array<i32: 0>} : vector<16xi32>
        %eq3A_462 = arith.constant 0 : i32
        %eq3A_463 = vector.broadcast %eq3A_462 : i32 to vector<16xi32>
        %eq3A_464 = arith.cmpi eq, %iota3A_461, %eq3A_463 : vector<16xi32>
        %broadcast_in_dim3A_465 = vector.broadcast %add3A_339 : i32 to vector<16xi32>
        %broadcast_in_dim3A_466 = vector.broadcast %reduce_max3A_460 : f32 to vector<16xf32>
        tpu.vector_store_idx %arg10[%broadcast_in_dim3A_465], %broadcast_in_dim3A_466 masked %eq3A_464 : memref<64xf32, #tpu.memory_space<vmem>>[vector<16xi32>], vector<16xf32>, vector<16xi1>
        %max3A_467 = arith.maximumf %max3A, %reduce_max3A_460 : f32
        %sub3A_468 = arith.subf %max3A, %max3A_467 : f32
        %broadcast_in_dim3A_469 = vector.broadcast %sub3A_468 : f32 to vector<16xf32>
        %exp3A_470 = math.exp %broadcast_in_dim3A_469 : vector<16xf32>
        %mul3A_471 = arith.mulf %scan3A_334, %exp3A_470 : vector<16xf32>
        %scan3A_472 = arith.constant 0 : i32
        %scan3A_473 = arith.constant 125 : i32
        %scan3A_474 = arith.addi %scan3A_472, %scan3A_473 : i32
        %scan3A_475 = arith.constant 25 : i32
        %scan3A_476 = scf.for %scan3A_904 = %scan3A_472 to %scan3A_474 step %scan3A_475 iter_args(%scan3A_905 = %mul3A_471) -> (vector<16xf32>)  : i32 {
          %mul3A_906 = arith.constant 16 : i32
          %mul3A_907 = arith.muli %scan3A_904, %mul3A_906 : i32
          %add3A_908 = arith.addi %mul3A_356, %mul3A_907 : i32
          %get3A_909 = arith.index_cast %add3A_908 : i32 to index
          %get3A_910 = tpu.vector_load %arg8[%get3A_909] {strides = array<i32>} : memref<100000xf32, #tpu.memory_space<vmem>>, vector<16xf32>,
          %sub3A_911 = vector.broadcast %max3A_467 : f32 to vector<16xf32>
          %sub3A_912 = arith.subf %get3A_910, %sub3A_911 : vector<16xf32>
          %exp3A_913 = math.exp %sub3A_912 : vector<16xf32>
          %add3A_914 = arith.addf %scan3A_905, %exp3A_913 : vector<16xf32>
          %scan3A_915 = arith.constant 1 : i32
          %scan3A_916 = arith.addi %scan3A_904, %scan3A_915 : i32
          %mul3A_917 = arith.constant 16 : i32
          %mul3A_918 = arith.muli %scan3A_916, %mul3A_917 : i32
          %add3A_919 = arith.addi %mul3A_356, %mul3A_918 : i32
          %get3A_920 = arith.index_cast %add3A_919 : i32 to index
          %get3A_921 = tpu.vector_load %arg8[%get3A_920] {strides = array<i32>} : memref<100000xf32, #tpu.memory_space<vmem>>, vector<16xf32>,
          %sub3A_922 = vector.broadcast %max3A_467 : f32 to vector<16xf32>
          %sub3A_923 = arith.subf %get3A_921, %sub3A_922 : vector<16xf32>
          %exp3A_924 = math.exp %sub3A_923 : vector<16xf32>
          %add3A_925 = arith.addf %add3A_914, %exp3A_924 : vector<16xf32>
          %scan3A_926 = arith.constant 2 : i32
          %scan3A_927 = arith.addi %scan3A_904, %scan3A_926 : i32
          %mul3A_928 = arith.constant 16 : i32
          %mul3A_929 = arith.muli %scan3A_927, %mul3A_928 : i32
          %add3A_930 = arith.addi %mul3A_356, %mul3A_929 : i32
          %get3A_931 = arith.index_cast %add3A_930 : i32 to index
          %get3A_932 = tpu.vector_load %arg8[%get3A_931] {strides = array<i32>} : memref<100000xf32, #tpu.memory_space<vmem>>, vector<16xf32>,
          %sub3A_933 = vector.broadcast %max3A_467 : f32 to vector<16xf32>
          %sub3A_934 = arith.subf %get3A_932, %sub3A_933 : vector<16xf32>
          %exp3A_935 = math.exp %sub3A_934 : vector<16xf32>
          %add3A_936 = arith.addf %add3A_925, %exp3A_935 : vector<16xf32>
          %scan3A_937 = arith.constant 3 : i32
          %scan3A_938 = arith.addi %scan3A_904, %scan3A_937 : i32
          %mul3A_939 = arith.constant 16 : i32
          %mul3A_940 = arith.muli %scan3A_938, %mul3A_939 : i32
          %add3A_941 = arith.addi %mul3A_356, %mul3A_940 : i32
          %get3A_942 = arith.index_cast %add3A_941 : i32 to index
          %get3A_943 = tpu.vector_load %arg8[%get3A_942] {strides = array<i32>} : memref<100000xf32, #tpu.memory_space<vmem>>, vector<16xf32>,
          %sub3A_944 = vector.broadcast %max3A_467 : f32 to vector<16xf32>
          %sub3A_945 = arith.subf %get3A_943, %sub3A_944 : vector<16xf32>
          %exp3A_946 = math.exp %sub3A_945 : vector<16xf32>
          %add3A_947 = arith.addf %add3A_936, %exp3A_946 : vector<16xf32>
          %scan3A_948 = arith.constant 4 : i32
          %scan3A_949 = arith.addi %scan3A_904, %scan3A_948 : i32
          %mul3A_950 = arith.constant 16 : i32
          %mul3A_951 = arith.muli %scan3A_949, %mul3A_950 : i32
          %add3A_952 = arith.addi %mul3A_356, %mul3A_951 : i32
          %get3A_953 = arith.index_cast %add3A_952 : i32 to index
          %get3A_954 = tpu.vector_load %arg8[%get3A_953] {strides = array<i32>} : memref<100000xf32, #tpu.memory_space<vmem>>, vector<16xf32>,
          %sub3A_955 = vector.broadcast %max3A_467 : f32 to vector<16xf32>
          %sub3A_956 = arith.subf %get3A_954, %sub3A_955 : vector<16xf32>
          %exp3A_957 = math.exp %sub3A_956 : vector<16xf32>
          %add3A_958 = arith.addf %add3A_947, %exp3A_957 : vector<16xf32>
          %scan3A_959 = arith.constant 5 : i32
          %scan3A_960 = arith.addi %scan3A_904, %scan3A_959 : i32
          %mul3A_961 = arith.constant 16 : i32
          %mul3A_962 = arith.muli %scan3A_960, %mul3A_961 : i32
          %add3A_963 = arith.addi %mul3A_356, %mul3A_962 : i32
          %get3A_964 = arith.index_cast %add3A_963 : i32 to index
          %get3A_965 = tpu.vector_load %arg8[%get3A_964] {strides = array<i32>} : memref<100000xf32, #tpu.memory_space<vmem>>, vector<16xf32>,
          %sub3A_966 = vector.broadcast %max3A_467 : f32 to vector<16xf32>
          %sub3A_967 = arith.subf %get3A_965, %sub3A_966 : vector<16xf32>
          %exp3A_968 = math.exp %sub3A_967 : vector<16xf32>
          %add3A_969 = arith.addf %add3A_958, %exp3A_968 : vector<16xf32>
          %scan3A_970 = arith.constant 6 : i32
          %scan3A_971 = arith.addi %scan3A_904, %scan3A_970 : i32
          %mul3A_972 = arith.constant 16 : i32
          %mul3A_973 = arith.muli %scan3A_971, %mul3A_972 : i32
          %add3A_974 = arith.addi %mul3A_356, %mul3A_973 : i32
          %get3A_975 = arith.index_cast %add3A_974 : i32 to index
          %get3A_976 = tpu.vector_load %arg8[%get3A_975] {strides = array<i32>} : memref<100000xf32, #tpu.memory_space<vmem>>, vector<16xf32>,
          %sub3A_977 = vector.broadcast %max3A_467 : f32 to vector<16xf32>
          %sub3A_978 = arith.subf %get3A_976, %sub3A_977 : vector<16xf32>
          %exp3A_979 = math.exp %sub3A_978 : vector<16xf32>
          %add3A_980 = arith.addf %add3A_969, %exp3A_979 : vector<16xf32>
          %scan3A_981 = arith.constant 7 : i32
          %scan3A_982 = arith.addi %scan3A_904, %scan3A_981 : i32
          %mul3A_983 = arith.constant 16 : i32
          %mul3A_984 = arith.muli %scan3A_982, %mul3A_983 : i32
          %add3A_985 = arith.addi %mul3A_356, %mul3A_984 : i32
          %get3A_986 = arith.index_cast %add3A_985 : i32 to index
          %get3A_987 = tpu.vector_load %arg8[%get3A_986] {strides = array<i32>} : memref<100000xf32, #tpu.memory_space<vmem>>, vector<16xf32>,
          %sub3A_988 = vector.broadcast %max3A_467 : f32 to vector<16xf32>
          %sub3A_989 = arith.subf %get3A_987, %sub3A_988 : vector<16xf32>
          %exp3A_990 = math.exp %sub3A_989 : vector<16xf32>
          %add3A_991 = arith.addf %add3A_980, %exp3A_990 : vector<16xf32>
          %scan3A_992 = arith.constant 8 : i32
          %scan3A_993 = arith.addi %scan3A_904, %scan3A_992 : i32
          %mul3A_994 = arith.constant 16 : i32
          %mul3A_995 = arith.muli %scan3A_993, %mul3A_994 : i32
          %add3A_996 = arith.addi %mul3A_356, %mul3A_995 : i32
          %get3A_997 = arith.index_cast %add3A_996 : i32 to index
          %get3A_998 = tpu.vector_load %arg8[%get3A_997] {strides = array<i32>} : memref<100000xf32, #tpu.memory_space<vmem>>, vector<16xf32>,
          %sub3A_999 = vector.broadcast %max3A_467 : f32 to vector<16xf32>
          %sub3A_1000 = arith.subf %get3A_998, %sub3A_999 : vector<16xf32>
          %exp3A_1001 = math.exp %sub3A_1000 : vector<16xf32>
          %add3A_1002 = arith.addf %add3A_991, %exp3A_1001 : vector<16xf32>
          %scan3A_1003 = arith.constant 9 : i32
          %scan3A_1004 = arith.addi %scan3A_904, %scan3A_1003 : i32
          %mul3A_1005 = arith.constant 16 : i32
          %mul3A_1006 = arith.muli %scan3A_1004, %mul3A_1005 : i32
          %add3A_1007 = arith.addi %mul3A_356, %mul3A_1006 : i32
          %get3A_1008 = arith.index_cast %add3A_1007 : i32 to index
          %get3A_1009 = tpu.vector_load %arg8[%get3A_1008] {strides = array<i32>} : memref<100000xf32, #tpu.memory_space<vmem>>, vector<16xf32>,
          %sub3A_1010 = vector.broadcast %max3A_467 : f32 to vector<16xf32>
          %sub3A_1011 = arith.subf %get3A_1009, %sub3A_1010 : vector<16xf32>
          %exp3A_1012 = math.exp %sub3A_1011 : vector<16xf32>
          %add3A_1013 = arith.addf %add3A_1002, %exp3A_1012 : vector<16xf32>
          %scan3A_1014 = arith.constant 10 : i32
          %scan3A_1015 = arith.addi %scan3A_904, %scan3A_1014 : i32
          %mul3A_1016 = arith.constant 16 : i32
          %mul3A_1017 = arith.muli %scan3A_1015, %mul3A_1016 : i32
          %add3A_1018 = arith.addi %mul3A_356, %mul3A_1017 : i32
          %get3A_1019 = arith.index_cast %add3A_1018 : i32 to index
          %get3A_1020 = tpu.vector_load %arg8[%get3A_1019] {strides = array<i32>} : memref<100000xf32, #tpu.memory_space<vmem>>, vector<16xf32>,
          %sub3A_1021 = vector.broadcast %max3A_467 : f32 to vector<16xf32>
          %sub3A_1022 = arith.subf %get3A_1020, %sub3A_1021 : vector<16xf32>
          %exp3A_1023 = math.exp %sub3A_1022 : vector<16xf32>
          %add3A_1024 = arith.addf %add3A_1013, %exp3A_1023 : vector<16xf32>
          %scan3A_1025 = arith.constant 11 : i32
          %scan3A_1026 = arith.addi %scan3A_904, %scan3A_1025 : i32
          %mul3A_1027 = arith.constant 16 : i32
          %mul3A_1028 = arith.muli %scan3A_1026, %mul3A_1027 : i32
          %add3A_1029 = arith.addi %mul3A_356, %mul3A_1028 : i32
          %get3A_1030 = arith.index_cast %add3A_1029 : i32 to index
          %get3A_1031 = tpu.vector_load %arg8[%get3A_1030] {strides = array<i32>} : memref<100000xf32, #tpu.memory_space<vmem>>, vector<16xf32>,
          %sub3A_1032 = vector.broadcast %max3A_467 : f32 to vector<16xf32>
          %sub3A_1033 = arith.subf %get3A_1031, %sub3A_1032 : vector<16xf32>
          %exp3A_1034 = math.exp %sub3A_1033 : vector<16xf32>
          %add3A_1035 = arith.addf %add3A_1024, %exp3A_1034 : vector<16xf32>
          %scan3A_1036 = arith.constant 12 : i32
          %scan3A_1037 = arith.addi %scan3A_904, %scan3A_1036 : i32
          %mul3A_1038 = arith.constant 16 : i32
          %mul3A_1039 = arith.muli %scan3A_1037, %mul3A_1038 : i32
          %add3A_1040 = arith.addi %mul3A_356, %mul3A_1039 : i32
          %get3A_1041 = arith.index_cast %add3A_1040 : i32 to index
          %get3A_1042 = tpu.vector_load %arg8[%get3A_1041] {strides = array<i32>} : memref<100000xf32, #tpu.memory_space<vmem>>, vector<16xf32>,
          %sub3A_1043 = vector.broadcast %max3A_467 : f32 to vector<16xf32>
          %sub3A_1044 = arith.subf %get3A_1042, %sub3A_1043 : vector<16xf32>
          %exp3A_1045 = math.exp %sub3A_1044 : vector<16xf32>
          %add3A_1046 = arith.addf %add3A_1035, %exp3A_1045 : vector<16xf32>
          %scan3A_1047 = arith.constant 13 : i32
          %scan3A_1048 = arith.addi %scan3A_904, %scan3A_1047 : i32
          %mul3A_1049 = arith.constant 16 : i32
          %mul3A_1050 = arith.muli %scan3A_1048, %mul3A_1049 : i32
          %add3A_1051 = arith.addi %mul3A_356, %mul3A_1050 : i32
          %get3A_1052 = arith.index_cast %add3A_1051 : i32 to index
          %get3A_1053 = tpu.vector_load %arg8[%get3A_1052] {strides = array<i32>} : memref<100000xf32, #tpu.memory_space<vmem>>, vector<16xf32>,
          %sub3A_1054 = vector.broadcast %max3A_467 : f32 to vector<16xf32>
          %sub3A_1055 = arith.subf %get3A_1053, %sub3A_1054 : vector<16xf32>
          %exp3A_1056 = math.exp %sub3A_1055 : vector<16xf32>
          %add3A_1057 = arith.addf %add3A_1046, %exp3A_1056 : vector<16xf32>
          %scan3A_1058 = arith.constant 14 : i32
          %scan3A_1059 = arith.addi %scan3A_904, %scan3A_1058 : i32
          %mul3A_1060 = arith.constant 16 : i32
          %mul3A_1061 = arith.muli %scan3A_1059, %mul3A_1060 : i32
          %add3A_1062 = arith.addi %mul3A_356, %mul3A_1061 : i32
          %get3A_1063 = arith.index_cast %add3A_1062 : i32 to index
          %get3A_1064 = tpu.vector_load %arg8[%get3A_1063] {strides = array<i32>} : memref<100000xf32, #tpu.memory_space<vmem>>, vector<16xf32>,
          %sub3A_1065 = vector.broadcast %max3A_467 : f32 to vector<16xf32>
          %sub3A_1066 = arith.subf %get3A_1064, %sub3A_1065 : vector<16xf32>
          %exp3A_1067 = math.exp %sub3A_1066 : vector<16xf32>
          %add3A_1068 = arith.addf %add3A_1057, %exp3A_1067 : vector<16xf32>
          %scan3A_1069 = arith.constant 15 : i32
          %scan3A_1070 = arith.addi %scan3A_904, %scan3A_1069 : i32
          %mul3A_1071 = arith.constant 16 : i32
          %mul3A_1072 = arith.muli %scan3A_1070, %mul3A_1071 : i32
          %add3A_1073 = arith.addi %mul3A_356, %mul3A_1072 : i32
          %get3A_1074 = arith.index_cast %add3A_1073 : i32 to index
          %get3A_1075 = tpu.vector_load %arg8[%get3A_1074] {strides = array<i32>} : memref<100000xf32, #tpu.memory_space<vmem>>, vector<16xf32>,
          %sub3A_1076 = vector.broadcast %max3A_467 : f32 to vector<16xf32>
          %sub3A_1077 = arith.subf %get3A_1075, %sub3A_1076 : vector<16xf32>
          %exp3A_1078 = math.exp %sub3A_1077 : vector<16xf32>
          %add3A_1079 = arith.addf %add3A_1068, %exp3A_1078 : vector<16xf32>
          %scan3A_1080 = arith.constant 16 : i32
          %scan3A_1081 = arith.addi %scan3A_904, %scan3A_1080 : i32
          %mul3A_1082 = arith.constant 16 : i32
          %mul3A_1083 = arith.muli %scan3A_1081, %mul3A_1082 : i32
          %add3A_1084 = arith.addi %mul3A_356, %mul3A_1083 : i32
          %get3A_1085 = arith.index_cast %add3A_1084 : i32 to index
          %get3A_1086 = tpu.vector_load %arg8[%get3A_1085] {strides = array<i32>} : memref<100000xf32, #tpu.memory_space<vmem>>, vector<16xf32>,
          %sub3A_1087 = vector.broadcast %max3A_467 : f32 to vector<16xf32>
          %sub3A_1088 = arith.subf %get3A_1086, %sub3A_1087 : vector<16xf32>
          %exp3A_1089 = math.exp %sub3A_1088 : vector<16xf32>
          %add3A_1090 = arith.addf %add3A_1079, %exp3A_1089 : vector<16xf32>
          %scan3A_1091 = arith.constant 17 : i32
          %scan3A_1092 = arith.addi %scan3A_904, %scan3A_1091 : i32
          %mul3A_1093 = arith.constant 16 : i32
          %mul3A_1094 = arith.muli %scan3A_1092, %mul3A_1093 : i32
          %add3A_1095 = arith.addi %mul3A_356, %mul3A_1094 : i32
          %get3A_1096 = arith.index_cast %add3A_1095 : i32 to index
          %get3A_1097 = tpu.vector_load %arg8[%get3A_1096] {strides = array<i32>} : memref<100000xf32, #tpu.memory_space<vmem>>, vector<16xf32>,
          %sub3A_1098 = vector.broadcast %max3A_467 : f32 to vector<16xf32>
          %sub3A_1099 = arith.subf %get3A_1097, %sub3A_1098 : vector<16xf32>
          %exp3A_1100 = math.exp %sub3A_1099 : vector<16xf32>
          %add3A_1101 = arith.addf %add3A_1090, %exp3A_1100 : vector<16xf32>
          %scan3A_1102 = arith.constant 18 : i32
          %scan3A_1103 = arith.addi %scan3A_904, %scan3A_1102 : i32
          %mul3A_1104 = arith.constant 16 : i32
          %mul3A_1105 = arith.muli %scan3A_1103, %mul3A_1104 : i32
          %add3A_1106 = arith.addi %mul3A_356, %mul3A_1105 : i32
          %get3A_1107 = arith.index_cast %add3A_1106 : i32 to index
          %get3A_1108 = tpu.vector_load %arg8[%get3A_1107] {strides = array<i32>} : memref<100000xf32, #tpu.memory_space<vmem>>, vector<16xf32>,
          %sub3A_1109 = vector.broadcast %max3A_467 : f32 to vector<16xf32>
          %sub3A_1110 = arith.subf %get3A_1108, %sub3A_1109 : vector<16xf32>
          %exp3A_1111 = math.exp %sub3A_1110 : vector<16xf32>
          %add3A_1112 = arith.addf %add3A_1101, %exp3A_1111 : vector<16xf32>
          %scan3A_1113 = arith.constant 19 : i32
          %scan3A_1114 = arith.addi %scan3A_904, %scan3A_1113 : i32
          %mul3A_1115 = arith.constant 16 : i32
          %mul3A_1116 = arith.muli %scan3A_1114, %mul3A_1115 : i32
          %add3A_1117 = arith.addi %mul3A_356, %mul3A_1116 : i32
          %get3A_1118 = arith.index_cast %add3A_1117 : i32 to index
          %get3A_1119 = tpu.vector_load %arg8[%get3A_1118] {strides = array<i32>} : memref<100000xf32, #tpu.memory_space<vmem>>, vector<16xf32>,
          %sub3A_1120 = vector.broadcast %max3A_467 : f32 to vector<16xf32>
          %sub3A_1121 = arith.subf %get3A_1119, %sub3A_1120 : vector<16xf32>
          %exp3A_1122 = math.exp %sub3A_1121 : vector<16xf32>
          %add3A_1123 = arith.addf %add3A_1112, %exp3A_1122 : vector<16xf32>
          %scan3A_1124 = arith.constant 20 : i32
          %scan3A_1125 = arith.addi %scan3A_904, %scan3A_1124 : i32
          %mul3A_1126 = arith.constant 16 : i32
          %mul3A_1127 = arith.muli %scan3A_1125, %mul3A_1126 : i32
          %add3A_1128 = arith.addi %mul3A_356, %mul3A_1127 : i32
          %get3A_1129 = arith.index_cast %add3A_1128 : i32 to index
          %get3A_1130 = tpu.vector_load %arg8[%get3A_1129] {strides = array<i32>} : memref<100000xf32, #tpu.memory_space<vmem>>, vector<16xf32>,
          %sub3A_1131 = vector.broadcast %max3A_467 : f32 to vector<16xf32>
          %sub3A_1132 = arith.subf %get3A_1130, %sub3A_1131 : vector<16xf32>
          %exp3A_1133 = math.exp %sub3A_1132 : vector<16xf32>
          %add3A_1134 = arith.addf %add3A_1123, %exp3A_1133 : vector<16xf32>
          %scan3A_1135 = arith.constant 21 : i32
          %scan3A_1136 = arith.addi %scan3A_904, %scan3A_1135 : i32
          %mul3A_1137 = arith.constant 16 : i32
          %mul3A_1138 = arith.muli %scan3A_1136, %mul3A_1137 : i32
          %add3A_1139 = arith.addi %mul3A_356, %mul3A_1138 : i32
          %get3A_1140 = arith.index_cast %add3A_1139 : i32 to index
          %get3A_1141 = tpu.vector_load %arg8[%get3A_1140] {strides = array<i32>} : memref<100000xf32, #tpu.memory_space<vmem>>, vector<16xf32>,
          %sub3A_1142 = vector.broadcast %max3A_467 : f32 to vector<16xf32>
          %sub3A_1143 = arith.subf %get3A_1141, %sub3A_1142 : vector<16xf32>
          %exp3A_1144 = math.exp %sub3A_1143 : vector<16xf32>
          %add3A_1145 = arith.addf %add3A_1134, %exp3A_1144 : vector<16xf32>
          %scan3A_1146 = arith.constant 22 : i32
          %scan3A_1147 = arith.addi %scan3A_904, %scan3A_1146 : i32
          %mul3A_1148 = arith.constant 16 : i32
          %mul3A_1149 = arith.muli %scan3A_1147, %mul3A_1148 : i32
          %add3A_1150 = arith.addi %mul3A_356, %mul3A_1149 : i32
          %get3A_1151 = arith.index_cast %add3A_1150 : i32 to index
          %get3A_1152 = tpu.vector_load %arg8[%get3A_1151] {strides = array<i32>} : memref<100000xf32, #tpu.memory_space<vmem>>, vector<16xf32>,
          %sub3A_1153 = vector.broadcast %max3A_467 : f32 to vector<16xf32>
          %sub3A_1154 = arith.subf %get3A_1152, %sub3A_1153 : vector<16xf32>
          %exp3A_1155 = math.exp %sub3A_1154 : vector<16xf32>
          %add3A_1156 = arith.addf %add3A_1145, %exp3A_1155 : vector<16xf32>
          %scan3A_1157 = arith.constant 23 : i32
          %scan3A_1158 = arith.addi %scan3A_904, %scan3A_1157 : i32
          %mul3A_1159 = arith.constant 16 : i32
          %mul3A_1160 = arith.muli %scan3A_1158, %mul3A_1159 : i32
          %add3A_1161 = arith.addi %mul3A_356, %mul3A_1160 : i32
          %get3A_1162 = arith.index_cast %add3A_1161 : i32 to index
          %get3A_1163 = tpu.vector_load %arg8[%get3A_1162] {strides = array<i32>} : memref<100000xf32, #tpu.memory_space<vmem>>, vector<16xf32>,
          %sub3A_1164 = vector.broadcast %max3A_467 : f32 to vector<16xf32>
          %sub3A_1165 = arith.subf %get3A_1163, %sub3A_1164 : vector<16xf32>
          %exp3A_1166 = math.exp %sub3A_1165 : vector<16xf32>
          %add3A_1167 = arith.addf %add3A_1156, %exp3A_1166 : vector<16xf32>
          %scan3A_1168 = arith.constant 24 : i32
          %scan3A_1169 = arith.addi %scan3A_904, %scan3A_1168 : i32
          %mul3A_1170 = arith.constant 16 : i32
          %mul3A_1171 = arith.muli %scan3A_1169, %mul3A_1170 : i32
          %add3A_1172 = arith.addi %mul3A_356, %mul3A_1171 : i32
          %get3A_1173 = arith.index_cast %add3A_1172 : i32 to index
          %get3A_1174 = tpu.vector_load %arg8[%get3A_1173] {strides = array<i32>} : memref<100000xf32, #tpu.memory_space<vmem>>, vector<16xf32>,
          %sub3A_1175 = vector.broadcast %max3A_467 : f32 to vector<16xf32>
          %sub3A_1176 = arith.subf %get3A_1174, %sub3A_1175 : vector<16xf32>
          %exp3A_1177 = math.exp %sub3A_1176 : vector<16xf32>
          %add3A_1178 = arith.addf %add3A_1167, %exp3A_1177 : vector<16xf32>
          scf.yield %add3A_1178 : vector<16xf32>
        }
        %scan3A_477 = arith.constant 125 : i32
        %mul3A_478 = arith.constant 5 : i32
        %mul3A_479 = arith.muli %scan3A_204, %mul3A_478 : i32
        %add3A_480 = arith.constant 2 : i32
        %add3A_481 = arith.addi %mul3A_479, %add3A_480 : i32
        %dma_wait3A_482 = arith.constant 0 : i32
        %dma_wait3A_483 = tpu.memref_slice %arg8[%dma_wait3A_482] : memref<100000xf32, #tpu.memory_space<vmem>> -> memref<2000xf32, #tpu.memory_space<vmem>>
        %dma_wait3A_484 = arith.constant 0 : i32
        %dma_wait3A_485 = tpu.memref_slice %arg2[%dma_wait3A_484] : memref<25600000xf32, #tpu.memory_space<hbm>> -> memref<2000xf32, #tpu.memory_space<hbm>>
        %dma_wait3A_486 = arith.constant 0 : i32
        %dma_wait3A_487 = tpu.memref_slice %arg8[%dma_wait3A_486] : memref<100000xf32, #tpu.memory_space<vmem>> -> memref<2000xf32, #tpu.memory_space<vmem>>
        %dma_wait3A_488 = arith.constant 0 : i32
        %dma_wait3A_489 = tpu.memref_slice %arg2[%dma_wait3A_488] : memref<25600000xf32, #tpu.memory_space<hbm>> -> memref<2000xf32, #tpu.memory_space<hbm>>
        tpu.wait_dma2 semaphore(%arg20 : memref<!tpu.dma_semaphore, #tpu.memory_space<semaphore_mem>>) src(%dma_wait3A_489 : memref<2000xf32, #tpu.memory_space<hbm>>) dst(%dma_wait3A_487 : memref<2000xf32, #tpu.memory_space<vmem>>)
        %add3A_490 = arith.constant 5 : i32
        %add3A_491 = arith.addi %add3A_481, %add3A_490 : i32
        %lt3A_492 = arith.constant 50 : i32
        %lt3A_493 = arith.cmpi slt, %add3A_491, %lt3A_492 : i32
        %convert_element_type3A_494 = arith.extui %lt3A_493 : i1 to i32
        %cond3A_495 = arith.constant 0 : i32
        %cond3A_496 = arith.cmpi ne, %convert_element_type3A_494, %cond3A_495 : i32
        scf.if %cond3A_496 {
          %mul3A_904 = arith.constant 100000 : i32
          %mul3A_905 = arith.muli %add3A_15, %mul3A_904 : i32
          %mul3A_906 = arith.constant 2000 : i32
          %mul3A_907 = arith.muli %add3A_491, %mul3A_906 : i32
          %add3A_908 = arith.addi %mul3A_905, %mul3A_907 : i32
          %mul3A_909 = arith.constant 2000 : i32
          %mul3A_910 = arith.muli %add3A_491, %mul3A_909 : i32
          %dma_start3A_911 = tpu.memref_slice %arg8[%mul3A_910] : memref<100000xf32, #tpu.memory_space<vmem>> -> memref<2000xf32, #tpu.memory_space<vmem>>
          %dma_start3A_912 = tpu.memref_slice %arg2[%add3A_908] : memref<25600000xf32, #tpu.memory_space<hbm>> -> memref<2000xf32, #tpu.memory_space<hbm>>
          %dma_start3A_913 = tpu.memref_slice %arg8[%mul3A_910] : memref<100000xf32, #tpu.memory_space<vmem>> -> memref<2000xf32, #tpu.memory_space<vmem>>
          %dma_start3A_914 = tpu.memref_slice %arg2[%add3A_908] : memref<25600000xf32, #tpu.memory_space<hbm>> -> memref<2000xf32, #tpu.memory_space<hbm>>
          tpu.enqueue_dma source(%dma_start3A_914 : memref<2000xf32, #tpu.memory_space<hbm>>) target(%dma_start3A_913 : memref<2000xf32, #tpu.memory_space<vmem>>) target_semaphore(%arg20 : memref<!tpu.dma_semaphore, #tpu.memory_space<semaphore_mem>>)
        } else {
        }
        %mul3A_497 = arith.constant 2000 : i32
        %mul3A_498 = arith.muli %add3A_481, %mul3A_497 : i32
        %get3A_499 = arith.constant 0 : index
        %get3A_500 = tpu.vector_load %arg9[%get3A_499] {strides = array<i32>} : memref<64xi32, #tpu.memory_space<vmem>>, vector<16xi32>,
        %ge3A_501 = vector.broadcast %mul3A_498 : i32 to vector<16xi32>
        %ge3A_502 = arith.cmpi sge, %get3A_500, %ge3A_501 : vector<16xi32>
        %add3A_503 = arith.constant 2000 : i32
        %add3A_504 = arith.addi %mul3A_498, %add3A_503 : i32
        %lt3A_505 = vector.broadcast %add3A_504 : i32 to vector<16xi32>
        %lt3A_506 = arith.cmpi slt, %get3A_500, %lt3A_505 : vector<16xi32>
        %and3A_507 = arith.andi %ge3A_502, %lt3A_506 : vector<16xi1>
        %jit3A_508 = arith.constant 0 : i32
        %broadcast_in_dim3A_509 = vector.broadcast %jit3A_508 : i32 to vector<16xi32>
        %select_n3A_510 = arith.select %and3A_507, %get3A_500, %broadcast_in_dim3A_509 : vector<16xi1>, vector<16xi32>
        %gather3A_511 = tpu.vector_load_idx %arg8[%select_n3A_510] masked %and3A_507 : memref<100000xf32, #tpu.memory_space<vmem>>[vector<16xi32>], vector<16xf32>, vector<16xi1>
        %lt3A_512 = arith.constant 0.000000e+00 : f32
        %lt3A_513 = vector.broadcast %lt3A_512 : f32 to vector<16xf32>
        %lt3A_514 = arith.cmpf olt, %gather3A_511, %lt3A_513 : vector<16xf32>
        %mul3A_515 = arith.constant 1.200000e+00 : f32
        %mul3A_516 = vector.broadcast %mul3A_515 : f32 to vector<16xf32>
        %mul3A_517 = arith.mulf %gather3A_511, %mul3A_516 : vector<16xf32>
        %mul3A_518 = arith.constant 0.833333313 : f32
        %mul3A_519 = vector.broadcast %mul3A_518 : f32 to vector<16xf32>
        %mul3A_520 = arith.mulf %gather3A_511, %mul3A_519 : vector<16xf32>
        %select_n3A_521 = arith.select %lt3A_514, %mul3A_517, %mul3A_520 : vector<16xi1>, vector<16xf32>
        tpu.vector_store_idx %arg8[%select_n3A_510], %select_n3A_521 masked %and3A_507 : memref<100000xf32, #tpu.memory_space<vmem>>[vector<16xi32>], vector<16xf32>, vector<16xi1>
        %get3A_522 = arith.constant 16 : index
        %get3A_523 = tpu.vector_load %arg9[%get3A_522] {strides = array<i32>} : memref<64xi32, #tpu.memory_space<vmem>>, vector<16xi32>,
        %ge3A_524 = vector.broadcast %mul3A_498 : i32 to vector<16xi32>
        %ge3A_525 = arith.cmpi sge, %get3A_523, %ge3A_524 : vector<16xi32>
        %add3A_526 = arith.constant 2000 : i32
        %add3A_527 = arith.addi %mul3A_498, %add3A_526 : i32
        %lt3A_528 = vector.broadcast %add3A_527 : i32 to vector<16xi32>
        %lt3A_529 = arith.cmpi slt, %get3A_523, %lt3A_528 : vector<16xi32>
        %and3A_530 = arith.andi %ge3A_525, %lt3A_529 : vector<16xi1>
        %jit3A_531 = arith.constant 0 : i32
        %broadcast_in_dim3A_532 = vector.broadcast %jit3A_531 : i32 to vector<16xi32>
        %select_n3A_533 = arith.select %and3A_530, %get3A_523, %broadcast_in_dim3A_532 : vector<16xi1>, vector<16xi32>
        %gather3A_534 = tpu.vector_load_idx %arg8[%select_n3A_533] masked %and3A_530 : memref<100000xf32, #tpu.memory_space<vmem>>[vector<16xi32>], vector<16xf32>, vector<16xi1>
        %lt3A_535 = arith.constant 0.000000e+00 : f32
        %lt3A_536 = vector.broadcast %lt3A_535 : f32 to vector<16xf32>
        %lt3A_537 = arith.cmpf olt, %gather3A_534, %lt3A_536 : vector<16xf32>
        %mul3A_538 = arith.constant 1.200000e+00 : f32
        %mul3A_539 = vector.broadcast %mul3A_538 : f32 to vector<16xf32>
        %mul3A_540 = arith.mulf %gather3A_534, %mul3A_539 : vector<16xf32>
        %mul3A_541 = arith.constant 0.833333313 : f32
        %mul3A_542 = vector.broadcast %mul3A_541 : f32 to vector<16xf32>
        %mul3A_543 = arith.mulf %gather3A_534, %mul3A_542 : vector<16xf32>
        %select_n3A_544 = arith.select %lt3A_537, %mul3A_540, %mul3A_543 : vector<16xi1>, vector<16xf32>
        tpu.vector_store_idx %arg8[%select_n3A_533], %select_n3A_544 masked %and3A_530 : memref<100000xf32, #tpu.memory_space<vmem>>[vector<16xi32>], vector<16xf32>, vector<16xi1>
        %get3A_545 = arith.constant 32 : index
        %get3A_546 = tpu.vector_load %arg9[%get3A_545] {strides = array<i32>} : memref<64xi32, #tpu.memory_space<vmem>>, vector<16xi32>,
        %ge3A_547 = vector.broadcast %mul3A_498 : i32 to vector<16xi32>
        %ge3A_548 = arith.cmpi sge, %get3A_546, %ge3A_547 : vector<16xi32>
        %add3A_549 = arith.constant 2000 : i32
        %add3A_550 = arith.addi %mul3A_498, %add3A_549 : i32
        %lt3A_551 = vector.broadcast %add3A_550 : i32 to vector<16xi32>
        %lt3A_552 = arith.cmpi slt, %get3A_546, %lt3A_551 : vector<16xi32>
        %and3A_553 = arith.andi %ge3A_548, %lt3A_552 : vector<16xi1>
        %jit3A_554 = arith.constant 0 : i32
        %broadcast_in_dim3A_555 = vector.broadcast %jit3A_554 : i32 to vector<16xi32>
        %select_n3A_556 = arith.select %and3A_553, %get3A_546, %broadcast_in_dim3A_555 : vector<16xi1>, vector<16xi32>
        %gather3A_557 = tpu.vector_load_idx %arg8[%select_n3A_556] masked %and3A_553 : memref<100000xf32, #tpu.memory_space<vmem>>[vector<16xi32>], vector<16xf32>, vector<16xi1>
        %lt3A_558 = arith.constant 0.000000e+00 : f32
        %lt3A_559 = vector.broadcast %lt3A_558 : f32 to vector<16xf32>
        %lt3A_560 = arith.cmpf olt, %gather3A_557, %lt3A_559 : vector<16xf32>
        %mul3A_561 = arith.constant 1.200000e+00 : f32
        %mul3A_562 = vector.broadcast %mul3A_561 : f32 to vector<16xf32>
        %mul3A_563 = arith.mulf %gather3A_557, %mul3A_562 : vector<16xf32>
        %mul3A_564 = arith.constant 0.833333313 : f32
        %mul3A_565 = vector.broadcast %mul3A_564 : f32 to vector<16xf32>
        %mul3A_566 = arith.mulf %gather3A_557, %mul3A_565 : vector<16xf32>
        %select_n3A_567 = arith.select %lt3A_560, %mul3A_563, %mul3A_566 : vector<16xi1>, vector<16xf32>
        tpu.vector_store_idx %arg8[%select_n3A_556], %select_n3A_567 masked %and3A_553 : memref<100000xf32, #tpu.memory_space<vmem>>[vector<16xi32>], vector<16xf32>, vector<16xi1>
        %get3A_568 = arith.constant 48 : index
        %get3A_569 = tpu.vector_load %arg9[%get3A_568] {strides = array<i32>} : memref<64xi32, #tpu.memory_space<vmem>>, vector<16xi32>,
        %ge3A_570 = vector.broadcast %mul3A_498 : i32 to vector<16xi32>
        %ge3A_571 = arith.cmpi sge, %get3A_569, %ge3A_570 : vector<16xi32>
        %add3A_572 = arith.constant 2000 : i32
        %add3A_573 = arith.addi %mul3A_498, %add3A_572 : i32
        %lt3A_574 = vector.broadcast %add3A_573 : i32 to vector<16xi32>
        %lt3A_575 = arith.cmpi slt, %get3A_569, %lt3A_574 : vector<16xi32>
        %and3A_576 = arith.andi %ge3A_571, %lt3A_575 : vector<16xi1>
        %jit3A_577 = arith.constant 0 : i32
        %broadcast_in_dim3A_578 = vector.broadcast %jit3A_577 : i32 to vector<16xi32>
        %select_n3A_579 = arith.select %and3A_576, %get3A_569, %broadcast_in_dim3A_578 : vector<16xi1>, vector<16xi32>
        %gather3A_580 = tpu.vector_load_idx %arg8[%select_n3A_579] masked %and3A_576 : memref<100000xf32, #tpu.memory_space<vmem>>[vector<16xi32>], vector<16xf32>, vector<16xi1>
        %lt3A_581 = arith.constant 0.000000e+00 : f32
        %lt3A_582 = vector.broadcast %lt3A_581 : f32 to vector<16xf32>
        %lt3A_583 = arith.cmpf olt, %gather3A_580, %lt3A_582 : vector<16xf32>
        %mul3A_584 = arith.constant 1.200000e+00 : f32
        %mul3A_585 = vector.broadcast %mul3A_584 : f32 to vector<16xf32>
        %mul3A_586 = arith.mulf %gather3A_580, %mul3A_585 : vector<16xf32>
        %mul3A_587 = arith.constant 0.833333313 : f32
        %mul3A_588 = vector.broadcast %mul3A_587 : f32 to vector<16xf32>
        %mul3A_589 = arith.mulf %gather3A_580, %mul3A_588 : vector<16xf32>
        %select_n3A_590 = arith.select %lt3A_583, %mul3A_586, %mul3A_589 : vector<16xi1>, vector<16xf32>
        tpu.vector_store_idx %arg8[%select_n3A_579], %select_n3A_590 masked %and3A_576 : memref<100000xf32, #tpu.memory_space<vmem>>[vector<16xi32>], vector<16xf32>, vector<16xi1>
        %broadcast_in_dim3A_591 = arith.constant -3.000000e+38 : f32
        %broadcast_in_dim3A_592 = vector.broadcast %broadcast_in_dim3A_591 : f32 to vector<16xf32>
        %scan3A_593 = arith.constant 0 : i32
        %scan3A_594 = arith.constant 125 : i32
        %scan3A_595 = arith.addi %scan3A_593, %scan3A_594 : i32
        %scan3A_596 = arith.constant 25 : i32
        %scan3A_597 = scf.for %scan3A_904 = %scan3A_593 to %scan3A_595 step %scan3A_596 iter_args(%scan3A_905 = %broadcast_in_dim3A_592) -> (vector<16xf32>)  : i32 {
          %mul3A_906 = arith.constant 16 : i32
          %mul3A_907 = arith.muli %scan3A_904, %mul3A_906 : i32
          %add3A_908 = arith.addi %mul3A_498, %mul3A_907 : i32
          %get3A_909 = arith.index_cast %add3A_908 : i32 to index
          %get3A_910 = tpu.vector_load %arg8[%get3A_909] {strides = array<i32>} : memref<100000xf32, #tpu.memory_space<vmem>>, vector<16xf32>,
          %max3A_911 = arith.maximumf %scan3A_905, %get3A_910 : vector<16xf32>
          %scan3A_912 = arith.constant 1 : i32
          %scan3A_913 = arith.addi %scan3A_904, %scan3A_912 : i32
          %mul3A_914 = arith.constant 16 : i32
          %mul3A_915 = arith.muli %scan3A_913, %mul3A_914 : i32
          %add3A_916 = arith.addi %mul3A_498, %mul3A_915 : i32
          %get3A_917 = arith.index_cast %add3A_916 : i32 to index
          %get3A_918 = tpu.vector_load %arg8[%get3A_917] {strides = array<i32>} : memref<100000xf32, #tpu.memory_space<vmem>>, vector<16xf32>,
          %max3A_919 = arith.maximumf %max3A_911, %get3A_918 : vector<16xf32>
          %scan3A_920 = arith.constant 2 : i32
          %scan3A_921 = arith.addi %scan3A_904, %scan3A_920 : i32
          %mul3A_922 = arith.constant 16 : i32
          %mul3A_923 = arith.muli %scan3A_921, %mul3A_922 : i32
          %add3A_924 = arith.addi %mul3A_498, %mul3A_923 : i32
          %get3A_925 = arith.index_cast %add3A_924 : i32 to index
          %get3A_926 = tpu.vector_load %arg8[%get3A_925] {strides = array<i32>} : memref<100000xf32, #tpu.memory_space<vmem>>, vector<16xf32>,
          %max3A_927 = arith.maximumf %max3A_919, %get3A_926 : vector<16xf32>
          %scan3A_928 = arith.constant 3 : i32
          %scan3A_929 = arith.addi %scan3A_904, %scan3A_928 : i32
          %mul3A_930 = arith.constant 16 : i32
          %mul3A_931 = arith.muli %scan3A_929, %mul3A_930 : i32
          %add3A_932 = arith.addi %mul3A_498, %mul3A_931 : i32
          %get3A_933 = arith.index_cast %add3A_932 : i32 to index
          %get3A_934 = tpu.vector_load %arg8[%get3A_933] {strides = array<i32>} : memref<100000xf32, #tpu.memory_space<vmem>>, vector<16xf32>,
          %max3A_935 = arith.maximumf %max3A_927, %get3A_934 : vector<16xf32>
          %scan3A_936 = arith.constant 4 : i32
          %scan3A_937 = arith.addi %scan3A_904, %scan3A_936 : i32
          %mul3A_938 = arith.constant 16 : i32
          %mul3A_939 = arith.muli %scan3A_937, %mul3A_938 : i32
          %add3A_940 = arith.addi %mul3A_498, %mul3A_939 : i32
          %get3A_941 = arith.index_cast %add3A_940 : i32 to index
          %get3A_942 = tpu.vector_load %arg8[%get3A_941] {strides = array<i32>} : memref<100000xf32, #tpu.memory_space<vmem>>, vector<16xf32>,
          %max3A_943 = arith.maximumf %max3A_935, %get3A_942 : vector<16xf32>
          %scan3A_944 = arith.constant 5 : i32
          %scan3A_945 = arith.addi %scan3A_904, %scan3A_944 : i32
          %mul3A_946 = arith.constant 16 : i32
          %mul3A_947 = arith.muli %scan3A_945, %mul3A_946 : i32
          %add3A_948 = arith.addi %mul3A_498, %mul3A_947 : i32
          %get3A_949 = arith.index_cast %add3A_948 : i32 to index
          %get3A_950 = tpu.vector_load %arg8[%get3A_949] {strides = array<i32>} : memref<100000xf32, #tpu.memory_space<vmem>>, vector<16xf32>,
          %max3A_951 = arith.maximumf %max3A_943, %get3A_950 : vector<16xf32>
          %scan3A_952 = arith.constant 6 : i32
          %scan3A_953 = arith.addi %scan3A_904, %scan3A_952 : i32
          %mul3A_954 = arith.constant 16 : i32
          %mul3A_955 = arith.muli %scan3A_953, %mul3A_954 : i32
          %add3A_956 = arith.addi %mul3A_498, %mul3A_955 : i32
          %get3A_957 = arith.index_cast %add3A_956 : i32 to index
          %get3A_958 = tpu.vector_load %arg8[%get3A_957] {strides = array<i32>} : memref<100000xf32, #tpu.memory_space<vmem>>, vector<16xf32>,
          %max3A_959 = arith.maximumf %max3A_951, %get3A_958 : vector<16xf32>
          %scan3A_960 = arith.constant 7 : i32
          %scan3A_961 = arith.addi %scan3A_904, %scan3A_960 : i32
          %mul3A_962 = arith.constant 16 : i32
          %mul3A_963 = arith.muli %scan3A_961, %mul3A_962 : i32
          %add3A_964 = arith.addi %mul3A_498, %mul3A_963 : i32
          %get3A_965 = arith.index_cast %add3A_964 : i32 to index
          %get3A_966 = tpu.vector_load %arg8[%get3A_965] {strides = array<i32>} : memref<100000xf32, #tpu.memory_space<vmem>>, vector<16xf32>,
          %max3A_967 = arith.maximumf %max3A_959, %get3A_966 : vector<16xf32>
          %scan3A_968 = arith.constant 8 : i32
          %scan3A_969 = arith.addi %scan3A_904, %scan3A_968 : i32
          %mul3A_970 = arith.constant 16 : i32
          %mul3A_971 = arith.muli %scan3A_969, %mul3A_970 : i32
          %add3A_972 = arith.addi %mul3A_498, %mul3A_971 : i32
          %get3A_973 = arith.index_cast %add3A_972 : i32 to index
          %get3A_974 = tpu.vector_load %arg8[%get3A_973] {strides = array<i32>} : memref<100000xf32, #tpu.memory_space<vmem>>, vector<16xf32>,
          %max3A_975 = arith.maximumf %max3A_967, %get3A_974 : vector<16xf32>
          %scan3A_976 = arith.constant 9 : i32
          %scan3A_977 = arith.addi %scan3A_904, %scan3A_976 : i32
          %mul3A_978 = arith.constant 16 : i32
          %mul3A_979 = arith.muli %scan3A_977, %mul3A_978 : i32
          %add3A_980 = arith.addi %mul3A_498, %mul3A_979 : i32
          %get3A_981 = arith.index_cast %add3A_980 : i32 to index
          %get3A_982 = tpu.vector_load %arg8[%get3A_981] {strides = array<i32>} : memref<100000xf32, #tpu.memory_space<vmem>>, vector<16xf32>,
          %max3A_983 = arith.maximumf %max3A_975, %get3A_982 : vector<16xf32>
          %scan3A_984 = arith.constant 10 : i32
          %scan3A_985 = arith.addi %scan3A_904, %scan3A_984 : i32
          %mul3A_986 = arith.constant 16 : i32
          %mul3A_987 = arith.muli %scan3A_985, %mul3A_986 : i32
          %add3A_988 = arith.addi %mul3A_498, %mul3A_987 : i32
          %get3A_989 = arith.index_cast %add3A_988 : i32 to index
          %get3A_990 = tpu.vector_load %arg8[%get3A_989] {strides = array<i32>} : memref<100000xf32, #tpu.memory_space<vmem>>, vector<16xf32>,
          %max3A_991 = arith.maximumf %max3A_983, %get3A_990 : vector<16xf32>
          %scan3A_992 = arith.constant 11 : i32
          %scan3A_993 = arith.addi %scan3A_904, %scan3A_992 : i32
          %mul3A_994 = arith.constant 16 : i32
          %mul3A_995 = arith.muli %scan3A_993, %mul3A_994 : i32
          %add3A_996 = arith.addi %mul3A_498, %mul3A_995 : i32
          %get3A_997 = arith.index_cast %add3A_996 : i32 to index
          %get3A_998 = tpu.vector_load %arg8[%get3A_997] {strides = array<i32>} : memref<100000xf32, #tpu.memory_space<vmem>>, vector<16xf32>,
          %max3A_999 = arith.maximumf %max3A_991, %get3A_998 : vector<16xf32>
          %scan3A_1000 = arith.constant 12 : i32
          %scan3A_1001 = arith.addi %scan3A_904, %scan3A_1000 : i32
          %mul3A_1002 = arith.constant 16 : i32
          %mul3A_1003 = arith.muli %scan3A_1001, %mul3A_1002 : i32
          %add3A_1004 = arith.addi %mul3A_498, %mul3A_1003 : i32
          %get3A_1005 = arith.index_cast %add3A_1004 : i32 to index
          %get3A_1006 = tpu.vector_load %arg8[%get3A_1005] {strides = array<i32>} : memref<100000xf32, #tpu.memory_space<vmem>>, vector<16xf32>,
          %max3A_1007 = arith.maximumf %max3A_999, %get3A_1006 : vector<16xf32>
          %scan3A_1008 = arith.constant 13 : i32
          %scan3A_1009 = arith.addi %scan3A_904, %scan3A_1008 : i32
          %mul3A_1010 = arith.constant 16 : i32
          %mul3A_1011 = arith.muli %scan3A_1009, %mul3A_1010 : i32
          %add3A_1012 = arith.addi %mul3A_498, %mul3A_1011 : i32
          %get3A_1013 = arith.index_cast %add3A_1012 : i32 to index
          %get3A_1014 = tpu.vector_load %arg8[%get3A_1013] {strides = array<i32>} : memref<100000xf32, #tpu.memory_space<vmem>>, vector<16xf32>,
          %max3A_1015 = arith.maximumf %max3A_1007, %get3A_1014 : vector<16xf32>
          %scan3A_1016 = arith.constant 14 : i32
          %scan3A_1017 = arith.addi %scan3A_904, %scan3A_1016 : i32
          %mul3A_1018 = arith.constant 16 : i32
          %mul3A_1019 = arith.muli %scan3A_1017, %mul3A_1018 : i32
          %add3A_1020 = arith.addi %mul3A_498, %mul3A_1019 : i32
          %get3A_1021 = arith.index_cast %add3A_1020 : i32 to index
          %get3A_1022 = tpu.vector_load %arg8[%get3A_1021] {strides = array<i32>} : memref<100000xf32, #tpu.memory_space<vmem>>, vector<16xf32>,
          %max3A_1023 = arith.maximumf %max3A_1015, %get3A_1022 : vector<16xf32>
          %scan3A_1024 = arith.constant 15 : i32
          %scan3A_1025 = arith.addi %scan3A_904, %scan3A_1024 : i32
          %mul3A_1026 = arith.constant 16 : i32
          %mul3A_1027 = arith.muli %scan3A_1025, %mul3A_1026 : i32
          %add3A_1028 = arith.addi %mul3A_498, %mul3A_1027 : i32
          %get3A_1029 = arith.index_cast %add3A_1028 : i32 to index
          %get3A_1030 = tpu.vector_load %arg8[%get3A_1029] {strides = array<i32>} : memref<100000xf32, #tpu.memory_space<vmem>>, vector<16xf32>,
          %max3A_1031 = arith.maximumf %max3A_1023, %get3A_1030 : vector<16xf32>
          %scan3A_1032 = arith.constant 16 : i32
          %scan3A_1033 = arith.addi %scan3A_904, %scan3A_1032 : i32
          %mul3A_1034 = arith.constant 16 : i32
          %mul3A_1035 = arith.muli %scan3A_1033, %mul3A_1034 : i32
          %add3A_1036 = arith.addi %mul3A_498, %mul3A_1035 : i32
          %get3A_1037 = arith.index_cast %add3A_1036 : i32 to index
          %get3A_1038 = tpu.vector_load %arg8[%get3A_1037] {strides = array<i32>} : memref<100000xf32, #tpu.memory_space<vmem>>, vector<16xf32>,
          %max3A_1039 = arith.maximumf %max3A_1031, %get3A_1038 : vector<16xf32>
          %scan3A_1040 = arith.constant 17 : i32
          %scan3A_1041 = arith.addi %scan3A_904, %scan3A_1040 : i32
          %mul3A_1042 = arith.constant 16 : i32
          %mul3A_1043 = arith.muli %scan3A_1041, %mul3A_1042 : i32
          %add3A_1044 = arith.addi %mul3A_498, %mul3A_1043 : i32
          %get3A_1045 = arith.index_cast %add3A_1044 : i32 to index
          %get3A_1046 = tpu.vector_load %arg8[%get3A_1045] {strides = array<i32>} : memref<100000xf32, #tpu.memory_space<vmem>>, vector<16xf32>,
          %max3A_1047 = arith.maximumf %max3A_1039, %get3A_1046 : vector<16xf32>
          %scan3A_1048 = arith.constant 18 : i32
          %scan3A_1049 = arith.addi %scan3A_904, %scan3A_1048 : i32
          %mul3A_1050 = arith.constant 16 : i32
          %mul3A_1051 = arith.muli %scan3A_1049, %mul3A_1050 : i32
          %add3A_1052 = arith.addi %mul3A_498, %mul3A_1051 : i32
          %get3A_1053 = arith.index_cast %add3A_1052 : i32 to index
          %get3A_1054 = tpu.vector_load %arg8[%get3A_1053] {strides = array<i32>} : memref<100000xf32, #tpu.memory_space<vmem>>, vector<16xf32>,
          %max3A_1055 = arith.maximumf %max3A_1047, %get3A_1054 : vector<16xf32>
          %scan3A_1056 = arith.constant 19 : i32
          %scan3A_1057 = arith.addi %scan3A_904, %scan3A_1056 : i32
          %mul3A_1058 = arith.constant 16 : i32
          %mul3A_1059 = arith.muli %scan3A_1057, %mul3A_1058 : i32
          %add3A_1060 = arith.addi %mul3A_498, %mul3A_1059 : i32
          %get3A_1061 = arith.index_cast %add3A_1060 : i32 to index
          %get3A_1062 = tpu.vector_load %arg8[%get3A_1061] {strides = array<i32>} : memref<100000xf32, #tpu.memory_space<vmem>>, vector<16xf32>,
          %max3A_1063 = arith.maximumf %max3A_1055, %get3A_1062 : vector<16xf32>
          %scan3A_1064 = arith.constant 20 : i32
          %scan3A_1065 = arith.addi %scan3A_904, %scan3A_1064 : i32
          %mul3A_1066 = arith.constant 16 : i32
          %mul3A_1067 = arith.muli %scan3A_1065, %mul3A_1066 : i32
          %add3A_1068 = arith.addi %mul3A_498, %mul3A_1067 : i32
          %get3A_1069 = arith.index_cast %add3A_1068 : i32 to index
          %get3A_1070 = tpu.vector_load %arg8[%get3A_1069] {strides = array<i32>} : memref<100000xf32, #tpu.memory_space<vmem>>, vector<16xf32>,
          %max3A_1071 = arith.maximumf %max3A_1063, %get3A_1070 : vector<16xf32>
          %scan3A_1072 = arith.constant 21 : i32
          %scan3A_1073 = arith.addi %scan3A_904, %scan3A_1072 : i32
          %mul3A_1074 = arith.constant 16 : i32
          %mul3A_1075 = arith.muli %scan3A_1073, %mul3A_1074 : i32
          %add3A_1076 = arith.addi %mul3A_498, %mul3A_1075 : i32
          %get3A_1077 = arith.index_cast %add3A_1076 : i32 to index
          %get3A_1078 = tpu.vector_load %arg8[%get3A_1077] {strides = array<i32>} : memref<100000xf32, #tpu.memory_space<vmem>>, vector<16xf32>,
          %max3A_1079 = arith.maximumf %max3A_1071, %get3A_1078 : vector<16xf32>
          %scan3A_1080 = arith.constant 22 : i32
          %scan3A_1081 = arith.addi %scan3A_904, %scan3A_1080 : i32
          %mul3A_1082 = arith.constant 16 : i32
          %mul3A_1083 = arith.muli %scan3A_1081, %mul3A_1082 : i32
          %add3A_1084 = arith.addi %mul3A_498, %mul3A_1083 : i32
          %get3A_1085 = arith.index_cast %add3A_1084 : i32 to index
          %get3A_1086 = tpu.vector_load %arg8[%get3A_1085] {strides = array<i32>} : memref<100000xf32, #tpu.memory_space<vmem>>, vector<16xf32>,
          %max3A_1087 = arith.maximumf %max3A_1079, %get3A_1086 : vector<16xf32>
          %scan3A_1088 = arith.constant 23 : i32
          %scan3A_1089 = arith.addi %scan3A_904, %scan3A_1088 : i32
          %mul3A_1090 = arith.constant 16 : i32
          %mul3A_1091 = arith.muli %scan3A_1089, %mul3A_1090 : i32
          %add3A_1092 = arith.addi %mul3A_498, %mul3A_1091 : i32
          %get3A_1093 = arith.index_cast %add3A_1092 : i32 to index
          %get3A_1094 = tpu.vector_load %arg8[%get3A_1093] {strides = array<i32>} : memref<100000xf32, #tpu.memory_space<vmem>>, vector<16xf32>,
          %max3A_1095 = arith.maximumf %max3A_1087, %get3A_1094 : vector<16xf32>
          %scan3A_1096 = arith.constant 24 : i32
          %scan3A_1097 = arith.addi %scan3A_904, %scan3A_1096 : i32
          %mul3A_1098 = arith.constant 16 : i32
          %mul3A_1099 = arith.muli %scan3A_1097, %mul3A_1098 : i32
          %add3A_1100 = arith.addi %mul3A_498, %mul3A_1099 : i32
          %get3A_1101 = arith.index_cast %add3A_1100 : i32 to index
          %get3A_1102 = tpu.vector_load %arg8[%get3A_1101] {strides = array<i32>} : memref<100000xf32, #tpu.memory_space<vmem>>, vector<16xf32>,
          %max3A_1103 = arith.maximumf %max3A_1095, %get3A_1102 : vector<16xf32>
          scf.yield %max3A_1103 : vector<16xf32>
        }
        %scan3A_598 = arith.constant 125 : i32
        %reduce_max3A_599 = arith.constant true
        %reduce_max3A_600 = vector.broadcast %reduce_max3A_599 : i1 to vector<16xi1>
        %reduce_max3A_601 = tpu.scan <max>, %scan3A_597 masked %reduce_max3A_600 : vector<16xf32>, vector<16xi1> -> vector<16xf32>
        %reduce_max3A_602 = vector.extract %reduce_max3A_601[15] : f32 from vector<16xf32>
        %iota3A_603 = tpu.iota {dimensions = array<i32: 0>} : vector<16xi32>
        %eq3A_604 = arith.constant 0 : i32
        %eq3A_605 = vector.broadcast %eq3A_604 : i32 to vector<16xi32>
        %eq3A_606 = arith.cmpi eq, %iota3A_603, %eq3A_605 : vector<16xi32>
        %broadcast_in_dim3A_607 = vector.broadcast %add3A_481 : i32 to vector<16xi32>
        %broadcast_in_dim3A_608 = vector.broadcast %reduce_max3A_602 : f32 to vector<16xf32>
        tpu.vector_store_idx %arg10[%broadcast_in_dim3A_607], %broadcast_in_dim3A_608 masked %eq3A_606 : memref<64xf32, #tpu.memory_space<vmem>>[vector<16xi32>], vector<16xf32>, vector<16xi1>
        %max3A_609 = arith.maximumf %max3A_467, %reduce_max3A_602 : f32
        %sub3A_610 = arith.subf %max3A_467, %max3A_609 : f32
        %broadcast_in_dim3A_611 = vector.broadcast %sub3A_610 : f32 to vector<16xf32>
        %exp3A_612 = math.exp %broadcast_in_dim3A_611 : vector<16xf32>
        %mul3A_613 = arith.mulf %scan3A_476, %exp3A_612 : vector<16xf32>
        %scan3A_614 = arith.constant 0 : i32
        %scan3A_615 = arith.constant 125 : i32
        %scan3A_616 = arith.addi %scan3A_614, %scan3A_615 : i32
        %scan3A_617 = arith.constant 25 : i32
        %scan3A_618 = scf.for %scan3A_904 = %scan3A_614 to %scan3A_616 step %scan3A_617 iter_args(%scan3A_905 = %mul3A_613) -> (vector<16xf32>)  : i32 {
          %mul3A_906 = arith.constant 16 : i32
          %mul3A_907 = arith.muli %scan3A_904, %mul3A_906 : i32
          %add3A_908 = arith.addi %mul3A_498, %mul3A_907 : i32
          %get3A_909 = arith.index_cast %add3A_908 : i32 to index
          %get3A_910 = tpu.vector_load %arg8[%get3A_909] {strides = array<i32>} : memref<100000xf32, #tpu.memory_space<vmem>>, vector<16xf32>,
          %sub3A_911 = vector.broadcast %max3A_609 : f32 to vector<16xf32>
          %sub3A_912 = arith.subf %get3A_910, %sub3A_911 : vector<16xf32>
          %exp3A_913 = math.exp %sub3A_912 : vector<16xf32>
          %add3A_914 = arith.addf %scan3A_905, %exp3A_913 : vector<16xf32>
          %scan3A_915 = arith.constant 1 : i32
          %scan3A_916 = arith.addi %scan3A_904, %scan3A_915 : i32
          %mul3A_917 = arith.constant 16 : i32
          %mul3A_918 = arith.muli %scan3A_916, %mul3A_917 : i32
          %add3A_919 = arith.addi %mul3A_498, %mul3A_918 : i32
          %get3A_920 = arith.index_cast %add3A_919 : i32 to index
          %get3A_921 = tpu.vector_load %arg8[%get3A_920] {strides = array<i32>} : memref<100000xf32, #tpu.memory_space<vmem>>, vector<16xf32>,
          %sub3A_922 = vector.broadcast %max3A_609 : f32 to vector<16xf32>
          %sub3A_923 = arith.subf %get3A_921, %sub3A_922 : vector<16xf32>
          %exp3A_924 = math.exp %sub3A_923 : vector<16xf32>
          %add3A_925 = arith.addf %add3A_914, %exp3A_924 : vector<16xf32>
          %scan3A_926 = arith.constant 2 : i32
          %scan3A_927 = arith.addi %scan3A_904, %scan3A_926 : i32
          %mul3A_928 = arith.constant 16 : i32
          %mul3A_929 = arith.muli %scan3A_927, %mul3A_928 : i32
          %add3A_930 = arith.addi %mul3A_498, %mul3A_929 : i32
          %get3A_931 = arith.index_cast %add3A_930 : i32 to index
          %get3A_932 = tpu.vector_load %arg8[%get3A_931] {strides = array<i32>} : memref<100000xf32, #tpu.memory_space<vmem>>, vector<16xf32>,
          %sub3A_933 = vector.broadcast %max3A_609 : f32 to vector<16xf32>
          %sub3A_934 = arith.subf %get3A_932, %sub3A_933 : vector<16xf32>
          %exp3A_935 = math.exp %sub3A_934 : vector<16xf32>
          %add3A_936 = arith.addf %add3A_925, %exp3A_935 : vector<16xf32>
          %scan3A_937 = arith.constant 3 : i32
          %scan3A_938 = arith.addi %scan3A_904, %scan3A_937 : i32
          %mul3A_939 = arith.constant 16 : i32
          %mul3A_940 = arith.muli %scan3A_938, %mul3A_939 : i32
          %add3A_941 = arith.addi %mul3A_498, %mul3A_940 : i32
          %get3A_942 = arith.index_cast %add3A_941 : i32 to index
          %get3A_943 = tpu.vector_load %arg8[%get3A_942] {strides = array<i32>} : memref<100000xf32, #tpu.memory_space<vmem>>, vector<16xf32>,
          %sub3A_944 = vector.broadcast %max3A_609 : f32 to vector<16xf32>
          %sub3A_945 = arith.subf %get3A_943, %sub3A_944 : vector<16xf32>
          %exp3A_946 = math.exp %sub3A_945 : vector<16xf32>
          %add3A_947 = arith.addf %add3A_936, %exp3A_946 : vector<16xf32>
          %scan3A_948 = arith.constant 4 : i32
          %scan3A_949 = arith.addi %scan3A_904, %scan3A_948 : i32
          %mul3A_950 = arith.constant 16 : i32
          %mul3A_951 = arith.muli %scan3A_949, %mul3A_950 : i32
          %add3A_952 = arith.addi %mul3A_498, %mul3A_951 : i32
          %get3A_953 = arith.index_cast %add3A_952 : i32 to index
          %get3A_954 = tpu.vector_load %arg8[%get3A_953] {strides = array<i32>} : memref<100000xf32, #tpu.memory_space<vmem>>, vector<16xf32>,
          %sub3A_955 = vector.broadcast %max3A_609 : f32 to vector<16xf32>
          %sub3A_956 = arith.subf %get3A_954, %sub3A_955 : vector<16xf32>
          %exp3A_957 = math.exp %sub3A_956 : vector<16xf32>
          %add3A_958 = arith.addf %add3A_947, %exp3A_957 : vector<16xf32>
          %scan3A_959 = arith.constant 5 : i32
          %scan3A_960 = arith.addi %scan3A_904, %scan3A_959 : i32
          %mul3A_961 = arith.constant 16 : i32
          %mul3A_962 = arith.muli %scan3A_960, %mul3A_961 : i32
          %add3A_963 = arith.addi %mul3A_498, %mul3A_962 : i32
          %get3A_964 = arith.index_cast %add3A_963 : i32 to index
          %get3A_965 = tpu.vector_load %arg8[%get3A_964] {strides = array<i32>} : memref<100000xf32, #tpu.memory_space<vmem>>, vector<16xf32>,
          %sub3A_966 = vector.broadcast %max3A_609 : f32 to vector<16xf32>
          %sub3A_967 = arith.subf %get3A_965, %sub3A_966 : vector<16xf32>
          %exp3A_968 = math.exp %sub3A_967 : vector<16xf32>
          %add3A_969 = arith.addf %add3A_958, %exp3A_968 : vector<16xf32>
          %scan3A_970 = arith.constant 6 : i32
          %scan3A_971 = arith.addi %scan3A_904, %scan3A_970 : i32
          %mul3A_972 = arith.constant 16 : i32
          %mul3A_973 = arith.muli %scan3A_971, %mul3A_972 : i32
          %add3A_974 = arith.addi %mul3A_498, %mul3A_973 : i32
          %get3A_975 = arith.index_cast %add3A_974 : i32 to index
          %get3A_976 = tpu.vector_load %arg8[%get3A_975] {strides = array<i32>} : memref<100000xf32, #tpu.memory_space<vmem>>, vector<16xf32>,
          %sub3A_977 = vector.broadcast %max3A_609 : f32 to vector<16xf32>
          %sub3A_978 = arith.subf %get3A_976, %sub3A_977 : vector<16xf32>
          %exp3A_979 = math.exp %sub3A_978 : vector<16xf32>
          %add3A_980 = arith.addf %add3A_969, %exp3A_979 : vector<16xf32>
          %scan3A_981 = arith.constant 7 : i32
          %scan3A_982 = arith.addi %scan3A_904, %scan3A_981 : i32
          %mul3A_983 = arith.constant 16 : i32
          %mul3A_984 = arith.muli %scan3A_982, %mul3A_983 : i32
          %add3A_985 = arith.addi %mul3A_498, %mul3A_984 : i32
          %get3A_986 = arith.index_cast %add3A_985 : i32 to index
          %get3A_987 = tpu.vector_load %arg8[%get3A_986] {strides = array<i32>} : memref<100000xf32, #tpu.memory_space<vmem>>, vector<16xf32>,
          %sub3A_988 = vector.broadcast %max3A_609 : f32 to vector<16xf32>
          %sub3A_989 = arith.subf %get3A_987, %sub3A_988 : vector<16xf32>
          %exp3A_990 = math.exp %sub3A_989 : vector<16xf32>
          %add3A_991 = arith.addf %add3A_980, %exp3A_990 : vector<16xf32>
          %scan3A_992 = arith.constant 8 : i32
          %scan3A_993 = arith.addi %scan3A_904, %scan3A_992 : i32
          %mul3A_994 = arith.constant 16 : i32
          %mul3A_995 = arith.muli %scan3A_993, %mul3A_994 : i32
          %add3A_996 = arith.addi %mul3A_498, %mul3A_995 : i32
          %get3A_997 = arith.index_cast %add3A_996 : i32 to index
          %get3A_998 = tpu.vector_load %arg8[%get3A_997] {strides = array<i32>} : memref<100000xf32, #tpu.memory_space<vmem>>, vector<16xf32>,
          %sub3A_999 = vector.broadcast %max3A_609 : f32 to vector<16xf32>
          %sub3A_1000 = arith.subf %get3A_998, %sub3A_999 : vector<16xf32>
          %exp3A_1001 = math.exp %sub3A_1000 : vector<16xf32>
          %add3A_1002 = arith.addf %add3A_991, %exp3A_1001 : vector<16xf32>
          %scan3A_1003 = arith.constant 9 : i32
          %scan3A_1004 = arith.addi %scan3A_904, %scan3A_1003 : i32
          %mul3A_1005 = arith.constant 16 : i32
          %mul3A_1006 = arith.muli %scan3A_1004, %mul3A_1005 : i32
          %add3A_1007 = arith.addi %mul3A_498, %mul3A_1006 : i32
          %get3A_1008 = arith.index_cast %add3A_1007 : i32 to index
          %get3A_1009 = tpu.vector_load %arg8[%get3A_1008] {strides = array<i32>} : memref<100000xf32, #tpu.memory_space<vmem>>, vector<16xf32>,
          %sub3A_1010 = vector.broadcast %max3A_609 : f32 to vector<16xf32>
          %sub3A_1011 = arith.subf %get3A_1009, %sub3A_1010 : vector<16xf32>
          %exp3A_1012 = math.exp %sub3A_1011 : vector<16xf32>
          %add3A_1013 = arith.addf %add3A_1002, %exp3A_1012 : vector<16xf32>
          %scan3A_1014 = arith.constant 10 : i32
          %scan3A_1015 = arith.addi %scan3A_904, %scan3A_1014 : i32
          %mul3A_1016 = arith.constant 16 : i32
          %mul3A_1017 = arith.muli %scan3A_1015, %mul3A_1016 : i32
          %add3A_1018 = arith.addi %mul3A_498, %mul3A_1017 : i32
          %get3A_1019 = arith.index_cast %add3A_1018 : i32 to index
          %get3A_1020 = tpu.vector_load %arg8[%get3A_1019] {strides = array<i32>} : memref<100000xf32, #tpu.memory_space<vmem>>, vector<16xf32>,
          %sub3A_1021 = vector.broadcast %max3A_609 : f32 to vector<16xf32>
          %sub3A_1022 = arith.subf %get3A_1020, %sub3A_1021 : vector<16xf32>
          %exp3A_1023 = math.exp %sub3A_1022 : vector<16xf32>
          %add3A_1024 = arith.addf %add3A_1013, %exp3A_1023 : vector<16xf32>
          %scan3A_1025 = arith.constant 11 : i32
          %scan3A_1026 = arith.addi %scan3A_904, %scan3A_1025 : i32
          %mul3A_1027 = arith.constant 16 : i32
          %mul3A_1028 = arith.muli %scan3A_1026, %mul3A_1027 : i32
          %add3A_1029 = arith.addi %mul3A_498, %mul3A_1028 : i32
          %get3A_1030 = arith.index_cast %add3A_1029 : i32 to index
          %get3A_1031 = tpu.vector_load %arg8[%get3A_1030] {strides = array<i32>} : memref<100000xf32, #tpu.memory_space<vmem>>, vector<16xf32>,
          %sub3A_1032 = vector.broadcast %max3A_609 : f32 to vector<16xf32>
          %sub3A_1033 = arith.subf %get3A_1031, %sub3A_1032 : vector<16xf32>
          %exp3A_1034 = math.exp %sub3A_1033 : vector<16xf32>
          %add3A_1035 = arith.addf %add3A_1024, %exp3A_1034 : vector<16xf32>
          %scan3A_1036 = arith.constant 12 : i32
          %scan3A_1037 = arith.addi %scan3A_904, %scan3A_1036 : i32
          %mul3A_1038 = arith.constant 16 : i32
          %mul3A_1039 = arith.muli %scan3A_1037, %mul3A_1038 : i32
          %add3A_1040 = arith.addi %mul3A_498, %mul3A_1039 : i32
          %get3A_1041 = arith.index_cast %add3A_1040 : i32 to index
          %get3A_1042 = tpu.vector_load %arg8[%get3A_1041] {strides = array<i32>} : memref<100000xf32, #tpu.memory_space<vmem>>, vector<16xf32>,
          %sub3A_1043 = vector.broadcast %max3A_609 : f32 to vector<16xf32>
          %sub3A_1044 = arith.subf %get3A_1042, %sub3A_1043 : vector<16xf32>
          %exp3A_1045 = math.exp %sub3A_1044 : vector<16xf32>
          %add3A_1046 = arith.addf %add3A_1035, %exp3A_1045 : vector<16xf32>
          %scan3A_1047 = arith.constant 13 : i32
          %scan3A_1048 = arith.addi %scan3A_904, %scan3A_1047 : i32
          %mul3A_1049 = arith.constant 16 : i32
          %mul3A_1050 = arith.muli %scan3A_1048, %mul3A_1049 : i32
          %add3A_1051 = arith.addi %mul3A_498, %mul3A_1050 : i32
          %get3A_1052 = arith.index_cast %add3A_1051 : i32 to index
          %get3A_1053 = tpu.vector_load %arg8[%get3A_1052] {strides = array<i32>} : memref<100000xf32, #tpu.memory_space<vmem>>, vector<16xf32>,
          %sub3A_1054 = vector.broadcast %max3A_609 : f32 to vector<16xf32>
          %sub3A_1055 = arith.subf %get3A_1053, %sub3A_1054 : vector<16xf32>
          %exp3A_1056 = math.exp %sub3A_1055 : vector<16xf32>
          %add3A_1057 = arith.addf %add3A_1046, %exp3A_1056 : vector<16xf32>
          %scan3A_1058 = arith.constant 14 : i32
          %scan3A_1059 = arith.addi %scan3A_904, %scan3A_1058 : i32
          %mul3A_1060 = arith.constant 16 : i32
          %mul3A_1061 = arith.muli %scan3A_1059, %mul3A_1060 : i32
          %add3A_1062 = arith.addi %mul3A_498, %mul3A_1061 : i32
          %get3A_1063 = arith.index_cast %add3A_1062 : i32 to index
          %get3A_1064 = tpu.vector_load %arg8[%get3A_1063] {strides = array<i32>} : memref<100000xf32, #tpu.memory_space<vmem>>, vector<16xf32>,
          %sub3A_1065 = vector.broadcast %max3A_609 : f32 to vector<16xf32>
          %sub3A_1066 = arith.subf %get3A_1064, %sub3A_1065 : vector<16xf32>
          %exp3A_1067 = math.exp %sub3A_1066 : vector<16xf32>
          %add3A_1068 = arith.addf %add3A_1057, %exp3A_1067 : vector<16xf32>
          %scan3A_1069 = arith.constant 15 : i32
          %scan3A_1070 = arith.addi %scan3A_904, %scan3A_1069 : i32
          %mul3A_1071 = arith.constant 16 : i32
          %mul3A_1072 = arith.muli %scan3A_1070, %mul3A_1071 : i32
          %add3A_1073 = arith.addi %mul3A_498, %mul3A_1072 : i32
          %get3A_1074 = arith.index_cast %add3A_1073 : i32 to index
          %get3A_1075 = tpu.vector_load %arg8[%get3A_1074] {strides = array<i32>} : memref<100000xf32, #tpu.memory_space<vmem>>, vector<16xf32>,
          %sub3A_1076 = vector.broadcast %max3A_609 : f32 to vector<16xf32>
          %sub3A_1077 = arith.subf %get3A_1075, %sub3A_1076 : vector<16xf32>
          %exp3A_1078 = math.exp %sub3A_1077 : vector<16xf32>
          %add3A_1079 = arith.addf %add3A_1068, %exp3A_1078 : vector<16xf32>
          %scan3A_1080 = arith.constant 16 : i32
          %scan3A_1081 = arith.addi %scan3A_904, %scan3A_1080 : i32
          %mul3A_1082 = arith.constant 16 : i32
          %mul3A_1083 = arith.muli %scan3A_1081, %mul3A_1082 : i32
          %add3A_1084 = arith.addi %mul3A_498, %mul3A_1083 : i32
          %get3A_1085 = arith.index_cast %add3A_1084 : i32 to index
          %get3A_1086 = tpu.vector_load %arg8[%get3A_1085] {strides = array<i32>} : memref<100000xf32, #tpu.memory_space<vmem>>, vector<16xf32>,
          %sub3A_1087 = vector.broadcast %max3A_609 : f32 to vector<16xf32>
          %sub3A_1088 = arith.subf %get3A_1086, %sub3A_1087 : vector<16xf32>
          %exp3A_1089 = math.exp %sub3A_1088 : vector<16xf32>
          %add3A_1090 = arith.addf %add3A_1079, %exp3A_1089 : vector<16xf32>
          %scan3A_1091 = arith.constant 17 : i32
          %scan3A_1092 = arith.addi %scan3A_904, %scan3A_1091 : i32
          %mul3A_1093 = arith.constant 16 : i32
          %mul3A_1094 = arith.muli %scan3A_1092, %mul3A_1093 : i32
          %add3A_1095 = arith.addi %mul3A_498, %mul3A_1094 : i32
          %get3A_1096 = arith.index_cast %add3A_1095 : i32 to index
          %get3A_1097 = tpu.vector_load %arg8[%get3A_1096] {strides = array<i32>} : memref<100000xf32, #tpu.memory_space<vmem>>, vector<16xf32>,
          %sub3A_1098 = vector.broadcast %max3A_609 : f32 to vector<16xf32>
          %sub3A_1099 = arith.subf %get3A_1097, %sub3A_1098 : vector<16xf32>
          %exp3A_1100 = math.exp %sub3A_1099 : vector<16xf32>
          %add3A_1101 = arith.addf %add3A_1090, %exp3A_1100 : vector<16xf32>
          %scan3A_1102 = arith.constant 18 : i32
          %scan3A_1103 = arith.addi %scan3A_904, %scan3A_1102 : i32
          %mul3A_1104 = arith.constant 16 : i32
          %mul3A_1105 = arith.muli %scan3A_1103, %mul3A_1104 : i32
          %add3A_1106 = arith.addi %mul3A_498, %mul3A_1105 : i32
          %get3A_1107 = arith.index_cast %add3A_1106 : i32 to index
          %get3A_1108 = tpu.vector_load %arg8[%get3A_1107] {strides = array<i32>} : memref<100000xf32, #tpu.memory_space<vmem>>, vector<16xf32>,
          %sub3A_1109 = vector.broadcast %max3A_609 : f32 to vector<16xf32>
          %sub3A_1110 = arith.subf %get3A_1108, %sub3A_1109 : vector<16xf32>
          %exp3A_1111 = math.exp %sub3A_1110 : vector<16xf32>
          %add3A_1112 = arith.addf %add3A_1101, %exp3A_1111 : vector<16xf32>
          %scan3A_1113 = arith.constant 19 : i32
          %scan3A_1114 = arith.addi %scan3A_904, %scan3A_1113 : i32
          %mul3A_1115 = arith.constant 16 : i32
          %mul3A_1116 = arith.muli %scan3A_1114, %mul3A_1115 : i32
          %add3A_1117 = arith.addi %mul3A_498, %mul3A_1116 : i32
          %get3A_1118 = arith.index_cast %add3A_1117 : i32 to index
          %get3A_1119 = tpu.vector_load %arg8[%get3A_1118] {strides = array<i32>} : memref<100000xf32, #tpu.memory_space<vmem>>, vector<16xf32>,
          %sub3A_1120 = vector.broadcast %max3A_609 : f32 to vector<16xf32>
          %sub3A_1121 = arith.subf %get3A_1119, %sub3A_1120 : vector<16xf32>
          %exp3A_1122 = math.exp %sub3A_1121 : vector<16xf32>
          %add3A_1123 = arith.addf %add3A_1112, %exp3A_1122 : vector<16xf32>
          %scan3A_1124 = arith.constant 20 : i32
          %scan3A_1125 = arith.addi %scan3A_904, %scan3A_1124 : i32
          %mul3A_1126 = arith.constant 16 : i32
          %mul3A_1127 = arith.muli %scan3A_1125, %mul3A_1126 : i32
          %add3A_1128 = arith.addi %mul3A_498, %mul3A_1127 : i32
          %get3A_1129 = arith.index_cast %add3A_1128 : i32 to index
          %get3A_1130 = tpu.vector_load %arg8[%get3A_1129] {strides = array<i32>} : memref<100000xf32, #tpu.memory_space<vmem>>, vector<16xf32>,
          %sub3A_1131 = vector.broadcast %max3A_609 : f32 to vector<16xf32>
          %sub3A_1132 = arith.subf %get3A_1130, %sub3A_1131 : vector<16xf32>
          %exp3A_1133 = math.exp %sub3A_1132 : vector<16xf32>
          %add3A_1134 = arith.addf %add3A_1123, %exp3A_1133 : vector<16xf32>
          %scan3A_1135 = arith.constant 21 : i32
          %scan3A_1136 = arith.addi %scan3A_904, %scan3A_1135 : i32
          %mul3A_1137 = arith.constant 16 : i32
          %mul3A_1138 = arith.muli %scan3A_1136, %mul3A_1137 : i32
          %add3A_1139 = arith.addi %mul3A_498, %mul3A_1138 : i32
          %get3A_1140 = arith.index_cast %add3A_1139 : i32 to index
          %get3A_1141 = tpu.vector_load %arg8[%get3A_1140] {strides = array<i32>} : memref<100000xf32, #tpu.memory_space<vmem>>, vector<16xf32>,
          %sub3A_1142 = vector.broadcast %max3A_609 : f32 to vector<16xf32>
          %sub3A_1143 = arith.subf %get3A_1141, %sub3A_1142 : vector<16xf32>
          %exp3A_1144 = math.exp %sub3A_1143 : vector<16xf32>
          %add3A_1145 = arith.addf %add3A_1134, %exp3A_1144 : vector<16xf32>
          %scan3A_1146 = arith.constant 22 : i32
          %scan3A_1147 = arith.addi %scan3A_904, %scan3A_1146 : i32
          %mul3A_1148 = arith.constant 16 : i32
          %mul3A_1149 = arith.muli %scan3A_1147, %mul3A_1148 : i32
          %add3A_1150 = arith.addi %mul3A_498, %mul3A_1149 : i32
          %get3A_1151 = arith.index_cast %add3A_1150 : i32 to index
          %get3A_1152 = tpu.vector_load %arg8[%get3A_1151] {strides = array<i32>} : memref<100000xf32, #tpu.memory_space<vmem>>, vector<16xf32>,
          %sub3A_1153 = vector.broadcast %max3A_609 : f32 to vector<16xf32>
          %sub3A_1154 = arith.subf %get3A_1152, %sub3A_1153 : vector<16xf32>
          %exp3A_1155 = math.exp %sub3A_1154 : vector<16xf32>
          %add3A_1156 = arith.addf %add3A_1145, %exp3A_1155 : vector<16xf32>
          %scan3A_1157 = arith.constant 23 : i32
          %scan3A_1158 = arith.addi %scan3A_904, %scan3A_1157 : i32
          %mul3A_1159 = arith.constant 16 : i32
          %mul3A_1160 = arith.muli %scan3A_1158, %mul3A_1159 : i32
          %add3A_1161 = arith.addi %mul3A_498, %mul3A_1160 : i32
          %get3A_1162 = arith.index_cast %add3A_1161 : i32 to index
          %get3A_1163 = tpu.vector_load %arg8[%get3A_1162] {strides = array<i32>} : memref<100000xf32, #tpu.memory_space<vmem>>, vector<16xf32>,
          %sub3A_1164 = vector.broadcast %max3A_609 : f32 to vector<16xf32>
          %sub3A_1165 = arith.subf %get3A_1163, %sub3A_1164 : vector<16xf32>
          %exp3A_1166 = math.exp %sub3A_1165 : vector<16xf32>
          %add3A_1167 = arith.addf %add3A_1156, %exp3A_1166 : vector<16xf32>
          %scan3A_1168 = arith.constant 24 : i32
          %scan3A_1169 = arith.addi %scan3A_904, %scan3A_1168 : i32
          %mul3A_1170 = arith.constant 16 : i32
          %mul3A_1171 = arith.muli %scan3A_1169, %mul3A_1170 : i32
          %add3A_1172 = arith.addi %mul3A_498, %mul3A_1171 : i32
          %get3A_1173 = arith.index_cast %add3A_1172 : i32 to index
          %get3A_1174 = tpu.vector_load %arg8[%get3A_1173] {strides = array<i32>} : memref<100000xf32, #tpu.memory_space<vmem>>, vector<16xf32>,
          %sub3A_1175 = vector.broadcast %max3A_609 : f32 to vector<16xf32>
          %sub3A_1176 = arith.subf %get3A_1174, %sub3A_1175 : vector<16xf32>
          %exp3A_1177 = math.exp %sub3A_1176 : vector<16xf32>
          %add3A_1178 = arith.addf %add3A_1167, %exp3A_1177 : vector<16xf32>
          scf.yield %add3A_1178 : vector<16xf32>
        }
        %scan3A_619 = arith.constant 125 : i32
        %mul3A_620 = arith.constant 5 : i32
        %mul3A_621 = arith.muli %scan3A_204, %mul3A_620 : i32
        %add3A_622 = arith.constant 3 : i32
        %add3A_623 = arith.addi %mul3A_621, %add3A_622 : i32
        %dma_wait3A_624 = arith.constant 0 : i32
        %dma_wait3A_625 = tpu.memref_slice %arg8[%dma_wait3A_624] : memref<100000xf32, #tpu.memory_space<vmem>> -> memref<2000xf32, #tpu.memory_space<vmem>>
        %dma_wait3A_626 = arith.constant 0 : i32
        %dma_wait3A_627 = tpu.memref_slice %arg2[%dma_wait3A_626] : memref<25600000xf32, #tpu.memory_space<hbm>> -> memref<2000xf32, #tpu.memory_space<hbm>>
        %dma_wait3A_628 = arith.constant 0 : i32
        %dma_wait3A_629 = tpu.memref_slice %arg8[%dma_wait3A_628] : memref<100000xf32, #tpu.memory_space<vmem>> -> memref<2000xf32, #tpu.memory_space<vmem>>
        %dma_wait3A_630 = arith.constant 0 : i32
        %dma_wait3A_631 = tpu.memref_slice %arg2[%dma_wait3A_630] : memref<25600000xf32, #tpu.memory_space<hbm>> -> memref<2000xf32, #tpu.memory_space<hbm>>
        tpu.wait_dma2 semaphore(%arg21 : memref<!tpu.dma_semaphore, #tpu.memory_space<semaphore_mem>>) src(%dma_wait3A_631 : memref<2000xf32, #tpu.memory_space<hbm>>) dst(%dma_wait3A_629 : memref<2000xf32, #tpu.memory_space<vmem>>)
        %add3A_632 = arith.constant 5 : i32
        %add3A_633 = arith.addi %add3A_623, %add3A_632 : i32
        %lt3A_634 = arith.constant 50 : i32
        %lt3A_635 = arith.cmpi slt, %add3A_633, %lt3A_634 : i32
        %convert_element_type3A_636 = arith.extui %lt3A_635 : i1 to i32
        %cond3A_637 = arith.constant 0 : i32
        %cond3A_638 = arith.cmpi ne, %convert_element_type3A_636, %cond3A_637 : i32
        scf.if %cond3A_638 {
          %mul3A_904 = arith.constant 100000 : i32
          %mul3A_905 = arith.muli %add3A_15, %mul3A_904 : i32
          %mul3A_906 = arith.constant 2000 : i32
          %mul3A_907 = arith.muli %add3A_633, %mul3A_906 : i32
          %add3A_908 = arith.addi %mul3A_905, %mul3A_907 : i32
          %mul3A_909 = arith.constant 2000 : i32
          %mul3A_910 = arith.muli %add3A_633, %mul3A_909 : i32
          %dma_start3A_911 = tpu.memref_slice %arg8[%mul3A_910] : memref<100000xf32, #tpu.memory_space<vmem>> -> memref<2000xf32, #tpu.memory_space<vmem>>
          %dma_start3A_912 = tpu.memref_slice %arg2[%add3A_908] : memref<25600000xf32, #tpu.memory_space<hbm>> -> memref<2000xf32, #tpu.memory_space<hbm>>
          %dma_start3A_913 = tpu.memref_slice %arg8[%mul3A_910] : memref<100000xf32, #tpu.memory_space<vmem>> -> memref<2000xf32, #tpu.memory_space<vmem>>
          %dma_start3A_914 = tpu.memref_slice %arg2[%add3A_908] : memref<25600000xf32, #tpu.memory_space<hbm>> -> memref<2000xf32, #tpu.memory_space<hbm>>
          tpu.enqueue_dma source(%dma_start3A_914 : memref<2000xf32, #tpu.memory_space<hbm>>) target(%dma_start3A_913 : memref<2000xf32, #tpu.memory_space<vmem>>) target_semaphore(%arg21 : memref<!tpu.dma_semaphore, #tpu.memory_space<semaphore_mem>>)
        } else {
        }
        %mul3A_639 = arith.constant 2000 : i32
        %mul3A_640 = arith.muli %add3A_623, %mul3A_639 : i32
        %get3A_641 = arith.constant 0 : index
        %get3A_642 = tpu.vector_load %arg9[%get3A_641] {strides = array<i32>} : memref<64xi32, #tpu.memory_space<vmem>>, vector<16xi32>,
        %ge3A_643 = vector.broadcast %mul3A_640 : i32 to vector<16xi32>
        %ge3A_644 = arith.cmpi sge, %get3A_642, %ge3A_643 : vector<16xi32>
        %add3A_645 = arith.constant 2000 : i32
        %add3A_646 = arith.addi %mul3A_640, %add3A_645 : i32
        %lt3A_647 = vector.broadcast %add3A_646 : i32 to vector<16xi32>
        %lt3A_648 = arith.cmpi slt, %get3A_642, %lt3A_647 : vector<16xi32>
        %and3A_649 = arith.andi %ge3A_644, %lt3A_648 : vector<16xi1>
        %jit3A_650 = arith.constant 0 : i32
        %broadcast_in_dim3A_651 = vector.broadcast %jit3A_650 : i32 to vector<16xi32>
        %select_n3A_652 = arith.select %and3A_649, %get3A_642, %broadcast_in_dim3A_651 : vector<16xi1>, vector<16xi32>
        %gather3A_653 = tpu.vector_load_idx %arg8[%select_n3A_652] masked %and3A_649 : memref<100000xf32, #tpu.memory_space<vmem>>[vector<16xi32>], vector<16xf32>, vector<16xi1>
        %lt3A_654 = arith.constant 0.000000e+00 : f32
        %lt3A_655 = vector.broadcast %lt3A_654 : f32 to vector<16xf32>
        %lt3A_656 = arith.cmpf olt, %gather3A_653, %lt3A_655 : vector<16xf32>
        %mul3A_657 = arith.constant 1.200000e+00 : f32
        %mul3A_658 = vector.broadcast %mul3A_657 : f32 to vector<16xf32>
        %mul3A_659 = arith.mulf %gather3A_653, %mul3A_658 : vector<16xf32>
        %mul3A_660 = arith.constant 0.833333313 : f32
        %mul3A_661 = vector.broadcast %mul3A_660 : f32 to vector<16xf32>
        %mul3A_662 = arith.mulf %gather3A_653, %mul3A_661 : vector<16xf32>
        %select_n3A_663 = arith.select %lt3A_656, %mul3A_659, %mul3A_662 : vector<16xi1>, vector<16xf32>
        tpu.vector_store_idx %arg8[%select_n3A_652], %select_n3A_663 masked %and3A_649 : memref<100000xf32, #tpu.memory_space<vmem>>[vector<16xi32>], vector<16xf32>, vector<16xi1>
        %get3A_664 = arith.constant 16 : index
        %get3A_665 = tpu.vector_load %arg9[%get3A_664] {strides = array<i32>} : memref<64xi32, #tpu.memory_space<vmem>>, vector<16xi32>,
        %ge3A_666 = vector.broadcast %mul3A_640 : i32 to vector<16xi32>
        %ge3A_667 = arith.cmpi sge, %get3A_665, %ge3A_666 : vector<16xi32>
        %add3A_668 = arith.constant 2000 : i32
        %add3A_669 = arith.addi %mul3A_640, %add3A_668 : i32
        %lt3A_670 = vector.broadcast %add3A_669 : i32 to vector<16xi32>
        %lt3A_671 = arith.cmpi slt, %get3A_665, %lt3A_670 : vector<16xi32>
        %and3A_672 = arith.andi %ge3A_667, %lt3A_671 : vector<16xi1>
        %jit3A_673 = arith.constant 0 : i32
        %broadcast_in_dim3A_674 = vector.broadcast %jit3A_673 : i32 to vector<16xi32>
        %select_n3A_675 = arith.select %and3A_672, %get3A_665, %broadcast_in_dim3A_674 : vector<16xi1>, vector<16xi32>
        %gather3A_676 = tpu.vector_load_idx %arg8[%select_n3A_675] masked %and3A_672 : memref<100000xf32, #tpu.memory_space<vmem>>[vector<16xi32>], vector<16xf32>, vector<16xi1>
        %lt3A_677 = arith.constant 0.000000e+00 : f32
        %lt3A_678 = vector.broadcast %lt3A_677 : f32 to vector<16xf32>
        %lt3A_679 = arith.cmpf olt, %gather3A_676, %lt3A_678 : vector<16xf32>
        %mul3A_680 = arith.constant 1.200000e+00 : f32
        %mul3A_681 = vector.broadcast %mul3A_680 : f32 to vector<16xf32>
        %mul3A_682 = arith.mulf %gather3A_676, %mul3A_681 : vector<16xf32>
        %mul3A_683 = arith.constant 0.833333313 : f32
        %mul3A_684 = vector.broadcast %mul3A_683 : f32 to vector<16xf32>
        %mul3A_685 = arith.mulf %gather3A_676, %mul3A_684 : vector<16xf32>
        %select_n3A_686 = arith.select %lt3A_679, %mul3A_682, %mul3A_685 : vector<16xi1>, vector<16xf32>
        tpu.vector_store_idx %arg8[%select_n3A_675], %select_n3A_686 masked %and3A_672 : memref<100000xf32, #tpu.memory_space<vmem>>[vector<16xi32>], vector<16xf32>, vector<16xi1>
        %get3A_687 = arith.constant 32 : index
        %get3A_688 = tpu.vector_load %arg9[%get3A_687] {strides = array<i32>} : memref<64xi32, #tpu.memory_space<vmem>>, vector<16xi32>,
        %ge3A_689 = vector.broadcast %mul3A_640 : i32 to vector<16xi32>
        %ge3A_690 = arith.cmpi sge, %get3A_688, %ge3A_689 : vector<16xi32>
        %add3A_691 = arith.constant 2000 : i32
        %add3A_692 = arith.addi %mul3A_640, %add3A_691 : i32
        %lt3A_693 = vector.broadcast %add3A_692 : i32 to vector<16xi32>
        %lt3A_694 = arith.cmpi slt, %get3A_688, %lt3A_693 : vector<16xi32>
        %and3A_695 = arith.andi %ge3A_690, %lt3A_694 : vector<16xi1>
        %jit3A_696 = arith.constant 0 : i32
        %broadcast_in_dim3A_697 = vector.broadcast %jit3A_696 : i32 to vector<16xi32>
        %select_n3A_698 = arith.select %and3A_695, %get3A_688, %broadcast_in_dim3A_697 : vector<16xi1>, vector<16xi32>
        %gather3A_699 = tpu.vector_load_idx %arg8[%select_n3A_698] masked %and3A_695 : memref<100000xf32, #tpu.memory_space<vmem>>[vector<16xi32>], vector<16xf32>, vector<16xi1>
        %lt3A_700 = arith.constant 0.000000e+00 : f32
        %lt3A_701 = vector.broadcast %lt3A_700 : f32 to vector<16xf32>
        %lt3A_702 = arith.cmpf olt, %gather3A_699, %lt3A_701 : vector<16xf32>
        %mul3A_703 = arith.constant 1.200000e+00 : f32
        %mul3A_704 = vector.broadcast %mul3A_703 : f32 to vector<16xf32>
        %mul3A_705 = arith.mulf %gather3A_699, %mul3A_704 : vector<16xf32>
        %mul3A_706 = arith.constant 0.833333313 : f32
        %mul3A_707 = vector.broadcast %mul3A_706 : f32 to vector<16xf32>
        %mul3A_708 = arith.mulf %gather3A_699, %mul3A_707 : vector<16xf32>
        %select_n3A_709 = arith.select %lt3A_702, %mul3A_705, %mul3A_708 : vector<16xi1>, vector<16xf32>
        tpu.vector_store_idx %arg8[%select_n3A_698], %select_n3A_709 masked %and3A_695 : memref<100000xf32, #tpu.memory_space<vmem>>[vector<16xi32>], vector<16xf32>, vector<16xi1>
        %get3A_710 = arith.constant 48 : index
        %get3A_711 = tpu.vector_load %arg9[%get3A_710] {strides = array<i32>} : memref<64xi32, #tpu.memory_space<vmem>>, vector<16xi32>,
        %ge3A_712 = vector.broadcast %mul3A_640 : i32 to vector<16xi32>
        %ge3A_713 = arith.cmpi sge, %get3A_711, %ge3A_712 : vector<16xi32>
        %add3A_714 = arith.constant 2000 : i32
        %add3A_715 = arith.addi %mul3A_640, %add3A_714 : i32
        %lt3A_716 = vector.broadcast %add3A_715 : i32 to vector<16xi32>
        %lt3A_717 = arith.cmpi slt, %get3A_711, %lt3A_716 : vector<16xi32>
        %and3A_718 = arith.andi %ge3A_713, %lt3A_717 : vector<16xi1>
        %jit3A_719 = arith.constant 0 : i32
        %broadcast_in_dim3A_720 = vector.broadcast %jit3A_719 : i32 to vector<16xi32>
        %select_n3A_721 = arith.select %and3A_718, %get3A_711, %broadcast_in_dim3A_720 : vector<16xi1>, vector<16xi32>
        %gather3A_722 = tpu.vector_load_idx %arg8[%select_n3A_721] masked %and3A_718 : memref<100000xf32, #tpu.memory_space<vmem>>[vector<16xi32>], vector<16xf32>, vector<16xi1>
        %lt3A_723 = arith.constant 0.000000e+00 : f32
        %lt3A_724 = vector.broadcast %lt3A_723 : f32 to vector<16xf32>
        %lt3A_725 = arith.cmpf olt, %gather3A_722, %lt3A_724 : vector<16xf32>
        %mul3A_726 = arith.constant 1.200000e+00 : f32
        %mul3A_727 = vector.broadcast %mul3A_726 : f32 to vector<16xf32>
        %mul3A_728 = arith.mulf %gather3A_722, %mul3A_727 : vector<16xf32>
        %mul3A_729 = arith.constant 0.833333313 : f32
        %mul3A_730 = vector.broadcast %mul3A_729 : f32 to vector<16xf32>
        %mul3A_731 = arith.mulf %gather3A_722, %mul3A_730 : vector<16xf32>
        %select_n3A_732 = arith.select %lt3A_725, %mul3A_728, %mul3A_731 : vector<16xi1>, vector<16xf32>
        tpu.vector_store_idx %arg8[%select_n3A_721], %select_n3A_732 masked %and3A_718 : memref<100000xf32, #tpu.memory_space<vmem>>[vector<16xi32>], vector<16xf32>, vector<16xi1>
        %broadcast_in_dim3A_733 = arith.constant -3.000000e+38 : f32
        %broadcast_in_dim3A_734 = vector.broadcast %broadcast_in_dim3A_733 : f32 to vector<16xf32>
        %scan3A_735 = arith.constant 0 : i32
        %scan3A_736 = arith.constant 125 : i32
        %scan3A_737 = arith.addi %scan3A_735, %scan3A_736 : i32
        %scan3A_738 = arith.constant 25 : i32
        %scan3A_739 = scf.for %scan3A_904 = %scan3A_735 to %scan3A_737 step %scan3A_738 iter_args(%scan3A_905 = %broadcast_in_dim3A_734) -> (vector<16xf32>)  : i32 {
          %mul3A_906 = arith.constant 16 : i32
          %mul3A_907 = arith.muli %scan3A_904, %mul3A_906 : i32
          %add3A_908 = arith.addi %mul3A_640, %mul3A_907 : i32
          %get3A_909 = arith.index_cast %add3A_908 : i32 to index
          %get3A_910 = tpu.vector_load %arg8[%get3A_909] {strides = array<i32>} : memref<100000xf32, #tpu.memory_space<vmem>>, vector<16xf32>,
          %max3A_911 = arith.maximumf %scan3A_905, %get3A_910 : vector<16xf32>
          %scan3A_912 = arith.constant 1 : i32
          %scan3A_913 = arith.addi %scan3A_904, %scan3A_912 : i32
          %mul3A_914 = arith.constant 16 : i32
          %mul3A_915 = arith.muli %scan3A_913, %mul3A_914 : i32
          %add3A_916 = arith.addi %mul3A_640, %mul3A_915 : i32
          %get3A_917 = arith.index_cast %add3A_916 : i32 to index
          %get3A_918 = tpu.vector_load %arg8[%get3A_917] {strides = array<i32>} : memref<100000xf32, #tpu.memory_space<vmem>>, vector<16xf32>,
          %max3A_919 = arith.maximumf %max3A_911, %get3A_918 : vector<16xf32>
          %scan3A_920 = arith.constant 2 : i32
          %scan3A_921 = arith.addi %scan3A_904, %scan3A_920 : i32
          %mul3A_922 = arith.constant 16 : i32
          %mul3A_923 = arith.muli %scan3A_921, %mul3A_922 : i32
          %add3A_924 = arith.addi %mul3A_640, %mul3A_923 : i32
          %get3A_925 = arith.index_cast %add3A_924 : i32 to index
          %get3A_926 = tpu.vector_load %arg8[%get3A_925] {strides = array<i32>} : memref<100000xf32, #tpu.memory_space<vmem>>, vector<16xf32>,
          %max3A_927 = arith.maximumf %max3A_919, %get3A_926 : vector<16xf32>
          %scan3A_928 = arith.constant 3 : i32
          %scan3A_929 = arith.addi %scan3A_904, %scan3A_928 : i32
          %mul3A_930 = arith.constant 16 : i32
          %mul3A_931 = arith.muli %scan3A_929, %mul3A_930 : i32
          %add3A_932 = arith.addi %mul3A_640, %mul3A_931 : i32
          %get3A_933 = arith.index_cast %add3A_932 : i32 to index
          %get3A_934 = tpu.vector_load %arg8[%get3A_933] {strides = array<i32>} : memref<100000xf32, #tpu.memory_space<vmem>>, vector<16xf32>,
          %max3A_935 = arith.maximumf %max3A_927, %get3A_934 : vector<16xf32>
          %scan3A_936 = arith.constant 4 : i32
          %scan3A_937 = arith.addi %scan3A_904, %scan3A_936 : i32
          %mul3A_938 = arith.constant 16 : i32
          %mul3A_939 = arith.muli %scan3A_937, %mul3A_938 : i32
          %add3A_940 = arith.addi %mul3A_640, %mul3A_939 : i32
          %get3A_941 = arith.index_cast %add3A_940 : i32 to index
          %get3A_942 = tpu.vector_load %arg8[%get3A_941] {strides = array<i32>} : memref<100000xf32, #tpu.memory_space<vmem>>, vector<16xf32>,
          %max3A_943 = arith.maximumf %max3A_935, %get3A_942 : vector<16xf32>
          %scan3A_944 = arith.constant 5 : i32
          %scan3A_945 = arith.addi %scan3A_904, %scan3A_944 : i32
          %mul3A_946 = arith.constant 16 : i32
          %mul3A_947 = arith.muli %scan3A_945, %mul3A_946 : i32
          %add3A_948 = arith.addi %mul3A_640, %mul3A_947 : i32
          %get3A_949 = arith.index_cast %add3A_948 : i32 to index
          %get3A_950 = tpu.vector_load %arg8[%get3A_949] {strides = array<i32>} : memref<100000xf32, #tpu.memory_space<vmem>>, vector<16xf32>,
          %max3A_951 = arith.maximumf %max3A_943, %get3A_950 : vector<16xf32>
          %scan3A_952 = arith.constant 6 : i32
          %scan3A_953 = arith.addi %scan3A_904, %scan3A_952 : i32
          %mul3A_954 = arith.constant 16 : i32
          %mul3A_955 = arith.muli %scan3A_953, %mul3A_954 : i32
          %add3A_956 = arith.addi %mul3A_640, %mul3A_955 : i32
          %get3A_957 = arith.index_cast %add3A_956 : i32 to index
          %get3A_958 = tpu.vector_load %arg8[%get3A_957] {strides = array<i32>} : memref<100000xf32, #tpu.memory_space<vmem>>, vector<16xf32>,
          %max3A_959 = arith.maximumf %max3A_951, %get3A_958 : vector<16xf32>
          %scan3A_960 = arith.constant 7 : i32
          %scan3A_961 = arith.addi %scan3A_904, %scan3A_960 : i32
          %mul3A_962 = arith.constant 16 : i32
          %mul3A_963 = arith.muli %scan3A_961, %mul3A_962 : i32
          %add3A_964 = arith.addi %mul3A_640, %mul3A_963 : i32
          %get3A_965 = arith.index_cast %add3A_964 : i32 to index
          %get3A_966 = tpu.vector_load %arg8[%get3A_965] {strides = array<i32>} : memref<100000xf32, #tpu.memory_space<vmem>>, vector<16xf32>,
          %max3A_967 = arith.maximumf %max3A_959, %get3A_966 : vector<16xf32>
          %scan3A_968 = arith.constant 8 : i32
          %scan3A_969 = arith.addi %scan3A_904, %scan3A_968 : i32
          %mul3A_970 = arith.constant 16 : i32
          %mul3A_971 = arith.muli %scan3A_969, %mul3A_970 : i32
          %add3A_972 = arith.addi %mul3A_640, %mul3A_971 : i32
          %get3A_973 = arith.index_cast %add3A_972 : i32 to index
          %get3A_974 = tpu.vector_load %arg8[%get3A_973] {strides = array<i32>} : memref<100000xf32, #tpu.memory_space<vmem>>, vector<16xf32>,
          %max3A_975 = arith.maximumf %max3A_967, %get3A_974 : vector<16xf32>
          %scan3A_976 = arith.constant 9 : i32
          %scan3A_977 = arith.addi %scan3A_904, %scan3A_976 : i32
          %mul3A_978 = arith.constant 16 : i32
          %mul3A_979 = arith.muli %scan3A_977, %mul3A_978 : i32
          %add3A_980 = arith.addi %mul3A_640, %mul3A_979 : i32
          %get3A_981 = arith.index_cast %add3A_980 : i32 to index
          %get3A_982 = tpu.vector_load %arg8[%get3A_981] {strides = array<i32>} : memref<100000xf32, #tpu.memory_space<vmem>>, vector<16xf32>,
          %max3A_983 = arith.maximumf %max3A_975, %get3A_982 : vector<16xf32>
          %scan3A_984 = arith.constant 10 : i32
          %scan3A_985 = arith.addi %scan3A_904, %scan3A_984 : i32
          %mul3A_986 = arith.constant 16 : i32
          %mul3A_987 = arith.muli %scan3A_985, %mul3A_986 : i32
          %add3A_988 = arith.addi %mul3A_640, %mul3A_987 : i32
          %get3A_989 = arith.index_cast %add3A_988 : i32 to index
          %get3A_990 = tpu.vector_load %arg8[%get3A_989] {strides = array<i32>} : memref<100000xf32, #tpu.memory_space<vmem>>, vector<16xf32>,
          %max3A_991 = arith.maximumf %max3A_983, %get3A_990 : vector<16xf32>
          %scan3A_992 = arith.constant 11 : i32
          %scan3A_993 = arith.addi %scan3A_904, %scan3A_992 : i32
          %mul3A_994 = arith.constant 16 : i32
          %mul3A_995 = arith.muli %scan3A_993, %mul3A_994 : i32
          %add3A_996 = arith.addi %mul3A_640, %mul3A_995 : i32
          %get3A_997 = arith.index_cast %add3A_996 : i32 to index
          %get3A_998 = tpu.vector_load %arg8[%get3A_997] {strides = array<i32>} : memref<100000xf32, #tpu.memory_space<vmem>>, vector<16xf32>,
          %max3A_999 = arith.maximumf %max3A_991, %get3A_998 : vector<16xf32>
          %scan3A_1000 = arith.constant 12 : i32
          %scan3A_1001 = arith.addi %scan3A_904, %scan3A_1000 : i32
          %mul3A_1002 = arith.constant 16 : i32
          %mul3A_1003 = arith.muli %scan3A_1001, %mul3A_1002 : i32
          %add3A_1004 = arith.addi %mul3A_640, %mul3A_1003 : i32
          %get3A_1005 = arith.index_cast %add3A_1004 : i32 to index
          %get3A_1006 = tpu.vector_load %arg8[%get3A_1005] {strides = array<i32>} : memref<100000xf32, #tpu.memory_space<vmem>>, vector<16xf32>,
          %max3A_1007 = arith.maximumf %max3A_999, %get3A_1006 : vector<16xf32>
          %scan3A_1008 = arith.constant 13 : i32
          %scan3A_1009 = arith.addi %scan3A_904, %scan3A_1008 : i32
          %mul3A_1010 = arith.constant 16 : i32
          %mul3A_1011 = arith.muli %scan3A_1009, %mul3A_1010 : i32
          %add3A_1012 = arith.addi %mul3A_640, %mul3A_1011 : i32
          %get3A_1013 = arith.index_cast %add3A_1012 : i32 to index
          %get3A_1014 = tpu.vector_load %arg8[%get3A_1013] {strides = array<i32>} : memref<100000xf32, #tpu.memory_space<vmem>>, vector<16xf32>,
          %max3A_1015 = arith.maximumf %max3A_1007, %get3A_1014 : vector<16xf32>
          %scan3A_1016 = arith.constant 14 : i32
          %scan3A_1017 = arith.addi %scan3A_904, %scan3A_1016 : i32
          %mul3A_1018 = arith.constant 16 : i32
          %mul3A_1019 = arith.muli %scan3A_1017, %mul3A_1018 : i32
          %add3A_1020 = arith.addi %mul3A_640, %mul3A_1019 : i32
          %get3A_1021 = arith.index_cast %add3A_1020 : i32 to index
          %get3A_1022 = tpu.vector_load %arg8[%get3A_1021] {strides = array<i32>} : memref<100000xf32, #tpu.memory_space<vmem>>, vector<16xf32>,
          %max3A_1023 = arith.maximumf %max3A_1015, %get3A_1022 : vector<16xf32>
          %scan3A_1024 = arith.constant 15 : i32
          %scan3A_1025 = arith.addi %scan3A_904, %scan3A_1024 : i32
          %mul3A_1026 = arith.constant 16 : i32
          %mul3A_1027 = arith.muli %scan3A_1025, %mul3A_1026 : i32
          %add3A_1028 = arith.addi %mul3A_640, %mul3A_1027 : i32
          %get3A_1029 = arith.index_cast %add3A_1028 : i32 to index
          %get3A_1030 = tpu.vector_load %arg8[%get3A_1029] {strides = array<i32>} : memref<100000xf32, #tpu.memory_space<vmem>>, vector<16xf32>,
          %max3A_1031 = arith.maximumf %max3A_1023, %get3A_1030 : vector<16xf32>
          %scan3A_1032 = arith.constant 16 : i32
          %scan3A_1033 = arith.addi %scan3A_904, %scan3A_1032 : i32
          %mul3A_1034 = arith.constant 16 : i32
          %mul3A_1035 = arith.muli %scan3A_1033, %mul3A_1034 : i32
          %add3A_1036 = arith.addi %mul3A_640, %mul3A_1035 : i32
          %get3A_1037 = arith.index_cast %add3A_1036 : i32 to index
          %get3A_1038 = tpu.vector_load %arg8[%get3A_1037] {strides = array<i32>} : memref<100000xf32, #tpu.memory_space<vmem>>, vector<16xf32>,
          %max3A_1039 = arith.maximumf %max3A_1031, %get3A_1038 : vector<16xf32>
          %scan3A_1040 = arith.constant 17 : i32
          %scan3A_1041 = arith.addi %scan3A_904, %scan3A_1040 : i32
          %mul3A_1042 = arith.constant 16 : i32
          %mul3A_1043 = arith.muli %scan3A_1041, %mul3A_1042 : i32
          %add3A_1044 = arith.addi %mul3A_640, %mul3A_1043 : i32
          %get3A_1045 = arith.index_cast %add3A_1044 : i32 to index
          %get3A_1046 = tpu.vector_load %arg8[%get3A_1045] {strides = array<i32>} : memref<100000xf32, #tpu.memory_space<vmem>>, vector<16xf32>,
          %max3A_1047 = arith.maximumf %max3A_1039, %get3A_1046 : vector<16xf32>
          %scan3A_1048 = arith.constant 18 : i32
          %scan3A_1049 = arith.addi %scan3A_904, %scan3A_1048 : i32
          %mul3A_1050 = arith.constant 16 : i32
          %mul3A_1051 = arith.muli %scan3A_1049, %mul3A_1050 : i32
          %add3A_1052 = arith.addi %mul3A_640, %mul3A_1051 : i32
          %get3A_1053 = arith.index_cast %add3A_1052 : i32 to index
          %get3A_1054 = tpu.vector_load %arg8[%get3A_1053] {strides = array<i32>} : memref<100000xf32, #tpu.memory_space<vmem>>, vector<16xf32>,
          %max3A_1055 = arith.maximumf %max3A_1047, %get3A_1054 : vector<16xf32>
          %scan3A_1056 = arith.constant 19 : i32
          %scan3A_1057 = arith.addi %scan3A_904, %scan3A_1056 : i32
          %mul3A_1058 = arith.constant 16 : i32
          %mul3A_1059 = arith.muli %scan3A_1057, %mul3A_1058 : i32
          %add3A_1060 = arith.addi %mul3A_640, %mul3A_1059 : i32
          %get3A_1061 = arith.index_cast %add3A_1060 : i32 to index
          %get3A_1062 = tpu.vector_load %arg8[%get3A_1061] {strides = array<i32>} : memref<100000xf32, #tpu.memory_space<vmem>>, vector<16xf32>,
          %max3A_1063 = arith.maximumf %max3A_1055, %get3A_1062 : vector<16xf32>
          %scan3A_1064 = arith.constant 20 : i32
          %scan3A_1065 = arith.addi %scan3A_904, %scan3A_1064 : i32
          %mul3A_1066 = arith.constant 16 : i32
          %mul3A_1067 = arith.muli %scan3A_1065, %mul3A_1066 : i32
          %add3A_1068 = arith.addi %mul3A_640, %mul3A_1067 : i32
          %get3A_1069 = arith.index_cast %add3A_1068 : i32 to index
          %get3A_1070 = tpu.vector_load %arg8[%get3A_1069] {strides = array<i32>} : memref<100000xf32, #tpu.memory_space<vmem>>, vector<16xf32>,
          %max3A_1071 = arith.maximumf %max3A_1063, %get3A_1070 : vector<16xf32>
          %scan3A_1072 = arith.constant 21 : i32
          %scan3A_1073 = arith.addi %scan3A_904, %scan3A_1072 : i32
          %mul3A_1074 = arith.constant 16 : i32
          %mul3A_1075 = arith.muli %scan3A_1073, %mul3A_1074 : i32
          %add3A_1076 = arith.addi %mul3A_640, %mul3A_1075 : i32
          %get3A_1077 = arith.index_cast %add3A_1076 : i32 to index
          %get3A_1078 = tpu.vector_load %arg8[%get3A_1077] {strides = array<i32>} : memref<100000xf32, #tpu.memory_space<vmem>>, vector<16xf32>,
          %max3A_1079 = arith.maximumf %max3A_1071, %get3A_1078 : vector<16xf32>
          %scan3A_1080 = arith.constant 22 : i32
          %scan3A_1081 = arith.addi %scan3A_904, %scan3A_1080 : i32
          %mul3A_1082 = arith.constant 16 : i32
          %mul3A_1083 = arith.muli %scan3A_1081, %mul3A_1082 : i32
          %add3A_1084 = arith.addi %mul3A_640, %mul3A_1083 : i32
          %get3A_1085 = arith.index_cast %add3A_1084 : i32 to index
          %get3A_1086 = tpu.vector_load %arg8[%get3A_1085] {strides = array<i32>} : memref<100000xf32, #tpu.memory_space<vmem>>, vector<16xf32>,
          %max3A_1087 = arith.maximumf %max3A_1079, %get3A_1086 : vector<16xf32>
          %scan3A_1088 = arith.constant 23 : i32
          %scan3A_1089 = arith.addi %scan3A_904, %scan3A_1088 : i32
          %mul3A_1090 = arith.constant 16 : i32
          %mul3A_1091 = arith.muli %scan3A_1089, %mul3A_1090 : i32
          %add3A_1092 = arith.addi %mul3A_640, %mul3A_1091 : i32
          %get3A_1093 = arith.index_cast %add3A_1092 : i32 to index
          %get3A_1094 = tpu.vector_load %arg8[%get3A_1093] {strides = array<i32>} : memref<100000xf32, #tpu.memory_space<vmem>>, vector<16xf32>,
          %max3A_1095 = arith.maximumf %max3A_1087, %get3A_1094 : vector<16xf32>
          %scan3A_1096 = arith.constant 24 : i32
          %scan3A_1097 = arith.addi %scan3A_904, %scan3A_1096 : i32
          %mul3A_1098 = arith.constant 16 : i32
          %mul3A_1099 = arith.muli %scan3A_1097, %mul3A_1098 : i32
          %add3A_1100 = arith.addi %mul3A_640, %mul3A_1099 : i32
          %get3A_1101 = arith.index_cast %add3A_1100 : i32 to index
          %get3A_1102 = tpu.vector_load %arg8[%get3A_1101] {strides = array<i32>} : memref<100000xf32, #tpu.memory_space<vmem>>, vector<16xf32>,
          %max3A_1103 = arith.maximumf %max3A_1095, %get3A_1102 : vector<16xf32>
          scf.yield %max3A_1103 : vector<16xf32>
        }
        %scan3A_740 = arith.constant 125 : i32
        %reduce_max3A_741 = arith.constant true
        %reduce_max3A_742 = vector.broadcast %reduce_max3A_741 : i1 to vector<16xi1>
        %reduce_max3A_743 = tpu.scan <max>, %scan3A_739 masked %reduce_max3A_742 : vector<16xf32>, vector<16xi1> -> vector<16xf32>
        %reduce_max3A_744 = vector.extract %reduce_max3A_743[15] : f32 from vector<16xf32>
        %iota3A_745 = tpu.iota {dimensions = array<i32: 0>} : vector<16xi32>
        %eq3A_746 = arith.constant 0 : i32
        %eq3A_747 = vector.broadcast %eq3A_746 : i32 to vector<16xi32>
        %eq3A_748 = arith.cmpi eq, %iota3A_745, %eq3A_747 : vector<16xi32>
        %broadcast_in_dim3A_749 = vector.broadcast %add3A_623 : i32 to vector<16xi32>
        %broadcast_in_dim3A_750 = vector.broadcast %reduce_max3A_744 : f32 to vector<16xf32>
        tpu.vector_store_idx %arg10[%broadcast_in_dim3A_749], %broadcast_in_dim3A_750 masked %eq3A_748 : memref<64xf32, #tpu.memory_space<vmem>>[vector<16xi32>], vector<16xf32>, vector<16xi1>
        %max3A_751 = arith.maximumf %max3A_609, %reduce_max3A_744 : f32
        %sub3A_752 = arith.subf %max3A_609, %max3A_751 : f32
        %broadcast_in_dim3A_753 = vector.broadcast %sub3A_752 : f32 to vector<16xf32>
        %exp3A_754 = math.exp %broadcast_in_dim3A_753 : vector<16xf32>
        %mul3A_755 = arith.mulf %scan3A_618, %exp3A_754 : vector<16xf32>
        %scan3A_756 = arith.constant 0 : i32
        %scan3A_757 = arith.constant 125 : i32
        %scan3A_758 = arith.addi %scan3A_756, %scan3A_757 : i32
        %scan3A_759 = arith.constant 25 : i32
        %scan3A_760 = scf.for %scan3A_904 = %scan3A_756 to %scan3A_758 step %scan3A_759 iter_args(%scan3A_905 = %mul3A_755) -> (vector<16xf32>)  : i32 {
          %mul3A_906 = arith.constant 16 : i32
          %mul3A_907 = arith.muli %scan3A_904, %mul3A_906 : i32
          %add3A_908 = arith.addi %mul3A_640, %mul3A_907 : i32
          %get3A_909 = arith.index_cast %add3A_908 : i32 to index
          %get3A_910 = tpu.vector_load %arg8[%get3A_909] {strides = array<i32>} : memref<100000xf32, #tpu.memory_space<vmem>>, vector<16xf32>,
          %sub3A_911 = vector.broadcast %max3A_751 : f32 to vector<16xf32>
          %sub3A_912 = arith.subf %get3A_910, %sub3A_911 : vector<16xf32>
          %exp3A_913 = math.exp %sub3A_912 : vector<16xf32>
          %add3A_914 = arith.addf %scan3A_905, %exp3A_913 : vector<16xf32>
          %scan3A_915 = arith.constant 1 : i32
          %scan3A_916 = arith.addi %scan3A_904, %scan3A_915 : i32
          %mul3A_917 = arith.constant 16 : i32
          %mul3A_918 = arith.muli %scan3A_916, %mul3A_917 : i32
          %add3A_919 = arith.addi %mul3A_640, %mul3A_918 : i32
          %get3A_920 = arith.index_cast %add3A_919 : i32 to index
          %get3A_921 = tpu.vector_load %arg8[%get3A_920] {strides = array<i32>} : memref<100000xf32, #tpu.memory_space<vmem>>, vector<16xf32>,
          %sub3A_922 = vector.broadcast %max3A_751 : f32 to vector<16xf32>
          %sub3A_923 = arith.subf %get3A_921, %sub3A_922 : vector<16xf32>
          %exp3A_924 = math.exp %sub3A_923 : vector<16xf32>
          %add3A_925 = arith.addf %add3A_914, %exp3A_924 : vector<16xf32>
          %scan3A_926 = arith.constant 2 : i32
          %scan3A_927 = arith.addi %scan3A_904, %scan3A_926 : i32
          %mul3A_928 = arith.constant 16 : i32
          %mul3A_929 = arith.muli %scan3A_927, %mul3A_928 : i32
          %add3A_930 = arith.addi %mul3A_640, %mul3A_929 : i32
          %get3A_931 = arith.index_cast %add3A_930 : i32 to index
          %get3A_932 = tpu.vector_load %arg8[%get3A_931] {strides = array<i32>} : memref<100000xf32, #tpu.memory_space<vmem>>, vector<16xf32>,
          %sub3A_933 = vector.broadcast %max3A_751 : f32 to vector<16xf32>
          %sub3A_934 = arith.subf %get3A_932, %sub3A_933 : vector<16xf32>
          %exp3A_935 = math.exp %sub3A_934 : vector<16xf32>
          %add3A_936 = arith.addf %add3A_925, %exp3A_935 : vector<16xf32>
          %scan3A_937 = arith.constant 3 : i32
          %scan3A_938 = arith.addi %scan3A_904, %scan3A_937 : i32
          %mul3A_939 = arith.constant 16 : i32
          %mul3A_940 = arith.muli %scan3A_938, %mul3A_939 : i32
          %add3A_941 = arith.addi %mul3A_640, %mul3A_940 : i32
          %get3A_942 = arith.index_cast %add3A_941 : i32 to index
          %get3A_943 = tpu.vector_load %arg8[%get3A_942] {strides = array<i32>} : memref<100000xf32, #tpu.memory_space<vmem>>, vector<16xf32>,
          %sub3A_944 = vector.broadcast %max3A_751 : f32 to vector<16xf32>
          %sub3A_945 = arith.subf %get3A_943, %sub3A_944 : vector<16xf32>
          %exp3A_946 = math.exp %sub3A_945 : vector<16xf32>
          %add3A_947 = arith.addf %add3A_936, %exp3A_946 : vector<16xf32>
          %scan3A_948 = arith.constant 4 : i32
          %scan3A_949 = arith.addi %scan3A_904, %scan3A_948 : i32
          %mul3A_950 = arith.constant 16 : i32
          %mul3A_951 = arith.muli %scan3A_949, %mul3A_950 : i32
          %add3A_952 = arith.addi %mul3A_640, %mul3A_951 : i32
          %get3A_953 = arith.index_cast %add3A_952 : i32 to index
          %get3A_954 = tpu.vector_load %arg8[%get3A_953] {strides = array<i32>} : memref<100000xf32, #tpu.memory_space<vmem>>, vector<16xf32>,
          %sub3A_955 = vector.broadcast %max3A_751 : f32 to vector<16xf32>
          %sub3A_956 = arith.subf %get3A_954, %sub3A_955 : vector<16xf32>
          %exp3A_957 = math.exp %sub3A_956 : vector<16xf32>
          %add3A_958 = arith.addf %add3A_947, %exp3A_957 : vector<16xf32>
          %scan3A_959 = arith.constant 5 : i32
          %scan3A_960 = arith.addi %scan3A_904, %scan3A_959 : i32
          %mul3A_961 = arith.constant 16 : i32
          %mul3A_962 = arith.muli %scan3A_960, %mul3A_961 : i32
          %add3A_963 = arith.addi %mul3A_640, %mul3A_962 : i32
          %get3A_964 = arith.index_cast %add3A_963 : i32 to index
          %get3A_965 = tpu.vector_load %arg8[%get3A_964] {strides = array<i32>} : memref<100000xf32, #tpu.memory_space<vmem>>, vector<16xf32>,
          %sub3A_966 = vector.broadcast %max3A_751 : f32 to vector<16xf32>
          %sub3A_967 = arith.subf %get3A_965, %sub3A_966 : vector<16xf32>
          %exp3A_968 = math.exp %sub3A_967 : vector<16xf32>
          %add3A_969 = arith.addf %add3A_958, %exp3A_968 : vector<16xf32>
          %scan3A_970 = arith.constant 6 : i32
          %scan3A_971 = arith.addi %scan3A_904, %scan3A_970 : i32
          %mul3A_972 = arith.constant 16 : i32
          %mul3A_973 = arith.muli %scan3A_971, %mul3A_972 : i32
          %add3A_974 = arith.addi %mul3A_640, %mul3A_973 : i32
          %get3A_975 = arith.index_cast %add3A_974 : i32 to index
          %get3A_976 = tpu.vector_load %arg8[%get3A_975] {strides = array<i32>} : memref<100000xf32, #tpu.memory_space<vmem>>, vector<16xf32>,
          %sub3A_977 = vector.broadcast %max3A_751 : f32 to vector<16xf32>
          %sub3A_978 = arith.subf %get3A_976, %sub3A_977 : vector<16xf32>
          %exp3A_979 = math.exp %sub3A_978 : vector<16xf32>
          %add3A_980 = arith.addf %add3A_969, %exp3A_979 : vector<16xf32>
          %scan3A_981 = arith.constant 7 : i32
          %scan3A_982 = arith.addi %scan3A_904, %scan3A_981 : i32
          %mul3A_983 = arith.constant 16 : i32
          %mul3A_984 = arith.muli %scan3A_982, %mul3A_983 : i32
          %add3A_985 = arith.addi %mul3A_640, %mul3A_984 : i32
          %get3A_986 = arith.index_cast %add3A_985 : i32 to index
          %get3A_987 = tpu.vector_load %arg8[%get3A_986] {strides = array<i32>} : memref<100000xf32, #tpu.memory_space<vmem>>, vector<16xf32>,
          %sub3A_988 = vector.broadcast %max3A_751 : f32 to vector<16xf32>
          %sub3A_989 = arith.subf %get3A_987, %sub3A_988 : vector<16xf32>
          %exp3A_990 = math.exp %sub3A_989 : vector<16xf32>
          %add3A_991 = arith.addf %add3A_980, %exp3A_990 : vector<16xf32>
          %scan3A_992 = arith.constant 8 : i32
          %scan3A_993 = arith.addi %scan3A_904, %scan3A_992 : i32
          %mul3A_994 = arith.constant 16 : i32
          %mul3A_995 = arith.muli %scan3A_993, %mul3A_994 : i32
          %add3A_996 = arith.addi %mul3A_640, %mul3A_995 : i32
          %get3A_997 = arith.index_cast %add3A_996 : i32 to index
          %get3A_998 = tpu.vector_load %arg8[%get3A_997] {strides = array<i32>} : memref<100000xf32, #tpu.memory_space<vmem>>, vector<16xf32>,
          %sub3A_999 = vector.broadcast %max3A_751 : f32 to vector<16xf32>
          %sub3A_1000 = arith.subf %get3A_998, %sub3A_999 : vector<16xf32>
          %exp3A_1001 = math.exp %sub3A_1000 : vector<16xf32>
          %add3A_1002 = arith.addf %add3A_991, %exp3A_1001 : vector<16xf32>
          %scan3A_1003 = arith.constant 9 : i32
          %scan3A_1004 = arith.addi %scan3A_904, %scan3A_1003 : i32
          %mul3A_1005 = arith.constant 16 : i32
          %mul3A_1006 = arith.muli %scan3A_1004, %mul3A_1005 : i32
          %add3A_1007 = arith.addi %mul3A_640, %mul3A_1006 : i32
          %get3A_1008 = arith.index_cast %add3A_1007 : i32 to index
          %get3A_1009 = tpu.vector_load %arg8[%get3A_1008] {strides = array<i32>} : memref<100000xf32, #tpu.memory_space<vmem>>, vector<16xf32>,
          %sub3A_1010 = vector.broadcast %max3A_751 : f32 to vector<16xf32>
          %sub3A_1011 = arith.subf %get3A_1009, %sub3A_1010 : vector<16xf32>
          %exp3A_1012 = math.exp %sub3A_1011 : vector<16xf32>
          %add3A_1013 = arith.addf %add3A_1002, %exp3A_1012 : vector<16xf32>
          %scan3A_1014 = arith.constant 10 : i32
          %scan3A_1015 = arith.addi %scan3A_904, %scan3A_1014 : i32
          %mul3A_1016 = arith.constant 16 : i32
          %mul3A_1017 = arith.muli %scan3A_1015, %mul3A_1016 : i32
          %add3A_1018 = arith.addi %mul3A_640, %mul3A_1017 : i32
          %get3A_1019 = arith.index_cast %add3A_1018 : i32 to index
          %get3A_1020 = tpu.vector_load %arg8[%get3A_1019] {strides = array<i32>} : memref<100000xf32, #tpu.memory_space<vmem>>, vector<16xf32>,
          %sub3A_1021 = vector.broadcast %max3A_751 : f32 to vector<16xf32>
          %sub3A_1022 = arith.subf %get3A_1020, %sub3A_1021 : vector<16xf32>
          %exp3A_1023 = math.exp %sub3A_1022 : vector<16xf32>
          %add3A_1024 = arith.addf %add3A_1013, %exp3A_1023 : vector<16xf32>
          %scan3A_1025 = arith.constant 11 : i32
          %scan3A_1026 = arith.addi %scan3A_904, %scan3A_1025 : i32
          %mul3A_1027 = arith.constant 16 : i32
          %mul3A_1028 = arith.muli %scan3A_1026, %mul3A_1027 : i32
          %add3A_1029 = arith.addi %mul3A_640, %mul3A_1028 : i32
          %get3A_1030 = arith.index_cast %add3A_1029 : i32 to index
          %get3A_1031 = tpu.vector_load %arg8[%get3A_1030] {strides = array<i32>} : memref<100000xf32, #tpu.memory_space<vmem>>, vector<16xf32>,
          %sub3A_1032 = vector.broadcast %max3A_751 : f32 to vector<16xf32>
          %sub3A_1033 = arith.subf %get3A_1031, %sub3A_1032 : vector<16xf32>
          %exp3A_1034 = math.exp %sub3A_1033 : vector<16xf32>
          %add3A_1035 = arith.addf %add3A_1024, %exp3A_1034 : vector<16xf32>
          %scan3A_1036 = arith.constant 12 : i32
          %scan3A_1037 = arith.addi %scan3A_904, %scan3A_1036 : i32
          %mul3A_1038 = arith.constant 16 : i32
          %mul3A_1039 = arith.muli %scan3A_1037, %mul3A_1038 : i32
          %add3A_1040 = arith.addi %mul3A_640, %mul3A_1039 : i32
          %get3A_1041 = arith.index_cast %add3A_1040 : i32 to index
          %get3A_1042 = tpu.vector_load %arg8[%get3A_1041] {strides = array<i32>} : memref<100000xf32, #tpu.memory_space<vmem>>, vector<16xf32>,
          %sub3A_1043 = vector.broadcast %max3A_751 : f32 to vector<16xf32>
          %sub3A_1044 = arith.subf %get3A_1042, %sub3A_1043 : vector<16xf32>
          %exp3A_1045 = math.exp %sub3A_1044 : vector<16xf32>
          %add3A_1046 = arith.addf %add3A_1035, %exp3A_1045 : vector<16xf32>
          %scan3A_1047 = arith.constant 13 : i32
          %scan3A_1048 = arith.addi %scan3A_904, %scan3A_1047 : i32
          %mul3A_1049 = arith.constant 16 : i32
          %mul3A_1050 = arith.muli %scan3A_1048, %mul3A_1049 : i32
          %add3A_1051 = arith.addi %mul3A_640, %mul3A_1050 : i32
          %get3A_1052 = arith.index_cast %add3A_1051 : i32 to index
          %get3A_1053 = tpu.vector_load %arg8[%get3A_1052] {strides = array<i32>} : memref<100000xf32, #tpu.memory_space<vmem>>, vector<16xf32>,
          %sub3A_1054 = vector.broadcast %max3A_751 : f32 to vector<16xf32>
          %sub3A_1055 = arith.subf %get3A_1053, %sub3A_1054 : vector<16xf32>
          %exp3A_1056 = math.exp %sub3A_1055 : vector<16xf32>
          %add3A_1057 = arith.addf %add3A_1046, %exp3A_1056 : vector<16xf32>
          %scan3A_1058 = arith.constant 14 : i32
          %scan3A_1059 = arith.addi %scan3A_904, %scan3A_1058 : i32
          %mul3A_1060 = arith.constant 16 : i32
          %mul3A_1061 = arith.muli %scan3A_1059, %mul3A_1060 : i32
          %add3A_1062 = arith.addi %mul3A_640, %mul3A_1061 : i32
          %get3A_1063 = arith.index_cast %add3A_1062 : i32 to index
          %get3A_1064 = tpu.vector_load %arg8[%get3A_1063] {strides = array<i32>} : memref<100000xf32, #tpu.memory_space<vmem>>, vector<16xf32>,
          %sub3A_1065 = vector.broadcast %max3A_751 : f32 to vector<16xf32>
          %sub3A_1066 = arith.subf %get3A_1064, %sub3A_1065 : vector<16xf32>
          %exp3A_1067 = math.exp %sub3A_1066 : vector<16xf32>
          %add3A_1068 = arith.addf %add3A_1057, %exp3A_1067 : vector<16xf32>
          %scan3A_1069 = arith.constant 15 : i32
          %scan3A_1070 = arith.addi %scan3A_904, %scan3A_1069 : i32
          %mul3A_1071 = arith.constant 16 : i32
          %mul3A_1072 = arith.muli %scan3A_1070, %mul3A_1071 : i32
          %add3A_1073 = arith.addi %mul3A_640, %mul3A_1072 : i32
          %get3A_1074 = arith.index_cast %add3A_1073 : i32 to index
          %get3A_1075 = tpu.vector_load %arg8[%get3A_1074] {strides = array<i32>} : memref<100000xf32, #tpu.memory_space<vmem>>, vector<16xf32>,
          %sub3A_1076 = vector.broadcast %max3A_751 : f32 to vector<16xf32>
          %sub3A_1077 = arith.subf %get3A_1075, %sub3A_1076 : vector<16xf32>
          %exp3A_1078 = math.exp %sub3A_1077 : vector<16xf32>
          %add3A_1079 = arith.addf %add3A_1068, %exp3A_1078 : vector<16xf32>
          %scan3A_1080 = arith.constant 16 : i32
          %scan3A_1081 = arith.addi %scan3A_904, %scan3A_1080 : i32
          %mul3A_1082 = arith.constant 16 : i32
          %mul3A_1083 = arith.muli %scan3A_1081, %mul3A_1082 : i32
          %add3A_1084 = arith.addi %mul3A_640, %mul3A_1083 : i32
          %get3A_1085 = arith.index_cast %add3A_1084 : i32 to index
          %get3A_1086 = tpu.vector_load %arg8[%get3A_1085] {strides = array<i32>} : memref<100000xf32, #tpu.memory_space<vmem>>, vector<16xf32>,
          %sub3A_1087 = vector.broadcast %max3A_751 : f32 to vector<16xf32>
          %sub3A_1088 = arith.subf %get3A_1086, %sub3A_1087 : vector<16xf32>
          %exp3A_1089 = math.exp %sub3A_1088 : vector<16xf32>
          %add3A_1090 = arith.addf %add3A_1079, %exp3A_1089 : vector<16xf32>
          %scan3A_1091 = arith.constant 17 : i32
          %scan3A_1092 = arith.addi %scan3A_904, %scan3A_1091 : i32
          %mul3A_1093 = arith.constant 16 : i32
          %mul3A_1094 = arith.muli %scan3A_1092, %mul3A_1093 : i32
          %add3A_1095 = arith.addi %mul3A_640, %mul3A_1094 : i32
          %get3A_1096 = arith.index_cast %add3A_1095 : i32 to index
          %get3A_1097 = tpu.vector_load %arg8[%get3A_1096] {strides = array<i32>} : memref<100000xf32, #tpu.memory_space<vmem>>, vector<16xf32>,
          %sub3A_1098 = vector.broadcast %max3A_751 : f32 to vector<16xf32>
          %sub3A_1099 = arith.subf %get3A_1097, %sub3A_1098 : vector<16xf32>
          %exp3A_1100 = math.exp %sub3A_1099 : vector<16xf32>
          %add3A_1101 = arith.addf %add3A_1090, %exp3A_1100 : vector<16xf32>
          %scan3A_1102 = arith.constant 18 : i32
          %scan3A_1103 = arith.addi %scan3A_904, %scan3A_1102 : i32
          %mul3A_1104 = arith.constant 16 : i32
          %mul3A_1105 = arith.muli %scan3A_1103, %mul3A_1104 : i32
          %add3A_1106 = arith.addi %mul3A_640, %mul3A_1105 : i32
          %get3A_1107 = arith.index_cast %add3A_1106 : i32 to index
          %get3A_1108 = tpu.vector_load %arg8[%get3A_1107] {strides = array<i32>} : memref<100000xf32, #tpu.memory_space<vmem>>, vector<16xf32>,
          %sub3A_1109 = vector.broadcast %max3A_751 : f32 to vector<16xf32>
          %sub3A_1110 = arith.subf %get3A_1108, %sub3A_1109 : vector<16xf32>
          %exp3A_1111 = math.exp %sub3A_1110 : vector<16xf32>
          %add3A_1112 = arith.addf %add3A_1101, %exp3A_1111 : vector<16xf32>
          %scan3A_1113 = arith.constant 19 : i32
          %scan3A_1114 = arith.addi %scan3A_904, %scan3A_1113 : i32
          %mul3A_1115 = arith.constant 16 : i32
          %mul3A_1116 = arith.muli %scan3A_1114, %mul3A_1115 : i32
          %add3A_1117 = arith.addi %mul3A_640, %mul3A_1116 : i32
          %get3A_1118 = arith.index_cast %add3A_1117 : i32 to index
          %get3A_1119 = tpu.vector_load %arg8[%get3A_1118] {strides = array<i32>} : memref<100000xf32, #tpu.memory_space<vmem>>, vector<16xf32>,
          %sub3A_1120 = vector.broadcast %max3A_751 : f32 to vector<16xf32>
          %sub3A_1121 = arith.subf %get3A_1119, %sub3A_1120 : vector<16xf32>
          %exp3A_1122 = math.exp %sub3A_1121 : vector<16xf32>
          %add3A_1123 = arith.addf %add3A_1112, %exp3A_1122 : vector<16xf32>
          %scan3A_1124 = arith.constant 20 : i32
          %scan3A_1125 = arith.addi %scan3A_904, %scan3A_1124 : i32
          %mul3A_1126 = arith.constant 16 : i32
          %mul3A_1127 = arith.muli %scan3A_1125, %mul3A_1126 : i32
          %add3A_1128 = arith.addi %mul3A_640, %mul3A_1127 : i32
          %get3A_1129 = arith.index_cast %add3A_1128 : i32 to index
          %get3A_1130 = tpu.vector_load %arg8[%get3A_1129] {strides = array<i32>} : memref<100000xf32, #tpu.memory_space<vmem>>, vector<16xf32>,
          %sub3A_1131 = vector.broadcast %max3A_751 : f32 to vector<16xf32>
          %sub3A_1132 = arith.subf %get3A_1130, %sub3A_1131 : vector<16xf32>
          %exp3A_1133 = math.exp %sub3A_1132 : vector<16xf32>
          %add3A_1134 = arith.addf %add3A_1123, %exp3A_1133 : vector<16xf32>
          %scan3A_1135 = arith.constant 21 : i32
          %scan3A_1136 = arith.addi %scan3A_904, %scan3A_1135 : i32
          %mul3A_1137 = arith.constant 16 : i32
          %mul3A_1138 = arith.muli %scan3A_1136, %mul3A_1137 : i32
          %add3A_1139 = arith.addi %mul3A_640, %mul3A_1138 : i32
          %get3A_1140 = arith.index_cast %add3A_1139 : i32 to index
          %get3A_1141 = tpu.vector_load %arg8[%get3A_1140] {strides = array<i32>} : memref<100000xf32, #tpu.memory_space<vmem>>, vector<16xf32>,
          %sub3A_1142 = vector.broadcast %max3A_751 : f32 to vector<16xf32>
          %sub3A_1143 = arith.subf %get3A_1141, %sub3A_1142 : vector<16xf32>
          %exp3A_1144 = math.exp %sub3A_1143 : vector<16xf32>
          %add3A_1145 = arith.addf %add3A_1134, %exp3A_1144 : vector<16xf32>
          %scan3A_1146 = arith.constant 22 : i32
          %scan3A_1147 = arith.addi %scan3A_904, %scan3A_1146 : i32
          %mul3A_1148 = arith.constant 16 : i32
          %mul3A_1149 = arith.muli %scan3A_1147, %mul3A_1148 : i32
          %add3A_1150 = arith.addi %mul3A_640, %mul3A_1149 : i32
          %get3A_1151 = arith.index_cast %add3A_1150 : i32 to index
          %get3A_1152 = tpu.vector_load %arg8[%get3A_1151] {strides = array<i32>} : memref<100000xf32, #tpu.memory_space<vmem>>, vector<16xf32>,
          %sub3A_1153 = vector.broadcast %max3A_751 : f32 to vector<16xf32>
          %sub3A_1154 = arith.subf %get3A_1152, %sub3A_1153 : vector<16xf32>
          %exp3A_1155 = math.exp %sub3A_1154 : vector<16xf32>
          %add3A_1156 = arith.addf %add3A_1145, %exp3A_1155 : vector<16xf32>
          %scan3A_1157 = arith.constant 23 : i32
          %scan3A_1158 = arith.addi %scan3A_904, %scan3A_1157 : i32
          %mul3A_1159 = arith.constant 16 : i32
          %mul3A_1160 = arith.muli %scan3A_1158, %mul3A_1159 : i32
          %add3A_1161 = arith.addi %mul3A_640, %mul3A_1160 : i32
          %get3A_1162 = arith.index_cast %add3A_1161 : i32 to index
          %get3A_1163 = tpu.vector_load %arg8[%get3A_1162] {strides = array<i32>} : memref<100000xf32, #tpu.memory_space<vmem>>, vector<16xf32>,
          %sub3A_1164 = vector.broadcast %max3A_751 : f32 to vector<16xf32>
          %sub3A_1165 = arith.subf %get3A_1163, %sub3A_1164 : vector<16xf32>
          %exp3A_1166 = math.exp %sub3A_1165 : vector<16xf32>
          %add3A_1167 = arith.addf %add3A_1156, %exp3A_1166 : vector<16xf32>
          %scan3A_1168 = arith.constant 24 : i32
          %scan3A_1169 = arith.addi %scan3A_904, %scan3A_1168 : i32
          %mul3A_1170 = arith.constant 16 : i32
          %mul3A_1171 = arith.muli %scan3A_1169, %mul3A_1170 : i32
          %add3A_1172 = arith.addi %mul3A_640, %mul3A_1171 : i32
          %get3A_1173 = arith.index_cast %add3A_1172 : i32 to index
          %get3A_1174 = tpu.vector_load %arg8[%get3A_1173] {strides = array<i32>} : memref<100000xf32, #tpu.memory_space<vmem>>, vector<16xf32>,
          %sub3A_1175 = vector.broadcast %max3A_751 : f32 to vector<16xf32>
          %sub3A_1176 = arith.subf %get3A_1174, %sub3A_1175 : vector<16xf32>
          %exp3A_1177 = math.exp %sub3A_1176 : vector<16xf32>
          %add3A_1178 = arith.addf %add3A_1167, %exp3A_1177 : vector<16xf32>
          scf.yield %add3A_1178 : vector<16xf32>
        }
        %scan3A_761 = arith.constant 125 : i32
        %mul3A_762 = arith.constant 5 : i32
        %mul3A_763 = arith.muli %scan3A_204, %mul3A_762 : i32
        %add3A_764 = arith.constant 4 : i32
        %add3A_765 = arith.addi %mul3A_763, %add3A_764 : i32
        %dma_wait3A_766 = arith.constant 0 : i32
        %dma_wait3A_767 = tpu.memref_slice %arg8[%dma_wait3A_766] : memref<100000xf32, #tpu.memory_space<vmem>> -> memref<2000xf32, #tpu.memory_space<vmem>>
        %dma_wait3A_768 = arith.constant 0 : i32
        %dma_wait3A_769 = tpu.memref_slice %arg2[%dma_wait3A_768] : memref<25600000xf32, #tpu.memory_space<hbm>> -> memref<2000xf32, #tpu.memory_space<hbm>>
        %dma_wait3A_770 = arith.constant 0 : i32
        %dma_wait3A_771 = tpu.memref_slice %arg8[%dma_wait3A_770] : memref<100000xf32, #tpu.memory_space<vmem>> -> memref<2000xf32, #tpu.memory_space<vmem>>
        %dma_wait3A_772 = arith.constant 0 : i32
        %dma_wait3A_773 = tpu.memref_slice %arg2[%dma_wait3A_772] : memref<25600000xf32, #tpu.memory_space<hbm>> -> memref<2000xf32, #tpu.memory_space<hbm>>
        tpu.wait_dma2 semaphore(%arg22 : memref<!tpu.dma_semaphore, #tpu.memory_space<semaphore_mem>>) src(%dma_wait3A_773 : memref<2000xf32, #tpu.memory_space<hbm>>) dst(%dma_wait3A_771 : memref<2000xf32, #tpu.memory_space<vmem>>)
        %add3A_774 = arith.constant 5 : i32
        %add3A_775 = arith.addi %add3A_765, %add3A_774 : i32
        %lt3A_776 = arith.constant 50 : i32
        %lt3A_777 = arith.cmpi slt, %add3A_775, %lt3A_776 : i32
        %convert_element_type3A_778 = arith.extui %lt3A_777 : i1 to i32
        %cond3A_779 = arith.constant 0 : i32
        %cond3A_780 = arith.cmpi ne, %convert_element_type3A_778, %cond3A_779 : i32
        scf.if %cond3A_780 {
          %mul3A_904 = arith.constant 100000 : i32
          %mul3A_905 = arith.muli %add3A_15, %mul3A_904 : i32
          %mul3A_906 = arith.constant 2000 : i32
          %mul3A_907 = arith.muli %add3A_775, %mul3A_906 : i32
          %add3A_908 = arith.addi %mul3A_905, %mul3A_907 : i32
          %mul3A_909 = arith.constant 2000 : i32
          %mul3A_910 = arith.muli %add3A_775, %mul3A_909 : i32
          %dma_start3A_911 = tpu.memref_slice %arg8[%mul3A_910] : memref<100000xf32, #tpu.memory_space<vmem>> -> memref<2000xf32, #tpu.memory_space<vmem>>
          %dma_start3A_912 = tpu.memref_slice %arg2[%add3A_908] : memref<25600000xf32, #tpu.memory_space<hbm>> -> memref<2000xf32, #tpu.memory_space<hbm>>
          %dma_start3A_913 = tpu.memref_slice %arg8[%mul3A_910] : memref<100000xf32, #tpu.memory_space<vmem>> -> memref<2000xf32, #tpu.memory_space<vmem>>
          %dma_start3A_914 = tpu.memref_slice %arg2[%add3A_908] : memref<25600000xf32, #tpu.memory_space<hbm>> -> memref<2000xf32, #tpu.memory_space<hbm>>
          tpu.enqueue_dma source(%dma_start3A_914 : memref<2000xf32, #tpu.memory_space<hbm>>) target(%dma_start3A_913 : memref<2000xf32, #tpu.memory_space<vmem>>) target_semaphore(%arg22 : memref<!tpu.dma_semaphore, #tpu.memory_space<semaphore_mem>>)
        } else {
        }
        %mul3A_781 = arith.constant 2000 : i32
        %mul3A_782 = arith.muli %add3A_765, %mul3A_781 : i32
        %get3A_783 = arith.constant 0 : index
        %get3A_784 = tpu.vector_load %arg9[%get3A_783] {strides = array<i32>} : memref<64xi32, #tpu.memory_space<vmem>>, vector<16xi32>,
        %ge3A_785 = vector.broadcast %mul3A_782 : i32 to vector<16xi32>
        %ge3A_786 = arith.cmpi sge, %get3A_784, %ge3A_785 : vector<16xi32>
        %add3A_787 = arith.constant 2000 : i32
        %add3A_788 = arith.addi %mul3A_782, %add3A_787 : i32
        %lt3A_789 = vector.broadcast %add3A_788 : i32 to vector<16xi32>
        %lt3A_790 = arith.cmpi slt, %get3A_784, %lt3A_789 : vector<16xi32>
        %and3A_791 = arith.andi %ge3A_786, %lt3A_790 : vector<16xi1>
        %jit3A_792 = arith.constant 0 : i32
        %broadcast_in_dim3A_793 = vector.broadcast %jit3A_792 : i32 to vector<16xi32>
        %select_n3A_794 = arith.select %and3A_791, %get3A_784, %broadcast_in_dim3A_793 : vector<16xi1>, vector<16xi32>
        %gather3A_795 = tpu.vector_load_idx %arg8[%select_n3A_794] masked %and3A_791 : memref<100000xf32, #tpu.memory_space<vmem>>[vector<16xi32>], vector<16xf32>, vector<16xi1>
        %lt3A_796 = arith.constant 0.000000e+00 : f32
        %lt3A_797 = vector.broadcast %lt3A_796 : f32 to vector<16xf32>
        %lt3A_798 = arith.cmpf olt, %gather3A_795, %lt3A_797 : vector<16xf32>
        %mul3A_799 = arith.constant 1.200000e+00 : f32
        %mul3A_800 = vector.broadcast %mul3A_799 : f32 to vector<16xf32>
        %mul3A_801 = arith.mulf %gather3A_795, %mul3A_800 : vector<16xf32>
        %mul3A_802 = arith.constant 0.833333313 : f32
        %mul3A_803 = vector.broadcast %mul3A_802 : f32 to vector<16xf32>
        %mul3A_804 = arith.mulf %gather3A_795, %mul3A_803 : vector<16xf32>
        %select_n3A_805 = arith.select %lt3A_798, %mul3A_801, %mul3A_804 : vector<16xi1>, vector<16xf32>
        tpu.vector_store_idx %arg8[%select_n3A_794], %select_n3A_805 masked %and3A_791 : memref<100000xf32, #tpu.memory_space<vmem>>[vector<16xi32>], vector<16xf32>, vector<16xi1>
        %get3A_806 = arith.constant 16 : index
        %get3A_807 = tpu.vector_load %arg9[%get3A_806] {strides = array<i32>} : memref<64xi32, #tpu.memory_space<vmem>>, vector<16xi32>,
        %ge3A_808 = vector.broadcast %mul3A_782 : i32 to vector<16xi32>
        %ge3A_809 = arith.cmpi sge, %get3A_807, %ge3A_808 : vector<16xi32>
        %add3A_810 = arith.constant 2000 : i32
        %add3A_811 = arith.addi %mul3A_782, %add3A_810 : i32
        %lt3A_812 = vector.broadcast %add3A_811 : i32 to vector<16xi32>
        %lt3A_813 = arith.cmpi slt, %get3A_807, %lt3A_812 : vector<16xi32>
        %and3A_814 = arith.andi %ge3A_809, %lt3A_813 : vector<16xi1>
        %jit3A_815 = arith.constant 0 : i32
        %broadcast_in_dim3A_816 = vector.broadcast %jit3A_815 : i32 to vector<16xi32>
        %select_n3A_817 = arith.select %and3A_814, %get3A_807, %broadcast_in_dim3A_816 : vector<16xi1>, vector<16xi32>
        %gather3A_818 = tpu.vector_load_idx %arg8[%select_n3A_817] masked %and3A_814 : memref<100000xf32, #tpu.memory_space<vmem>>[vector<16xi32>], vector<16xf32>, vector<16xi1>
        %lt3A_819 = arith.constant 0.000000e+00 : f32
        %lt3A_820 = vector.broadcast %lt3A_819 : f32 to vector<16xf32>
        %lt3A_821 = arith.cmpf olt, %gather3A_818, %lt3A_820 : vector<16xf32>
        %mul3A_822 = arith.constant 1.200000e+00 : f32
        %mul3A_823 = vector.broadcast %mul3A_822 : f32 to vector<16xf32>
        %mul3A_824 = arith.mulf %gather3A_818, %mul3A_823 : vector<16xf32>
        %mul3A_825 = arith.constant 0.833333313 : f32
        %mul3A_826 = vector.broadcast %mul3A_825 : f32 to vector<16xf32>
        %mul3A_827 = arith.mulf %gather3A_818, %mul3A_826 : vector<16xf32>
        %select_n3A_828 = arith.select %lt3A_821, %mul3A_824, %mul3A_827 : vector<16xi1>, vector<16xf32>
        tpu.vector_store_idx %arg8[%select_n3A_817], %select_n3A_828 masked %and3A_814 : memref<100000xf32, #tpu.memory_space<vmem>>[vector<16xi32>], vector<16xf32>, vector<16xi1>
        %get3A_829 = arith.constant 32 : index
        %get3A_830 = tpu.vector_load %arg9[%get3A_829] {strides = array<i32>} : memref<64xi32, #tpu.memory_space<vmem>>, vector<16xi32>,
        %ge3A_831 = vector.broadcast %mul3A_782 : i32 to vector<16xi32>
        %ge3A_832 = arith.cmpi sge, %get3A_830, %ge3A_831 : vector<16xi32>
        %add3A_833 = arith.constant 2000 : i32
        %add3A_834 = arith.addi %mul3A_782, %add3A_833 : i32
        %lt3A_835 = vector.broadcast %add3A_834 : i32 to vector<16xi32>
        %lt3A_836 = arith.cmpi slt, %get3A_830, %lt3A_835 : vector<16xi32>
        %and3A_837 = arith.andi %ge3A_832, %lt3A_836 : vector<16xi1>
        %jit3A_838 = arith.constant 0 : i32
        %broadcast_in_dim3A_839 = vector.broadcast %jit3A_838 : i32 to vector<16xi32>
        %select_n3A_840 = arith.select %and3A_837, %get3A_830, %broadcast_in_dim3A_839 : vector<16xi1>, vector<16xi32>
        %gather3A_841 = tpu.vector_load_idx %arg8[%select_n3A_840] masked %and3A_837 : memref<100000xf32, #tpu.memory_space<vmem>>[vector<16xi32>], vector<16xf32>, vector<16xi1>
        %lt3A_842 = arith.constant 0.000000e+00 : f32
        %lt3A_843 = vector.broadcast %lt3A_842 : f32 to vector<16xf32>
        %lt3A_844 = arith.cmpf olt, %gather3A_841, %lt3A_843 : vector<16xf32>
        %mul3A_845 = arith.constant 1.200000e+00 : f32
        %mul3A_846 = vector.broadcast %mul3A_845 : f32 to vector<16xf32>
        %mul3A_847 = arith.mulf %gather3A_841, %mul3A_846 : vector<16xf32>
        %mul3A_848 = arith.constant 0.833333313 : f32
        %mul3A_849 = vector.broadcast %mul3A_848 : f32 to vector<16xf32>
        %mul3A_850 = arith.mulf %gather3A_841, %mul3A_849 : vector<16xf32>
        %select_n3A_851 = arith.select %lt3A_844, %mul3A_847, %mul3A_850 : vector<16xi1>, vector<16xf32>
        tpu.vector_store_idx %arg8[%select_n3A_840], %select_n3A_851 masked %and3A_837 : memref<100000xf32, #tpu.memory_space<vmem>>[vector<16xi32>], vector<16xf32>, vector<16xi1>
        %get3A_852 = arith.constant 48 : index
        %get3A_853 = tpu.vector_load %arg9[%get3A_852] {strides = array<i32>} : memref<64xi32, #tpu.memory_space<vmem>>, vector<16xi32>,
        %ge3A_854 = vector.broadcast %mul3A_782 : i32 to vector<16xi32>
        %ge3A_855 = arith.cmpi sge, %get3A_853, %ge3A_854 : vector<16xi32>
        %add3A_856 = arith.constant 2000 : i32
        %add3A_857 = arith.addi %mul3A_782, %add3A_856 : i32
        %lt3A_858 = vector.broadcast %add3A_857 : i32 to vector<16xi32>
        %lt3A_859 = arith.cmpi slt, %get3A_853, %lt3A_858 : vector<16xi32>
        %and3A_860 = arith.andi %ge3A_855, %lt3A_859 : vector<16xi1>
        %jit3A_861 = arith.constant 0 : i32
        %broadcast_in_dim3A_862 = vector.broadcast %jit3A_861 : i32 to vector<16xi32>
        %select_n3A_863 = arith.select %and3A_860, %get3A_853, %broadcast_in_dim3A_862 : vector<16xi1>, vector<16xi32>
        %gather3A_864 = tpu.vector_load_idx %arg8[%select_n3A_863] masked %and3A_860 : memref<100000xf32, #tpu.memory_space<vmem>>[vector<16xi32>], vector<16xf32>, vector<16xi1>
        %lt3A_865 = arith.constant 0.000000e+00 : f32
        %lt3A_866 = vector.broadcast %lt3A_865 : f32 to vector<16xf32>
        %lt3A_867 = arith.cmpf olt, %gather3A_864, %lt3A_866 : vector<16xf32>
        %mul3A_868 = arith.constant 1.200000e+00 : f32
        %mul3A_869 = vector.broadcast %mul3A_868 : f32 to vector<16xf32>
        %mul3A_870 = arith.mulf %gather3A_864, %mul3A_869 : vector<16xf32>
        %mul3A_871 = arith.constant 0.833333313 : f32
        %mul3A_872 = vector.broadcast %mul3A_871 : f32 to vector<16xf32>
        %mul3A_873 = arith.mulf %gather3A_864, %mul3A_872 : vector<16xf32>
        %select_n3A_874 = arith.select %lt3A_867, %mul3A_870, %mul3A_873 : vector<16xi1>, vector<16xf32>
        tpu.vector_store_idx %arg8[%select_n3A_863], %select_n3A_874 masked %and3A_860 : memref<100000xf32, #tpu.memory_space<vmem>>[vector<16xi32>], vector<16xf32>, vector<16xi1>
        %broadcast_in_dim3A_875 = arith.constant -3.000000e+38 : f32
        %broadcast_in_dim3A_876 = vector.broadcast %broadcast_in_dim3A_875 : f32 to vector<16xf32>
        %scan3A_877 = arith.constant 0 : i32
        %scan3A_878 = arith.constant 125 : i32
        %scan3A_879 = arith.addi %scan3A_877, %scan3A_878 : i32
        %scan3A_880 = arith.constant 25 : i32
        %scan3A_881 = scf.for %scan3A_904 = %scan3A_877 to %scan3A_879 step %scan3A_880 iter_args(%scan3A_905 = %broadcast_in_dim3A_876) -> (vector<16xf32>)  : i32 {
          %mul3A_906 = arith.constant 16 : i32
          %mul3A_907 = arith.muli %scan3A_904, %mul3A_906 : i32
          %add3A_908 = arith.addi %mul3A_782, %mul3A_907 : i32
          %get3A_909 = arith.index_cast %add3A_908 : i32 to index
          %get3A_910 = tpu.vector_load %arg8[%get3A_909] {strides = array<i32>} : memref<100000xf32, #tpu.memory_space<vmem>>, vector<16xf32>,
          %max3A_911 = arith.maximumf %scan3A_905, %get3A_910 : vector<16xf32>
          %scan3A_912 = arith.constant 1 : i32
          %scan3A_913 = arith.addi %scan3A_904, %scan3A_912 : i32
          %mul3A_914 = arith.constant 16 : i32
          %mul3A_915 = arith.muli %scan3A_913, %mul3A_914 : i32
          %add3A_916 = arith.addi %mul3A_782, %mul3A_915 : i32
          %get3A_917 = arith.index_cast %add3A_916 : i32 to index
          %get3A_918 = tpu.vector_load %arg8[%get3A_917] {strides = array<i32>} : memref<100000xf32, #tpu.memory_space<vmem>>, vector<16xf32>,
          %max3A_919 = arith.maximumf %max3A_911, %get3A_918 : vector<16xf32>
          %scan3A_920 = arith.constant 2 : i32
          %scan3A_921 = arith.addi %scan3A_904, %scan3A_920 : i32
          %mul3A_922 = arith.constant 16 : i32
          %mul3A_923 = arith.muli %scan3A_921, %mul3A_922 : i32
          %add3A_924 = arith.addi %mul3A_782, %mul3A_923 : i32
          %get3A_925 = arith.index_cast %add3A_924 : i32 to index
          %get3A_926 = tpu.vector_load %arg8[%get3A_925] {strides = array<i32>} : memref<100000xf32, #tpu.memory_space<vmem>>, vector<16xf32>,
          %max3A_927 = arith.maximumf %max3A_919, %get3A_926 : vector<16xf32>
          %scan3A_928 = arith.constant 3 : i32
          %scan3A_929 = arith.addi %scan3A_904, %scan3A_928 : i32
          %mul3A_930 = arith.constant 16 : i32
          %mul3A_931 = arith.muli %scan3A_929, %mul3A_930 : i32
          %add3A_932 = arith.addi %mul3A_782, %mul3A_931 : i32
          %get3A_933 = arith.index_cast %add3A_932 : i32 to index
          %get3A_934 = tpu.vector_load %arg8[%get3A_933] {strides = array<i32>} : memref<100000xf32, #tpu.memory_space<vmem>>, vector<16xf32>,
          %max3A_935 = arith.maximumf %max3A_927, %get3A_934 : vector<16xf32>
          %scan3A_936 = arith.constant 4 : i32
          %scan3A_937 = arith.addi %scan3A_904, %scan3A_936 : i32
          %mul3A_938 = arith.constant 16 : i32
          %mul3A_939 = arith.muli %scan3A_937, %mul3A_938 : i32
          %add3A_940 = arith.addi %mul3A_782, %mul3A_939 : i32
          %get3A_941 = arith.index_cast %add3A_940 : i32 to index
          %get3A_942 = tpu.vector_load %arg8[%get3A_941] {strides = array<i32>} : memref<100000xf32, #tpu.memory_space<vmem>>, vector<16xf32>,
          %max3A_943 = arith.maximumf %max3A_935, %get3A_942 : vector<16xf32>
          %scan3A_944 = arith.constant 5 : i32
          %scan3A_945 = arith.addi %scan3A_904, %scan3A_944 : i32
          %mul3A_946 = arith.constant 16 : i32
          %mul3A_947 = arith.muli %scan3A_945, %mul3A_946 : i32
          %add3A_948 = arith.addi %mul3A_782, %mul3A_947 : i32
          %get3A_949 = arith.index_cast %add3A_948 : i32 to index
          %get3A_950 = tpu.vector_load %arg8[%get3A_949] {strides = array<i32>} : memref<100000xf32, #tpu.memory_space<vmem>>, vector<16xf32>,
          %max3A_951 = arith.maximumf %max3A_943, %get3A_950 : vector<16xf32>
          %scan3A_952 = arith.constant 6 : i32
          %scan3A_953 = arith.addi %scan3A_904, %scan3A_952 : i32
          %mul3A_954 = arith.constant 16 : i32
          %mul3A_955 = arith.muli %scan3A_953, %mul3A_954 : i32
          %add3A_956 = arith.addi %mul3A_782, %mul3A_955 : i32
          %get3A_957 = arith.index_cast %add3A_956 : i32 to index
          %get3A_958 = tpu.vector_load %arg8[%get3A_957] {strides = array<i32>} : memref<100000xf32, #tpu.memory_space<vmem>>, vector<16xf32>,
          %max3A_959 = arith.maximumf %max3A_951, %get3A_958 : vector<16xf32>
          %scan3A_960 = arith.constant 7 : i32
          %scan3A_961 = arith.addi %scan3A_904, %scan3A_960 : i32
          %mul3A_962 = arith.constant 16 : i32
          %mul3A_963 = arith.muli %scan3A_961, %mul3A_962 : i32
          %add3A_964 = arith.addi %mul3A_782, %mul3A_963 : i32
          %get3A_965 = arith.index_cast %add3A_964 : i32 to index
          %get3A_966 = tpu.vector_load %arg8[%get3A_965] {strides = array<i32>} : memref<100000xf32, #tpu.memory_space<vmem>>, vector<16xf32>,
          %max3A_967 = arith.maximumf %max3A_959, %get3A_966 : vector<16xf32>
          %scan3A_968 = arith.constant 8 : i32
          %scan3A_969 = arith.addi %scan3A_904, %scan3A_968 : i32
          %mul3A_970 = arith.constant 16 : i32
          %mul3A_971 = arith.muli %scan3A_969, %mul3A_970 : i32
          %add3A_972 = arith.addi %mul3A_782, %mul3A_971 : i32
          %get3A_973 = arith.index_cast %add3A_972 : i32 to index
          %get3A_974 = tpu.vector_load %arg8[%get3A_973] {strides = array<i32>} : memref<100000xf32, #tpu.memory_space<vmem>>, vector<16xf32>,
          %max3A_975 = arith.maximumf %max3A_967, %get3A_974 : vector<16xf32>
          %scan3A_976 = arith.constant 9 : i32
          %scan3A_977 = arith.addi %scan3A_904, %scan3A_976 : i32
          %mul3A_978 = arith.constant 16 : i32
          %mul3A_979 = arith.muli %scan3A_977, %mul3A_978 : i32
          %add3A_980 = arith.addi %mul3A_782, %mul3A_979 : i32
          %get3A_981 = arith.index_cast %add3A_980 : i32 to index
          %get3A_982 = tpu.vector_load %arg8[%get3A_981] {strides = array<i32>} : memref<100000xf32, #tpu.memory_space<vmem>>, vector<16xf32>,
          %max3A_983 = arith.maximumf %max3A_975, %get3A_982 : vector<16xf32>
          %scan3A_984 = arith.constant 10 : i32
          %scan3A_985 = arith.addi %scan3A_904, %scan3A_984 : i32
          %mul3A_986 = arith.constant 16 : i32
          %mul3A_987 = arith.muli %scan3A_985, %mul3A_986 : i32
          %add3A_988 = arith.addi %mul3A_782, %mul3A_987 : i32
          %get3A_989 = arith.index_cast %add3A_988 : i32 to index
          %get3A_990 = tpu.vector_load %arg8[%get3A_989] {strides = array<i32>} : memref<100000xf32, #tpu.memory_space<vmem>>, vector<16xf32>,
          %max3A_991 = arith.maximumf %max3A_983, %get3A_990 : vector<16xf32>
          %scan3A_992 = arith.constant 11 : i32
          %scan3A_993 = arith.addi %scan3A_904, %scan3A_992 : i32
          %mul3A_994 = arith.constant 16 : i32
          %mul3A_995 = arith.muli %scan3A_993, %mul3A_994 : i32
          %add3A_996 = arith.addi %mul3A_782, %mul3A_995 : i32
          %get3A_997 = arith.index_cast %add3A_996 : i32 to index
          %get3A_998 = tpu.vector_load %arg8[%get3A_997] {strides = array<i32>} : memref<100000xf32, #tpu.memory_space<vmem>>, vector<16xf32>,
          %max3A_999 = arith.maximumf %max3A_991, %get3A_998 : vector<16xf32>
          %scan3A_1000 = arith.constant 12 : i32
          %scan3A_1001 = arith.addi %scan3A_904, %scan3A_1000 : i32
          %mul3A_1002 = arith.constant 16 : i32
          %mul3A_1003 = arith.muli %scan3A_1001, %mul3A_1002 : i32
          %add3A_1004 = arith.addi %mul3A_782, %mul3A_1003 : i32
          %get3A_1005 = arith.index_cast %add3A_1004 : i32 to index
          %get3A_1006 = tpu.vector_load %arg8[%get3A_1005] {strides = array<i32>} : memref<100000xf32, #tpu.memory_space<vmem>>, vector<16xf32>,
          %max3A_1007 = arith.maximumf %max3A_999, %get3A_1006 : vector<16xf32>
          %scan3A_1008 = arith.constant 13 : i32
          %scan3A_1009 = arith.addi %scan3A_904, %scan3A_1008 : i32
          %mul3A_1010 = arith.constant 16 : i32
          %mul3A_1011 = arith.muli %scan3A_1009, %mul3A_1010 : i32
          %add3A_1012 = arith.addi %mul3A_782, %mul3A_1011 : i32
          %get3A_1013 = arith.index_cast %add3A_1012 : i32 to index
          %get3A_1014 = tpu.vector_load %arg8[%get3A_1013] {strides = array<i32>} : memref<100000xf32, #tpu.memory_space<vmem>>, vector<16xf32>,
          %max3A_1015 = arith.maximumf %max3A_1007, %get3A_1014 : vector<16xf32>
          %scan3A_1016 = arith.constant 14 : i32
          %scan3A_1017 = arith.addi %scan3A_904, %scan3A_1016 : i32
          %mul3A_1018 = arith.constant 16 : i32
          %mul3A_1019 = arith.muli %scan3A_1017, %mul3A_1018 : i32
          %add3A_1020 = arith.addi %mul3A_782, %mul3A_1019 : i32
          %get3A_1021 = arith.index_cast %add3A_1020 : i32 to index
          %get3A_1022 = tpu.vector_load %arg8[%get3A_1021] {strides = array<i32>} : memref<100000xf32, #tpu.memory_space<vmem>>, vector<16xf32>,
          %max3A_1023 = arith.maximumf %max3A_1015, %get3A_1022 : vector<16xf32>
          %scan3A_1024 = arith.constant 15 : i32
          %scan3A_1025 = arith.addi %scan3A_904, %scan3A_1024 : i32
          %mul3A_1026 = arith.constant 16 : i32
          %mul3A_1027 = arith.muli %scan3A_1025, %mul3A_1026 : i32
          %add3A_1028 = arith.addi %mul3A_782, %mul3A_1027 : i32
          %get3A_1029 = arith.index_cast %add3A_1028 : i32 to index
          %get3A_1030 = tpu.vector_load %arg8[%get3A_1029] {strides = array<i32>} : memref<100000xf32, #tpu.memory_space<vmem>>, vector<16xf32>,
          %max3A_1031 = arith.maximumf %max3A_1023, %get3A_1030 : vector<16xf32>
          %scan3A_1032 = arith.constant 16 : i32
          %scan3A_1033 = arith.addi %scan3A_904, %scan3A_1032 : i32
          %mul3A_1034 = arith.constant 16 : i32
          %mul3A_1035 = arith.muli %scan3A_1033, %mul3A_1034 : i32
          %add3A_1036 = arith.addi %mul3A_782, %mul3A_1035 : i32
          %get3A_1037 = arith.index_cast %add3A_1036 : i32 to index
          %get3A_1038 = tpu.vector_load %arg8[%get3A_1037] {strides = array<i32>} : memref<100000xf32, #tpu.memory_space<vmem>>, vector<16xf32>,
          %max3A_1039 = arith.maximumf %max3A_1031, %get3A_1038 : vector<16xf32>
          %scan3A_1040 = arith.constant 17 : i32
          %scan3A_1041 = arith.addi %scan3A_904, %scan3A_1040 : i32
          %mul3A_1042 = arith.constant 16 : i32
          %mul3A_1043 = arith.muli %scan3A_1041, %mul3A_1042 : i32
          %add3A_1044 = arith.addi %mul3A_782, %mul3A_1043 : i32
          %get3A_1045 = arith.index_cast %add3A_1044 : i32 to index
          %get3A_1046 = tpu.vector_load %arg8[%get3A_1045] {strides = array<i32>} : memref<100000xf32, #tpu.memory_space<vmem>>, vector<16xf32>,
          %max3A_1047 = arith.maximumf %max3A_1039, %get3A_1046 : vector<16xf32>
          %scan3A_1048 = arith.constant 18 : i32
          %scan3A_1049 = arith.addi %scan3A_904, %scan3A_1048 : i32
          %mul3A_1050 = arith.constant 16 : i32
          %mul3A_1051 = arith.muli %scan3A_1049, %mul3A_1050 : i32
          %add3A_1052 = arith.addi %mul3A_782, %mul3A_1051 : i32
          %get3A_1053 = arith.index_cast %add3A_1052 : i32 to index
          %get3A_1054 = tpu.vector_load %arg8[%get3A_1053] {strides = array<i32>} : memref<100000xf32, #tpu.memory_space<vmem>>, vector<16xf32>,
          %max3A_1055 = arith.maximumf %max3A_1047, %get3A_1054 : vector<16xf32>
          %scan3A_1056 = arith.constant 19 : i32
          %scan3A_1057 = arith.addi %scan3A_904, %scan3A_1056 : i32
          %mul3A_1058 = arith.constant 16 : i32
          %mul3A_1059 = arith.muli %scan3A_1057, %mul3A_1058 : i32
          %add3A_1060 = arith.addi %mul3A_782, %mul3A_1059 : i32
          %get3A_1061 = arith.index_cast %add3A_1060 : i32 to index
          %get3A_1062 = tpu.vector_load %arg8[%get3A_1061] {strides = array<i32>} : memref<100000xf32, #tpu.memory_space<vmem>>, vector<16xf32>,
          %max3A_1063 = arith.maximumf %max3A_1055, %get3A_1062 : vector<16xf32>
          %scan3A_1064 = arith.constant 20 : i32
          %scan3A_1065 = arith.addi %scan3A_904, %scan3A_1064 : i32
          %mul3A_1066 = arith.constant 16 : i32
          %mul3A_1067 = arith.muli %scan3A_1065, %mul3A_1066 : i32
          %add3A_1068 = arith.addi %mul3A_782, %mul3A_1067 : i32
          %get3A_1069 = arith.index_cast %add3A_1068 : i32 to index
          %get3A_1070 = tpu.vector_load %arg8[%get3A_1069] {strides = array<i32>} : memref<100000xf32, #tpu.memory_space<vmem>>, vector<16xf32>,
          %max3A_1071 = arith.maximumf %max3A_1063, %get3A_1070 : vector<16xf32>
          %scan3A_1072 = arith.constant 21 : i32
          %scan3A_1073 = arith.addi %scan3A_904, %scan3A_1072 : i32
          %mul3A_1074 = arith.constant 16 : i32
          %mul3A_1075 = arith.muli %scan3A_1073, %mul3A_1074 : i32
          %add3A_1076 = arith.addi %mul3A_782, %mul3A_1075 : i32
          %get3A_1077 = arith.index_cast %add3A_1076 : i32 to index
          %get3A_1078 = tpu.vector_load %arg8[%get3A_1077] {strides = array<i32>} : memref<100000xf32, #tpu.memory_space<vmem>>, vector<16xf32>,
          %max3A_1079 = arith.maximumf %max3A_1071, %get3A_1078 : vector<16xf32>
          %scan3A_1080 = arith.constant 22 : i32
          %scan3A_1081 = arith.addi %scan3A_904, %scan3A_1080 : i32
          %mul3A_1082 = arith.constant 16 : i32
          %mul3A_1083 = arith.muli %scan3A_1081, %mul3A_1082 : i32
          %add3A_1084 = arith.addi %mul3A_782, %mul3A_1083 : i32
          %get3A_1085 = arith.index_cast %add3A_1084 : i32 to index
          %get3A_1086 = tpu.vector_load %arg8[%get3A_1085] {strides = array<i32>} : memref<100000xf32, #tpu.memory_space<vmem>>, vector<16xf32>,
          %max3A_1087 = arith.maximumf %max3A_1079, %get3A_1086 : vector<16xf32>
          %scan3A_1088 = arith.constant 23 : i32
          %scan3A_1089 = arith.addi %scan3A_904, %scan3A_1088 : i32
          %mul3A_1090 = arith.constant 16 : i32
          %mul3A_1091 = arith.muli %scan3A_1089, %mul3A_1090 : i32
          %add3A_1092 = arith.addi %mul3A_782, %mul3A_1091 : i32
          %get3A_1093 = arith.index_cast %add3A_1092 : i32 to index
          %get3A_1094 = tpu.vector_load %arg8[%get3A_1093] {strides = array<i32>} : memref<100000xf32, #tpu.memory_space<vmem>>, vector<16xf32>,
          %max3A_1095 = arith.maximumf %max3A_1087, %get3A_1094 : vector<16xf32>
          %scan3A_1096 = arith.constant 24 : i32
          %scan3A_1097 = arith.addi %scan3A_904, %scan3A_1096 : i32
          %mul3A_1098 = arith.constant 16 : i32
          %mul3A_1099 = arith.muli %scan3A_1097, %mul3A_1098 : i32
          %add3A_1100 = arith.addi %mul3A_782, %mul3A_1099 : i32
          %get3A_1101 = arith.index_cast %add3A_1100 : i32 to index
          %get3A_1102 = tpu.vector_load %arg8[%get3A_1101] {strides = array<i32>} : memref<100000xf32, #tpu.memory_space<vmem>>, vector<16xf32>,
          %max3A_1103 = arith.maximumf %max3A_1095, %get3A_1102 : vector<16xf32>
          scf.yield %max3A_1103 : vector<16xf32>
        }
        %scan3A_882 = arith.constant 125 : i32
        %reduce_max3A_883 = arith.constant true
        %reduce_max3A_884 = vector.broadcast %reduce_max3A_883 : i1 to vector<16xi1>
        %reduce_max3A_885 = tpu.scan <max>, %scan3A_881 masked %reduce_max3A_884 : vector<16xf32>, vector<16xi1> -> vector<16xf32>
        %reduce_max3A_886 = vector.extract %reduce_max3A_885[15] : f32 from vector<16xf32>
        %iota3A_887 = tpu.iota {dimensions = array<i32: 0>} : vector<16xi32>
        %eq3A_888 = arith.constant 0 : i32
        %eq3A_889 = vector.broadcast %eq3A_888 : i32 to vector<16xi32>
        %eq3A_890 = arith.cmpi eq, %iota3A_887, %eq3A_889 : vector<16xi32>
        %broadcast_in_dim3A_891 = vector.broadcast %add3A_765 : i32 to vector<16xi32>
        %broadcast_in_dim3A_892 = vector.broadcast %reduce_max3A_886 : f32 to vector<16xf32>
        tpu.vector_store_idx %arg10[%broadcast_in_dim3A_891], %broadcast_in_dim3A_892 masked %eq3A_890 : memref<64xf32, #tpu.memory_space<vmem>>[vector<16xi32>], vector<16xf32>, vector<16xi1>
        %max3A_893 = arith.maximumf %max3A_751, %reduce_max3A_886 : f32
        %sub3A_894 = arith.subf %max3A_751, %max3A_893 : f32
        %broadcast_in_dim3A_895 = vector.broadcast %sub3A_894 : f32 to vector<16xf32>
        %exp3A_896 = math.exp %broadcast_in_dim3A_895 : vector<16xf32>
        %mul3A_897 = arith.mulf %scan3A_760, %exp3A_896 : vector<16xf32>
        %scan3A_898 = arith.constant 0 : i32
        %scan3A_899 = arith.constant 125 : i32
        %scan3A_900 = arith.addi %scan3A_898, %scan3A_899 : i32
        %scan3A_901 = arith.constant 25 : i32
        %scan3A_902 = scf.for %scan3A_904 = %scan3A_898 to %scan3A_900 step %scan3A_901 iter_args(%scan3A_905 = %mul3A_897) -> (vector<16xf32>)  : i32 {
          %mul3A_906 = arith.constant 16 : i32
          %mul3A_907 = arith.muli %scan3A_904, %mul3A_906 : i32
          %add3A_908 = arith.addi %mul3A_782, %mul3A_907 : i32
          %get3A_909 = arith.index_cast %add3A_908 : i32 to index
          %get3A_910 = tpu.vector_load %arg8[%get3A_909] {strides = array<i32>} : memref<100000xf32, #tpu.memory_space<vmem>>, vector<16xf32>,
          %sub3A_911 = vector.broadcast %max3A_893 : f32 to vector<16xf32>
          %sub3A_912 = arith.subf %get3A_910, %sub3A_911 : vector<16xf32>
          %exp3A_913 = math.exp %sub3A_912 : vector<16xf32>
          %add3A_914 = arith.addf %scan3A_905, %exp3A_913 : vector<16xf32>
          %scan3A_915 = arith.constant 1 : i32
          %scan3A_916 = arith.addi %scan3A_904, %scan3A_915 : i32
          %mul3A_917 = arith.constant 16 : i32
          %mul3A_918 = arith.muli %scan3A_916, %mul3A_917 : i32
          %add3A_919 = arith.addi %mul3A_782, %mul3A_918 : i32
          %get3A_920 = arith.index_cast %add3A_919 : i32 to index
          %get3A_921 = tpu.vector_load %arg8[%get3A_920] {strides = array<i32>} : memref<100000xf32, #tpu.memory_space<vmem>>, vector<16xf32>,
          %sub3A_922 = vector.broadcast %max3A_893 : f32 to vector<16xf32>
          %sub3A_923 = arith.subf %get3A_921, %sub3A_922 : vector<16xf32>
          %exp3A_924 = math.exp %sub3A_923 : vector<16xf32>
          %add3A_925 = arith.addf %add3A_914, %exp3A_924 : vector<16xf32>
          %scan3A_926 = arith.constant 2 : i32
          %scan3A_927 = arith.addi %scan3A_904, %scan3A_926 : i32
          %mul3A_928 = arith.constant 16 : i32
          %mul3A_929 = arith.muli %scan3A_927, %mul3A_928 : i32
          %add3A_930 = arith.addi %mul3A_782, %mul3A_929 : i32
          %get3A_931 = arith.index_cast %add3A_930 : i32 to index
          %get3A_932 = tpu.vector_load %arg8[%get3A_931] {strides = array<i32>} : memref<100000xf32, #tpu.memory_space<vmem>>, vector<16xf32>,
          %sub3A_933 = vector.broadcast %max3A_893 : f32 to vector<16xf32>
          %sub3A_934 = arith.subf %get3A_932, %sub3A_933 : vector<16xf32>
          %exp3A_935 = math.exp %sub3A_934 : vector<16xf32>
          %add3A_936 = arith.addf %add3A_925, %exp3A_935 : vector<16xf32>
          %scan3A_937 = arith.constant 3 : i32
          %scan3A_938 = arith.addi %scan3A_904, %scan3A_937 : i32
          %mul3A_939 = arith.constant 16 : i32
          %mul3A_940 = arith.muli %scan3A_938, %mul3A_939 : i32
          %add3A_941 = arith.addi %mul3A_782, %mul3A_940 : i32
          %get3A_942 = arith.index_cast %add3A_941 : i32 to index
          %get3A_943 = tpu.vector_load %arg8[%get3A_942] {strides = array<i32>} : memref<100000xf32, #tpu.memory_space<vmem>>, vector<16xf32>,
          %sub3A_944 = vector.broadcast %max3A_893 : f32 to vector<16xf32>
          %sub3A_945 = arith.subf %get3A_943, %sub3A_944 : vector<16xf32>
          %exp3A_946 = math.exp %sub3A_945 : vector<16xf32>
          %add3A_947 = arith.addf %add3A_936, %exp3A_946 : vector<16xf32>
          %scan3A_948 = arith.constant 4 : i32
          %scan3A_949 = arith.addi %scan3A_904, %scan3A_948 : i32
          %mul3A_950 = arith.constant 16 : i32
          %mul3A_951 = arith.muli %scan3A_949, %mul3A_950 : i32
          %add3A_952 = arith.addi %mul3A_782, %mul3A_951 : i32
          %get3A_953 = arith.index_cast %add3A_952 : i32 to index
          %get3A_954 = tpu.vector_load %arg8[%get3A_953] {strides = array<i32>} : memref<100000xf32, #tpu.memory_space<vmem>>, vector<16xf32>,
          %sub3A_955 = vector.broadcast %max3A_893 : f32 to vector<16xf32>
          %sub3A_956 = arith.subf %get3A_954, %sub3A_955 : vector<16xf32>
          %exp3A_957 = math.exp %sub3A_956 : vector<16xf32>
          %add3A_958 = arith.addf %add3A_947, %exp3A_957 : vector<16xf32>
          %scan3A_959 = arith.constant 5 : i32
          %scan3A_960 = arith.addi %scan3A_904, %scan3A_959 : i32
          %mul3A_961 = arith.constant 16 : i32
          %mul3A_962 = arith.muli %scan3A_960, %mul3A_961 : i32
          %add3A_963 = arith.addi %mul3A_782, %mul3A_962 : i32
          %get3A_964 = arith.index_cast %add3A_963 : i32 to index
          %get3A_965 = tpu.vector_load %arg8[%get3A_964] {strides = array<i32>} : memref<100000xf32, #tpu.memory_space<vmem>>, vector<16xf32>,
          %sub3A_966 = vector.broadcast %max3A_893 : f32 to vector<16xf32>
          %sub3A_967 = arith.subf %get3A_965, %sub3A_966 : vector<16xf32>
          %exp3A_968 = math.exp %sub3A_967 : vector<16xf32>
          %add3A_969 = arith.addf %add3A_958, %exp3A_968 : vector<16xf32>
          %scan3A_970 = arith.constant 6 : i32
          %scan3A_971 = arith.addi %scan3A_904, %scan3A_970 : i32
          %mul3A_972 = arith.constant 16 : i32
          %mul3A_973 = arith.muli %scan3A_971, %mul3A_972 : i32
          %add3A_974 = arith.addi %mul3A_782, %mul3A_973 : i32
          %get3A_975 = arith.index_cast %add3A_974 : i32 to index
          %get3A_976 = tpu.vector_load %arg8[%get3A_975] {strides = array<i32>} : memref<100000xf32, #tpu.memory_space<vmem>>, vector<16xf32>,
          %sub3A_977 = vector.broadcast %max3A_893 : f32 to vector<16xf32>
          %sub3A_978 = arith.subf %get3A_976, %sub3A_977 : vector<16xf32>
          %exp3A_979 = math.exp %sub3A_978 : vector<16xf32>
          %add3A_980 = arith.addf %add3A_969, %exp3A_979 : vector<16xf32>
          %scan3A_981 = arith.constant 7 : i32
          %scan3A_982 = arith.addi %scan3A_904, %scan3A_981 : i32
          %mul3A_983 = arith.constant 16 : i32
          %mul3A_984 = arith.muli %scan3A_982, %mul3A_983 : i32
          %add3A_985 = arith.addi %mul3A_782, %mul3A_984 : i32
          %get3A_986 = arith.index_cast %add3A_985 : i32 to index
          %get3A_987 = tpu.vector_load %arg8[%get3A_986] {strides = array<i32>} : memref<100000xf32, #tpu.memory_space<vmem>>, vector<16xf32>,
          %sub3A_988 = vector.broadcast %max3A_893 : f32 to vector<16xf32>
          %sub3A_989 = arith.subf %get3A_987, %sub3A_988 : vector<16xf32>
          %exp3A_990 = math.exp %sub3A_989 : vector<16xf32>
          %add3A_991 = arith.addf %add3A_980, %exp3A_990 : vector<16xf32>
          %scan3A_992 = arith.constant 8 : i32
          %scan3A_993 = arith.addi %scan3A_904, %scan3A_992 : i32
          %mul3A_994 = arith.constant 16 : i32
          %mul3A_995 = arith.muli %scan3A_993, %mul3A_994 : i32
          %add3A_996 = arith.addi %mul3A_782, %mul3A_995 : i32
          %get3A_997 = arith.index_cast %add3A_996 : i32 to index
          %get3A_998 = tpu.vector_load %arg8[%get3A_997] {strides = array<i32>} : memref<100000xf32, #tpu.memory_space<vmem>>, vector<16xf32>,
          %sub3A_999 = vector.broadcast %max3A_893 : f32 to vector<16xf32>
          %sub3A_1000 = arith.subf %get3A_998, %sub3A_999 : vector<16xf32>
          %exp3A_1001 = math.exp %sub3A_1000 : vector<16xf32>
          %add3A_1002 = arith.addf %add3A_991, %exp3A_1001 : vector<16xf32>
          %scan3A_1003 = arith.constant 9 : i32
          %scan3A_1004 = arith.addi %scan3A_904, %scan3A_1003 : i32
          %mul3A_1005 = arith.constant 16 : i32
          %mul3A_1006 = arith.muli %scan3A_1004, %mul3A_1005 : i32
          %add3A_1007 = arith.addi %mul3A_782, %mul3A_1006 : i32
          %get3A_1008 = arith.index_cast %add3A_1007 : i32 to index
          %get3A_1009 = tpu.vector_load %arg8[%get3A_1008] {strides = array<i32>} : memref<100000xf32, #tpu.memory_space<vmem>>, vector<16xf32>,
          %sub3A_1010 = vector.broadcast %max3A_893 : f32 to vector<16xf32>
          %sub3A_1011 = arith.subf %get3A_1009, %sub3A_1010 : vector<16xf32>
          %exp3A_1012 = math.exp %sub3A_1011 : vector<16xf32>
          %add3A_1013 = arith.addf %add3A_1002, %exp3A_1012 : vector<16xf32>
          %scan3A_1014 = arith.constant 10 : i32
          %scan3A_1015 = arith.addi %scan3A_904, %scan3A_1014 : i32
          %mul3A_1016 = arith.constant 16 : i32
          %mul3A_1017 = arith.muli %scan3A_1015, %mul3A_1016 : i32
          %add3A_1018 = arith.addi %mul3A_782, %mul3A_1017 : i32
          %get3A_1019 = arith.index_cast %add3A_1018 : i32 to index
          %get3A_1020 = tpu.vector_load %arg8[%get3A_1019] {strides = array<i32>} : memref<100000xf32, #tpu.memory_space<vmem>>, vector<16xf32>,
          %sub3A_1021 = vector.broadcast %max3A_893 : f32 to vector<16xf32>
          %sub3A_1022 = arith.subf %get3A_1020, %sub3A_1021 : vector<16xf32>
          %exp3A_1023 = math.exp %sub3A_1022 : vector<16xf32>
          %add3A_1024 = arith.addf %add3A_1013, %exp3A_1023 : vector<16xf32>
          %scan3A_1025 = arith.constant 11 : i32
          %scan3A_1026 = arith.addi %scan3A_904, %scan3A_1025 : i32
          %mul3A_1027 = arith.constant 16 : i32
          %mul3A_1028 = arith.muli %scan3A_1026, %mul3A_1027 : i32
          %add3A_1029 = arith.addi %mul3A_782, %mul3A_1028 : i32
          %get3A_1030 = arith.index_cast %add3A_1029 : i32 to index
          %get3A_1031 = tpu.vector_load %arg8[%get3A_1030] {strides = array<i32>} : memref<100000xf32, #tpu.memory_space<vmem>>, vector<16xf32>,
          %sub3A_1032 = vector.broadcast %max3A_893 : f32 to vector<16xf32>
          %sub3A_1033 = arith.subf %get3A_1031, %sub3A_1032 : vector<16xf32>
          %exp3A_1034 = math.exp %sub3A_1033 : vector<16xf32>
          %add3A_1035 = arith.addf %add3A_1024, %exp3A_1034 : vector<16xf32>
          %scan3A_1036 = arith.constant 12 : i32
          %scan3A_1037 = arith.addi %scan3A_904, %scan3A_1036 : i32
          %mul3A_1038 = arith.constant 16 : i32
          %mul3A_1039 = arith.muli %scan3A_1037, %mul3A_1038 : i32
          %add3A_1040 = arith.addi %mul3A_782, %mul3A_1039 : i32
          %get3A_1041 = arith.index_cast %add3A_1040 : i32 to index
          %get3A_1042 = tpu.vector_load %arg8[%get3A_1041] {strides = array<i32>} : memref<100000xf32, #tpu.memory_space<vmem>>, vector<16xf32>,
          %sub3A_1043 = vector.broadcast %max3A_893 : f32 to vector<16xf32>
          %sub3A_1044 = arith.subf %get3A_1042, %sub3A_1043 : vector<16xf32>
          %exp3A_1045 = math.exp %sub3A_1044 : vector<16xf32>
          %add3A_1046 = arith.addf %add3A_1035, %exp3A_1045 : vector<16xf32>
          %scan3A_1047 = arith.constant 13 : i32
          %scan3A_1048 = arith.addi %scan3A_904, %scan3A_1047 : i32
          %mul3A_1049 = arith.constant 16 : i32
          %mul3A_1050 = arith.muli %scan3A_1048, %mul3A_1049 : i32
          %add3A_1051 = arith.addi %mul3A_782, %mul3A_1050 : i32
          %get3A_1052 = arith.index_cast %add3A_1051 : i32 to index
          %get3A_1053 = tpu.vector_load %arg8[%get3A_1052] {strides = array<i32>} : memref<100000xf32, #tpu.memory_space<vmem>>, vector<16xf32>,
          %sub3A_1054 = vector.broadcast %max3A_893 : f32 to vector<16xf32>
          %sub3A_1055 = arith.subf %get3A_1053, %sub3A_1054 : vector<16xf32>
          %exp3A_1056 = math.exp %sub3A_1055 : vector<16xf32>
          %add3A_1057 = arith.addf %add3A_1046, %exp3A_1056 : vector<16xf32>
          %scan3A_1058 = arith.constant 14 : i32
          %scan3A_1059 = arith.addi %scan3A_904, %scan3A_1058 : i32
          %mul3A_1060 = arith.constant 16 : i32
          %mul3A_1061 = arith.muli %scan3A_1059, %mul3A_1060 : i32
          %add3A_1062 = arith.addi %mul3A_782, %mul3A_1061 : i32
          %get3A_1063 = arith.index_cast %add3A_1062 : i32 to index
          %get3A_1064 = tpu.vector_load %arg8[%get3A_1063] {strides = array<i32>} : memref<100000xf32, #tpu.memory_space<vmem>>, vector<16xf32>,
          %sub3A_1065 = vector.broadcast %max3A_893 : f32 to vector<16xf32>
          %sub3A_1066 = arith.subf %get3A_1064, %sub3A_1065 : vector<16xf32>
          %exp3A_1067 = math.exp %sub3A_1066 : vector<16xf32>
          %add3A_1068 = arith.addf %add3A_1057, %exp3A_1067 : vector<16xf32>
          %scan3A_1069 = arith.constant 15 : i32
          %scan3A_1070 = arith.addi %scan3A_904, %scan3A_1069 : i32
          %mul3A_1071 = arith.constant 16 : i32
          %mul3A_1072 = arith.muli %scan3A_1070, %mul3A_1071 : i32
          %add3A_1073 = arith.addi %mul3A_782, %mul3A_1072 : i32
          %get3A_1074 = arith.index_cast %add3A_1073 : i32 to index
          %get3A_1075 = tpu.vector_load %arg8[%get3A_1074] {strides = array<i32>} : memref<100000xf32, #tpu.memory_space<vmem>>, vector<16xf32>,
          %sub3A_1076 = vector.broadcast %max3A_893 : f32 to vector<16xf32>
          %sub3A_1077 = arith.subf %get3A_1075, %sub3A_1076 : vector<16xf32>
          %exp3A_1078 = math.exp %sub3A_1077 : vector<16xf32>
          %add3A_1079 = arith.addf %add3A_1068, %exp3A_1078 : vector<16xf32>
          %scan3A_1080 = arith.constant 16 : i32
          %scan3A_1081 = arith.addi %scan3A_904, %scan3A_1080 : i32
          %mul3A_1082 = arith.constant 16 : i32
          %mul3A_1083 = arith.muli %scan3A_1081, %mul3A_1082 : i32
          %add3A_1084 = arith.addi %mul3A_782, %mul3A_1083 : i32
          %get3A_1085 = arith.index_cast %add3A_1084 : i32 to index
          %get3A_1086 = tpu.vector_load %arg8[%get3A_1085] {strides = array<i32>} : memref<100000xf32, #tpu.memory_space<vmem>>, vector<16xf32>,
          %sub3A_1087 = vector.broadcast %max3A_893 : f32 to vector<16xf32>
          %sub3A_1088 = arith.subf %get3A_1086, %sub3A_1087 : vector<16xf32>
          %exp3A_1089 = math.exp %sub3A_1088 : vector<16xf32>
          %add3A_1090 = arith.addf %add3A_1079, %exp3A_1089 : vector<16xf32>
          %scan3A_1091 = arith.constant 17 : i32
          %scan3A_1092 = arith.addi %scan3A_904, %scan3A_1091 : i32
          %mul3A_1093 = arith.constant 16 : i32
          %mul3A_1094 = arith.muli %scan3A_1092, %mul3A_1093 : i32
          %add3A_1095 = arith.addi %mul3A_782, %mul3A_1094 : i32
          %get3A_1096 = arith.index_cast %add3A_1095 : i32 to index
          %get3A_1097 = tpu.vector_load %arg8[%get3A_1096] {strides = array<i32>} : memref<100000xf32, #tpu.memory_space<vmem>>, vector<16xf32>,
          %sub3A_1098 = vector.broadcast %max3A_893 : f32 to vector<16xf32>
          %sub3A_1099 = arith.subf %get3A_1097, %sub3A_1098 : vector<16xf32>
          %exp3A_1100 = math.exp %sub3A_1099 : vector<16xf32>
          %add3A_1101 = arith.addf %add3A_1090, %exp3A_1100 : vector<16xf32>
          %scan3A_1102 = arith.constant 18 : i32
          %scan3A_1103 = arith.addi %scan3A_904, %scan3A_1102 : i32
          %mul3A_1104 = arith.constant 16 : i32
          %mul3A_1105 = arith.muli %scan3A_1103, %mul3A_1104 : i32
          %add3A_1106 = arith.addi %mul3A_782, %mul3A_1105 : i32
          %get3A_1107 = arith.index_cast %add3A_1106 : i32 to index
          %get3A_1108 = tpu.vector_load %arg8[%get3A_1107] {strides = array<i32>} : memref<100000xf32, #tpu.memory_space<vmem>>, vector<16xf32>,
          %sub3A_1109 = vector.broadcast %max3A_893 : f32 to vector<16xf32>
          %sub3A_1110 = arith.subf %get3A_1108, %sub3A_1109 : vector<16xf32>
          %exp3A_1111 = math.exp %sub3A_1110 : vector<16xf32>
          %add3A_1112 = arith.addf %add3A_1101, %exp3A_1111 : vector<16xf32>
          %scan3A_1113 = arith.constant 19 : i32
          %scan3A_1114 = arith.addi %scan3A_904, %scan3A_1113 : i32
          %mul3A_1115 = arith.constant 16 : i32
          %mul3A_1116 = arith.muli %scan3A_1114, %mul3A_1115 : i32
          %add3A_1117 = arith.addi %mul3A_782, %mul3A_1116 : i32
          %get3A_1118 = arith.index_cast %add3A_1117 : i32 to index
          %get3A_1119 = tpu.vector_load %arg8[%get3A_1118] {strides = array<i32>} : memref<100000xf32, #tpu.memory_space<vmem>>, vector<16xf32>,
          %sub3A_1120 = vector.broadcast %max3A_893 : f32 to vector<16xf32>
          %sub3A_1121 = arith.subf %get3A_1119, %sub3A_1120 : vector<16xf32>
          %exp3A_1122 = math.exp %sub3A_1121 : vector<16xf32>
          %add3A_1123 = arith.addf %add3A_1112, %exp3A_1122 : vector<16xf32>
          %scan3A_1124 = arith.constant 20 : i32
          %scan3A_1125 = arith.addi %scan3A_904, %scan3A_1124 : i32
          %mul3A_1126 = arith.constant 16 : i32
          %mul3A_1127 = arith.muli %scan3A_1125, %mul3A_1126 : i32
          %add3A_1128 = arith.addi %mul3A_782, %mul3A_1127 : i32
          %get3A_1129 = arith.index_cast %add3A_1128 : i32 to index
          %get3A_1130 = tpu.vector_load %arg8[%get3A_1129] {strides = array<i32>} : memref<100000xf32, #tpu.memory_space<vmem>>, vector<16xf32>,
          %sub3A_1131 = vector.broadcast %max3A_893 : f32 to vector<16xf32>
          %sub3A_1132 = arith.subf %get3A_1130, %sub3A_1131 : vector<16xf32>
          %exp3A_1133 = math.exp %sub3A_1132 : vector<16xf32>
          %add3A_1134 = arith.addf %add3A_1123, %exp3A_1133 : vector<16xf32>
          %scan3A_1135 = arith.constant 21 : i32
          %scan3A_1136 = arith.addi %scan3A_904, %scan3A_1135 : i32
          %mul3A_1137 = arith.constant 16 : i32
          %mul3A_1138 = arith.muli %scan3A_1136, %mul3A_1137 : i32
          %add3A_1139 = arith.addi %mul3A_782, %mul3A_1138 : i32
          %get3A_1140 = arith.index_cast %add3A_1139 : i32 to index
          %get3A_1141 = tpu.vector_load %arg8[%get3A_1140] {strides = array<i32>} : memref<100000xf32, #tpu.memory_space<vmem>>, vector<16xf32>,
          %sub3A_1142 = vector.broadcast %max3A_893 : f32 to vector<16xf32>
          %sub3A_1143 = arith.subf %get3A_1141, %sub3A_1142 : vector<16xf32>
          %exp3A_1144 = math.exp %sub3A_1143 : vector<16xf32>
          %add3A_1145 = arith.addf %add3A_1134, %exp3A_1144 : vector<16xf32>
          %scan3A_1146 = arith.constant 22 : i32
          %scan3A_1147 = arith.addi %scan3A_904, %scan3A_1146 : i32
          %mul3A_1148 = arith.constant 16 : i32
          %mul3A_1149 = arith.muli %scan3A_1147, %mul3A_1148 : i32
          %add3A_1150 = arith.addi %mul3A_782, %mul3A_1149 : i32
          %get3A_1151 = arith.index_cast %add3A_1150 : i32 to index
          %get3A_1152 = tpu.vector_load %arg8[%get3A_1151] {strides = array<i32>} : memref<100000xf32, #tpu.memory_space<vmem>>, vector<16xf32>,
          %sub3A_1153 = vector.broadcast %max3A_893 : f32 to vector<16xf32>
          %sub3A_1154 = arith.subf %get3A_1152, %sub3A_1153 : vector<16xf32>
          %exp3A_1155 = math.exp %sub3A_1154 : vector<16xf32>
          %add3A_1156 = arith.addf %add3A_1145, %exp3A_1155 : vector<16xf32>
          %scan3A_1157 = arith.constant 23 : i32
          %scan3A_1158 = arith.addi %scan3A_904, %scan3A_1157 : i32
          %mul3A_1159 = arith.constant 16 : i32
          %mul3A_1160 = arith.muli %scan3A_1158, %mul3A_1159 : i32
          %add3A_1161 = arith.addi %mul3A_782, %mul3A_1160 : i32
          %get3A_1162 = arith.index_cast %add3A_1161 : i32 to index
          %get3A_1163 = tpu.vector_load %arg8[%get3A_1162] {strides = array<i32>} : memref<100000xf32, #tpu.memory_space<vmem>>, vector<16xf32>,
          %sub3A_1164 = vector.broadcast %max3A_893 : f32 to vector<16xf32>
          %sub3A_1165 = arith.subf %get3A_1163, %sub3A_1164 : vector<16xf32>
          %exp3A_1166 = math.exp %sub3A_1165 : vector<16xf32>
          %add3A_1167 = arith.addf %add3A_1156, %exp3A_1166 : vector<16xf32>
          %scan3A_1168 = arith.constant 24 : i32
          %scan3A_1169 = arith.addi %scan3A_904, %scan3A_1168 : i32
          %mul3A_1170 = arith.constant 16 : i32
          %mul3A_1171 = arith.muli %scan3A_1169, %mul3A_1170 : i32
          %add3A_1172 = arith.addi %mul3A_782, %mul3A_1171 : i32
          %get3A_1173 = arith.index_cast %add3A_1172 : i32 to index
          %get3A_1174 = tpu.vector_load %arg8[%get3A_1173] {strides = array<i32>} : memref<100000xf32, #tpu.memory_space<vmem>>, vector<16xf32>,
          %sub3A_1175 = vector.broadcast %max3A_893 : f32 to vector<16xf32>
          %sub3A_1176 = arith.subf %get3A_1174, %sub3A_1175 : vector<16xf32>
          %exp3A_1177 = math.exp %sub3A_1176 : vector<16xf32>
          %add3A_1178 = arith.addf %add3A_1167, %exp3A_1177 : vector<16xf32>
          scf.yield %add3A_1178 : vector<16xf32>
        }
        %scan3A_903 = arith.constant 125 : i32
        scf.yield %max3A_893, %scan3A_902 : f32, vector<16xf32>
      }
      %scan3A_153 = arith.constant 10 : i32
      %get3A = arith.constant 0 : index
      %get3A_154 = tpu.vector_load %arg10[%get3A] {strides = array<i32>} : memref<64xf32, #tpu.memory_space<vmem>>, vector<16xf32>,
      %swap3A_155 = arith.constant 0 : index
      %swap3A_156 = tpu.vector_load %arg11[%swap3A_155] {strides = array<i32>} : memref<64xf32, #tpu.memory_space<vmem>>, vector<16xf32>,
      tpu.vector_store %arg11[%swap3A_155], %get3A_154 {strides = array<i32>} : memref<64xf32, #tpu.memory_space<vmem>>, vector<16xf32>,
      %get3A_157 = arith.constant 16 : index
      %get3A_158 = tpu.vector_load %arg10[%get3A_157] {strides = array<i32>} : memref<64xf32, #tpu.memory_space<vmem>>, vector<16xf32>,
      %swap3A_159 = arith.constant 16 : index
      %swap3A_160 = tpu.vector_load %arg11[%swap3A_159] {strides = array<i32>} : memref<64xf32, #tpu.memory_space<vmem>>, vector<16xf32>,
      tpu.vector_store %arg11[%swap3A_159], %get3A_158 {strides = array<i32>} : memref<64xf32, #tpu.memory_space<vmem>>, vector<16xf32>,
      %get3A_161 = arith.constant 32 : index
      %get3A_162 = tpu.vector_load %arg10[%get3A_161] {strides = array<i32>} : memref<64xf32, #tpu.memory_space<vmem>>, vector<16xf32>,
      %swap3A_163 = arith.constant 32 : index
      %swap3A_164 = tpu.vector_load %arg11[%swap3A_163] {strides = array<i32>} : memref<64xf32, #tpu.memory_space<vmem>>, vector<16xf32>,
      tpu.vector_store %arg11[%swap3A_163], %get3A_162 {strides = array<i32>} : memref<64xf32, #tpu.memory_space<vmem>>, vector<16xf32>,
      %get3A_165 = arith.constant 48 : index
      %get3A_166 = tpu.vector_load %arg10[%get3A_165] {strides = array<i32>} : memref<64xf32, #tpu.memory_space<vmem>>, vector<16xf32>,
      %swap3A_167 = arith.constant 48 : index
      %swap3A_168 = tpu.vector_load %arg11[%swap3A_167] {strides = array<i32>} : memref<64xf32, #tpu.memory_space<vmem>>, vector<16xf32>,
      tpu.vector_store %arg11[%swap3A_167], %get3A_166 {strides = array<i32>} : memref<64xf32, #tpu.memory_space<vmem>>, vector<16xf32>,
      %scan3A_169 = arith.constant -3.000000e+38 : f32
      %scan3A_170 = arith.constant 0 : i32
      %scan3A_171 = arith.constant 8 : i32
      %scan3A_172 = arith.addi %scan3A_170, %scan3A_171 : i32
      %scan3A_173 = arith.constant 1 : i32
      %scan3A_174 = scf.for %scan3A_204 = %scan3A_170 to %scan3A_172 step %scan3A_173 iter_args(%scan3A_205 = %scan3A_169) -> (f32)  : i32 {
        %broadcast_in_dim3A_206 = arith.constant -3.000000e+38 : f32
        %broadcast_in_dim3A_207 = vector.broadcast %broadcast_in_dim3A_206 : f32 to vector<16xf32>
        %broadcast_in_dim3A_208 = arith.constant 1073741824 : i32
        %broadcast_in_dim3A_209 = vector.broadcast %broadcast_in_dim3A_208 : i32 to vector<16xi32>
        %scan3A_210 = arith.constant 0 : i32
        %mul3A_211 = arith.constant 16 : i32
        %mul3A_212 = arith.muli %scan3A_210, %mul3A_211 : i32
        %get3A_213 = arith.index_cast %mul3A_212 : i32 to index
        %get3A_214 = tpu.vector_load %arg10[%get3A_213] {strides = array<i32>} : memref<64xf32, #tpu.memory_space<vmem>>, vector<16xf32>,
        %mul3A_215 = arith.constant 16 : i32
        %mul3A_216 = arith.muli %scan3A_210, %mul3A_215 : i32
        %iota3A_217 = tpu.iota {dimensions = array<i32: 0>} : vector<16xi32>
        %add3A_218 = vector.broadcast %mul3A_216 : i32 to vector<16xi32>
        %add3A_219 = arith.addi %iota3A_217, %add3A_218 : vector<16xi32>
        %gt3A = arith.cmpf ogt, %get3A_214, %broadcast_in_dim3A_207 : vector<16xf32>
        %max3A = arith.maximumf %broadcast_in_dim3A_207, %get3A_214 : vector<16xf32>
        %select_n3A = arith.select %gt3A, %add3A_219, %broadcast_in_dim3A_209 : vector<16xi1>, vector<16xi32>
        %scan3A_220 = arith.constant 1 : i32
        %mul3A_221 = arith.constant 16 : i32
        %mul3A_222 = arith.muli %scan3A_220, %mul3A_221 : i32
        %get3A_223 = arith.index_cast %mul3A_222 : i32 to index
        %get3A_224 = tpu.vector_load %arg10[%get3A_223] {strides = array<i32>} : memref<64xf32, #tpu.memory_space<vmem>>, vector<16xf32>,
        %mul3A_225 = arith.constant 16 : i32
        %mul3A_226 = arith.muli %scan3A_220, %mul3A_225 : i32
        %iota3A_227 = tpu.iota {dimensions = array<i32: 0>} : vector<16xi32>
        %add3A_228 = vector.broadcast %mul3A_226 : i32 to vector<16xi32>
        %add3A_229 = arith.addi %iota3A_227, %add3A_228 : vector<16xi32>
        %gt3A_230 = arith.cmpf ogt, %get3A_224, %max3A : vector<16xf32>
        %max3A_231 = arith.maximumf %max3A, %get3A_224 : vector<16xf32>
        %select_n3A_232 = arith.select %gt3A_230, %add3A_229, %select_n3A : vector<16xi1>, vector<16xi32>
        %scan3A_233 = arith.constant 2 : i32
        %mul3A_234 = arith.constant 16 : i32
        %mul3A_235 = arith.muli %scan3A_233, %mul3A_234 : i32
        %get3A_236 = arith.index_cast %mul3A_235 : i32 to index
        %get3A_237 = tpu.vector_load %arg10[%get3A_236] {strides = array<i32>} : memref<64xf32, #tpu.memory_space<vmem>>, vector<16xf32>,
        %mul3A_238 = arith.constant 16 : i32
        %mul3A_239 = arith.muli %scan3A_233, %mul3A_238 : i32
        %iota3A_240 = tpu.iota {dimensions = array<i32: 0>} : vector<16xi32>
        %add3A_241 = vector.broadcast %mul3A_239 : i32 to vector<16xi32>
        %add3A_242 = arith.addi %iota3A_240, %add3A_241 : vector<16xi32>
        %gt3A_243 = arith.cmpf ogt, %get3A_237, %max3A_231 : vector<16xf32>
        %max3A_244 = arith.maximumf %max3A_231, %get3A_237 : vector<16xf32>
        %select_n3A_245 = arith.select %gt3A_243, %add3A_242, %select_n3A_232 : vector<16xi1>, vector<16xi32>
        %scan3A_246 = arith.constant 3 : i32
        %mul3A_247 = arith.constant 16 : i32
        %mul3A_248 = arith.muli %scan3A_246, %mul3A_247 : i32
        %get3A_249 = arith.index_cast %mul3A_248 : i32 to index
        %get3A_250 = tpu.vector_load %arg10[%get3A_249] {strides = array<i32>} : memref<64xf32, #tpu.memory_space<vmem>>, vector<16xf32>,
        %mul3A_251 = arith.constant 16 : i32
        %mul3A_252 = arith.muli %scan3A_246, %mul3A_251 : i32
        %iota3A_253 = tpu.iota {dimensions = array<i32: 0>} : vector<16xi32>
        %add3A_254 = vector.broadcast %mul3A_252 : i32 to vector<16xi32>
        %add3A_255 = arith.addi %iota3A_253, %add3A_254 : vector<16xi32>
        %gt3A_256 = arith.cmpf ogt, %get3A_250, %max3A_244 : vector<16xf32>
        %max3A_257 = arith.maximumf %max3A_244, %get3A_250 : vector<16xf32>
        %select_n3A_258 = arith.select %gt3A_256, %add3A_255, %select_n3A_245 : vector<16xi1>, vector<16xi32>
        %scan3A_259 = arith.constant 4 : i32
        %reduce_max3A = arith.constant true
        %reduce_max3A_260 = vector.broadcast %reduce_max3A : i1 to vector<16xi1>
        %reduce_max3A_261 = tpu.scan <max>, %max3A_257 masked %reduce_max3A_260 : vector<16xf32>, vector<16xi1> -> vector<16xf32>
        %reduce_max3A_262 = vector.extract %reduce_max3A_261[15] : f32 from vector<16xf32>
        %ge3A = vector.broadcast %reduce_max3A_262 : f32 to vector<16xf32>
        %ge3A_263 = arith.cmpf oge, %max3A_257, %ge3A : vector<16xf32>
        %jit3A = arith.constant 1073741824 : i32
        %broadcast_in_dim3A_264 = vector.broadcast %jit3A : i32 to vector<16xi32>
        %select_n3A_265 = arith.select %ge3A_263, %select_n3A_258, %broadcast_in_dim3A_264 : vector<16xi1>, vector<16xi32>
        %reduce_min3A = arith.constant true
        %reduce_min3A_266 = vector.broadcast %reduce_min3A : i1 to vector<16xi1>
        %reduce_min3A_267 = arith.constant -2147483648 : i32
        %reduce_min3A_268 = vector.broadcast %reduce_min3A_267 : i32 to vector<16xi32>
        %reduce_min3A_269 = arith.xori %select_n3A_265, %reduce_min3A_268 : vector<16xi32>
        %reduce_min3A_270 = tpu.scan <min>, %reduce_min3A_269 masked %reduce_min3A_266 : vector<16xi32>, vector<16xi1> -> vector<16xi32>
        %reduce_min3A_271 = arith.xori %reduce_min3A_270, %reduce_min3A_268 : vector<16xi32>
        %reduce_min3A_272 = vector.extract %reduce_min3A_271[15] : i32 from vector<16xi32>
        %iota3A_273 = tpu.iota {dimensions = array<i32: 0>} : vector<16xi32>
        %eq3A_274 = arith.constant 0 : i32
        %eq3A_275 = vector.broadcast %eq3A_274 : i32 to vector<16xi32>
        %eq3A_276 = arith.cmpi eq, %iota3A_273, %eq3A_275 : vector<16xi32>
        %broadcast_in_dim3A_277 = vector.broadcast %reduce_min3A_272 : i32 to vector<16xi32>
        %broadcast_in_dim3A_278 = arith.constant -3.000000e+38 : f32
        %broadcast_in_dim3A_279 = vector.broadcast %broadcast_in_dim3A_278 : f32 to vector<16xf32>
        tpu.vector_store_idx %arg10[%broadcast_in_dim3A_277], %broadcast_in_dim3A_279 masked %eq3A_276 : memref<64xf32, #tpu.memory_space<vmem>>[vector<16xi32>], vector<16xf32>, vector<16xi1>
        scf.yield %reduce_max3A_262 : f32
      }
      %scan3A_175 = arith.constant 8 : i32
      %scan3A_176 = arith.constant 0 : i32
      %scan3A_177 = arith.constant 0 : i32
      %scan3A_178 = arith.constant 50 : i32
      %scan3A_179 = arith.addi %scan3A_177, %scan3A_178 : i32
      %scan3A_180 = arith.constant 1 : i32
      %scan3A_181 = scf.for %scan3A_204 = %scan3A_177 to %scan3A_179 step %scan3A_180 iter_args(%scan3A_205 = %scan3A_176) -> (i32)  : i32 {
        %mul3A_206 = arith.constant 2000 : i32
        %mul3A_207 = arith.muli %scan3A_204, %mul3A_206 : i32
        %broadcast_in_dim3A_208 = vector.broadcast %scan3A_204 : i32 to vector<16xi32>
        %gather3A = tpu.vector_load_idx %arg11[%broadcast_in_dim3A_208] : memref<64xf32, #tpu.memory_space<vmem>>[vector<16xi32>], vector<16xf32>,
        %reduce_max3A = arith.constant true
        %reduce_max3A_209 = vector.broadcast %reduce_max3A : i1 to vector<16xi1>
        %reduce_max3A_210 = tpu.scan <max>, %gather3A masked %reduce_max3A_209 : vector<16xf32>, vector<16xi1> -> vector<16xf32>
        %reduce_max3A_211 = vector.extract %reduce_max3A_210[15] : f32 from vector<16xf32>
        %ge3A = arith.cmpf oge, %reduce_max3A_211, %scan3A_174 : f32
        %convert_element_type3A = arith.extui %ge3A : i1 to i32
        %cond3A = arith.constant 0 : i32
        %cond3A_212 = arith.cmpi ne, %convert_element_type3A, %cond3A : i32
        %cond3A_213 = scf.if %cond3A_212 -> (i32) {
          %scan3A_214 = arith.constant 0 : i32
          %scan3A_215 = arith.constant 125 : i32
          %scan3A_216 = arith.addi %scan3A_214, %scan3A_215 : i32
          %scan3A_217 = arith.constant 1 : i32
          %scan3A_218 = scf.for %scan3A_220 = %scan3A_214 to %scan3A_216 step %scan3A_217 iter_args(%scan3A_221 = %scan3A_205) -> (i32)  : i32 {
            %mul3A_222 = arith.constant 16 : i32
            %mul3A_223 = arith.muli %scan3A_220, %mul3A_222 : i32
            %add3A_224 = arith.addi %mul3A_207, %mul3A_223 : i32
            %get3A_225 = arith.index_cast %add3A_224 : i32 to index
            %get3A_226 = tpu.vector_load %arg8[%get3A_225] {strides = array<i32>} : memref<100000xf32, #tpu.memory_space<vmem>>, vector<16xf32>,
            %ge3A_227 = vector.broadcast %scan3A_174 : f32 to vector<16xf32>
            %ge3A_228 = arith.cmpf oge, %get3A_226, %ge3A_227 : vector<16xf32>
            %min3A = arith.constant 240 : i32
            %min3A_229 = arith.minsi %scan3A_221, %min3A : i32
            %swap3A_230 = arith.index_cast %min3A_229 : i32 to index
            %swap3A_231 = tpu.vector_load %arg12[%swap3A_230] masked %ge3A_228 {strides = array<i32>} : memref<256xf32, #tpu.memory_space<vmem>>, vector<16xf32>, vector<16xi1>
            tpu.vector_store %arg12[%swap3A_230], %get3A_226 masked %ge3A_228 {strides = array<i32>} : memref<256xf32, #tpu.memory_space<vmem>>, vector<16xf32>, vector<16xi1>
            %mul3A_232 = arith.constant 16 : i32
            %mul3A_233 = arith.muli %scan3A_220, %mul3A_232 : i32
            %add3A_234 = arith.addi %mul3A_207, %mul3A_233 : i32
            %iota3A_235 = tpu.iota {dimensions = array<i32: 0>} : vector<16xi32>
            %add3A_236 = vector.broadcast %add3A_234 : i32 to vector<16xi32>
            %add3A_237 = arith.addi %iota3A_235, %add3A_236 : vector<16xi32>
            %swap3A_238 = arith.index_cast %min3A_229 : i32 to index
            %swap3A_239 = tpu.vector_load %arg13[%swap3A_238] masked %ge3A_228 {strides = array<i32>} : memref<256xi32, #tpu.memory_space<vmem>>, vector<16xi32>, vector<16xi1>
            tpu.vector_store %arg13[%swap3A_238], %add3A_237 masked %ge3A_228 {strides = array<i32>} : memref<256xi32, #tpu.memory_space<vmem>>, vector<16xi32>, vector<16xi1>
            %convert_element_type3A_240 = arith.extui %ge3A_228 : vector<16xi1> to vector<16xi32>
            %reduce_sum3A_241 = arith.constant true
            %reduce_sum3A_242 = vector.broadcast %reduce_sum3A_241 : i1 to vector<16xi1>
            %reduce_sum3A_243 = tpu.scan <sum>, %convert_element_type3A_240 masked %reduce_sum3A_242 : vector<16xi32>, vector<16xi1> -> vector<16xi32>
            %reduce_sum3A_244 = vector.extract %reduce_sum3A_243[15] : i32 from vector<16xi32>
            %add3A_245 = arith.addi %min3A_229, %reduce_sum3A_244 : i32
            scf.yield %add3A_245 : i32
          }
          %scan3A_219 = arith.constant 125 : i32
          scf.yield %scan3A_218 : i32
        } else {
          scf.yield %scan3A_205 : i32
        }
        scf.yield %cond3A_213 : i32
      }
      %scan3A_182 = arith.constant 50 : i32
      %scan3A_183 = arith.constant 0 : i32
      %scan3A_184 = arith.constant 0 : i32
      %scan3A_185 = arith.constant 8 : i32
      %scan3A_186 = arith.addi %scan3A_184, %scan3A_185 : i32
      %scan3A_187 = arith.constant 1 : i32
      %scan3A_188 = scf.for %scan3A_204 = %scan3A_184 to %scan3A_186 step %scan3A_187 iter_args(%scan3A_205 = %scan3A_183) -> (i32)  : i32 {
        %broadcast_in_dim3A_206 = arith.constant -3.000000e+38 : f32
        %broadcast_in_dim3A_207 = vector.broadcast %broadcast_in_dim3A_206 : f32 to vector<16xf32>
        %broadcast_in_dim3A_208 = arith.constant 1073741824 : i32
        %broadcast_in_dim3A_209 = vector.broadcast %broadcast_in_dim3A_208 : i32 to vector<16xi32>
        %scan3A_210 = arith.constant 0 : i32
        %scan3A_211 = arith.constant 16 : i32
        %scan3A_212 = arith.addi %scan3A_210, %scan3A_211 : i32
        %scan3A_213 = arith.constant 4 : i32
        %scan3A_214:2 = scf.for %scan3A_263 = %scan3A_210 to %scan3A_212 step %scan3A_213 iter_args(%scan3A_264 = %broadcast_in_dim3A_207, %scan3A_265 = %broadcast_in_dim3A_209) -> (vector<16xf32>, vector<16xi32>)  : i32 {
          %mul3A_266 = arith.constant 16 : i32
          %mul3A_267 = arith.muli %scan3A_263, %mul3A_266 : i32
          %get3A_268 = arith.index_cast %mul3A_267 : i32 to index
          %get3A_269 = tpu.vector_load %arg12[%get3A_268] {strides = array<i32>} : memref<256xf32, #tpu.memory_space<vmem>>, vector<16xf32>,
          %mul3A_270 = arith.constant 16 : i32
          %mul3A_271 = arith.muli %scan3A_263, %mul3A_270 : i32
          %iota3A_272 = tpu.iota {dimensions = array<i32: 0>} : vector<16xi32>
          %add3A_273 = vector.broadcast %mul3A_271 : i32 to vector<16xi32>
          %add3A_274 = arith.addi %iota3A_272, %add3A_273 : vector<16xi32>
          %gt3A = arith.cmpf ogt, %get3A_269, %scan3A_264 : vector<16xf32>
          %max3A = arith.maximumf %scan3A_264, %get3A_269 : vector<16xf32>
          %select_n3A_275 = arith.select %gt3A, %add3A_274, %scan3A_265 : vector<16xi1>, vector<16xi32>
          %scan3A_276 = arith.constant 1 : i32
          %scan3A_277 = arith.addi %scan3A_263, %scan3A_276 : i32
          %mul3A_278 = arith.constant 16 : i32
          %mul3A_279 = arith.muli %scan3A_277, %mul3A_278 : i32
          %get3A_280 = arith.index_cast %mul3A_279 : i32 to index
          %get3A_281 = tpu.vector_load %arg12[%get3A_280] {strides = array<i32>} : memref<256xf32, #tpu.memory_space<vmem>>, vector<16xf32>,
          %mul3A_282 = arith.constant 16 : i32
          %mul3A_283 = arith.muli %scan3A_277, %mul3A_282 : i32
          %iota3A_284 = tpu.iota {dimensions = array<i32: 0>} : vector<16xi32>
          %add3A_285 = vector.broadcast %mul3A_283 : i32 to vector<16xi32>
          %add3A_286 = arith.addi %iota3A_284, %add3A_285 : vector<16xi32>
          %gt3A_287 = arith.cmpf ogt, %get3A_281, %max3A : vector<16xf32>
          %max3A_288 = arith.maximumf %max3A, %get3A_281 : vector<16xf32>
          %select_n3A_289 = arith.select %gt3A_287, %add3A_286, %select_n3A_275 : vector<16xi1>, vector<16xi32>
          %scan3A_290 = arith.constant 2 : i32
          %scan3A_291 = arith.addi %scan3A_263, %scan3A_290 : i32
          %mul3A_292 = arith.constant 16 : i32
          %mul3A_293 = arith.muli %scan3A_291, %mul3A_292 : i32
          %get3A_294 = arith.index_cast %mul3A_293 : i32 to index
          %get3A_295 = tpu.vector_load %arg12[%get3A_294] {strides = array<i32>} : memref<256xf32, #tpu.memory_space<vmem>>, vector<16xf32>,
          %mul3A_296 = arith.constant 16 : i32
          %mul3A_297 = arith.muli %scan3A_291, %mul3A_296 : i32
          %iota3A_298 = tpu.iota {dimensions = array<i32: 0>} : vector<16xi32>
          %add3A_299 = vector.broadcast %mul3A_297 : i32 to vector<16xi32>
          %add3A_300 = arith.addi %iota3A_298, %add3A_299 : vector<16xi32>
          %gt3A_301 = arith.cmpf ogt, %get3A_295, %max3A_288 : vector<16xf32>
          %max3A_302 = arith.maximumf %max3A_288, %get3A_295 : vector<16xf32>
          %select_n3A_303 = arith.select %gt3A_301, %add3A_300, %select_n3A_289 : vector<16xi1>, vector<16xi32>
          %scan3A_304 = arith.constant 3 : i32
          %scan3A_305 = arith.addi %scan3A_263, %scan3A_304 : i32
          %mul3A_306 = arith.constant 16 : i32
          %mul3A_307 = arith.muli %scan3A_305, %mul3A_306 : i32
          %get3A_308 = arith.index_cast %mul3A_307 : i32 to index
          %get3A_309 = tpu.vector_load %arg12[%get3A_308] {strides = array<i32>} : memref<256xf32, #tpu.memory_space<vmem>>, vector<16xf32>,
          %mul3A_310 = arith.constant 16 : i32
          %mul3A_311 = arith.muli %scan3A_305, %mul3A_310 : i32
          %iota3A_312 = tpu.iota {dimensions = array<i32: 0>} : vector<16xi32>
          %add3A_313 = vector.broadcast %mul3A_311 : i32 to vector<16xi32>
          %add3A_314 = arith.addi %iota3A_312, %add3A_313 : vector<16xi32>
          %gt3A_315 = arith.cmpf ogt, %get3A_309, %max3A_302 : vector<16xf32>
          %max3A_316 = arith.maximumf %max3A_302, %get3A_309 : vector<16xf32>
          %select_n3A_317 = arith.select %gt3A_315, %add3A_314, %select_n3A_303 : vector<16xi1>, vector<16xi32>
          scf.yield %max3A_316, %select_n3A_317 : vector<16xf32>, vector<16xi32>
        }
        %scan3A_215 = arith.constant 16 : i32
        %reduce_max3A = arith.constant true
        %reduce_max3A_216 = vector.broadcast %reduce_max3A : i1 to vector<16xi1>
        %reduce_max3A_217 = tpu.scan <max>, %scan3A_214#0 masked %reduce_max3A_216 : vector<16xf32>, vector<16xi1> -> vector<16xf32>
        %reduce_max3A_218 = vector.extract %reduce_max3A_217[15] : f32 from vector<16xf32>
        %ge3A = vector.broadcast %reduce_max3A_218 : f32 to vector<16xf32>
        %ge3A_219 = arith.cmpf oge, %scan3A_214#0, %ge3A : vector<16xf32>
        %jit3A = arith.constant 1073741824 : i32
        %broadcast_in_dim3A_220 = vector.broadcast %jit3A : i32 to vector<16xi32>
        %select_n3A = arith.select %ge3A_219, %scan3A_214#1, %broadcast_in_dim3A_220 : vector<16xi1>, vector<16xi32>
        %reduce_min3A = arith.constant true
        %reduce_min3A_221 = vector.broadcast %reduce_min3A : i1 to vector<16xi1>
        %reduce_min3A_222 = arith.constant -2147483648 : i32
        %reduce_min3A_223 = vector.broadcast %reduce_min3A_222 : i32 to vector<16xi32>
        %reduce_min3A_224 = arith.xori %select_n3A, %reduce_min3A_223 : vector<16xi32>
        %reduce_min3A_225 = tpu.scan <min>, %reduce_min3A_224 masked %reduce_min3A_221 : vector<16xi32>, vector<16xi1> -> vector<16xi32>
        %reduce_min3A_226 = arith.xori %reduce_min3A_225, %reduce_min3A_223 : vector<16xi32>
        %reduce_min3A_227 = vector.extract %reduce_min3A_226[15] : i32 from vector<16xi32>
        %broadcast_in_dim3A_228 = vector.broadcast %reduce_min3A_227 : i32 to vector<16xi32>
        %gather3A = tpu.vector_load_idx %arg13[%broadcast_in_dim3A_228] : memref<256xi32, #tpu.memory_space<vmem>>[vector<16xi32>], vector<16xi32>,
        %reduce_max3A_229 = arith.constant true
        %reduce_max3A_230 = vector.broadcast %reduce_max3A_229 : i1 to vector<16xi1>
        %reduce_max3A_231 = arith.constant -2147483648 : i32
        %reduce_max3A_232 = vector.broadcast %reduce_max3A_231 : i32 to vector<16xi32>
        %reduce_max3A_233 = arith.xori %gather3A, %reduce_max3A_232 : vector<16xi32>
        %reduce_max3A_234 = tpu.scan <max>, %reduce_max3A_233 masked %reduce_max3A_230 : vector<16xi32>, vector<16xi1> -> vector<16xi32>
        %reduce_max3A_235 = arith.xori %reduce_max3A_234, %reduce_max3A_232 : vector<16xi32>
        %reduce_max3A_236 = vector.extract %reduce_max3A_235[15] : i32 from vector<16xi32>
        %iota3A_237 = tpu.iota {dimensions = array<i32: 0>} : vector<16xi32>
        %eq3A_238 = arith.constant 0 : i32
        %eq3A_239 = vector.broadcast %eq3A_238 : i32 to vector<16xi32>
        %eq3A_240 = arith.cmpi eq, %iota3A_237, %eq3A_239 : vector<16xi32>
        %broadcast_in_dim3A_241 = vector.broadcast %reduce_min3A_227 : i32 to vector<16xi32>
        %broadcast_in_dim3A_242 = arith.constant -3.000000e+38 : f32
        %broadcast_in_dim3A_243 = vector.broadcast %broadcast_in_dim3A_242 : f32 to vector<16xf32>
        tpu.vector_store_idx %arg12[%broadcast_in_dim3A_241], %broadcast_in_dim3A_243 masked %eq3A_240 : memref<256xf32, #tpu.memory_space<vmem>>[vector<16xi32>], vector<16xf32>, vector<16xi1>
        %mul3A_244 = arith.constant 8 : i32
        %mul3A_245 = arith.muli %scan3A_13, %mul3A_244 : i32
        %add3A_246 = arith.addi %mul3A_245, %scan3A_204 : i32
        %iota3A_247 = tpu.iota {dimensions = array<i32: 0>} : vector<16xi32>
        %eq3A_248 = arith.constant 0 : i32
        %eq3A_249 = vector.broadcast %eq3A_248 : i32 to vector<16xi32>
        %eq3A_250 = arith.cmpi eq, %iota3A_247, %eq3A_249 : vector<16xi32>
        %broadcast_in_dim3A_251 = vector.broadcast %add3A_246 : i32 to vector<16xi32>
        %broadcast_in_dim3A_252 = vector.broadcast %reduce_max3A_218 : f32 to vector<16xf32>
        tpu.vector_store_idx %arg14[%broadcast_in_dim3A_251], %broadcast_in_dim3A_252 masked %eq3A_250 : memref<64xf32, #tpu.memory_space<vmem>>[vector<16xi32>], vector<16xf32>, vector<16xi1>
        %mul3A_253 = arith.constant 8 : i32
        %mul3A_254 = arith.muli %scan3A_13, %mul3A_253 : i32
        %add3A_255 = arith.addi %mul3A_254, %scan3A_204 : i32
        %iota3A_256 = tpu.iota {dimensions = array<i32: 0>} : vector<16xi32>
        %eq3A_257 = arith.constant 0 : i32
        %eq3A_258 = vector.broadcast %eq3A_257 : i32 to vector<16xi32>
        %eq3A_259 = arith.cmpi eq, %iota3A_256, %eq3A_258 : vector<16xi32>
        %broadcast_in_dim3A_260 = vector.broadcast %add3A_255 : i32 to vector<16xi32>
        %broadcast_in_dim3A_261 = vector.broadcast %reduce_max3A_236 : i32 to vector<16xi32>
        tpu.vector_store_idx %arg15[%broadcast_in_dim3A_260], %broadcast_in_dim3A_261 masked %eq3A_259 : memref<64xi32, #tpu.memory_space<vmem>>[vector<16xi32>], vector<16xi32>, vector<16xi1>
        %scan3A_262 = arith.constant 0 : i32
        scf.yield %scan3A_262 : i32
      }
      %scan3A_189 = arith.constant 8 : i32
      %iota3A = tpu.iota {dimensions = array<i32: 0>} : vector<16xi32>
      %eq3A = arith.constant 0 : i32
      %eq3A_190 = vector.broadcast %eq3A : i32 to vector<16xi32>
      %eq3A_191 = arith.cmpi eq, %iota3A, %eq3A_190 : vector<16xi32>
      %broadcast_in_dim3A_192 = vector.broadcast %scan3A_13 : i32 to vector<16xi32>
      %broadcast_in_dim3A_193 = vector.broadcast %scan3A_152#0 : f32 to vector<16xf32>
      tpu.vector_store_idx %arg16[%broadcast_in_dim3A_192], %broadcast_in_dim3A_193 masked %eq3A_191 : memref<8xf32, #tpu.memory_space<vmem>>[vector<16xi32>], vector<16xf32>, vector<16xi1>
      %reduce_sum3A = arith.constant true
      %reduce_sum3A_194 = vector.broadcast %reduce_sum3A : i1 to vector<16xi1>
      %reduce_sum3A_195 = tpu.scan <sum>, %scan3A_152#1 masked %reduce_sum3A_194 : vector<16xf32>, vector<16xi1> -> vector<16xf32>
      %reduce_sum3A_196 = vector.extract %reduce_sum3A_195[15] : f32 from vector<16xf32>
      %iota3A_197 = tpu.iota {dimensions = array<i32: 0>} : vector<16xi32>
      %eq3A_198 = arith.constant 0 : i32
      %eq3A_199 = vector.broadcast %eq3A_198 : i32 to vector<16xi32>
      %eq3A_200 = arith.cmpi eq, %iota3A_197, %eq3A_199 : vector<16xi32>
      %broadcast_in_dim3A_201 = vector.broadcast %scan3A_13 : i32 to vector<16xi32>
      %broadcast_in_dim3A_202 = vector.broadcast %reduce_sum3A_196 : f32 to vector<16xf32>
      tpu.vector_store_idx %arg17[%broadcast_in_dim3A_201], %broadcast_in_dim3A_202 masked %eq3A_200 : memref<8xf32, #tpu.memory_space<vmem>>[vector<16xi32>], vector<16xf32>, vector<16xi1>
      %scan3A_203 = arith.constant 0 : i32
      scf.yield %scan3A_203 : i32
    }
    %scan3A_8 = arith.constant 8 : i32
    %mul3A_9 = arith.constant 8 : i32
    %mul3A_10 = arith.muli %mul3A_2, %mul3A_9 : i32
    "tpu.region"() ({
      %run_scoped3A = tpu.sem_alloc : memref<!tpu.dma_semaphore, #tpu.memory_space<semaphore_mem>>
      %dma_start3A = tpu.memref_slice %arg4[%mul3A_10] : memref<2048xf32, #tpu.memory_space<hbm>> -> memref<64xf32, #tpu.memory_space<hbm>>
      %dma_start3A_13 = tpu.memref_slice %arg4[%mul3A_10] : memref<2048xf32, #tpu.memory_space<hbm>> -> memref<64xf32, #tpu.memory_space<hbm>>
      tpu.enqueue_dma source(%arg14 : memref<64xf32, #tpu.memory_space<vmem>>) target(%dma_start3A_13 : memref<64xf32, #tpu.memory_space<hbm>>) target_semaphore(%run_scoped3A : memref<!tpu.dma_semaphore, #tpu.memory_space<semaphore_mem>>)
      %dma_wait3A = tpu.memref_slice %arg4[%mul3A_10] : memref<2048xf32, #tpu.memory_space<hbm>> -> memref<64xf32, #tpu.memory_space<hbm>>
      %dma_wait3A_14 = tpu.memref_slice %arg4[%mul3A_10] : memref<2048xf32, #tpu.memory_space<hbm>> -> memref<64xf32, #tpu.memory_space<hbm>>
      tpu.wait_dma2 semaphore(%run_scoped3A : memref<!tpu.dma_semaphore, #tpu.memory_space<semaphore_mem>>) src(%arg14 : memref<64xf32, #tpu.memory_space<vmem>>) dst(%dma_wait3A_14 : memref<64xf32, #tpu.memory_space<hbm>>)
      tpu.yield
    }) : () -> ()
    %mul3A_11 = arith.constant 8 : i32
    %mul3A_12 = arith.muli %mul3A_2, %mul3A_11 : i32
    "tpu.region"() ({
      %run_scoped3A = tpu.sem_alloc : memref<!tpu.dma_semaphore, #tpu.memory_space<semaphore_mem>>
      %dma_start3A = tpu.memref_slice %arg5[%mul3A_12] : memref<2048xi32, #tpu.memory_space<hbm>> -> memref<64xi32, #tpu.memory_space<hbm>>
      %dma_start3A_13 = tpu.memref_slice %arg5[%mul3A_12] : memref<2048xi32, #tpu.memory_space<hbm>> -> memref<64xi32, #tpu.memory_space<hbm>>
      tpu.enqueue_dma source(%arg15 : memref<64xi32, #tpu.memory_space<vmem>>) target(%dma_start3A_13 : memref<64xi32, #tpu.memory_space<hbm>>) target_semaphore(%run_scoped3A : memref<!tpu.dma_semaphore, #tpu.memory_space<semaphore_mem>>)
      %dma_wait3A = tpu.memref_slice %arg5[%mul3A_12] : memref<2048xi32, #tpu.memory_space<hbm>> -> memref<64xi32, #tpu.memory_space<hbm>>
      %dma_wait3A_14 = tpu.memref_slice %arg5[%mul3A_12] : memref<2048xi32, #tpu.memory_space<hbm>> -> memref<64xi32, #tpu.memory_space<hbm>>
      tpu.wait_dma2 semaphore(%run_scoped3A : memref<!tpu.dma_semaphore, #tpu.memory_space<semaphore_mem>>) src(%arg15 : memref<64xi32, #tpu.memory_space<vmem>>) dst(%dma_wait3A_14 : memref<64xi32, #tpu.memory_space<hbm>>)
      tpu.yield
    }) : () -> ()
    "tpu.region"() ({
      %run_scoped3A = tpu.sem_alloc : memref<!tpu.dma_semaphore, #tpu.memory_space<semaphore_mem>>
      %dma_start3A = tpu.memref_slice %arg6[%mul3A_2] : memref<256xf32, #tpu.memory_space<hbm>> -> memref<8xf32, #tpu.memory_space<hbm>>
      %dma_start3A_13 = tpu.memref_slice %arg6[%mul3A_2] : memref<256xf32, #tpu.memory_space<hbm>> -> memref<8xf32, #tpu.memory_space<hbm>>
      tpu.enqueue_dma source(%arg16 : memref<8xf32, #tpu.memory_space<vmem>>) target(%dma_start3A_13 : memref<8xf32, #tpu.memory_space<hbm>>) target_semaphore(%run_scoped3A : memref<!tpu.dma_semaphore, #tpu.memory_space<semaphore_mem>>)
      %dma_wait3A = tpu.memref_slice %arg6[%mul3A_2] : memref<256xf32, #tpu.memory_space<hbm>> -> memref<8xf32, #tpu.memory_space<hbm>>
      %dma_wait3A_14 = tpu.memref_slice %arg6[%mul3A_2] : memref<256xf32, #tpu.memory_space<hbm>> -> memref<8xf32, #tpu.memory_space<hbm>>
      tpu.wait_dma2 semaphore(%run_scoped3A : memref<!tpu.dma_semaphore, #tpu.memory_space<semaphore_mem>>) src(%arg16 : memref<8xf32, #tpu.memory_space<vmem>>) dst(%dma_wait3A_14 : memref<8xf32, #tpu.memory_space<hbm>>)
      tpu.yield
    }) : () -> ()
    "tpu.region"() ({
      %run_scoped3A = tpu.sem_alloc : memref<!tpu.dma_semaphore, #tpu.memory_space<semaphore_mem>>
      %dma_start3A = tpu.memref_slice %arg7[%mul3A_2] : memref<256xf32, #tpu.memory_space<hbm>> -> memref<8xf32, #tpu.memory_space<hbm>>
      %dma_start3A_13 = tpu.memref_slice %arg7[%mul3A_2] : memref<256xf32, #tpu.memory_space<hbm>> -> memref<8xf32, #tpu.memory_space<hbm>>
      tpu.enqueue_dma source(%arg17 : memref<8xf32, #tpu.memory_space<vmem>>) target(%dma_start3A_13 : memref<8xf32, #tpu.memory_space<hbm>>) target_semaphore(%run_scoped3A : memref<!tpu.dma_semaphore, #tpu.memory_space<semaphore_mem>>)
      %dma_wait3A = tpu.memref_slice %arg7[%mul3A_2] : memref<256xf32, #tpu.memory_space<hbm>> -> memref<8xf32, #tpu.memory_space<hbm>>
      %dma_wait3A_14 = tpu.memref_slice %arg7[%mul3A_2] : memref<256xf32, #tpu.memory_space<hbm>> -> memref<8xf32, #tpu.memory_space<hbm>>
      tpu.wait_dma2 semaphore(%run_scoped3A : memref<!tpu.dma_semaphore, #tpu.memory_space<semaphore_mem>>) src(%arg17 : memref<8xf32, #tpu.memory_space<vmem>>) dst(%dma_wait3A_14 : memref<8xf32, #tpu.memory_space<hbm>>)
      tpu.yield
    }) : () -> ()
    return
  }
}

module attributes {stable_mosaic.version = 14 : i64} {
  func.func @_tc_merge_body(%arg0: memref<64x32xf32, #tpu.memory_space<vmem>>, %arg1: memref<64x32xi32, #tpu.memory_space<vmem>>, %arg2: memref<64x32xf32, #tpu.memory_space<vmem>>, %arg3: memref<64x32xf32, #tpu.memory_space<vmem>>, %arg4: memref<64x32xf32, #tpu.memory_space<vmem>>, %arg5: memref<64x4xf32, #tpu.memory_space<vmem>>, %arg6: memref<64x4xi32, #tpu.memory_space<vmem>>, %arg7: memref<64x4xi32, #tpu.memory_space<vmem>>, %arg8: memref<64x4xi32, #tpu.memory_space<vmem>>) attributes {dimension_semantics = [], scalar_prefetch = 0 : i64, scratch_operands = 0 : i64, tpu.core_type = #tpu.core_type<tc>} {
    %get3A = arith.constant 0 : index
    %get3A_0 = arith.constant 0 : index
    %get3A_1 = vector.load %arg0[%get3A, %get3A_0] : memref<64x32xf32, #tpu.memory_space<vmem>>, vector<64x32xf32>
    %get3A_2 = arith.constant 0 : index
    %get3A_3 = arith.constant 0 : index
    %get3A_4 = vector.load %arg1[%get3A_2, %get3A_3] : memref<64x32xi32, #tpu.memory_space<vmem>>, vector<64x32xi32>
    %get3A_5 = arith.constant 0 : index
    %get3A_6 = arith.constant 0 : index
    %get3A_7 = vector.load %arg2[%get3A_5, %get3A_6] : memref<64x32xf32, #tpu.memory_space<vmem>>, vector<64x32xf32>
    %sub3A = arith.subf %get3A_1, %get3A_7 : vector<64x32xf32>
    %get3A_8 = arith.constant 0 : index
    %get3A_9 = arith.constant 0 : index
    %get3A_10 = vector.load %arg3[%get3A_8, %get3A_9] : memref<64x32xf32, #tpu.memory_space<vmem>>, vector<64x32xf32>
    %log3A = math.log %get3A_10 : vector<64x32xf32>
    %sub3A_11 = arith.subf %sub3A, %log3A : vector<64x32xf32>
    %get3A_12 = arith.constant 0 : index
    %get3A_13 = arith.constant 0 : index
    %get3A_14 = vector.load %arg4[%get3A_12, %get3A_13] : memref<64x32xf32, #tpu.memory_space<vmem>>, vector<64x32xf32>
    %add3A = arith.addf %sub3A_11, %get3A_14 : vector<64x32xf32>
    %iota3A = tpu.iota {dimensions = array<i32: 1>} : vector<64x32xi32>
    %broadcast_in_dim3A = arith.constant 0 : i32
    %broadcast_in_dim3A_15 = vector.broadcast %broadcast_in_dim3A : i32 to vector<64x1xi32>
    %broadcast_in_dim3A_16 = arith.constant 0.000000e+00 : f32
    %broadcast_in_dim3A_17 = vector.broadcast %broadcast_in_dim3A_16 : f32 to vector<64x1xf32>
    %broadcast_in_dim3A_18 = arith.constant 0.000000e+00 : f32
    %broadcast_in_dim3A_19 = vector.broadcast %broadcast_in_dim3A_18 : f32 to vector<64x1xf32>
    %broadcast_in_dim3A_20 = arith.constant 0.000000e+00 : f32
    %broadcast_in_dim3A_21 = vector.broadcast %broadcast_in_dim3A_20 : f32 to vector<64x1xf32>
    %broadcast_in_dim3A_22 = arith.constant 0.000000e+00 : f32
    %broadcast_in_dim3A_23 = vector.broadcast %broadcast_in_dim3A_22 : f32 to vector<64x1xf32>
    %broadcast_in_dim3A_24 = arith.constant 0 : i32
    %broadcast_in_dim3A_25 = vector.broadcast %broadcast_in_dim3A_24 : i32 to vector<64x1xi32>
    %broadcast_in_dim3A_26 = arith.constant 0 : i32
    %broadcast_in_dim3A_27 = vector.broadcast %broadcast_in_dim3A_26 : i32 to vector<64x1xi32>
    %broadcast_in_dim3A_28 = arith.constant 0 : i32
    %broadcast_in_dim3A_29 = vector.broadcast %broadcast_in_dim3A_28 : i32 to vector<64x1xi32>
    %broadcast_in_dim3A_30 = arith.constant 0 : i32
    %broadcast_in_dim3A_31 = vector.broadcast %broadcast_in_dim3A_30 : i32 to vector<64x1xi32>
    %broadcast_in_dim3A_32 = arith.constant 0 : i32
    %broadcast_in_dim3A_33 = vector.broadcast %broadcast_in_dim3A_32 : i32 to vector<64x1xi32>
    %broadcast_in_dim3A_34 = arith.constant 0 : i32
    %broadcast_in_dim3A_35 = vector.broadcast %broadcast_in_dim3A_34 : i32 to vector<64x1xi32>
    %broadcast_in_dim3A_36 = arith.constant 0 : i32
    %broadcast_in_dim3A_37 = vector.broadcast %broadcast_in_dim3A_36 : i32 to vector<64x1xi32>
    %broadcast_in_dim3A_38 = arith.constant 0 : i32
    %broadcast_in_dim3A_39 = vector.broadcast %broadcast_in_dim3A_38 : i32 to vector<64x1xi32>
    %reduce_max3A = arith.constant dense<0xFF800000> : vector<64xf32>
    %reduce_max3A_40 = vector.multi_reduction <maximumf>, %add3A, %reduce_max3A [1] : vector<64x32xf32> to vector<64xf32>
    %broadcast_in_dim3A_41 = vector.shape_cast %reduce_max3A_40 : vector<64xf32> to vector<64x1xf32>
    %ge3A = vector.broadcast %broadcast_in_dim3A_41 : vector<64x1xf32> to vector<64x32xf32>
    %ge3A_42 = arith.cmpf oge, %add3A, %ge3A : vector<64x32xf32>
    %jit3A = arith.constant 1073741824 : i32
    %broadcast_in_dim3A_43 = vector.broadcast %jit3A : i32 to vector<64x32xi32>
    %select_n3A = arith.select %ge3A_42, %iota3A, %broadcast_in_dim3A_43 : vector<64x32xi1>, vector<64x32xi32>
    %reduce_min3A = arith.constant dense<2147483647> : vector<64xi32>
    %reduce_min3A_44 = vector.multi_reduction <minsi>, %select_n3A, %reduce_min3A [1] : vector<64x32xi32> to vector<64xi32>
    %broadcast_in_dim3A_45 = vector.shape_cast %reduce_min3A_44 : vector<64xi32> to vector<64x1xi32>
    %eq3A = vector.broadcast %broadcast_in_dim3A_45 : vector<64x1xi32> to vector<64x32xi32>
    %eq3A_46 = arith.cmpi eq, %iota3A, %eq3A : vector<64x32xi32>
    %jit3A_47 = arith.constant 0 : i32
    %broadcast_in_dim3A_48 = vector.broadcast %jit3A_47 : i32 to vector<64x32xi32>
    %select_n3A_49 = arith.select %eq3A_46, %get3A_4, %broadcast_in_dim3A_48 : vector<64x32xi1>, vector<64x32xi32>
    %reduce_sum3A = arith.constant dense<0> : vector<64xi32>
    %reduce_sum3A_50 = vector.multi_reduction <add>, %select_n3A_49, %reduce_sum3A [1] : vector<64x32xi32> to vector<64xi32>
    %broadcast_in_dim3A_51 = vector.shape_cast %reduce_sum3A_50 : vector<64xi32> to vector<64x1xi32>
    %jit3A_52 = arith.constant 8 : i32
    %div3A = vector.broadcast %jit3A_52 : i32 to vector<64x1xi32>
    %div3A_53 = arith.divsi %broadcast_in_dim3A_45, %div3A : vector<64x1xi32>
    %sign3A = arith.constant 0 : i32
    %sign3A_54 = vector.broadcast %sign3A : i32 to vector<64x1xi32>
    %sign3A_55 = arith.cmpi sgt, %broadcast_in_dim3A_45, %sign3A_54 : vector<64x1xi32>
    %sign3A_56 = arith.extui %sign3A_55 : vector<64x1xi1> to vector<64x1xi32>
    %sign3A_57 = arith.constant 0 : i32
    %sign3A_58 = vector.broadcast %sign3A_57 : i32 to vector<64x1xi32>
    %sign3A_59 = arith.cmpi slt, %broadcast_in_dim3A_45, %sign3A_58 : vector<64x1xi32>
    %sign3A_60 = arith.extui %sign3A_59 : vector<64x1xi1> to vector<64x1xi32>
    %sign3A_61 = arith.subi %sign3A_56, %sign3A_60 : vector<64x1xi32>
    %sign3A_62 = arith.constant 0 : i32
    %sign3A_63 = arith.cmpi sgt, %jit3A_52, %sign3A_62 : i32
    %sign3A_64 = arith.extui %sign3A_63 : i1 to i32
    %sign3A_65 = arith.constant 0 : i32
    %sign3A_66 = arith.cmpi slt, %jit3A_52, %sign3A_65 : i32
    %sign3A_67 = arith.extui %sign3A_66 : i1 to i32
    %sign3A_68 = arith.subi %sign3A_64, %sign3A_67 : i32
    %ne3A = vector.broadcast %sign3A_68 : i32 to vector<64x1xi32>
    %ne3A_69 = arith.cmpi ne, %sign3A_61, %ne3A : vector<64x1xi32>
    %rem3A = vector.broadcast %jit3A_52 : i32 to vector<64x1xi32>
    %rem3A_70 = arith.remsi %broadcast_in_dim3A_45, %rem3A : vector<64x1xi32>
    %ne3A_71 = arith.constant 0 : i32
    %ne3A_72 = vector.broadcast %ne3A_71 : i32 to vector<64x1xi32>
    %ne3A_73 = arith.cmpi ne, %rem3A_70, %ne3A_72 : vector<64x1xi32>
    %and3A = arith.andi %ne3A_69, %ne3A_73 : vector<64x1xi1>
    %sub3A_74 = arith.constant 1 : i32
    %sub3A_75 = vector.broadcast %sub3A_74 : i32 to vector<64x1xi32>
    %sub3A_76 = arith.subi %div3A_53, %sub3A_75 : vector<64x1xi32>
    %select_n3A_77 = arith.select %and3A, %sub3A_76, %div3A_53 : vector<64x1xi1>, vector<64x1xi32>
    %jit3A_78 = arith.constant -3.000000e+38 : f32
    %broadcast_in_dim3A_79 = vector.broadcast %jit3A_78 : f32 to vector<64x32xf32>
    %select_n3A_80 = arith.select %eq3A_46, %broadcast_in_dim3A_79, %add3A : vector<64x32xi1>, vector<64x32xf32>
    %ne3A_81 = arith.constant 2 : i32
    %ne3A_82 = vector.broadcast %ne3A_81 : i32 to vector<64x1xi32>
    %ne3A_83 = arith.cmpi ne, %broadcast_in_dim3A_51, %ne3A_82 : vector<64x1xi32>
    %convert_element_type3A = arith.extui %ne3A_83 : vector<64x1xi1> to vector<64x1xi32>
    %add3A_84 = arith.addi %broadcast_in_dim3A_15, %convert_element_type3A : vector<64x1xi32>
    %eq3A_85 = arith.constant 1 : i32
    %eq3A_86 = vector.broadcast %eq3A_85 : i32 to vector<64x1xi32>
    %eq3A_87 = arith.cmpi eq, %convert_element_type3A, %eq3A_86 : vector<64x1xi32>
    %eq3A_88 = arith.constant 1 : i32
    %eq3A_89 = vector.broadcast %eq3A_88 : i32 to vector<64x1xi32>
    %eq3A_90 = arith.cmpi eq, %add3A_84, %eq3A_89 : vector<64x1xi32>
    %and3A_91 = arith.andi %eq3A_87, %eq3A_90 : vector<64x1xi1>
    %select_n3A_92 = arith.select %and3A_91, %broadcast_in_dim3A_41, %broadcast_in_dim3A_17 : vector<64x1xi1>, vector<64x1xf32>
    %select_n3A_93 = arith.select %and3A_91, %broadcast_in_dim3A_51, %broadcast_in_dim3A_25 : vector<64x1xi1>, vector<64x1xi32>
    %select_n3A_94 = arith.select %and3A_91, %select_n3A_77, %broadcast_in_dim3A_33 : vector<64x1xi1>, vector<64x1xi32>
    %eq3A_95 = arith.constant 1 : i32
    %eq3A_96 = vector.broadcast %eq3A_95 : i32 to vector<64x1xi32>
    %eq3A_97 = arith.cmpi eq, %convert_element_type3A, %eq3A_96 : vector<64x1xi32>
    %eq3A_98 = arith.constant 2 : i32
    %eq3A_99 = vector.broadcast %eq3A_98 : i32 to vector<64x1xi32>
    %eq3A_100 = arith.cmpi eq, %add3A_84, %eq3A_99 : vector<64x1xi32>
    %and3A_101 = arith.andi %eq3A_97, %eq3A_100 : vector<64x1xi1>
    %select_n3A_102 = arith.select %and3A_101, %broadcast_in_dim3A_41, %broadcast_in_dim3A_19 : vector<64x1xi1>, vector<64x1xf32>
    %select_n3A_103 = arith.select %and3A_101, %broadcast_in_dim3A_51, %broadcast_in_dim3A_27 : vector<64x1xi1>, vector<64x1xi32>
    %select_n3A_104 = arith.select %and3A_101, %select_n3A_77, %broadcast_in_dim3A_35 : vector<64x1xi1>, vector<64x1xi32>
    %eq3A_105 = arith.constant 1 : i32
    %eq3A_106 = vector.broadcast %eq3A_105 : i32 to vector<64x1xi32>
    %eq3A_107 = arith.cmpi eq, %convert_element_type3A, %eq3A_106 : vector<64x1xi32>
    %eq3A_108 = arith.constant 3 : i32
    %eq3A_109 = vector.broadcast %eq3A_108 : i32 to vector<64x1xi32>
    %eq3A_110 = arith.cmpi eq, %add3A_84, %eq3A_109 : vector<64x1xi32>
    %and3A_111 = arith.andi %eq3A_107, %eq3A_110 : vector<64x1xi1>
    %select_n3A_112 = arith.select %and3A_111, %broadcast_in_dim3A_41, %broadcast_in_dim3A_21 : vector<64x1xi1>, vector<64x1xf32>
    %select_n3A_113 = arith.select %and3A_111, %broadcast_in_dim3A_51, %broadcast_in_dim3A_29 : vector<64x1xi1>, vector<64x1xi32>
    %select_n3A_114 = arith.select %and3A_111, %select_n3A_77, %broadcast_in_dim3A_37 : vector<64x1xi1>, vector<64x1xi32>
    %eq3A_115 = arith.constant 1 : i32
    %eq3A_116 = vector.broadcast %eq3A_115 : i32 to vector<64x1xi32>
    %eq3A_117 = arith.cmpi eq, %convert_element_type3A, %eq3A_116 : vector<64x1xi32>
    %eq3A_118 = arith.constant 4 : i32
    %eq3A_119 = vector.broadcast %eq3A_118 : i32 to vector<64x1xi32>
    %eq3A_120 = arith.cmpi eq, %add3A_84, %eq3A_119 : vector<64x1xi32>
    %and3A_121 = arith.andi %eq3A_117, %eq3A_120 : vector<64x1xi1>
    %select_n3A_122 = arith.select %and3A_121, %broadcast_in_dim3A_41, %broadcast_in_dim3A_23 : vector<64x1xi1>, vector<64x1xf32>
    %select_n3A_123 = arith.select %and3A_121, %broadcast_in_dim3A_51, %broadcast_in_dim3A_31 : vector<64x1xi1>, vector<64x1xi32>
    %select_n3A_124 = arith.select %and3A_121, %select_n3A_77, %broadcast_in_dim3A_39 : vector<64x1xi1>, vector<64x1xi32>
    %add3A_125 = arith.addi %broadcast_in_dim3A_15, %convert_element_type3A : vector<64x1xi32>
    %reduce_max3A_126 = arith.constant dense<0xFF800000> : vector<64xf32>
    %reduce_max3A_127 = vector.multi_reduction <maximumf>, %select_n3A_80, %reduce_max3A_126 [1] : vector<64x32xf32> to vector<64xf32>
    %broadcast_in_dim3A_128 = vector.shape_cast %reduce_max3A_127 : vector<64xf32> to vector<64x1xf32>
    %ge3A_129 = vector.broadcast %broadcast_in_dim3A_128 : vector<64x1xf32> to vector<64x32xf32>
    %ge3A_130 = arith.cmpf oge, %select_n3A_80, %ge3A_129 : vector<64x32xf32>
    %jit3A_131 = arith.constant 1073741824 : i32
    %broadcast_in_dim3A_132 = vector.broadcast %jit3A_131 : i32 to vector<64x32xi32>
    %select_n3A_133 = arith.select %ge3A_130, %iota3A, %broadcast_in_dim3A_132 : vector<64x32xi1>, vector<64x32xi32>
    %reduce_min3A_134 = arith.constant dense<2147483647> : vector<64xi32>
    %reduce_min3A_135 = vector.multi_reduction <minsi>, %select_n3A_133, %reduce_min3A_134 [1] : vector<64x32xi32> to vector<64xi32>
    %broadcast_in_dim3A_136 = vector.shape_cast %reduce_min3A_135 : vector<64xi32> to vector<64x1xi32>
    %eq3A_137 = vector.broadcast %broadcast_in_dim3A_136 : vector<64x1xi32> to vector<64x32xi32>
    %eq3A_138 = arith.cmpi eq, %iota3A, %eq3A_137 : vector<64x32xi32>
    %jit3A_139 = arith.constant 0 : i32
    %broadcast_in_dim3A_140 = vector.broadcast %jit3A_139 : i32 to vector<64x32xi32>
    %select_n3A_141 = arith.select %eq3A_138, %get3A_4, %broadcast_in_dim3A_140 : vector<64x32xi1>, vector<64x32xi32>
    %reduce_sum3A_142 = arith.constant dense<0> : vector<64xi32>
    %reduce_sum3A_143 = vector.multi_reduction <add>, %select_n3A_141, %reduce_sum3A_142 [1] : vector<64x32xi32> to vector<64xi32>
    %broadcast_in_dim3A_144 = vector.shape_cast %reduce_sum3A_143 : vector<64xi32> to vector<64x1xi32>
    %jit3A_145 = arith.constant 8 : i32
    %div3A_146 = vector.broadcast %jit3A_145 : i32 to vector<64x1xi32>
    %div3A_147 = arith.divsi %broadcast_in_dim3A_136, %div3A_146 : vector<64x1xi32>
    %sign3A_148 = arith.constant 0 : i32
    %sign3A_149 = vector.broadcast %sign3A_148 : i32 to vector<64x1xi32>
    %sign3A_150 = arith.cmpi sgt, %broadcast_in_dim3A_136, %sign3A_149 : vector<64x1xi32>
    %sign3A_151 = arith.extui %sign3A_150 : vector<64x1xi1> to vector<64x1xi32>
    %sign3A_152 = arith.constant 0 : i32
    %sign3A_153 = vector.broadcast %sign3A_152 : i32 to vector<64x1xi32>
    %sign3A_154 = arith.cmpi slt, %broadcast_in_dim3A_136, %sign3A_153 : vector<64x1xi32>
    %sign3A_155 = arith.extui %sign3A_154 : vector<64x1xi1> to vector<64x1xi32>
    %sign3A_156 = arith.subi %sign3A_151, %sign3A_155 : vector<64x1xi32>
    %sign3A_157 = arith.constant 0 : i32
    %sign3A_158 = arith.cmpi sgt, %jit3A_145, %sign3A_157 : i32
    %sign3A_159 = arith.extui %sign3A_158 : i1 to i32
    %sign3A_160 = arith.constant 0 : i32
    %sign3A_161 = arith.cmpi slt, %jit3A_145, %sign3A_160 : i32
    %sign3A_162 = arith.extui %sign3A_161 : i1 to i32
    %sign3A_163 = arith.subi %sign3A_159, %sign3A_162 : i32
    %ne3A_164 = vector.broadcast %sign3A_163 : i32 to vector<64x1xi32>
    %ne3A_165 = arith.cmpi ne, %sign3A_156, %ne3A_164 : vector<64x1xi32>
    %rem3A_166 = vector.broadcast %jit3A_145 : i32 to vector<64x1xi32>
    %rem3A_167 = arith.remsi %broadcast_in_dim3A_136, %rem3A_166 : vector<64x1xi32>
    %ne3A_168 = arith.constant 0 : i32
    %ne3A_169 = vector.broadcast %ne3A_168 : i32 to vector<64x1xi32>
    %ne3A_170 = arith.cmpi ne, %rem3A_167, %ne3A_169 : vector<64x1xi32>
    %and3A_171 = arith.andi %ne3A_165, %ne3A_170 : vector<64x1xi1>
    %sub3A_172 = arith.constant 1 : i32
    %sub3A_173 = vector.broadcast %sub3A_172 : i32 to vector<64x1xi32>
    %sub3A_174 = arith.subi %div3A_147, %sub3A_173 : vector<64x1xi32>
    %select_n3A_175 = arith.select %and3A_171, %sub3A_174, %div3A_147 : vector<64x1xi1>, vector<64x1xi32>
    %jit3A_176 = arith.constant -3.000000e+38 : f32
    %broadcast_in_dim3A_177 = vector.broadcast %jit3A_176 : f32 to vector<64x32xf32>
    %select_n3A_178 = arith.select %eq3A_138, %broadcast_in_dim3A_177, %select_n3A_80 : vector<64x32xi1>, vector<64x32xf32>
    %ne3A_179 = arith.constant 2 : i32
    %ne3A_180 = vector.broadcast %ne3A_179 : i32 to vector<64x1xi32>
    %ne3A_181 = arith.cmpi ne, %broadcast_in_dim3A_144, %ne3A_180 : vector<64x1xi32>
    %convert_element_type3A_182 = arith.extui %ne3A_181 : vector<64x1xi1> to vector<64x1xi32>
    %add3A_183 = arith.addi %add3A_125, %convert_element_type3A_182 : vector<64x1xi32>
    %eq3A_184 = arith.constant 1 : i32
    %eq3A_185 = vector.broadcast %eq3A_184 : i32 to vector<64x1xi32>
    %eq3A_186 = arith.cmpi eq, %convert_element_type3A_182, %eq3A_185 : vector<64x1xi32>
    %eq3A_187 = arith.constant 1 : i32
    %eq3A_188 = vector.broadcast %eq3A_187 : i32 to vector<64x1xi32>
    %eq3A_189 = arith.cmpi eq, %add3A_183, %eq3A_188 : vector<64x1xi32>
    %and3A_190 = arith.andi %eq3A_186, %eq3A_189 : vector<64x1xi1>
    %select_n3A_191 = arith.select %and3A_190, %broadcast_in_dim3A_128, %select_n3A_92 : vector<64x1xi1>, vector<64x1xf32>
    %select_n3A_192 = arith.select %and3A_190, %broadcast_in_dim3A_144, %select_n3A_93 : vector<64x1xi1>, vector<64x1xi32>
    %select_n3A_193 = arith.select %and3A_190, %select_n3A_175, %select_n3A_94 : vector<64x1xi1>, vector<64x1xi32>
    %eq3A_194 = arith.constant 1 : i32
    %eq3A_195 = vector.broadcast %eq3A_194 : i32 to vector<64x1xi32>
    %eq3A_196 = arith.cmpi eq, %convert_element_type3A_182, %eq3A_195 : vector<64x1xi32>
    %eq3A_197 = arith.constant 2 : i32
    %eq3A_198 = vector.broadcast %eq3A_197 : i32 to vector<64x1xi32>
    %eq3A_199 = arith.cmpi eq, %add3A_183, %eq3A_198 : vector<64x1xi32>
    %and3A_200 = arith.andi %eq3A_196, %eq3A_199 : vector<64x1xi1>
    %select_n3A_201 = arith.select %and3A_200, %broadcast_in_dim3A_128, %select_n3A_102 : vector<64x1xi1>, vector<64x1xf32>
    %select_n3A_202 = arith.select %and3A_200, %broadcast_in_dim3A_144, %select_n3A_103 : vector<64x1xi1>, vector<64x1xi32>
    %select_n3A_203 = arith.select %and3A_200, %select_n3A_175, %select_n3A_104 : vector<64x1xi1>, vector<64x1xi32>
    %eq3A_204 = arith.constant 1 : i32
    %eq3A_205 = vector.broadcast %eq3A_204 : i32 to vector<64x1xi32>
    %eq3A_206 = arith.cmpi eq, %convert_element_type3A_182, %eq3A_205 : vector<64x1xi32>
    %eq3A_207 = arith.constant 3 : i32
    %eq3A_208 = vector.broadcast %eq3A_207 : i32 to vector<64x1xi32>
    %eq3A_209 = arith.cmpi eq, %add3A_183, %eq3A_208 : vector<64x1xi32>
    %and3A_210 = arith.andi %eq3A_206, %eq3A_209 : vector<64x1xi1>
    %select_n3A_211 = arith.select %and3A_210, %broadcast_in_dim3A_128, %select_n3A_112 : vector<64x1xi1>, vector<64x1xf32>
    %select_n3A_212 = arith.select %and3A_210, %broadcast_in_dim3A_144, %select_n3A_113 : vector<64x1xi1>, vector<64x1xi32>
    %select_n3A_213 = arith.select %and3A_210, %select_n3A_175, %select_n3A_114 : vector<64x1xi1>, vector<64x1xi32>
    %eq3A_214 = arith.constant 1 : i32
    %eq3A_215 = vector.broadcast %eq3A_214 : i32 to vector<64x1xi32>
    %eq3A_216 = arith.cmpi eq, %convert_element_type3A_182, %eq3A_215 : vector<64x1xi32>
    %eq3A_217 = arith.constant 4 : i32
    %eq3A_218 = vector.broadcast %eq3A_217 : i32 to vector<64x1xi32>
    %eq3A_219 = arith.cmpi eq, %add3A_183, %eq3A_218 : vector<64x1xi32>
    %and3A_220 = arith.andi %eq3A_216, %eq3A_219 : vector<64x1xi1>
    %select_n3A_221 = arith.select %and3A_220, %broadcast_in_dim3A_128, %select_n3A_122 : vector<64x1xi1>, vector<64x1xf32>
    %select_n3A_222 = arith.select %and3A_220, %broadcast_in_dim3A_144, %select_n3A_123 : vector<64x1xi1>, vector<64x1xi32>
    %select_n3A_223 = arith.select %and3A_220, %select_n3A_175, %select_n3A_124 : vector<64x1xi1>, vector<64x1xi32>
    %add3A_224 = arith.addi %add3A_125, %convert_element_type3A_182 : vector<64x1xi32>
    %reduce_max3A_225 = arith.constant dense<0xFF800000> : vector<64xf32>
    %reduce_max3A_226 = vector.multi_reduction <maximumf>, %select_n3A_178, %reduce_max3A_225 [1] : vector<64x32xf32> to vector<64xf32>
    %broadcast_in_dim3A_227 = vector.shape_cast %reduce_max3A_226 : vector<64xf32> to vector<64x1xf32>
    %ge3A_228 = vector.broadcast %broadcast_in_dim3A_227 : vector<64x1xf32> to vector<64x32xf32>
    %ge3A_229 = arith.cmpf oge, %select_n3A_178, %ge3A_228 : vector<64x32xf32>
    %jit3A_230 = arith.constant 1073741824 : i32
    %broadcast_in_dim3A_231 = vector.broadcast %jit3A_230 : i32 to vector<64x32xi32>
    %select_n3A_232 = arith.select %ge3A_229, %iota3A, %broadcast_in_dim3A_231 : vector<64x32xi1>, vector<64x32xi32>
    %reduce_min3A_233 = arith.constant dense<2147483647> : vector<64xi32>
    %reduce_min3A_234 = vector.multi_reduction <minsi>, %select_n3A_232, %reduce_min3A_233 [1] : vector<64x32xi32> to vector<64xi32>
    %broadcast_in_dim3A_235 = vector.shape_cast %reduce_min3A_234 : vector<64xi32> to vector<64x1xi32>
    %eq3A_236 = vector.broadcast %broadcast_in_dim3A_235 : vector<64x1xi32> to vector<64x32xi32>
    %eq3A_237 = arith.cmpi eq, %iota3A, %eq3A_236 : vector<64x32xi32>
    %jit3A_238 = arith.constant 0 : i32
    %broadcast_in_dim3A_239 = vector.broadcast %jit3A_238 : i32 to vector<64x32xi32>
    %select_n3A_240 = arith.select %eq3A_237, %get3A_4, %broadcast_in_dim3A_239 : vector<64x32xi1>, vector<64x32xi32>
    %reduce_sum3A_241 = arith.constant dense<0> : vector<64xi32>
    %reduce_sum3A_242 = vector.multi_reduction <add>, %select_n3A_240, %reduce_sum3A_241 [1] : vector<64x32xi32> to vector<64xi32>
    %broadcast_in_dim3A_243 = vector.shape_cast %reduce_sum3A_242 : vector<64xi32> to vector<64x1xi32>
    %jit3A_244 = arith.constant 8 : i32
    %div3A_245 = vector.broadcast %jit3A_244 : i32 to vector<64x1xi32>
    %div3A_246 = arith.divsi %broadcast_in_dim3A_235, %div3A_245 : vector<64x1xi32>
    %sign3A_247 = arith.constant 0 : i32
    %sign3A_248 = vector.broadcast %sign3A_247 : i32 to vector<64x1xi32>
    %sign3A_249 = arith.cmpi sgt, %broadcast_in_dim3A_235, %sign3A_248 : vector<64x1xi32>
    %sign3A_250 = arith.extui %sign3A_249 : vector<64x1xi1> to vector<64x1xi32>
    %sign3A_251 = arith.constant 0 : i32
    %sign3A_252 = vector.broadcast %sign3A_251 : i32 to vector<64x1xi32>
    %sign3A_253 = arith.cmpi slt, %broadcast_in_dim3A_235, %sign3A_252 : vector<64x1xi32>
    %sign3A_254 = arith.extui %sign3A_253 : vector<64x1xi1> to vector<64x1xi32>
    %sign3A_255 = arith.subi %sign3A_250, %sign3A_254 : vector<64x1xi32>
    %sign3A_256 = arith.constant 0 : i32
    %sign3A_257 = arith.cmpi sgt, %jit3A_244, %sign3A_256 : i32
    %sign3A_258 = arith.extui %sign3A_257 : i1 to i32
    %sign3A_259 = arith.constant 0 : i32
    %sign3A_260 = arith.cmpi slt, %jit3A_244, %sign3A_259 : i32
    %sign3A_261 = arith.extui %sign3A_260 : i1 to i32
    %sign3A_262 = arith.subi %sign3A_258, %sign3A_261 : i32
    %ne3A_263 = vector.broadcast %sign3A_262 : i32 to vector<64x1xi32>
    %ne3A_264 = arith.cmpi ne, %sign3A_255, %ne3A_263 : vector<64x1xi32>
    %rem3A_265 = vector.broadcast %jit3A_244 : i32 to vector<64x1xi32>
    %rem3A_266 = arith.remsi %broadcast_in_dim3A_235, %rem3A_265 : vector<64x1xi32>
    %ne3A_267 = arith.constant 0 : i32
    %ne3A_268 = vector.broadcast %ne3A_267 : i32 to vector<64x1xi32>
    %ne3A_269 = arith.cmpi ne, %rem3A_266, %ne3A_268 : vector<64x1xi32>
    %and3A_270 = arith.andi %ne3A_264, %ne3A_269 : vector<64x1xi1>
    %sub3A_271 = arith.constant 1 : i32
    %sub3A_272 = vector.broadcast %sub3A_271 : i32 to vector<64x1xi32>
    %sub3A_273 = arith.subi %div3A_246, %sub3A_272 : vector<64x1xi32>
    %select_n3A_274 = arith.select %and3A_270, %sub3A_273, %div3A_246 : vector<64x1xi1>, vector<64x1xi32>
    %jit3A_275 = arith.constant -3.000000e+38 : f32
    %broadcast_in_dim3A_276 = vector.broadcast %jit3A_275 : f32 to vector<64x32xf32>
    %select_n3A_277 = arith.select %eq3A_237, %broadcast_in_dim3A_276, %select_n3A_178 : vector<64x32xi1>, vector<64x32xf32>
    %ne3A_278 = arith.constant 2 : i32
    %ne3A_279 = vector.broadcast %ne3A_278 : i32 to vector<64x1xi32>
    %ne3A_280 = arith.cmpi ne, %broadcast_in_dim3A_243, %ne3A_279 : vector<64x1xi32>
    %convert_element_type3A_281 = arith.extui %ne3A_280 : vector<64x1xi1> to vector<64x1xi32>
    %add3A_282 = arith.addi %add3A_224, %convert_element_type3A_281 : vector<64x1xi32>
    %eq3A_283 = arith.constant 1 : i32
    %eq3A_284 = vector.broadcast %eq3A_283 : i32 to vector<64x1xi32>
    %eq3A_285 = arith.cmpi eq, %convert_element_type3A_281, %eq3A_284 : vector<64x1xi32>
    %eq3A_286 = arith.constant 1 : i32
    %eq3A_287 = vector.broadcast %eq3A_286 : i32 to vector<64x1xi32>
    %eq3A_288 = arith.cmpi eq, %add3A_282, %eq3A_287 : vector<64x1xi32>
    %and3A_289 = arith.andi %eq3A_285, %eq3A_288 : vector<64x1xi1>
    %select_n3A_290 = arith.select %and3A_289, %broadcast_in_dim3A_227, %select_n3A_191 : vector<64x1xi1>, vector<64x1xf32>
    %select_n3A_291 = arith.select %and3A_289, %broadcast_in_dim3A_243, %select_n3A_192 : vector<64x1xi1>, vector<64x1xi32>
    %select_n3A_292 = arith.select %and3A_289, %select_n3A_274, %select_n3A_193 : vector<64x1xi1>, vector<64x1xi32>
    %eq3A_293 = arith.constant 1 : i32
    %eq3A_294 = vector.broadcast %eq3A_293 : i32 to vector<64x1xi32>
    %eq3A_295 = arith.cmpi eq, %convert_element_type3A_281, %eq3A_294 : vector<64x1xi32>
    %eq3A_296 = arith.constant 2 : i32
    %eq3A_297 = vector.broadcast %eq3A_296 : i32 to vector<64x1xi32>
    %eq3A_298 = arith.cmpi eq, %add3A_282, %eq3A_297 : vector<64x1xi32>
    %and3A_299 = arith.andi %eq3A_295, %eq3A_298 : vector<64x1xi1>
    %select_n3A_300 = arith.select %and3A_299, %broadcast_in_dim3A_227, %select_n3A_201 : vector<64x1xi1>, vector<64x1xf32>
    %select_n3A_301 = arith.select %and3A_299, %broadcast_in_dim3A_243, %select_n3A_202 : vector<64x1xi1>, vector<64x1xi32>
    %select_n3A_302 = arith.select %and3A_299, %select_n3A_274, %select_n3A_203 : vector<64x1xi1>, vector<64x1xi32>
    %eq3A_303 = arith.constant 1 : i32
    %eq3A_304 = vector.broadcast %eq3A_303 : i32 to vector<64x1xi32>
    %eq3A_305 = arith.cmpi eq, %convert_element_type3A_281, %eq3A_304 : vector<64x1xi32>
    %eq3A_306 = arith.constant 3 : i32
    %eq3A_307 = vector.broadcast %eq3A_306 : i32 to vector<64x1xi32>
    %eq3A_308 = arith.cmpi eq, %add3A_282, %eq3A_307 : vector<64x1xi32>
    %and3A_309 = arith.andi %eq3A_305, %eq3A_308 : vector<64x1xi1>
    %select_n3A_310 = arith.select %and3A_309, %broadcast_in_dim3A_227, %select_n3A_211 : vector<64x1xi1>, vector<64x1xf32>
    %select_n3A_311 = arith.select %and3A_309, %broadcast_in_dim3A_243, %select_n3A_212 : vector<64x1xi1>, vector<64x1xi32>
    %select_n3A_312 = arith.select %and3A_309, %select_n3A_274, %select_n3A_213 : vector<64x1xi1>, vector<64x1xi32>
    %eq3A_313 = arith.constant 1 : i32
    %eq3A_314 = vector.broadcast %eq3A_313 : i32 to vector<64x1xi32>
    %eq3A_315 = arith.cmpi eq, %convert_element_type3A_281, %eq3A_314 : vector<64x1xi32>
    %eq3A_316 = arith.constant 4 : i32
    %eq3A_317 = vector.broadcast %eq3A_316 : i32 to vector<64x1xi32>
    %eq3A_318 = arith.cmpi eq, %add3A_282, %eq3A_317 : vector<64x1xi32>
    %and3A_319 = arith.andi %eq3A_315, %eq3A_318 : vector<64x1xi1>
    %select_n3A_320 = arith.select %and3A_319, %broadcast_in_dim3A_227, %select_n3A_221 : vector<64x1xi1>, vector<64x1xf32>
    %select_n3A_321 = arith.select %and3A_319, %broadcast_in_dim3A_243, %select_n3A_222 : vector<64x1xi1>, vector<64x1xi32>
    %select_n3A_322 = arith.select %and3A_319, %select_n3A_274, %select_n3A_223 : vector<64x1xi1>, vector<64x1xi32>
    %add3A_323 = arith.addi %add3A_224, %convert_element_type3A_281 : vector<64x1xi32>
    %reduce_max3A_324 = arith.constant dense<0xFF800000> : vector<64xf32>
    %reduce_max3A_325 = vector.multi_reduction <maximumf>, %select_n3A_277, %reduce_max3A_324 [1] : vector<64x32xf32> to vector<64xf32>
    %broadcast_in_dim3A_326 = vector.shape_cast %reduce_max3A_325 : vector<64xf32> to vector<64x1xf32>
    %ge3A_327 = vector.broadcast %broadcast_in_dim3A_326 : vector<64x1xf32> to vector<64x32xf32>
    %ge3A_328 = arith.cmpf oge, %select_n3A_277, %ge3A_327 : vector<64x32xf32>
    %jit3A_329 = arith.constant 1073741824 : i32
    %broadcast_in_dim3A_330 = vector.broadcast %jit3A_329 : i32 to vector<64x32xi32>
    %select_n3A_331 = arith.select %ge3A_328, %iota3A, %broadcast_in_dim3A_330 : vector<64x32xi1>, vector<64x32xi32>
    %reduce_min3A_332 = arith.constant dense<2147483647> : vector<64xi32>
    %reduce_min3A_333 = vector.multi_reduction <minsi>, %select_n3A_331, %reduce_min3A_332 [1] : vector<64x32xi32> to vector<64xi32>
    %broadcast_in_dim3A_334 = vector.shape_cast %reduce_min3A_333 : vector<64xi32> to vector<64x1xi32>
    %eq3A_335 = vector.broadcast %broadcast_in_dim3A_334 : vector<64x1xi32> to vector<64x32xi32>
    %eq3A_336 = arith.cmpi eq, %iota3A, %eq3A_335 : vector<64x32xi32>
    %jit3A_337 = arith.constant 0 : i32
    %broadcast_in_dim3A_338 = vector.broadcast %jit3A_337 : i32 to vector<64x32xi32>
    %select_n3A_339 = arith.select %eq3A_336, %get3A_4, %broadcast_in_dim3A_338 : vector<64x32xi1>, vector<64x32xi32>
    %reduce_sum3A_340 = arith.constant dense<0> : vector<64xi32>
    %reduce_sum3A_341 = vector.multi_reduction <add>, %select_n3A_339, %reduce_sum3A_340 [1] : vector<64x32xi32> to vector<64xi32>
    %broadcast_in_dim3A_342 = vector.shape_cast %reduce_sum3A_341 : vector<64xi32> to vector<64x1xi32>
    %jit3A_343 = arith.constant 8 : i32
    %div3A_344 = vector.broadcast %jit3A_343 : i32 to vector<64x1xi32>
    %div3A_345 = arith.divsi %broadcast_in_dim3A_334, %div3A_344 : vector<64x1xi32>
    %sign3A_346 = arith.constant 0 : i32
    %sign3A_347 = vector.broadcast %sign3A_346 : i32 to vector<64x1xi32>
    %sign3A_348 = arith.cmpi sgt, %broadcast_in_dim3A_334, %sign3A_347 : vector<64x1xi32>
    %sign3A_349 = arith.extui %sign3A_348 : vector<64x1xi1> to vector<64x1xi32>
    %sign3A_350 = arith.constant 0 : i32
    %sign3A_351 = vector.broadcast %sign3A_350 : i32 to vector<64x1xi32>
    %sign3A_352 = arith.cmpi slt, %broadcast_in_dim3A_334, %sign3A_351 : vector<64x1xi32>
    %sign3A_353 = arith.extui %sign3A_352 : vector<64x1xi1> to vector<64x1xi32>
    %sign3A_354 = arith.subi %sign3A_349, %sign3A_353 : vector<64x1xi32>
    %sign3A_355 = arith.constant 0 : i32
    %sign3A_356 = arith.cmpi sgt, %jit3A_343, %sign3A_355 : i32
    %sign3A_357 = arith.extui %sign3A_356 : i1 to i32
    %sign3A_358 = arith.constant 0 : i32
    %sign3A_359 = arith.cmpi slt, %jit3A_343, %sign3A_358 : i32
    %sign3A_360 = arith.extui %sign3A_359 : i1 to i32
    %sign3A_361 = arith.subi %sign3A_357, %sign3A_360 : i32
    %ne3A_362 = vector.broadcast %sign3A_361 : i32 to vector<64x1xi32>
    %ne3A_363 = arith.cmpi ne, %sign3A_354, %ne3A_362 : vector<64x1xi32>
    %rem3A_364 = vector.broadcast %jit3A_343 : i32 to vector<64x1xi32>
    %rem3A_365 = arith.remsi %broadcast_in_dim3A_334, %rem3A_364 : vector<64x1xi32>
    %ne3A_366 = arith.constant 0 : i32
    %ne3A_367 = vector.broadcast %ne3A_366 : i32 to vector<64x1xi32>
    %ne3A_368 = arith.cmpi ne, %rem3A_365, %ne3A_367 : vector<64x1xi32>
    %and3A_369 = arith.andi %ne3A_363, %ne3A_368 : vector<64x1xi1>
    %sub3A_370 = arith.constant 1 : i32
    %sub3A_371 = vector.broadcast %sub3A_370 : i32 to vector<64x1xi32>
    %sub3A_372 = arith.subi %div3A_345, %sub3A_371 : vector<64x1xi32>
    %select_n3A_373 = arith.select %and3A_369, %sub3A_372, %div3A_345 : vector<64x1xi1>, vector<64x1xi32>
    %jit3A_374 = arith.constant -3.000000e+38 : f32
    %broadcast_in_dim3A_375 = vector.broadcast %jit3A_374 : f32 to vector<64x32xf32>
    %select_n3A_376 = arith.select %eq3A_336, %broadcast_in_dim3A_375, %select_n3A_277 : vector<64x32xi1>, vector<64x32xf32>
    %ne3A_377 = arith.constant 2 : i32
    %ne3A_378 = vector.broadcast %ne3A_377 : i32 to vector<64x1xi32>
    %ne3A_379 = arith.cmpi ne, %broadcast_in_dim3A_342, %ne3A_378 : vector<64x1xi32>
    %convert_element_type3A_380 = arith.extui %ne3A_379 : vector<64x1xi1> to vector<64x1xi32>
    %add3A_381 = arith.addi %add3A_323, %convert_element_type3A_380 : vector<64x1xi32>
    %eq3A_382 = arith.constant 1 : i32
    %eq3A_383 = vector.broadcast %eq3A_382 : i32 to vector<64x1xi32>
    %eq3A_384 = arith.cmpi eq, %convert_element_type3A_380, %eq3A_383 : vector<64x1xi32>
    %eq3A_385 = arith.constant 1 : i32
    %eq3A_386 = vector.broadcast %eq3A_385 : i32 to vector<64x1xi32>
    %eq3A_387 = arith.cmpi eq, %add3A_381, %eq3A_386 : vector<64x1xi32>
    %and3A_388 = arith.andi %eq3A_384, %eq3A_387 : vector<64x1xi1>
    %select_n3A_389 = arith.select %and3A_388, %broadcast_in_dim3A_326, %select_n3A_290 : vector<64x1xi1>, vector<64x1xf32>
    %select_n3A_390 = arith.select %and3A_388, %broadcast_in_dim3A_342, %select_n3A_291 : vector<64x1xi1>, vector<64x1xi32>
    %select_n3A_391 = arith.select %and3A_388, %select_n3A_373, %select_n3A_292 : vector<64x1xi1>, vector<64x1xi32>
    %eq3A_392 = arith.constant 1 : i32
    %eq3A_393 = vector.broadcast %eq3A_392 : i32 to vector<64x1xi32>
    %eq3A_394 = arith.cmpi eq, %convert_element_type3A_380, %eq3A_393 : vector<64x1xi32>
    %eq3A_395 = arith.constant 2 : i32
    %eq3A_396 = vector.broadcast %eq3A_395 : i32 to vector<64x1xi32>
    %eq3A_397 = arith.cmpi eq, %add3A_381, %eq3A_396 : vector<64x1xi32>
    %and3A_398 = arith.andi %eq3A_394, %eq3A_397 : vector<64x1xi1>
    %select_n3A_399 = arith.select %and3A_398, %broadcast_in_dim3A_326, %select_n3A_300 : vector<64x1xi1>, vector<64x1xf32>
    %select_n3A_400 = arith.select %and3A_398, %broadcast_in_dim3A_342, %select_n3A_301 : vector<64x1xi1>, vector<64x1xi32>
    %select_n3A_401 = arith.select %and3A_398, %select_n3A_373, %select_n3A_302 : vector<64x1xi1>, vector<64x1xi32>
    %eq3A_402 = arith.constant 1 : i32
    %eq3A_403 = vector.broadcast %eq3A_402 : i32 to vector<64x1xi32>
    %eq3A_404 = arith.cmpi eq, %convert_element_type3A_380, %eq3A_403 : vector<64x1xi32>
    %eq3A_405 = arith.constant 3 : i32
    %eq3A_406 = vector.broadcast %eq3A_405 : i32 to vector<64x1xi32>
    %eq3A_407 = arith.cmpi eq, %add3A_381, %eq3A_406 : vector<64x1xi32>
    %and3A_408 = arith.andi %eq3A_404, %eq3A_407 : vector<64x1xi1>
    %select_n3A_409 = arith.select %and3A_408, %broadcast_in_dim3A_326, %select_n3A_310 : vector<64x1xi1>, vector<64x1xf32>
    %select_n3A_410 = arith.select %and3A_408, %broadcast_in_dim3A_342, %select_n3A_311 : vector<64x1xi1>, vector<64x1xi32>
    %select_n3A_411 = arith.select %and3A_408, %select_n3A_373, %select_n3A_312 : vector<64x1xi1>, vector<64x1xi32>
    %eq3A_412 = arith.constant 1 : i32
    %eq3A_413 = vector.broadcast %eq3A_412 : i32 to vector<64x1xi32>
    %eq3A_414 = arith.cmpi eq, %convert_element_type3A_380, %eq3A_413 : vector<64x1xi32>
    %eq3A_415 = arith.constant 4 : i32
    %eq3A_416 = vector.broadcast %eq3A_415 : i32 to vector<64x1xi32>
    %eq3A_417 = arith.cmpi eq, %add3A_381, %eq3A_416 : vector<64x1xi32>
    %and3A_418 = arith.andi %eq3A_414, %eq3A_417 : vector<64x1xi1>
    %select_n3A_419 = arith.select %and3A_418, %broadcast_in_dim3A_326, %select_n3A_320 : vector<64x1xi1>, vector<64x1xf32>
    %select_n3A_420 = arith.select %and3A_418, %broadcast_in_dim3A_342, %select_n3A_321 : vector<64x1xi1>, vector<64x1xi32>
    %select_n3A_421 = arith.select %and3A_418, %select_n3A_373, %select_n3A_322 : vector<64x1xi1>, vector<64x1xi32>
    %add3A_422 = arith.addi %add3A_323, %convert_element_type3A_380 : vector<64x1xi32>
    %reduce_max3A_423 = arith.constant dense<0xFF800000> : vector<64xf32>
    %reduce_max3A_424 = vector.multi_reduction <maximumf>, %select_n3A_376, %reduce_max3A_423 [1] : vector<64x32xf32> to vector<64xf32>
    %broadcast_in_dim3A_425 = vector.shape_cast %reduce_max3A_424 : vector<64xf32> to vector<64x1xf32>
    %ge3A_426 = vector.broadcast %broadcast_in_dim3A_425 : vector<64x1xf32> to vector<64x32xf32>
    %ge3A_427 = arith.cmpf oge, %select_n3A_376, %ge3A_426 : vector<64x32xf32>
    %jit3A_428 = arith.constant 1073741824 : i32
    %broadcast_in_dim3A_429 = vector.broadcast %jit3A_428 : i32 to vector<64x32xi32>
    %select_n3A_430 = arith.select %ge3A_427, %iota3A, %broadcast_in_dim3A_429 : vector<64x32xi1>, vector<64x32xi32>
    %reduce_min3A_431 = arith.constant dense<2147483647> : vector<64xi32>
    %reduce_min3A_432 = vector.multi_reduction <minsi>, %select_n3A_430, %reduce_min3A_431 [1] : vector<64x32xi32> to vector<64xi32>
    %broadcast_in_dim3A_433 = vector.shape_cast %reduce_min3A_432 : vector<64xi32> to vector<64x1xi32>
    %eq3A_434 = vector.broadcast %broadcast_in_dim3A_433 : vector<64x1xi32> to vector<64x32xi32>
    %eq3A_435 = arith.cmpi eq, %iota3A, %eq3A_434 : vector<64x32xi32>
    %jit3A_436 = arith.constant 0 : i32
    %broadcast_in_dim3A_437 = vector.broadcast %jit3A_436 : i32 to vector<64x32xi32>
    %select_n3A_438 = arith.select %eq3A_435, %get3A_4, %broadcast_in_dim3A_437 : vector<64x32xi1>, vector<64x32xi32>
    %reduce_sum3A_439 = arith.constant dense<0> : vector<64xi32>
    %reduce_sum3A_440 = vector.multi_reduction <add>, %select_n3A_438, %reduce_sum3A_439 [1] : vector<64x32xi32> to vector<64xi32>
    %broadcast_in_dim3A_441 = vector.shape_cast %reduce_sum3A_440 : vector<64xi32> to vector<64x1xi32>
    %jit3A_442 = arith.constant 8 : i32
    %div3A_443 = vector.broadcast %jit3A_442 : i32 to vector<64x1xi32>
    %div3A_444 = arith.divsi %broadcast_in_dim3A_433, %div3A_443 : vector<64x1xi32>
    %sign3A_445 = arith.constant 0 : i32
    %sign3A_446 = vector.broadcast %sign3A_445 : i32 to vector<64x1xi32>
    %sign3A_447 = arith.cmpi sgt, %broadcast_in_dim3A_433, %sign3A_446 : vector<64x1xi32>
    %sign3A_448 = arith.extui %sign3A_447 : vector<64x1xi1> to vector<64x1xi32>
    %sign3A_449 = arith.constant 0 : i32
    %sign3A_450 = vector.broadcast %sign3A_449 : i32 to vector<64x1xi32>
    %sign3A_451 = arith.cmpi slt, %broadcast_in_dim3A_433, %sign3A_450 : vector<64x1xi32>
    %sign3A_452 = arith.extui %sign3A_451 : vector<64x1xi1> to vector<64x1xi32>
    %sign3A_453 = arith.subi %sign3A_448, %sign3A_452 : vector<64x1xi32>
    %sign3A_454 = arith.constant 0 : i32
    %sign3A_455 = arith.cmpi sgt, %jit3A_442, %sign3A_454 : i32
    %sign3A_456 = arith.extui %sign3A_455 : i1 to i32
    %sign3A_457 = arith.constant 0 : i32
    %sign3A_458 = arith.cmpi slt, %jit3A_442, %sign3A_457 : i32
    %sign3A_459 = arith.extui %sign3A_458 : i1 to i32
    %sign3A_460 = arith.subi %sign3A_456, %sign3A_459 : i32
    %ne3A_461 = vector.broadcast %sign3A_460 : i32 to vector<64x1xi32>
    %ne3A_462 = arith.cmpi ne, %sign3A_453, %ne3A_461 : vector<64x1xi32>
    %rem3A_463 = vector.broadcast %jit3A_442 : i32 to vector<64x1xi32>
    %rem3A_464 = arith.remsi %broadcast_in_dim3A_433, %rem3A_463 : vector<64x1xi32>
    %ne3A_465 = arith.constant 0 : i32
    %ne3A_466 = vector.broadcast %ne3A_465 : i32 to vector<64x1xi32>
    %ne3A_467 = arith.cmpi ne, %rem3A_464, %ne3A_466 : vector<64x1xi32>
    %and3A_468 = arith.andi %ne3A_462, %ne3A_467 : vector<64x1xi1>
    %sub3A_469 = arith.constant 1 : i32
    %sub3A_470 = vector.broadcast %sub3A_469 : i32 to vector<64x1xi32>
    %sub3A_471 = arith.subi %div3A_444, %sub3A_470 : vector<64x1xi32>
    %select_n3A_472 = arith.select %and3A_468, %sub3A_471, %div3A_444 : vector<64x1xi1>, vector<64x1xi32>
    %jit3A_473 = arith.constant -3.000000e+38 : f32
    %broadcast_in_dim3A_474 = vector.broadcast %jit3A_473 : f32 to vector<64x32xf32>
    %select_n3A_475 = arith.select %eq3A_435, %broadcast_in_dim3A_474, %select_n3A_376 : vector<64x32xi1>, vector<64x32xf32>
    %ne3A_476 = arith.constant 2 : i32
    %ne3A_477 = vector.broadcast %ne3A_476 : i32 to vector<64x1xi32>
    %ne3A_478 = arith.cmpi ne, %broadcast_in_dim3A_441, %ne3A_477 : vector<64x1xi32>
    %convert_element_type3A_479 = arith.extui %ne3A_478 : vector<64x1xi1> to vector<64x1xi32>
    %add3A_480 = arith.addi %add3A_422, %convert_element_type3A_479 : vector<64x1xi32>
    %eq3A_481 = arith.constant 1 : i32
    %eq3A_482 = vector.broadcast %eq3A_481 : i32 to vector<64x1xi32>
    %eq3A_483 = arith.cmpi eq, %convert_element_type3A_479, %eq3A_482 : vector<64x1xi32>
    %eq3A_484 = arith.constant 1 : i32
    %eq3A_485 = vector.broadcast %eq3A_484 : i32 to vector<64x1xi32>
    %eq3A_486 = arith.cmpi eq, %add3A_480, %eq3A_485 : vector<64x1xi32>
    %and3A_487 = arith.andi %eq3A_483, %eq3A_486 : vector<64x1xi1>
    %select_n3A_488 = arith.select %and3A_487, %broadcast_in_dim3A_425, %select_n3A_389 : vector<64x1xi1>, vector<64x1xf32>
    %select_n3A_489 = arith.select %and3A_487, %broadcast_in_dim3A_441, %select_n3A_390 : vector<64x1xi1>, vector<64x1xi32>
    %select_n3A_490 = arith.select %and3A_487, %select_n3A_472, %select_n3A_391 : vector<64x1xi1>, vector<64x1xi32>
    %eq3A_491 = arith.constant 1 : i32
    %eq3A_492 = vector.broadcast %eq3A_491 : i32 to vector<64x1xi32>
    %eq3A_493 = arith.cmpi eq, %convert_element_type3A_479, %eq3A_492 : vector<64x1xi32>
    %eq3A_494 = arith.constant 2 : i32
    %eq3A_495 = vector.broadcast %eq3A_494 : i32 to vector<64x1xi32>
    %eq3A_496 = arith.cmpi eq, %add3A_480, %eq3A_495 : vector<64x1xi32>
    %and3A_497 = arith.andi %eq3A_493, %eq3A_496 : vector<64x1xi1>
    %select_n3A_498 = arith.select %and3A_497, %broadcast_in_dim3A_425, %select_n3A_399 : vector<64x1xi1>, vector<64x1xf32>
    %select_n3A_499 = arith.select %and3A_497, %broadcast_in_dim3A_441, %select_n3A_400 : vector<64x1xi1>, vector<64x1xi32>
    %select_n3A_500 = arith.select %and3A_497, %select_n3A_472, %select_n3A_401 : vector<64x1xi1>, vector<64x1xi32>
    %eq3A_501 = arith.constant 1 : i32
    %eq3A_502 = vector.broadcast %eq3A_501 : i32 to vector<64x1xi32>
    %eq3A_503 = arith.cmpi eq, %convert_element_type3A_479, %eq3A_502 : vector<64x1xi32>
    %eq3A_504 = arith.constant 3 : i32
    %eq3A_505 = vector.broadcast %eq3A_504 : i32 to vector<64x1xi32>
    %eq3A_506 = arith.cmpi eq, %add3A_480, %eq3A_505 : vector<64x1xi32>
    %and3A_507 = arith.andi %eq3A_503, %eq3A_506 : vector<64x1xi1>
    %select_n3A_508 = arith.select %and3A_507, %broadcast_in_dim3A_425, %select_n3A_409 : vector<64x1xi1>, vector<64x1xf32>
    %select_n3A_509 = arith.select %and3A_507, %broadcast_in_dim3A_441, %select_n3A_410 : vector<64x1xi1>, vector<64x1xi32>
    %select_n3A_510 = arith.select %and3A_507, %select_n3A_472, %select_n3A_411 : vector<64x1xi1>, vector<64x1xi32>
    %eq3A_511 = arith.constant 1 : i32
    %eq3A_512 = vector.broadcast %eq3A_511 : i32 to vector<64x1xi32>
    %eq3A_513 = arith.cmpi eq, %convert_element_type3A_479, %eq3A_512 : vector<64x1xi32>
    %eq3A_514 = arith.constant 4 : i32
    %eq3A_515 = vector.broadcast %eq3A_514 : i32 to vector<64x1xi32>
    %eq3A_516 = arith.cmpi eq, %add3A_480, %eq3A_515 : vector<64x1xi32>
    %and3A_517 = arith.andi %eq3A_513, %eq3A_516 : vector<64x1xi1>
    %select_n3A_518 = arith.select %and3A_517, %broadcast_in_dim3A_425, %select_n3A_419 : vector<64x1xi1>, vector<64x1xf32>
    %select_n3A_519 = arith.select %and3A_517, %broadcast_in_dim3A_441, %select_n3A_420 : vector<64x1xi1>, vector<64x1xi32>
    %select_n3A_520 = arith.select %and3A_517, %select_n3A_472, %select_n3A_421 : vector<64x1xi1>, vector<64x1xi32>
    %add3A_521 = arith.addi %add3A_422, %convert_element_type3A_479 : vector<64x1xi32>
    %reduce_max3A_522 = arith.constant dense<0xFF800000> : vector<64xf32>
    %reduce_max3A_523 = vector.multi_reduction <maximumf>, %select_n3A_475, %reduce_max3A_522 [1] : vector<64x32xf32> to vector<64xf32>
    %broadcast_in_dim3A_524 = vector.shape_cast %reduce_max3A_523 : vector<64xf32> to vector<64x1xf32>
    %ge3A_525 = vector.broadcast %broadcast_in_dim3A_524 : vector<64x1xf32> to vector<64x32xf32>
    %ge3A_526 = arith.cmpf oge, %select_n3A_475, %ge3A_525 : vector<64x32xf32>
    %jit3A_527 = arith.constant 1073741824 : i32
    %broadcast_in_dim3A_528 = vector.broadcast %jit3A_527 : i32 to vector<64x32xi32>
    %select_n3A_529 = arith.select %ge3A_526, %iota3A, %broadcast_in_dim3A_528 : vector<64x32xi1>, vector<64x32xi32>
    %reduce_min3A_530 = arith.constant dense<2147483647> : vector<64xi32>
    %reduce_min3A_531 = vector.multi_reduction <minsi>, %select_n3A_529, %reduce_min3A_530 [1] : vector<64x32xi32> to vector<64xi32>
    %broadcast_in_dim3A_532 = vector.shape_cast %reduce_min3A_531 : vector<64xi32> to vector<64x1xi32>
    %eq3A_533 = vector.broadcast %broadcast_in_dim3A_532 : vector<64x1xi32> to vector<64x32xi32>
    %eq3A_534 = arith.cmpi eq, %iota3A, %eq3A_533 : vector<64x32xi32>
    %jit3A_535 = arith.constant 0 : i32
    %broadcast_in_dim3A_536 = vector.broadcast %jit3A_535 : i32 to vector<64x32xi32>
    %select_n3A_537 = arith.select %eq3A_534, %get3A_4, %broadcast_in_dim3A_536 : vector<64x32xi1>, vector<64x32xi32>
    %reduce_sum3A_538 = arith.constant dense<0> : vector<64xi32>
    %reduce_sum3A_539 = vector.multi_reduction <add>, %select_n3A_537, %reduce_sum3A_538 [1] : vector<64x32xi32> to vector<64xi32>
    %broadcast_in_dim3A_540 = vector.shape_cast %reduce_sum3A_539 : vector<64xi32> to vector<64x1xi32>
    %jit3A_541 = arith.constant 8 : i32
    %div3A_542 = vector.broadcast %jit3A_541 : i32 to vector<64x1xi32>
    %div3A_543 = arith.divsi %broadcast_in_dim3A_532, %div3A_542 : vector<64x1xi32>
    %sign3A_544 = arith.constant 0 : i32
    %sign3A_545 = vector.broadcast %sign3A_544 : i32 to vector<64x1xi32>
    %sign3A_546 = arith.cmpi sgt, %broadcast_in_dim3A_532, %sign3A_545 : vector<64x1xi32>
    %sign3A_547 = arith.extui %sign3A_546 : vector<64x1xi1> to vector<64x1xi32>
    %sign3A_548 = arith.constant 0 : i32
    %sign3A_549 = vector.broadcast %sign3A_548 : i32 to vector<64x1xi32>
    %sign3A_550 = arith.cmpi slt, %broadcast_in_dim3A_532, %sign3A_549 : vector<64x1xi32>
    %sign3A_551 = arith.extui %sign3A_550 : vector<64x1xi1> to vector<64x1xi32>
    %sign3A_552 = arith.subi %sign3A_547, %sign3A_551 : vector<64x1xi32>
    %sign3A_553 = arith.constant 0 : i32
    %sign3A_554 = arith.cmpi sgt, %jit3A_541, %sign3A_553 : i32
    %sign3A_555 = arith.extui %sign3A_554 : i1 to i32
    %sign3A_556 = arith.constant 0 : i32
    %sign3A_557 = arith.cmpi slt, %jit3A_541, %sign3A_556 : i32
    %sign3A_558 = arith.extui %sign3A_557 : i1 to i32
    %sign3A_559 = arith.subi %sign3A_555, %sign3A_558 : i32
    %ne3A_560 = vector.broadcast %sign3A_559 : i32 to vector<64x1xi32>
    %ne3A_561 = arith.cmpi ne, %sign3A_552, %ne3A_560 : vector<64x1xi32>
    %rem3A_562 = vector.broadcast %jit3A_541 : i32 to vector<64x1xi32>
    %rem3A_563 = arith.remsi %broadcast_in_dim3A_532, %rem3A_562 : vector<64x1xi32>
    %ne3A_564 = arith.constant 0 : i32
    %ne3A_565 = vector.broadcast %ne3A_564 : i32 to vector<64x1xi32>
    %ne3A_566 = arith.cmpi ne, %rem3A_563, %ne3A_565 : vector<64x1xi32>
    %and3A_567 = arith.andi %ne3A_561, %ne3A_566 : vector<64x1xi1>
    %sub3A_568 = arith.constant 1 : i32
    %sub3A_569 = vector.broadcast %sub3A_568 : i32 to vector<64x1xi32>
    %sub3A_570 = arith.subi %div3A_543, %sub3A_569 : vector<64x1xi32>
    %select_n3A_571 = arith.select %and3A_567, %sub3A_570, %div3A_543 : vector<64x1xi1>, vector<64x1xi32>
    %jit3A_572 = arith.constant -3.000000e+38 : f32
    %broadcast_in_dim3A_573 = vector.broadcast %jit3A_572 : f32 to vector<64x32xf32>
    %select_n3A_574 = arith.select %eq3A_534, %broadcast_in_dim3A_573, %select_n3A_475 : vector<64x32xi1>, vector<64x32xf32>
    %ne3A_575 = arith.constant 2 : i32
    %ne3A_576 = vector.broadcast %ne3A_575 : i32 to vector<64x1xi32>
    %ne3A_577 = arith.cmpi ne, %broadcast_in_dim3A_540, %ne3A_576 : vector<64x1xi32>
    %convert_element_type3A_578 = arith.extui %ne3A_577 : vector<64x1xi1> to vector<64x1xi32>
    %add3A_579 = arith.addi %add3A_521, %convert_element_type3A_578 : vector<64x1xi32>
    %eq3A_580 = arith.constant 1 : i32
    %eq3A_581 = vector.broadcast %eq3A_580 : i32 to vector<64x1xi32>
    %eq3A_582 = arith.cmpi eq, %convert_element_type3A_578, %eq3A_581 : vector<64x1xi32>
    %eq3A_583 = arith.constant 1 : i32
    %eq3A_584 = vector.broadcast %eq3A_583 : i32 to vector<64x1xi32>
    %eq3A_585 = arith.cmpi eq, %add3A_579, %eq3A_584 : vector<64x1xi32>
    %and3A_586 = arith.andi %eq3A_582, %eq3A_585 : vector<64x1xi1>
    %select_n3A_587 = arith.select %and3A_586, %broadcast_in_dim3A_524, %select_n3A_488 : vector<64x1xi1>, vector<64x1xf32>
    %select_n3A_588 = arith.select %and3A_586, %broadcast_in_dim3A_540, %select_n3A_489 : vector<64x1xi1>, vector<64x1xi32>
    %select_n3A_589 = arith.select %and3A_586, %select_n3A_571, %select_n3A_490 : vector<64x1xi1>, vector<64x1xi32>
    %eq3A_590 = arith.constant 1 : i32
    %eq3A_591 = vector.broadcast %eq3A_590 : i32 to vector<64x1xi32>
    %eq3A_592 = arith.cmpi eq, %convert_element_type3A_578, %eq3A_591 : vector<64x1xi32>
    %eq3A_593 = arith.constant 2 : i32
    %eq3A_594 = vector.broadcast %eq3A_593 : i32 to vector<64x1xi32>
    %eq3A_595 = arith.cmpi eq, %add3A_579, %eq3A_594 : vector<64x1xi32>
    %and3A_596 = arith.andi %eq3A_592, %eq3A_595 : vector<64x1xi1>
    %select_n3A_597 = arith.select %and3A_596, %broadcast_in_dim3A_524, %select_n3A_498 : vector<64x1xi1>, vector<64x1xf32>
    %select_n3A_598 = arith.select %and3A_596, %broadcast_in_dim3A_540, %select_n3A_499 : vector<64x1xi1>, vector<64x1xi32>
    %select_n3A_599 = arith.select %and3A_596, %select_n3A_571, %select_n3A_500 : vector<64x1xi1>, vector<64x1xi32>
    %eq3A_600 = arith.constant 1 : i32
    %eq3A_601 = vector.broadcast %eq3A_600 : i32 to vector<64x1xi32>
    %eq3A_602 = arith.cmpi eq, %convert_element_type3A_578, %eq3A_601 : vector<64x1xi32>
    %eq3A_603 = arith.constant 3 : i32
    %eq3A_604 = vector.broadcast %eq3A_603 : i32 to vector<64x1xi32>
    %eq3A_605 = arith.cmpi eq, %add3A_579, %eq3A_604 : vector<64x1xi32>
    %and3A_606 = arith.andi %eq3A_602, %eq3A_605 : vector<64x1xi1>
    %select_n3A_607 = arith.select %and3A_606, %broadcast_in_dim3A_524, %select_n3A_508 : vector<64x1xi1>, vector<64x1xf32>
    %select_n3A_608 = arith.select %and3A_606, %broadcast_in_dim3A_540, %select_n3A_509 : vector<64x1xi1>, vector<64x1xi32>
    %select_n3A_609 = arith.select %and3A_606, %select_n3A_571, %select_n3A_510 : vector<64x1xi1>, vector<64x1xi32>
    %eq3A_610 = arith.constant 1 : i32
    %eq3A_611 = vector.broadcast %eq3A_610 : i32 to vector<64x1xi32>
    %eq3A_612 = arith.cmpi eq, %convert_element_type3A_578, %eq3A_611 : vector<64x1xi32>
    %eq3A_613 = arith.constant 4 : i32
    %eq3A_614 = vector.broadcast %eq3A_613 : i32 to vector<64x1xi32>
    %eq3A_615 = arith.cmpi eq, %add3A_579, %eq3A_614 : vector<64x1xi32>
    %and3A_616 = arith.andi %eq3A_612, %eq3A_615 : vector<64x1xi1>
    %select_n3A_617 = arith.select %and3A_616, %broadcast_in_dim3A_524, %select_n3A_518 : vector<64x1xi1>, vector<64x1xf32>
    %select_n3A_618 = arith.select %and3A_616, %broadcast_in_dim3A_540, %select_n3A_519 : vector<64x1xi1>, vector<64x1xi32>
    %select_n3A_619 = arith.select %and3A_616, %select_n3A_571, %select_n3A_520 : vector<64x1xi1>, vector<64x1xi32>
    %add3A_620 = arith.addi %add3A_521, %convert_element_type3A_578 : vector<64x1xi32>
    %reduce_max3A_621 = arith.constant dense<0xFF800000> : vector<64xf32>
    %reduce_max3A_622 = vector.multi_reduction <maximumf>, %select_n3A_574, %reduce_max3A_621 [1] : vector<64x32xf32> to vector<64xf32>
    %broadcast_in_dim3A_623 = vector.shape_cast %reduce_max3A_622 : vector<64xf32> to vector<64x1xf32>
    %ge3A_624 = vector.broadcast %broadcast_in_dim3A_623 : vector<64x1xf32> to vector<64x32xf32>
    %ge3A_625 = arith.cmpf oge, %select_n3A_574, %ge3A_624 : vector<64x32xf32>
    %jit3A_626 = arith.constant 1073741824 : i32
    %broadcast_in_dim3A_627 = vector.broadcast %jit3A_626 : i32 to vector<64x32xi32>
    %select_n3A_628 = arith.select %ge3A_625, %iota3A, %broadcast_in_dim3A_627 : vector<64x32xi1>, vector<64x32xi32>
    %reduce_min3A_629 = arith.constant dense<2147483647> : vector<64xi32>
    %reduce_min3A_630 = vector.multi_reduction <minsi>, %select_n3A_628, %reduce_min3A_629 [1] : vector<64x32xi32> to vector<64xi32>
    %broadcast_in_dim3A_631 = vector.shape_cast %reduce_min3A_630 : vector<64xi32> to vector<64x1xi32>
    %eq3A_632 = vector.broadcast %broadcast_in_dim3A_631 : vector<64x1xi32> to vector<64x32xi32>
    %eq3A_633 = arith.cmpi eq, %iota3A, %eq3A_632 : vector<64x32xi32>
    %jit3A_634 = arith.constant 0 : i32
    %broadcast_in_dim3A_635 = vector.broadcast %jit3A_634 : i32 to vector<64x32xi32>
    %select_n3A_636 = arith.select %eq3A_633, %get3A_4, %broadcast_in_dim3A_635 : vector<64x32xi1>, vector<64x32xi32>
    %reduce_sum3A_637 = arith.constant dense<0> : vector<64xi32>
    %reduce_sum3A_638 = vector.multi_reduction <add>, %select_n3A_636, %reduce_sum3A_637 [1] : vector<64x32xi32> to vector<64xi32>
    %broadcast_in_dim3A_639 = vector.shape_cast %reduce_sum3A_638 : vector<64xi32> to vector<64x1xi32>
    %jit3A_640 = arith.constant 8 : i32
    %div3A_641 = vector.broadcast %jit3A_640 : i32 to vector<64x1xi32>
    %div3A_642 = arith.divsi %broadcast_in_dim3A_631, %div3A_641 : vector<64x1xi32>
    %sign3A_643 = arith.constant 0 : i32
    %sign3A_644 = vector.broadcast %sign3A_643 : i32 to vector<64x1xi32>
    %sign3A_645 = arith.cmpi sgt, %broadcast_in_dim3A_631, %sign3A_644 : vector<64x1xi32>
    %sign3A_646 = arith.extui %sign3A_645 : vector<64x1xi1> to vector<64x1xi32>
    %sign3A_647 = arith.constant 0 : i32
    %sign3A_648 = vector.broadcast %sign3A_647 : i32 to vector<64x1xi32>
    %sign3A_649 = arith.cmpi slt, %broadcast_in_dim3A_631, %sign3A_648 : vector<64x1xi32>
    %sign3A_650 = arith.extui %sign3A_649 : vector<64x1xi1> to vector<64x1xi32>
    %sign3A_651 = arith.subi %sign3A_646, %sign3A_650 : vector<64x1xi32>
    %sign3A_652 = arith.constant 0 : i32
    %sign3A_653 = arith.cmpi sgt, %jit3A_640, %sign3A_652 : i32
    %sign3A_654 = arith.extui %sign3A_653 : i1 to i32
    %sign3A_655 = arith.constant 0 : i32
    %sign3A_656 = arith.cmpi slt, %jit3A_640, %sign3A_655 : i32
    %sign3A_657 = arith.extui %sign3A_656 : i1 to i32
    %sign3A_658 = arith.subi %sign3A_654, %sign3A_657 : i32
    %ne3A_659 = vector.broadcast %sign3A_658 : i32 to vector<64x1xi32>
    %ne3A_660 = arith.cmpi ne, %sign3A_651, %ne3A_659 : vector<64x1xi32>
    %rem3A_661 = vector.broadcast %jit3A_640 : i32 to vector<64x1xi32>
    %rem3A_662 = arith.remsi %broadcast_in_dim3A_631, %rem3A_661 : vector<64x1xi32>
    %ne3A_663 = arith.constant 0 : i32
    %ne3A_664 = vector.broadcast %ne3A_663 : i32 to vector<64x1xi32>
    %ne3A_665 = arith.cmpi ne, %rem3A_662, %ne3A_664 : vector<64x1xi32>
    %and3A_666 = arith.andi %ne3A_660, %ne3A_665 : vector<64x1xi1>
    %sub3A_667 = arith.constant 1 : i32
    %sub3A_668 = vector.broadcast %sub3A_667 : i32 to vector<64x1xi32>
    %sub3A_669 = arith.subi %div3A_642, %sub3A_668 : vector<64x1xi32>
    %select_n3A_670 = arith.select %and3A_666, %sub3A_669, %div3A_642 : vector<64x1xi1>, vector<64x1xi32>
    %jit3A_671 = arith.constant -3.000000e+38 : f32
    %broadcast_in_dim3A_672 = vector.broadcast %jit3A_671 : f32 to vector<64x32xf32>
    %select_n3A_673 = arith.select %eq3A_633, %broadcast_in_dim3A_672, %select_n3A_574 : vector<64x32xi1>, vector<64x32xf32>
    %ne3A_674 = arith.constant 2 : i32
    %ne3A_675 = vector.broadcast %ne3A_674 : i32 to vector<64x1xi32>
    %ne3A_676 = arith.cmpi ne, %broadcast_in_dim3A_639, %ne3A_675 : vector<64x1xi32>
    %convert_element_type3A_677 = arith.extui %ne3A_676 : vector<64x1xi1> to vector<64x1xi32>
    %add3A_678 = arith.addi %add3A_620, %convert_element_type3A_677 : vector<64x1xi32>
    %eq3A_679 = arith.constant 1 : i32
    %eq3A_680 = vector.broadcast %eq3A_679 : i32 to vector<64x1xi32>
    %eq3A_681 = arith.cmpi eq, %convert_element_type3A_677, %eq3A_680 : vector<64x1xi32>
    %eq3A_682 = arith.constant 1 : i32
    %eq3A_683 = vector.broadcast %eq3A_682 : i32 to vector<64x1xi32>
    %eq3A_684 = arith.cmpi eq, %add3A_678, %eq3A_683 : vector<64x1xi32>
    %and3A_685 = arith.andi %eq3A_681, %eq3A_684 : vector<64x1xi1>
    %select_n3A_686 = arith.select %and3A_685, %broadcast_in_dim3A_623, %select_n3A_587 : vector<64x1xi1>, vector<64x1xf32>
    %select_n3A_687 = arith.select %and3A_685, %broadcast_in_dim3A_639, %select_n3A_588 : vector<64x1xi1>, vector<64x1xi32>
    %select_n3A_688 = arith.select %and3A_685, %select_n3A_670, %select_n3A_589 : vector<64x1xi1>, vector<64x1xi32>
    %eq3A_689 = arith.constant 1 : i32
    %eq3A_690 = vector.broadcast %eq3A_689 : i32 to vector<64x1xi32>
    %eq3A_691 = arith.cmpi eq, %convert_element_type3A_677, %eq3A_690 : vector<64x1xi32>
    %eq3A_692 = arith.constant 2 : i32
    %eq3A_693 = vector.broadcast %eq3A_692 : i32 to vector<64x1xi32>
    %eq3A_694 = arith.cmpi eq, %add3A_678, %eq3A_693 : vector<64x1xi32>
    %and3A_695 = arith.andi %eq3A_691, %eq3A_694 : vector<64x1xi1>
    %select_n3A_696 = arith.select %and3A_695, %broadcast_in_dim3A_623, %select_n3A_597 : vector<64x1xi1>, vector<64x1xf32>
    %select_n3A_697 = arith.select %and3A_695, %broadcast_in_dim3A_639, %select_n3A_598 : vector<64x1xi1>, vector<64x1xi32>
    %select_n3A_698 = arith.select %and3A_695, %select_n3A_670, %select_n3A_599 : vector<64x1xi1>, vector<64x1xi32>
    %eq3A_699 = arith.constant 1 : i32
    %eq3A_700 = vector.broadcast %eq3A_699 : i32 to vector<64x1xi32>
    %eq3A_701 = arith.cmpi eq, %convert_element_type3A_677, %eq3A_700 : vector<64x1xi32>
    %eq3A_702 = arith.constant 3 : i32
    %eq3A_703 = vector.broadcast %eq3A_702 : i32 to vector<64x1xi32>
    %eq3A_704 = arith.cmpi eq, %add3A_678, %eq3A_703 : vector<64x1xi32>
    %and3A_705 = arith.andi %eq3A_701, %eq3A_704 : vector<64x1xi1>
    %select_n3A_706 = arith.select %and3A_705, %broadcast_in_dim3A_623, %select_n3A_607 : vector<64x1xi1>, vector<64x1xf32>
    %select_n3A_707 = arith.select %and3A_705, %broadcast_in_dim3A_639, %select_n3A_608 : vector<64x1xi1>, vector<64x1xi32>
    %select_n3A_708 = arith.select %and3A_705, %select_n3A_670, %select_n3A_609 : vector<64x1xi1>, vector<64x1xi32>
    %eq3A_709 = arith.constant 1 : i32
    %eq3A_710 = vector.broadcast %eq3A_709 : i32 to vector<64x1xi32>
    %eq3A_711 = arith.cmpi eq, %convert_element_type3A_677, %eq3A_710 : vector<64x1xi32>
    %eq3A_712 = arith.constant 4 : i32
    %eq3A_713 = vector.broadcast %eq3A_712 : i32 to vector<64x1xi32>
    %eq3A_714 = arith.cmpi eq, %add3A_678, %eq3A_713 : vector<64x1xi32>
    %and3A_715 = arith.andi %eq3A_711, %eq3A_714 : vector<64x1xi1>
    %select_n3A_716 = arith.select %and3A_715, %broadcast_in_dim3A_623, %select_n3A_617 : vector<64x1xi1>, vector<64x1xf32>
    %select_n3A_717 = arith.select %and3A_715, %broadcast_in_dim3A_639, %select_n3A_618 : vector<64x1xi1>, vector<64x1xi32>
    %select_n3A_718 = arith.select %and3A_715, %select_n3A_670, %select_n3A_619 : vector<64x1xi1>, vector<64x1xi32>
    %add3A_719 = arith.addi %add3A_620, %convert_element_type3A_677 : vector<64x1xi32>
    %reduce_max3A_720 = arith.constant dense<0xFF800000> : vector<64xf32>
    %reduce_max3A_721 = vector.multi_reduction <maximumf>, %select_n3A_673, %reduce_max3A_720 [1] : vector<64x32xf32> to vector<64xf32>
    %broadcast_in_dim3A_722 = vector.shape_cast %reduce_max3A_721 : vector<64xf32> to vector<64x1xf32>
    %ge3A_723 = vector.broadcast %broadcast_in_dim3A_722 : vector<64x1xf32> to vector<64x32xf32>
    %ge3A_724 = arith.cmpf oge, %select_n3A_673, %ge3A_723 : vector<64x32xf32>
    %jit3A_725 = arith.constant 1073741824 : i32
    %broadcast_in_dim3A_726 = vector.broadcast %jit3A_725 : i32 to vector<64x32xi32>
    %select_n3A_727 = arith.select %ge3A_724, %iota3A, %broadcast_in_dim3A_726 : vector<64x32xi1>, vector<64x32xi32>
    %reduce_min3A_728 = arith.constant dense<2147483647> : vector<64xi32>
    %reduce_min3A_729 = vector.multi_reduction <minsi>, %select_n3A_727, %reduce_min3A_728 [1] : vector<64x32xi32> to vector<64xi32>
    %broadcast_in_dim3A_730 = vector.shape_cast %reduce_min3A_729 : vector<64xi32> to vector<64x1xi32>
    %eq3A_731 = vector.broadcast %broadcast_in_dim3A_730 : vector<64x1xi32> to vector<64x32xi32>
    %eq3A_732 = arith.cmpi eq, %iota3A, %eq3A_731 : vector<64x32xi32>
    %jit3A_733 = arith.constant 0 : i32
    %broadcast_in_dim3A_734 = vector.broadcast %jit3A_733 : i32 to vector<64x32xi32>
    %select_n3A_735 = arith.select %eq3A_732, %get3A_4, %broadcast_in_dim3A_734 : vector<64x32xi1>, vector<64x32xi32>
    %reduce_sum3A_736 = arith.constant dense<0> : vector<64xi32>
    %reduce_sum3A_737 = vector.multi_reduction <add>, %select_n3A_735, %reduce_sum3A_736 [1] : vector<64x32xi32> to vector<64xi32>
    %broadcast_in_dim3A_738 = vector.shape_cast %reduce_sum3A_737 : vector<64xi32> to vector<64x1xi32>
    %jit3A_739 = arith.constant 8 : i32
    %div3A_740 = vector.broadcast %jit3A_739 : i32 to vector<64x1xi32>
    %div3A_741 = arith.divsi %broadcast_in_dim3A_730, %div3A_740 : vector<64x1xi32>
    %sign3A_742 = arith.constant 0 : i32
    %sign3A_743 = vector.broadcast %sign3A_742 : i32 to vector<64x1xi32>
    %sign3A_744 = arith.cmpi sgt, %broadcast_in_dim3A_730, %sign3A_743 : vector<64x1xi32>
    %sign3A_745 = arith.extui %sign3A_744 : vector<64x1xi1> to vector<64x1xi32>
    %sign3A_746 = arith.constant 0 : i32
    %sign3A_747 = vector.broadcast %sign3A_746 : i32 to vector<64x1xi32>
    %sign3A_748 = arith.cmpi slt, %broadcast_in_dim3A_730, %sign3A_747 : vector<64x1xi32>
    %sign3A_749 = arith.extui %sign3A_748 : vector<64x1xi1> to vector<64x1xi32>
    %sign3A_750 = arith.subi %sign3A_745, %sign3A_749 : vector<64x1xi32>
    %sign3A_751 = arith.constant 0 : i32
    %sign3A_752 = arith.cmpi sgt, %jit3A_739, %sign3A_751 : i32
    %sign3A_753 = arith.extui %sign3A_752 : i1 to i32
    %sign3A_754 = arith.constant 0 : i32
    %sign3A_755 = arith.cmpi slt, %jit3A_739, %sign3A_754 : i32
    %sign3A_756 = arith.extui %sign3A_755 : i1 to i32
    %sign3A_757 = arith.subi %sign3A_753, %sign3A_756 : i32
    %ne3A_758 = vector.broadcast %sign3A_757 : i32 to vector<64x1xi32>
    %ne3A_759 = arith.cmpi ne, %sign3A_750, %ne3A_758 : vector<64x1xi32>
    %rem3A_760 = vector.broadcast %jit3A_739 : i32 to vector<64x1xi32>
    %rem3A_761 = arith.remsi %broadcast_in_dim3A_730, %rem3A_760 : vector<64x1xi32>
    %ne3A_762 = arith.constant 0 : i32
    %ne3A_763 = vector.broadcast %ne3A_762 : i32 to vector<64x1xi32>
    %ne3A_764 = arith.cmpi ne, %rem3A_761, %ne3A_763 : vector<64x1xi32>
    %and3A_765 = arith.andi %ne3A_759, %ne3A_764 : vector<64x1xi1>
    %sub3A_766 = arith.constant 1 : i32
    %sub3A_767 = vector.broadcast %sub3A_766 : i32 to vector<64x1xi32>
    %sub3A_768 = arith.subi %div3A_741, %sub3A_767 : vector<64x1xi32>
    %select_n3A_769 = arith.select %and3A_765, %sub3A_768, %div3A_741 : vector<64x1xi1>, vector<64x1xi32>
    %ne3A_770 = arith.constant 2 : i32
    %ne3A_771 = vector.broadcast %ne3A_770 : i32 to vector<64x1xi32>
    %ne3A_772 = arith.cmpi ne, %broadcast_in_dim3A_738, %ne3A_771 : vector<64x1xi32>
    %convert_element_type3A_773 = arith.extui %ne3A_772 : vector<64x1xi1> to vector<64x1xi32>
    %add3A_774 = arith.addi %add3A_719, %convert_element_type3A_773 : vector<64x1xi32>
    %eq3A_775 = arith.constant 1 : i32
    %eq3A_776 = vector.broadcast %eq3A_775 : i32 to vector<64x1xi32>
    %eq3A_777 = arith.cmpi eq, %convert_element_type3A_773, %eq3A_776 : vector<64x1xi32>
    %eq3A_778 = arith.constant 1 : i32
    %eq3A_779 = vector.broadcast %eq3A_778 : i32 to vector<64x1xi32>
    %eq3A_780 = arith.cmpi eq, %add3A_774, %eq3A_779 : vector<64x1xi32>
    %and3A_781 = arith.andi %eq3A_777, %eq3A_780 : vector<64x1xi1>
    %select_n3A_782 = arith.select %and3A_781, %broadcast_in_dim3A_722, %select_n3A_686 : vector<64x1xi1>, vector<64x1xf32>
    %select_n3A_783 = arith.select %and3A_781, %broadcast_in_dim3A_738, %select_n3A_687 : vector<64x1xi1>, vector<64x1xi32>
    %select_n3A_784 = arith.select %and3A_781, %select_n3A_769, %select_n3A_688 : vector<64x1xi1>, vector<64x1xi32>
    %eq3A_785 = arith.constant 1 : i32
    %eq3A_786 = vector.broadcast %eq3A_785 : i32 to vector<64x1xi32>
    %eq3A_787 = arith.cmpi eq, %convert_element_type3A_773, %eq3A_786 : vector<64x1xi32>
    %eq3A_788 = arith.constant 2 : i32
    %eq3A_789 = vector.broadcast %eq3A_788 : i32 to vector<64x1xi32>
    %eq3A_790 = arith.cmpi eq, %add3A_774, %eq3A_789 : vector<64x1xi32>
    %and3A_791 = arith.andi %eq3A_787, %eq3A_790 : vector<64x1xi1>
    %select_n3A_792 = arith.select %and3A_791, %broadcast_in_dim3A_722, %select_n3A_696 : vector<64x1xi1>, vector<64x1xf32>
    %select_n3A_793 = arith.select %and3A_791, %broadcast_in_dim3A_738, %select_n3A_697 : vector<64x1xi1>, vector<64x1xi32>
    %select_n3A_794 = arith.select %and3A_791, %select_n3A_769, %select_n3A_698 : vector<64x1xi1>, vector<64x1xi32>
    %eq3A_795 = arith.constant 1 : i32
    %eq3A_796 = vector.broadcast %eq3A_795 : i32 to vector<64x1xi32>
    %eq3A_797 = arith.cmpi eq, %convert_element_type3A_773, %eq3A_796 : vector<64x1xi32>
    %eq3A_798 = arith.constant 3 : i32
    %eq3A_799 = vector.broadcast %eq3A_798 : i32 to vector<64x1xi32>
    %eq3A_800 = arith.cmpi eq, %add3A_774, %eq3A_799 : vector<64x1xi32>
    %and3A_801 = arith.andi %eq3A_797, %eq3A_800 : vector<64x1xi1>
    %select_n3A_802 = arith.select %and3A_801, %broadcast_in_dim3A_722, %select_n3A_706 : vector<64x1xi1>, vector<64x1xf32>
    %select_n3A_803 = arith.select %and3A_801, %broadcast_in_dim3A_738, %select_n3A_707 : vector<64x1xi1>, vector<64x1xi32>
    %select_n3A_804 = arith.select %and3A_801, %select_n3A_769, %select_n3A_708 : vector<64x1xi1>, vector<64x1xi32>
    %eq3A_805 = arith.constant 1 : i32
    %eq3A_806 = vector.broadcast %eq3A_805 : i32 to vector<64x1xi32>
    %eq3A_807 = arith.cmpi eq, %convert_element_type3A_773, %eq3A_806 : vector<64x1xi32>
    %eq3A_808 = arith.constant 4 : i32
    %eq3A_809 = vector.broadcast %eq3A_808 : i32 to vector<64x1xi32>
    %eq3A_810 = arith.cmpi eq, %add3A_774, %eq3A_809 : vector<64x1xi32>
    %and3A_811 = arith.andi %eq3A_807, %eq3A_810 : vector<64x1xi1>
    %select_n3A_812 = arith.select %and3A_811, %broadcast_in_dim3A_722, %select_n3A_716 : vector<64x1xi1>, vector<64x1xf32>
    %select_n3A_813 = arith.select %and3A_811, %broadcast_in_dim3A_738, %select_n3A_717 : vector<64x1xi1>, vector<64x1xi32>
    %select_n3A_814 = arith.select %and3A_811, %select_n3A_769, %select_n3A_718 : vector<64x1xi1>, vector<64x1xi32>
    %concatenate3A = tpu.concatenate %select_n3A_782, %select_n3A_792, %select_n3A_802, %select_n3A_812 in 1 : vector<64x1xf32>, vector<64x1xf32>, vector<64x1xf32>, vector<64x1xf32> -> vector<64x4xf32>
    %swap3A = arith.constant 0 : index
    %swap3A_815 = arith.constant 0 : index
    %swap3A_816 = vector.load %arg5[%swap3A, %swap3A_815] : memref<64x4xf32, #tpu.memory_space<vmem>>, vector<64x4xf32>
    tpu.vector_store %arg5[%swap3A, %swap3A_815], %concatenate3A {strides = array<i32>} : memref<64x4xf32, #tpu.memory_space<vmem>>, vector<64x4xf32>,
    %concatenate3A_817 = tpu.concatenate %select_n3A_783, %select_n3A_793, %select_n3A_803, %select_n3A_813 in 1 : vector<64x1xi32>, vector<64x1xi32>, vector<64x1xi32>, vector<64x1xi32> -> vector<64x4xi32>
    %swap3A_818 = arith.constant 0 : index
    %swap3A_819 = arith.constant 0 : index
    %swap3A_820 = vector.load %arg6[%swap3A_818, %swap3A_819] : memref<64x4xi32, #tpu.memory_space<vmem>>, vector<64x4xi32>
    tpu.vector_store %arg6[%swap3A_818, %swap3A_819], %concatenate3A_817 {strides = array<i32>} : memref<64x4xi32, #tpu.memory_space<vmem>>, vector<64x4xi32>,
    %concatenate3A_821 = tpu.concatenate %select_n3A_784, %select_n3A_794, %select_n3A_804, %select_n3A_814 in 1 : vector<64x1xi32>, vector<64x1xi32>, vector<64x1xi32>, vector<64x1xi32> -> vector<64x4xi32>
    %swap3A_822 = arith.constant 0 : index
    %swap3A_823 = arith.constant 0 : index
    %swap3A_824 = vector.load %arg7[%swap3A_822, %swap3A_823] : memref<64x4xi32, #tpu.memory_space<vmem>>, vector<64x4xi32>
    tpu.vector_store %arg7[%swap3A_822, %swap3A_823], %concatenate3A_821 {strides = array<i32>} : memref<64x4xi32, #tpu.memory_space<vmem>>, vector<64x4xi32>,
    %iota3A_825 = tpu.iota {dimensions = array<i32: 1>} : vector<1x64xi32>
    %iota3A_826 = vector.shape_cast %iota3A_825 : vector<1x64xi32> to vector<64xi32>
    %broadcast_in_dim3A_827 = vector.shape_cast %iota3A_826 : vector<64xi32> to vector<64x1xi32>
    %mul3A = arith.constant 4 : i32
    %mul3A_828 = vector.broadcast %mul3A : i32 to vector<64x1xi32>
    %mul3A_829 = arith.muli %broadcast_in_dim3A_827, %mul3A_828 : vector<64x1xi32>
    %add3A_830 = vector.broadcast %mul3A_829 : vector<64x1xi32> to vector<64x4xi32>
    %add3A_831 = arith.addi %concatenate3A_821, %add3A_830 : vector<64x4xi32>
    %swap3A_832 = arith.constant 0 : index
    %swap3A_833 = arith.constant 0 : index
    %swap3A_834 = vector.load %arg8[%swap3A_832, %swap3A_833] : memref<64x4xi32, #tpu.memory_space<vmem>>, vector<64x4xi32>
    tpu.vector_store %arg8[%swap3A_832, %swap3A_833], %add3A_831 {strides = array<i32>} : memref<64x4xi32, #tpu.memory_space<vmem>>, vector<64x4xi32>,
    return
  }
}

</mosaic_0001>

<sc_bundles>
// kernel: kernel.4.cloned.1.call-start
scs
__scs_entry_jumppad:
0x0: {  	(pc) =	sbr.rel $0x88, $3  }
0x1: {  	(tag) =	ssettag $0x0;
	lr =	simm.s32 $0x1  }
0x2: {  	[smem:$0x3F9E] =	sst lr;
	_ =	strace $0xD0000000  }
0x3: {  	_ = 	snop  }
0x4: {  	_ = 	snop  }
0x5: {  	_ = 	snop  }
0x6: {  	_ = 	snop  }
0x7: {  	_ = 	snop  }
__scs_overlays_trampoline_lowered:
0x8: {  	[smem:$0x3FAD] =	sst s0  }
0x9: {  	[smem:$0x3FAE] =	sst s1  }
0xa: {  	[smem:$0x3FAF] =	sst s2  }
0xb: {  	[smem:$0x3FB0] =	sst s3  }
0xc: {  	[smem:$0x3FB1] =	sst s4  }
0xd: {  	[smem:$0x3FB2] =	sst s5  }
0xe: {  	[smem:$0x3FB3] =	sst s6  }
0xf: {  	[smem:$0x3FB4] =	sst s7  }
0x10: {  	[smem:$0x3FB5] =	sst s8  }
0x11: {  	[smem:$0x3FB6] =	sst s9;
	s0 =	simm.s32 @!p0 $0x0  }
0x12: {  	s1 =	sld [smem:$0x3F9C];
	s0 =	simm.s32 @p0 $0x1  }
0x13: {  	[smem:$0x3FB7] =	sst s0;
	s0 =	simm.s32 @!p1 $0x0  }
0x14: {  	s2 =	sld [smem:$0x3F9B];
	s0 =	simm.s32 @p1 $0x1  }
0x15: {  	[smem:$0x3FB8] =	sst s0;
	s0 =	simm.s32 @!p2 $0x0  }
0x16: {  	s3 =	sld [smem:$0x3FDB];
	s0 =	simm.s32 @p2 $0x1  }
0x17: {  	s4 =	simm.s32 $0x1BF5;
	[smem:$0x3FBA] =	sst s0  }
0x18: {  	s0 =	sld [smem:$0x3F9D];
	_ =	swait.ge [sflag:s4], $0x0  }
0x19: {  	s7 =	sld [smem:$0x3F9E]  }
0x1a: {  	s8 =	sadd.s32 $0xFFFFE003, lr  }
0x1b: {  	s9 =	sadd.s32 $0xFFFFFEF7, lr;
	s5 =	simm.s32 $0xFFFFFFFF;
	p2 =	slt.u32 s8, $0xFFFFF086  }
0x1c: {  	p1 =	slt.u32 s9, $0xF7A;
	s5 =	simm.s32 @!p2 $0x0  }
0x1d: {  	s5 =	simm.s32 @p1 $0x1;
	p0 =	seq.s32 s7, s2  }
0x1e: {  	s7 =	smul.u32 @!p0 $0xF7A, s2;
	p2 =	seq.s32 @!p0 s5, $0x0  }
0x1f: {  	s9 =	smul.u32 $0xF7A, s1;
	s8 =	simm.s32 @!p0 $0x1BF5;
	p2 =	por !p2, p0  }
0x20: {  	[sflag:s8] =	ssyncset.s32 @!p0 $0xFFFFF086;
	s6 =	sadd.s32 @!p0 s3, s7;
	s7 =	simm.s32 @!p0 $0x108  }
0x21: {  	s3 =	sadd.s32 s3, s9;
	s6 =	sadd.s32 @!p0 $0x88, s6;
	s7 =	simm.s32 @p2 $0x1082  }
0x22: {  	[simem:s7], [sflag:s8] =	dma.local @!p0 [hbm:s6], $0xF7A  }
0x23: {  	s9 =	sor.u32 $0xD0000000, s2;
	s6 =	simm.s32 $0x108;
	_ =	swait.ge @!p0 [sflag:s8], $0x0  }
0x24: {  	s3 =	sadd.s32 $0x88, s3;
	s6 =	simm.s32 @!p1 $0x1082;
	[sflag:s4] =	ssyncset.s32 $0xFFFFF086  }
0x25: {  	[simem:s6], [sflag:s4] =	dma.local [hbm:s3], $0xF7A  }
0x26: {  	[smem:$0x3F9E] =	sst s1;
	(tag) =	ssettag s2;
	_ =	strace s9  }
0x27: {  	s1 =	sld [smem:$0x3FAE]  }
0x28: {  	s2 =	sld [smem:$0x3FAF]  }
0x29: {  	s4 =	sld [smem:$0x3FB1]  }
0x2a: {  	p0 =	seq.s32 s5, $0x0;
	s5 =	sld [smem:$0x3FB2]  }
0x2b: {  	s6 =	sld [smem:$0x3FB3]  }
0x2c: {  	s7 =	sld [smem:$0x3FB4]  }
0x2d: {  	s3 =	simm.s32 $0x108;
	s8 =	sld [smem:$0x3FB5]  }
0x2e: {  	s3 =	simm.s32 @!p0 $0x1082;
	s9 =	sld [smem:$0x3FB6]  }
0x2f: {  	lr =	sadd.s32 s0, s3;
	s0 =	sld [smem:$0x3FAD]  }
0x30: {  	s3 =	sld [smem:$0x3FB0]  }
0x31: {  	[smem:$0x3FB9] =	sst s10  }
0x32: {  	s10 =	sld [smem:$0x3FB7];
	_ =	sdelay $0x3  }
0x33: {  	p0 =	seq.s32 s10, $0x1;
	s10 =	sld [smem:$0x3FB9];
	_ =	sdelay $0x3  }
0x34: {  	[smem:$0x3FB9] =	sst s10  }
0x35: {  	s10 =	sld [smem:$0x3FB8];
	_ =	sdelay $0x3  }
0x36: {  	p1 =	seq.s32 s10, $0x1;
	s10 =	sld [smem:$0x3FB9];
	_ =	sdelay $0x3  }
0x37: {  	[smem:$0x3FB9] =	sst s10  }
0x38: {  	s10 =	sld [smem:$0x3FBA]  }
0x39: {  	_ = 	snop;
	(pc) =	sbr.ind lr, $3  }
0x3a: {  	_ = 	snop  }
0x3b: {  	_ = 	snop  }
0x3c: {  	p2 =	seq.s32 s10, $0x1;
	s10 =	sld [smem:$0x3FB9]  }
0x3d: {  	_ =	shalt  }
0x3e: {  	_ =	shalt  }
0x3f: {  	_ =	shalt  }
0x40: {  	_ =	shalt  }
0x41: {  	_ =	shalt  }
0x42: {  	_ =	shalt  }
0x43: {  	_ =	shalt  }
0x44: {  	_ =	shalt  }
0x45: {  	_ =	shalt  }
0x46: {  	_ =	shalt  }
0x47: {  	_ =	shalt  }
0x48: {  	_ =	shalt  }
0x49: {  	_ =	shalt  }
0x4a: {  	_ =	shalt  }
0x4b: {  	_ =	shalt  }
0x4c: {  	_ =	shalt  }
0x4d: {  	_ =	shalt  }
0x4e: {  	_ =	shalt  }
0x4f: {  	_ =	shalt  }
0x50: {  	_ =	shalt  }
0x51: {  	_ =	shalt  }
0x52: {  	_ =	shalt  }
0x53: {  	_ =	shalt  }
0x54: {  	_ =	shalt  }
0x55: {  	_ =	shalt  }
0x56: {  	_ =	shalt  }
0x57: {  	_ =	shalt  }
0x58: {  	_ =	shalt  }
0x59: {  	_ =	shalt  }
0x5a: {  	_ =	shalt  }
0x5b: {  	_ =	shalt  }
0x5c: {  	_ =	shalt  }
0x5d: {  	_ =	shalt  }
0x5e: {  	_ =	shalt  }
0x5f: {  	_ =	shalt  }
0x60: {  	_ =	shalt  }
0x61: {  	_ =	shalt  }
0x62: {  	_ =	shalt  }
0x63: {  	_ =	shalt  }
0x64: {  	_ =	shalt  }
0x65: {  	_ =	shalt  }
0x66: {  	_ =	shalt  }
0x67: {  	_ =	shalt  }
0x68: {  	_ =	shalt  }
0x69: {  	_ =	shalt  }
0x6a: {  	_ =	shalt  }
0x6b: {  	_ =	shalt  }
0x6c: {  	_ =	shalt  }
0x6d: {  	_ =	shalt  }
0x6e: {  	_ =	shalt  }
0x6f: {  	_ =	shalt  }
0x70: {  	_ =	shalt  }
0x71: {  	_ =	shalt  }
0x72: {  	_ =	shalt  }
0x73: {  	_ =	shalt  }
0x74: {  	_ =	shalt  }
0x75: {  	_ =	shalt  }
0x76: {  	_ =	shalt  }
0x77: {  	_ =	shalt  }
0x78: {  	_ =	shalt  }
0x79: {  	_ =	shalt  }
0x7a: {  	_ =	shalt  }
0x7b: {  	_ =	shalt  }
0x7c: {  	_ =	shalt  }
0x7d: {  	_ =	shalt  }
0x7e: {  	_ =	shalt  }
0x7f: {  	_ =	shalt  }
0x80: {  	_ =	shalt  }
0x81: {  	_ =	shalt  }
0x82: {  	_ =	shalt  }
0x83: {  	_ =	shalt  }
0x84: {  	_ =	shalt  }
0x85: {  	_ =	shalt  }
0x86: {  	_ =	shalt  }
0x87: {  	_ =	shalt  }
.Lfunc_end0:
.L_simem_size_0:
called_computation_lowered:
.L_overlay_start_0:
0x88: {  	s2 =	sld [smem:$0x3FD9]  }
0x89: {  	s3 =	sld [smem:$0x3FFE];
	_ =	sdelay $0x1  }
0x8a: {  	s1 =	srdreg.scid  }
0x8b: {  	s0 =	sand.u32 $0x1, s1  }
0x8c: {  	s14 =	sshll.u32 s0, $0xA;
	s2 =	sadd.s32 s3, s2  }
0x8d: {  	s2 =	sadd.s32 s2, s14  }
0x8e: {  	[smem:$0x3FC5] =	sst s2  }
0x8f: {  	_ = 	snop  }
0x90: {  	s2 =	sld [smem:$0x3FD0];
	_ =	sdelay $0x2  }
0x91: {  	s15 =	simm.s32 $0xA;
	s4 =	simm.s32 $0x10  }
0x92: {  	[smem:s4], [sflag:s15] =	dma.local [hbm:s2], $0x1  }
0x93: {  	_ =	swait.eq [sflag:s15], $0x1  }
0x94: {  	[sflag:s15] =	ssyncset.done $0x0  }
0x95: {  	s16 =	sld [smem:$0x12];
	[sflag:s15] =	ssyncadd.s32 $0xFFFFFFFF  }
0x96: {  	s17 =	sld [smem:$0x13];
	(tm) =	ssettm $0x1  }
0x97: {  	s18 =	sld [smem:$0x3FFB];
	_ =	sdelay $0x3  }
0x98: {  	_ =	strace s18  }
0x99: {  	s4 =	sld [smem:$0x3FFC];
	_ =	sdelay $0x3  }
0x9a: {  	_ =	strace s4  }
0x9b: {  	s4 =	sld [smem:$0x3FFD];
	_ =	sdelay $0x3  }
0x9c: {  	_ =	strace s4  }
0x9d: {  	_ =	strace $0x8FFFFFFF  }
0x9e: {  	s19 =	sld [smem:$0x3FDB];
	_ =	sdelay $0x1  }
0x9f: {  	s5 =	simm.s32 $_scs_section_size  }
0xa0: {  	s6 =	simm.s32 $_size__tile_overlayer_lowered;
	s7 =	simm.s32 $_tile_overlayer_lowered  }
0xa1: {  	s22 =	simm.s32 $0x1BFF;
	s21 =	sshll.u32 s7, $0x1;
	s4 =	sadd.s32 s5, s19  }
0xa2: {  	s8 =	simm.s32 $0x0;
	s20 =	sshll.u32 s6, $0x1;
	s6 =	sadd.s32 s21, s4  }
0xa3: {  	[timem:s8], [sflag:s22] =	dma.local [hbm:s6], s20  }
0xa4: {  	_ =	swait.ge [sflag:s22], s20  }
0xa5: {  	s5 =	ssub.s32 $0x0, s20;
	[sflag:s22] =	ssyncset.done $0x0  }
0xa6: {  	[sflag:s22] =	ssyncadd.s32 s5;
	_ =	sdelay $0x1  }
0xa7: {  	s23 =	simm.s32 $0x1B8B  }
0xa8: {  	_ =	swait.ge [sflag:s23], $0x1  }
0xa9: {  	[sflag:s23] =	ssyncset.done $0x0  }
0xaa: {  	s25 =	simm.s32 $0x1B8E;
	s24 =	sld [smem:$0x3FFE];
	[sflag:s23] =	ssyncadd.s32 $0xFFFFFFFF  }
0xab: {  	s26 =	simm.s32 $execute0_lowered;
	[smem:$0x3FD2] =	sst s25  }
0xac: {  	s6 =	sshll.u32 s26, $0x1;
	_ =	strace $0x80000046;
	[dreg:$0x1] =	wrdreg $0xFFFFFFFF  }
0xad: {  	s28 =	simm.s32 $_size_execute0_lowered;
	s4 =	sadd.s32 s4, s6;
	[dreg:$0x0] =	wrdreg $0x0  }
0xae: {  	s6 =	sshll.u32 s28, $0x1;
	[dreg:$0x2] =	wrdreg s4  }
0xaf: {  	[dreg:$0x3] =	wrdreg s6  }
0xb0: {  	[dreg:$0x4] =	wrdreg $0xC0  }
0xb1: {  	_ =	task [dreg:s8], $0x5FFFF  }
0xb2: {  	[dreg:$0x1] =	wrdreg $0xFFFFFFFF  }
0xb3: {  	[dreg:$0x0] =	wrdreg $0x60  }
0xb4: {  	[dreg:$0x2] =	wrdreg s24  }
0xb5: {  	[dreg:$0x3] =	wrdreg s17  }
0xb6: {  	[dreg:$0x4] =	wrdreg s16  }
0xb7: {  	[dreg:$0x5] =	wrdreg $0x9  }
0xb8: {  	_ =	task.clear_ibuf [dreg:s8], $0x6FFFF;
	_ =	strace $0x90000046  }
0xb9: {  	s29 =	simm.s32 $0x9;
	_ =	strace $0x80000048  }
0xba: {  	_ =	swait.ge [sflag:s29], $0x1  }
0xbb: {  	[sflag:s29] =	ssyncadd.s32 $0xFFFFFFFF  }
0xbc: {  	_ =	strace $0x90000048  }
0xbd: {  	_ =	sfence  }
0xbe: {  	s30 =	sld [smem:$0x0];
	_ =	sdelay $0x2  }
0xbf: {  	s31 =	sshll.u32 s1, $0xD;
	s1 =	sshrl.u32 s1, $0x2  }
0xc0: {  	s3 =	sand.u32 $0x4000, s31;
	s1 =	sadd.s32 s1, s30  }
0xc1: {  	s0 =	sor.u32 s3, s0;
	s1 =	sshll.u32 s1, $0x11  }
0xc2: {  	s0 =	sor.u32 s1, s0  }
0xc3: {  	s0 =	sadd.s32 $0x8F2B, s0  }
0xc4: {  	[sflag:s0] =	ssyncadd.remote.s32 $0x1  }
0xc5: {  	_ =	sfence.sel $0xFFFF  }
0xc6: {  	[dreg:$0x0] =	wrdreg $0xFFFFFFFF;
	(pc) =	sbr.abs _section_cstart, $3  }
0xc7: {  	[dreg:$0x1] =	wrdreg $0xFFFFFFFF  }
0xc8: {  	_ =	task.clear_ibuf [dreg:s8], $0x2FFFF;
	_ =	strace $0x9FFFFFFF  }
0xc9: {  	(tm) =	ssettm $0x7FFFFFFF  }
tec
execute0_lowered:
.L_overlay_start_1:
0x0: {  	(tag) =	ssettag $0x1  }
0x1: {  	s0 =	rddreg [dreg:$0x0]  }
0x2: {  	s1 =	rddreg [dreg:$0x1]  }
0x3: {  	s6 =	rddreg [dreg:$0x2]  }
0x4: {  	s3 =	srdreg.scid;
	s5 =	stileid.u32;
	s2 =	simm.s32 $0x0  }
0x5: {  	s12 =	simm.s32 $0x6;
	s17 =	simm.s32 $0x1;
	s18 =	simm.s32 $0x18780  }
0x6: {  	s19 =	simm.s32 $0x2;
	s20 =	simm.s32 $0x3;
	s21 =	simm.s32 $0x4  }
0x7: {  	s22 =	simm.s32 $0x5;
	s23 =	simm.s32 $0x18800;
	s28 =	simm.s32 $0x18B00  }
0x8: {  	s30 =	simm.s32 $0x18C00;
	s4 =	sand.u32 $0x1, s3;
	s24 =	sshll.u32 s5, $0x1  }
0x9: {  	[smem:$0x7FF] =	sst s2;
	s5 =	sadd.s32 $0xE00, s0;
	s7 =	sor.u32 s4, s24  }
0xa: {  	_ =	strace $0x80000047;
	s8 =	ssub.s32 $0x2, s4;
	s4 =	sadd.s32 $0x30EE00, s0  }
0xb: {  	s24 =	simm.s32 $0x18980;
	s3 =	sshll.u32 s7, $0x3;
	s1 =	sadd.s32 s1, s7  }
0xc: {  	s31 =	sadd.s32 s6, s7;
	s9 =	sadd.s32 s3, s0;
	[dreg:$0x6] =	wrdreg s1  }
0xd: {  	s10 =	sshrl.u32 s8, $0x1;
	[dreg:$0x7] =	wrdreg s31;
	s26 =	sadd.s32 $0x1600, s9  }
0xe: {  	s25 =	ssub.s32 s8, s10;
	s29 =	sadd.s32 $0x1800, s9;
	[dreg:$0x4] =	wrdreg s26  }
0xf: {  	v0 =	vimm.f32 $-3.000000010e+38;
	s1 =	simm.s32 $0x0;
	s0 =	smax.u32 s25, $0x1;
	[dreg:$0x5] =	wrdreg s29  }
0x10: {  	v1 =	vimm.f32 $8.333333130e-01;
	v2 =	vlaneseq.u32;
	v3 =	vimm.s32 $0x0;
	s25 =	simm.s32 $0x18880;
	[dreg:$0x8] =	wrdreg s0;
	s26 =	simm.s32 $0x18A80  }
.LBB2_1:
0x11: {  	[dreg:$0x9] =	wrdreg s1;
	s0 =	simm.s32 $0x0  }
.LBB2_2:
0x12: {  	s6 =	sor.u32 s3, s0  }
0x13: {  	s1 =	sshll.u32 s6, $0x3  }
0x14: {  	s8 =	simm.s32 $0x18700;
	s7 =	sadd.s32 s5, s1;
	s1 =	simm.s32 $0x0  }
0x15: {  	[tilespmem:s8], [sflag:$0x6] =	stream.linear.gather [hbm4b:s7+s1], $0x40, $0x38;
	[tilespmem:$0x18C80] =	vst v63  }
0x16: {  	_ =	swait.ge [sflag:s12], $0x40  }
0x17: {  	[sflag:s12] =	ssyncset.done $0x0  }
0x18: {  	[sflag:s12] =	ssyncadd.s32 $0xFFFFFFC0  }
0x19: {  	[tilespmem:$0x18780] =	vst v0  }
0x1a: {  	[tilespmem:$0x18790] =	vst v0  }
0x1b: {  	[tilespmem:$0x187A0] =	vst v0  }
0x1c: {  	[tilespmem:$0x187B0] =	vst v0  }
0x1d: {  	[tilespmem:$0x18880] =	vst v0  }
0x1e: {  	[tilespmem:$0x18890] =	vst v0  }
0x1f: {  	[tilespmem:$0x188A0] =	vst v0  }
0x20: {  	[tilespmem:$0x188B0] =	vst v0  }
0x21: {  	[tilespmem:$0x188C0] =	vst v0  }
0x22: {  	[tilespmem:$0x188D0] =	vst v0  }
0x23: {  	[tilespmem:$0x188E0] =	vst v0  }
0x24: {  	[tilespmem:$0x188F0] =	vst v0  }
0x25: {  	[tilespmem:$0x18900] =	vst v0  }
0x26: {  	[tilespmem:$0x18910] =	vst v0  }
0x27: {  	[tilespmem:$0x18920] =	vst v0  }
0x28: {  	[tilespmem:$0x18930] =	vst v0  }
0x29: {  	s6 =	smul.u32 $0x186A0, s6;
	[tilespmem:$0x18940] =	vst v0  }
0x2a: {  	[tilespmem:$0x18950] =	vst v0  }
0x2b: {  	s11 =	sshrl.u32 s6, $0x3;
	[tilespmem:$0x18960] =	vst v0  }
0x2c: {  	s7 =	sadd.s32 s4, s11;
	[tilespmem:$0x18970] =	vst v0  }
0x2d: {  	[tilespmem:s1], [sflag:$0x1] =	stream.linear.gather [hbm4b:s7+s1], $0x7D0, $0x38;
	[tilespmem:$0x18C80] =	vst v63  }
0x2e: {  	s9 =	simm.s32 $0x7D0;
	s13 =	sadd.s32 $0xFA, s7  }
0x2f: {  	[tilespmem:s9], [sflag:$0x2] =	stream.linear.gather [hbm4b:s13+s1], $0x7D0, $0x38;
	[tilespmem:$0x18C80] =	vst v63  }
0x30: {  	s15 =	simm.s32 $0xFA0;
	s14 =	sadd.s32 $0x1F4, s7  }
0x31: {  	[tilespmem:s15], [sflag:$0x3] =	stream.linear.gather [hbm4b:s14+s1], $0x7D0, $0x38;
	[tilespmem:$0x18C80] =	vst v63  }
0x32: {  	s29 =	simm.s32 $0x1770;
	s31 =	simm.s32 $0x1F40;
	s16 =	sadd.s32 $0x2EE, s7  }
0x33: {  	[tilespmem:s29], [sflag:$0x4] =	stream.linear.gather [hbm4b:s16+s1], $0x7D0, $0x38;
	[tilespmem:$0x18C80] =	vst v63  }
0x34: {  	s10 =	simm.s32 $0x20C0;
	s8 =	simm.s32 $0x1120;
	s7 =	sadd.s32 $0x3E8, s7  }
0x35: {  	[tilespmem:s31], [sflag:$0x5] =	stream.linear.gather [hbm4b:s7+s1], $0x7D0, $0x38;
	[tilespmem:$0x18C80] =	vst v63  }
0x36: {  	v5 =	vimm.f32 $0.0e+00;
	s13 =	simm.f32 $-3.000000010e+38;
	s9 =	simm.s32 $0x18F0;
	s7 =	simm.s32 $0x950  }
.LBB2_3:
0x37: {  	p0 =	seq.s32 s1, $0x9  }
0x38: {  	s31 =	smul.u32 @!p0 $0x2710, s1;
	_ =	sdelay $0x1  }
0x39: {  	s11 =	sadd.s32 @!p0 $0x2710, s31  }
0x3a: {  	_ =	swait.ge [sflag:s17], $0x7D0;
	s14 =	sadd.s32 @!p0 s6, s11  }
0x3b: {  	[sflag:s17] =	ssyncset.done $0x0;
	s14 =	sshrl.u32 @!p0 s14, $0x3  }
0x3c: {  	s15 =	simm.s32 @!p0 $0x0;
	[sflag:s17] =	ssyncadd.s32 $0xFFFFF830;
	s14 =	sadd.s32 @!p0 s4, s14  }
0x3d: {  	[tilespmem:s11], [sflag:$0x1] =	stream.linear.gather @!p0 [hbm4b:s14+s15], $0x7D0, $0x38;
	[tilespmem:$0x18C80] =	vst v63  }
0x3e: {  	v4 =	vld [tilespmem:$0x18700];
	_ =	sdelay $0x2  }
0x3f: {  	s31 =	simm.s32 @p0 $0x15F90  }
0x40: {  	s16 =	sadd.s32 $0x7D0, s31  }
0x41: {  	vm0 =	vge.s32 v4, s31;
	vm1 =	vlt.s32 v4, s16  }
0x42: {  	vm0 =	vmand vm0, vm1  }
0x43: {  	v4 =	vnsel vm0, $0x0, v4;
	_ =	sdelay $0x4  }
0x44: {  	v6 =	vld.idx.msk [tilespmem:v4+s2+$0x0], vm0;
	_ =	sdelay $0x4  }
0x45: {  	vm6 =	vlt.f32 v6, $0.0e+00  }
0x46: {  	v7 =	vsel vm6, $0x3F99999A, v1  }
0x47: {  	v6 =	vmul.f32 v7, v6;
	_ =	sdelay $0x1  }
0x48: {  	[tilespmem:v4+s2+$0x0] =	vst.idx.msk vm0, v6  }
0x49: {  	v4 =	vld [tilespmem:$0x18710];
	_ =	sdelay $0x4  }
0x4a: {  	vm7 =	vge.s32 v4, s31;
	vm8 =	vlt.s32 v4, s16  }
0x4b: {  	vm0 =	vmand vm7, vm8  }
0x4c: {  	v4 =	vnsel vm0, $0x0, v4;
	_ =	sdelay $0x4  }
0x4d: {  	v6 =	vld.idx.msk [tilespmem:v4+s2+$0x0], vm0;
	_ =	sdelay $0x4  }
0x4e: {  	vm9 =	vlt.f32 v6, $0.0e+00  }
0x4f: {  	v7 =	vsel vm9, $0x3F99999A, v1  }
0x50: {  	v6 =	vmul.f32 v7, v6;
	_ =	sdelay $0x1  }
0x51: {  	[tilespmem:v4+s2+$0x0] =	vst.idx.msk vm0, v6  }
0x52: {  	v4 =	vld [tilespmem:$0x18720];
	_ =	sdelay $0x4  }
0x53: {  	vm10 =	vge.s32 v4, s31;
	vm11 =	vlt.s32 v4, s16  }
0x54: {  	vm0 =	vmand vm10, vm11  }
0x55: {  	v4 =	vnsel vm0, $0x0, v4;
	_ =	sdelay $0x4  }
0x56: {  	v6 =	vld.idx.msk [tilespmem:v4+s2+$0x0], vm0;
	_ =	sdelay $0x4  }
0x57: {  	vm12 =	vlt.f32 v6, $0.0e+00  }
0x58: {  	v7 =	vsel vm12, $0x3F99999A, v1  }
0x59: {  	v6 =	vmul.f32 v7, v6;
	_ =	sdelay $0x1  }
0x5a: {  	[tilespmem:v4+s2+$0x0] =	vst.idx.msk vm0, v6  }
0x5b: {  	v4 =	vld [tilespmem:$0x18730];
	_ =	sdelay $0x4  }
0x5c: {  	vm13 =	vge.s32 v4, s31;
	vm14 =	vlt.s32 v4, s16  }
0x5d: {  	vm0 =	vmand vm13, vm14  }
0x5e: {  	v4 =	vnsel vm0, $0x0, v4;
	_ =	sdelay $0x4  }
0x5f: {  	v6 =	vld.idx.msk [tilespmem:v4+s2+$0x0], vm0;
	_ =	sdelay $0x4  }
0x60: {  	vm15 =	vlt.f32 v6, $0.0e+00  }
0x61: {  	v7 =	vsel vm15, $0x3F99999A, v1  }
0x62: {  	s29 =	sshll.u32 s31, $0x2;
	v6 =	vmul.f32 v7, v6  }
0x63: {  	s11 =	sshra.s32 s29, $0x2  }
0x64: {  	s15 =	sadd.s32 $0xC0, s11;
	[tilespmem:v4+s2+$0x0] =	vst.idx.msk vm0, v6  }
0x65: {  	v4 =	vld [tilespmem:s15+$0xFFFFFF40]  }
0x66: {  	v6 =	vld [tilespmem:s15+$0xFFFFFF50]  }
0x67: {  	v7 =	vld [tilespmem:s15+$0xFFFFFF60]  }
0x68: {  	v8 =	vld [tilespmem:s15+$0xFFFFFF70]  }
0x69: {  	v9 =	vimm.f32 $-3.000000010e+38;
	v10 =	vld [tilespmem:s15+$0xFFFFFF80]  }
0x6a: {  	v4 =	vmax.f32 v9, v4;
	v9 =	vld [tilespmem:s15+$0xFFFFFF90]  }
0x6b: {  	v4 =	vmax.f32 v4, v6;
	v6 =	vld [tilespmem:s15+$0xFFFFFFA0]  }
0x6c: {  	v4 =	vmax.f32 v4, v7;
	v7 =	vld [tilespmem:s15+$0xFFFFFFB0]  }
0x6d: {  	v4 =	vmax.f32 v4, v8;
	v8 =	vld [tilespmem:s15+$0xFFFFFFC0]  }
0x6e: {  	v4 =	vmax.f32 v4, v10;
	v10 =	vld [tilespmem:s15+$0xFFFFFFD0]  }
0x6f: {  	v4 =	vmax.f32 v4, v9;
	v9 =	vld [tilespmem:s15+$0xFFFFFFE0]  }
0x70: {  	v4 =	vmax.f32 v4, v6;
	v6 =	vld [tilespmem:s15+$0xFFFFFFF0]  }
0x71: {  	v4 =	vmax.f32 v4, v7;
	v7 =	vld [tilespmem:s15+$0x0]  }
0x72: {  	v4 =	vmax.f32 v4, v8;
	v8 =	vld [tilespmem:s15+$0x10]  }
0x73: {  	v4 =	vmax.f32 v4, v10;
	v10 =	vld [tilespmem:s15+$0x20]  }
0x74: {  	v4 =	vmax.f32 v4, v9;
	v9 =	vld [tilespmem:s15+$0x30]  }
0x75: {  	v4 =	vmax.f32 v4, v6;
	v6 =	vld [tilespmem:s15+$0x40]  }
0x76: {  	v4 =	vmax.f32 v4, v7;
	v7 =	vld [tilespmem:s15+$0x50]  }
0x77: {  	v4 =	vmax.f32 v4, v8;
	v8 =	vld [tilespmem:s15+$0x60]  }
0x78: {  	v4 =	vmax.f32 v4, v10;
	v10 =	vld [tilespmem:s15+$0x70]  }
0x79: {  	v9 =	vmax.f32 v4, v9;
	v4 =	vld [tilespmem:s15+$0x80]  }
0x7a: {  	v9 =	vmax.f32 v9, v6;
	v6 =	vld [tilespmem:s15+$0x90]  }
0x7b: {  	v9 =	vmax.f32 v9, v7;
	v7 =	vld [tilespmem:s15+$0xA0]  }
0x7c: {  	v9 =	vmax.f32 v9, v8;
	v8 =	vld [tilespmem:s15+$0xB0]  }
0x7d: {  	s14 =	simm.s32 $0x0;
	s11 =	smul.u32 $0x5, s1;
	s16 =	sadd.s32 $0x190, s15;
	v10 =	vmax.f32 v9, v10;
	v9 =	vld [tilespmem:s15+$0xC0]  }
.LBB2_4:
0x7e: {  	v11 =	vld [tilespmem:s16+$0xFFFFFF40];
	s14 =	sadd.s32 $0x19, s14;
	v4 =	vmax.f32 v10, v4  }
0x7f: {  	v10 =	vld [tilespmem:s16+$0xFFFFFF50];
	p1 =	slt.u32 s14, $0x64;
	v4 =	vmax.f32 v4, v6  }
0x80: {  	v6 =	vld [tilespmem:s16+$0xFFFFFF60];
	v4 =	vmax.f32 v4, v7  }
0x81: {  	v7 =	vld [tilespmem:s16+$0xFFFFFF70];
	v4 =	vmax.f32 v4, v8  }
0x82: {  	v8 =	vld [tilespmem:s16+$0xFFFFFF80];
	v4 =	vmax.f32 v4, v9  }
0x83: {  	v4 =	vmax.f32 v4, v11;
	v9 =	vld [tilespmem:s16+$0xFFFFFF90]  }
0x84: {  	v4 =	vmax.f32 v4, v10;
	v10 =	vld [tilespmem:s16+$0xFFFFFFA0]  }
0x85: {  	v4 =	vmax.f32 v4, v6;
	v6 =	vld [tilespmem:s16+$0xFFFFFFB0]  }
0x86: {  	v4 =	vmax.f32 v4, v7;
	v7 =	vld [tilespmem:s16+$0xFFFFFFC0]  }
0x87: {  	v4 =	vmax.f32 v4, v8;
	v8 =	vld [tilespmem:s16+$0xFFFFFFD0]  }
0x88: {  	v4 =	vmax.f32 v4, v9;
	v9 =	vld [tilespmem:s16+$0xFFFFFFE0]  }
0x89: {  	v4 =	vmax.f32 v4, v10;
	v10 =	vld [tilespmem:s16+$0xFFFFFFF0]  }
0x8a: {  	v4 =	vmax.f32 v4, v6;
	v6 =	vld [tilespmem:s16+$0x0]  }
0x8b: {  	v4 =	vmax.f32 v4, v7;
	v7 =	vld [tilespmem:s16+$0x10]  }
0x8c: {  	v4 =	vmax.f32 v4, v8;
	v8 =	vld [tilespmem:s16+$0x20]  }
0x8d: {  	v4 =	vmax.f32 v4, v9;
	v9 =	vld [tilespmem:s16+$0x30]  }
0x8e: {  	v4 =	vmax.f32 v4, v10;
	v10 =	vld [tilespmem:s16+$0x40]  }
0x8f: {  	v4 =	vmax.f32 v4, v6;
	v11 =	vld [tilespmem:s16+$0x50]  }
0x90: {  	v4 =	vmax.f32 v4, v7;
	v12 =	vld [tilespmem:s16+$0x60]  }
0x91: {  	v4 =	vmax.f32 v4, v8;
	v13 =	vld [tilespmem:s16+$0x70]  }
.Ltmp0:
0x92: {  	v6 =	vmax.f32 v4, v9;
	v4 =	vld [tilespmem:s16+$0x80];
	(pc) =	sbr.rel @p1 .LBB2_4-.Ltmp0, $4  }
0x93: {  	v7 =	vmax.f32 v6, v10;
	v6 =	vld [tilespmem:s16+$0x90]  }
0x94: {  	v8 =	vmax.f32 v7, v11;
	v7 =	vld [tilespmem:s16+$0xA0]  }
0x95: {  	v9 =	vmax.f32 v8, v12;
	v8 =	vld [tilespmem:s16+$0xB0]  }
0x96: {  	v10 =	vmax.f32 v9, v13;
	v9 =	vld [tilespmem:s16+$0xC0];
	s16 =	sadd.s32 $0x190, s16  }
0x97: {  	v4 =	vmax.f32 v10, v4  }
0x98: {  	v4 =	vmax.f32 v4, v6  }
0x99: {  	v4 =	vmax.f32 v4, v7  }
0x9a: {  	v4 =	vmax.f32 v4, v8  }
0x9b: {  	v4 =	vmax.f32 v4, v9  }
0x9c: {  	(xrf0) =	vmax.scan.msk.f32 $0xffff, v4;
	_ =	sdelay $0x5  }
0x9d: {  	v4, _, _ =	vpop (xrf0)  }
0x9e: {  	(v2sf) =	vpush v4, $0xF;
	_ =	sdelay $0xb  }
0x9f: {  	v6 =	vmov s11;
	_ =	sdelay $0x2  }
0xa0: {  	v4 =	vbroadcast v4, $0xF;
	s14 =	spop (v2sf)  }
0xa1: {  	s14 =	smax.f32 s13, s14  }
0xa2: {  	[tilespmem:v6+s18+$0x0] =	vst.idx.msk $0x1, v4;
	s13 =	ssub.f32 s13, s14  }
0xa3: {  	v6 =	vld [tilespmem:s15+$0xFFFFFF40]  }
0xa4: {  	v4 =	vmov s13  }
0xa5: {  	v7 =	vld [tilespmem:s15+$0xFFFFFF50];
	v4 =	vmul.f32 $1.442695020e+00, v4;
	_ =	sdelay $0x1  }
0xa6: {  	v9 =	vld [tilespmem:s15+$0xFFFFFF60];
	v8 =	vbroadcast v4, $0x0;
	v4 =	vmov s14  }
0xa7: {  	v6 =	vsub.f32 v6, v4  }
0xa8: {  	(erf) = vpow2.f32 v8;
	v8 =	vld [tilespmem:s15+$0xFFFFFF70]  }
0xa9: {  	v10 =	vld [tilespmem:s15+$0xFFFFFF80];
	v7 =	vsub.f32 v7, v4;
	v6 =	vmul.f32 $1.442695020e+00, v6;
	_ =	sdelay $0x1  }
0xaa: {  	v9 =	vsub.f32 v9, v4;
	v7 =	vmul.f32 $1.442695020e+00, v7;
	(erf) = vpow2.f32 v6  }
0xab: {  	v6 =	vld [tilespmem:s15+$0xFFFFFF90]  }
0xac: {  	v9 =	vmul.f32 $1.442695020e+00, v9;
	(erf) = vpow2.f32 v7;
	v8 =	vsub.f32 v8, v4  }
0xad: {  	v10 =	vsub.f32 v10, v4;
	v7 =	vld [tilespmem:s15+$0xFFFFFFA0]  }
0xae: {  	v11 =	vld [tilespmem:s15+$0xFFFFFFB0];
	(erf) = vpow2.f32 v9;
	v8 =	vmul.f32 $1.442695020e+00, v8  }
0xaf: {  	v10 =	vmul.f32 $1.442695020e+00, v10  }
0xb0: {  	v12 =	vld [tilespmem:s15+$0xFFFFFFC0];
	v6 =	vsub.f32 v6, v4;
	v9 =	vpop (erf);
	(erf) = vpow2.f32 v8  }
0xb1: {  	v5 =	vmul.f32 v9, v5  }
0xb2: {  	v7 =	vsub.f32 v7, v4;
	v8 =	vld [tilespmem:s15+$0xFFFFFFD0];
	v6 =	vmul.f32 $1.442695020e+00, v6;
	(erf) = vpow2.f32 v10  }
0xb3: {  	v9 =	vsub.f32 v11, v4;
	v10 =	vpop (erf)  }
0xb4: {  	v7 =	vmul.f32 $1.442695020e+00, v7;
	(erf) = vpow2.f32 v6;
	v5 =	vadd.f32 v10, v5;
	v10 =	vld [tilespmem:s15+$0xFFFFFFE0]  }
0xb5: {  	v6 =	vsub.f32 v12, v4;
	v11 =	vpop (erf)  }
0xb6: {  	v9 =	vmul.f32 $1.442695020e+00, v9;
	(erf) = vpow2.f32 v7;
	v5 =	vadd.f32 v11, v5;
	v11 =	vld [tilespmem:s15+$0xFFFFFFF0]  }
0xb7: {  	v7 =	vsub.f32 v8, v4;
	v8 =	vpop (erf)  }
0xb8: {  	v6 =	vmul.f32 $1.442695020e+00, v6;
	(erf) = vpow2.f32 v9;
	v5 =	vadd.f32 v8, v5;
	v8 =	vld [tilespmem:s15+$0x0]  }
0xb9: {  	v9 =	vsub.f32 v10, v4;
	v10 =	vpop (erf)  }
0xba: {  	(erf) = vpow2.f32 v6;
	v5 =	vadd.f32 v10, v5;
	v10 =	vld [tilespmem:s15+$0x10]  }
0xbb: {  	v7 =	vmul.f32 $1.442695020e+00, v7;
	v6 =	vsub.f32 v11, v4;
	v11 =	vpop (erf)  }
0xbc: {  	v5 =	vadd.f32 v11, v5  }
0xbd: {  	v9 =	vmul.f32 $1.442695020e+00, v9;
	(erf) = vpow2.f32 v7;
	v7 =	vsub.f32 v8, v4;
	v8 =	vpop (erf)  }
0xbe: {  	v5 =	vadd.f32 v8, v5;
	v8 =	vld [tilespmem:s15+$0x30]  }
0xbf: {  	v11 =	vld [tilespmem:s15+$0x20];
	v6 =	vmul.f32 $1.442695020e+00, v6;
	(erf) = vpow2.f32 v9;
	v9 =	vsub.f32 v10, v4;
	v10 =	vpop (erf)  }
0xc0: {  	v5 =	vadd.f32 v10, v5  }
0xc1: {  	v7 =	vmul.f32 $1.442695020e+00, v7;
	(erf) = vpow2.f32 v6;
	v10 =	vpop (erf)  }
0xc2: {  	v9 =	vmul.f32 $1.442695020e+00, v9;
	v5 =	vadd.f32 v10, v5  }
0xc3: {  	(erf) = vpow2.f32 v7;
	v7 =	vsub.f32 v8, v4;
	v8 =	vpop (erf)  }
0xc4: {  	v6 =	vsub.f32 v11, v4;
	(erf) = vpow2.f32 v9;
	v5 =	vadd.f32 v8, v5;
	v8 =	vld [tilespmem:s15+$0x40];
	_ =	sdelay $0x1  }
0xc5: {  	v10 =	vld [tilespmem:s15+$0x50];
	v6 =	vmul.f32 $1.442695020e+00, v6;
	v9 =	vpop (erf);
	v7 =	vmul.f32 $1.442695020e+00, v7  }
0xc6: {  	v5 =	vadd.f32 v9, v5  }
0xc7: {  	(erf) = vpow2.f32 v6;
	v6 =	vld [tilespmem:s15+$0x60];
	v9 =	vpop (erf)  }
0xc8: {  	v11 =	vld [tilespmem:s15+$0x70];
	v5 =	vadd.f32 v9, v5;
	v8 =	vsub.f32 v8, v4  }
0xc9: {  	(erf) = vpow2.f32 v7;
	v7 =	vpop (erf)  }
0xca: {  	v5 =	vadd.f32 v7, v5;
	v7 =	vsub.f32 v10, v4;
	v8 =	vmul.f32 $1.442695020e+00, v8  }
0xcb: {  	v9 =	vld [tilespmem:s15+$0x80];
	v61 =	vpop (erf)  }
0xcc: {  	v10 =	vld [tilespmem:s15+$0x90];
	v6 =	vsub.f32 v6, v4;
	v7 =	vmul.f32 $1.442695020e+00, v7;
	v13 =	vpop (erf);
	(erf) = vpow2.f32 v8  }
0xcd: {  	v11 =	vsub.f32 v11, v4  }
0xce: {  	v62 =	vld [tilespmem:s15+$0xA0];
	v5 =	vadd.f32 v61, v5;
	v6 =	vmul.f32 $1.442695020e+00, v6;
	(erf) = vpow2.f32 v7  }
0xcf: {  	v63 =	vmul.f32 $1.442695020e+00, v11  }
0xd0: {  	v8 =	vsub.f32 v9, v4;
	v5 =	vadd.f32 v13, v5;
	v7 =	vld [tilespmem:s15+$0xB0];
	(erf) = vpow2.f32 v6  }
0xd1: {  	v11 =	vpop (erf);
	v9 =	vsub.f32 v10, v4  }
0xd2: {  	v5 =	vadd.f32 v11, v5;
	v11 =	vmul.f32 $1.442695020e+00, v8;
	v8 =	vld [tilespmem:s15+$0xC0];
	(erf) = vpow2.f32 v63  }
0xd3: {  	s13 =	simm.s32 $0x0;
	v10 =	vsub.f32 v62, v4;
	s15 =	sadd.s32 $0x190, s15;
	v6 =	vpop (erf)  }
.LBB2_6:
0xd4: {  	v12 =	vld [tilespmem:s15+$0xFFFFFF40];
	v5 =	vadd.f32 v6, v5;
	v6 =	vmul.f32 $1.442695020e+00, v9;
	(erf) = vpow2.f32 v11  }
0xd5: {  	s13 =	sadd.s32 $0x19, s13;
	v7 =	vsub.f32 v7, v4;
	v9 =	vpop (erf)  }
0xd6: {  	p1 =	slt.u32 s13, $0x64;
	v13 =	vmul.f32 $1.442695020e+00, v10;
	v11 =	vld [tilespmem:s15+$0xFFFFFF50];
	v5 =	vadd.f32 v9, v5;
	(erf) = vpow2.f32 v6  }
0xd7: {  	v6 =	vsub.f32 v8, v4;
	v8 =	vpop (erf)  }
0xd8: {  	v7 =	vmul.f32 $1.442695020e+00, v7;
	v10 =	vld [tilespmem:s15+$0xFFFFFF60];
	v5 =	vadd.f32 v8, v5;
	(erf) = vpow2.f32 v13  }
0xd9: {  	v8 =	vsub.f32 v12, v4;
	v9 =	vpop (erf)  }
0xda: {  	v6 =	vmul.f32 $1.442695020e+00, v6;
	v12 =	vld [tilespmem:s15+$0xFFFFFF70];
	v5 =	vadd.f32 v9, v5;
	(erf) = vpow2.f32 v7  }
0xdb: {  	v7 =	vsub.f32 v11, v4;
	v9 =	vpop (erf)  }
0xdc: {  	v8 =	vmul.f32 $1.442695020e+00, v8;
	v11 =	vld [tilespmem:s15+$0xFFFFFF80];
	v5 =	vadd.f32 v9, v5;
	(erf) = vpow2.f32 v6  }
0xdd: {  	v6 =	vsub.f32 v10, v4;
	v9 =	vpop (erf)  }
0xde: {  	v7 =	vmul.f32 $1.442695020e+00, v7;
	v10 =	vld [tilespmem:s15+$0xFFFFFF90];
	(erf) = vpow2.f32 v8;
	v5 =	vadd.f32 v9, v5  }
0xdf: {  	v8 =	vsub.f32 v12, v4;
	v9 =	vpop (erf)  }
0xe0: {  	v6 =	vmul.f32 $1.442695020e+00, v6;
	v12 =	vld [tilespmem:s15+$0xFFFFFFA0];
	(erf) = vpow2.f32 v7;
	v5 =	vadd.f32 v9, v5  }
0xe1: {  	v7 =	vsub.f32 v11, v4;
	v9 =	vpop (erf)  }
0xe2: {  	v8 =	vmul.f32 $1.442695020e+00, v8;
	v11 =	vld [tilespmem:s15+$0xFFFFFFB0];
	(erf) = vpow2.f32 v6;
	v5 =	vadd.f32 v9, v5  }
0xe3: {  	v6 =	vsub.f32 v10, v4;
	v9 =	vpop (erf)  }
0xe4: {  	v7 =	vmul.f32 $1.442695020e+00, v7;
	v10 =	vld [tilespmem:s15+$0xFFFFFFC0];
	(erf) = vpow2.f32 v8;
	v5 =	vadd.f32 v9, v5  }
0xe5: {  	v8 =	vsub.f32 v12, v4;
	v9 =	vpop (erf)  }
0xe6: {  	v6 =	vmul.f32 $1.442695020e+00, v6;
	v12 =	vld [tilespmem:s15+$0xFFFFFFD0];
	(erf) = vpow2.f32 v7;
	v5 =	vadd.f32 v9, v5  }
0xe7: {  	v7 =	vsub.f32 v11, v4;
	v9 =	vpop (erf)  }
0xe8: {  	v8 =	vmul.f32 $1.442695020e+00, v8;
	v5 =	vadd.f32 v9, v5;
	v9 =	vld [tilespmem:s15+$0xFFFFFFE0];
	(erf) = vpow2.f32 v6  }
0xe9: {  	v6 =	vsub.f32 v10, v4;
	v10 =	vpop (erf)  }
0xea: {  	v7 =	vmul.f32 $1.442695020e+00, v7;
	v5 =	vadd.f32 v10, v5;
	v10 =	vld [tilespmem:s15+$0xFFFFFFF0];
	(erf) = vpow2.f32 v8  }
0xeb: {  	v8 =	vsub.f32 v12, v4;
	v11 =	vpop (erf)  }
0xec: {  	v6 =	vmul.f32 $1.442695020e+00, v6;
	v5 =	vadd.f32 v11, v5;
	v11 =	vld [tilespmem:s15+$0x0];
	(erf) = vpow2.f32 v7  }
0xed: {  	v7 =	vsub.f32 v9, v4;
	v9 =	vpop (erf)  }
0xee: {  	v8 =	vmul.f32 $1.442695020e+00, v8;
	v5 =	vadd.f32 v9, v5;
	v9 =	vld [tilespmem:s15+$0x10];
	(erf) = vpow2.f32 v6  }
0xef: {  	v6 =	vsub.f32 v10, v4;
	v10 =	vpop (erf)  }
0xf0: {  	v7 =	vmul.f32 $1.442695020e+00, v7;
	v5 =	vadd.f32 v10, v5;
	v10 =	vld [tilespmem:s15+$0x20];
	(erf) = vpow2.f32 v8  }
0xf1: {  	v8 =	vsub.f32 v11, v4;
	v11 =	vpop (erf)  }
0xf2: {  	v6 =	vmul.f32 $1.442695020e+00, v6;
	v5 =	vadd.f32 v11, v5;
	v11 =	vld [tilespmem:s15+$0x30];
	(erf) = vpow2.f32 v7  }
0xf3: {  	v7 =	vsub.f32 v9, v4;
	v9 =	vpop (erf)  }
0xf4: {  	v8 =	vmul.f32 $1.442695020e+00, v8;
	v5 =	vadd.f32 v9, v5;
	v9 =	vld [tilespmem:s15+$0x40];
	(erf) = vpow2.f32 v6  }
0xf5: {  	v6 =	vsub.f32 v10, v4;
	v10 =	vpop (erf)  }
0xf6: {  	v7 =	vmul.f32 $1.442695020e+00, v7;
	v5 =	vadd.f32 v10, v5;
	v10 =	vld [tilespmem:s15+$0x50];
	(erf) = vpow2.f32 v8  }
0xf7: {  	v8 =	vsub.f32 v11, v4;
	v11 =	vpop (erf)  }
0xf8: {  	v6 =	vmul.f32 $1.442695020e+00, v6;
	v5 =	vadd.f32 v11, v5;
	v11 =	vld [tilespmem:s15+$0x60];
	(erf) = vpow2.f32 v7  }
0xf9: {  	v7 =	vsub.f32 v9, v4;
	v9 =	vpop (erf)  }
0xfa: {  	v8 =	vmul.f32 $1.442695020e+00, v8;
	v5 =	vadd.f32 v9, v5;
	v9 =	vld [tilespmem:s15+$0x70];
	(erf) = vpow2.f32 v6  }
0xfb: {  	v6 =	vsub.f32 v10, v4;
	v10 =	vpop (erf)  }
0xfc: {  	v7 =	vmul.f32 $1.442695020e+00, v7;
	v5 =	vadd.f32 v10, v5;
	v10 =	vld [tilespmem:s15+$0x80];
	(erf) = vpow2.f32 v8  }
0xfd: {  	v8 =	vsub.f32 v11, v4;
	v11 =	vpop (erf)  }
0xfe: {  	v6 =	vmul.f32 $1.442695020e+00, v6;
	v5 =	vadd.f32 v11, v5;
	v11 =	vld [tilespmem:s15+$0x90];
	(erf) = vpow2.f32 v7  }
0xff: {  	v7 =	vsub.f32 v9, v4;
	v9 =	vpop (erf)  }
0x100: {  	v13 =	vmul.f32 $1.442695020e+00, v8;
	v5 =	vadd.f32 v9, v5;
	v12 =	vld [tilespmem:s15+$0xA0];
	(erf) = vpow2.f32 v6  }
.Ltmp1:
0x101: {  	v6 =	vsub.f32 v10, v4;
	v9 =	vpop (erf);
	(pc) =	sbr.rel @p1 .LBB2_6-.Ltmp1, $4  }
0x102: {  	v10 =	vmul.f32 $1.442695020e+00, v7;
	v5 =	vadd.f32 v9, v5;
	v7 =	vld [tilespmem:s15+$0xB0];
	(erf) = vpow2.f32 v13  }
0x103: {  	v9 =	vsub.f32 v11, v4;
	v8 =	vpop (erf)  }
0x104: {  	v11 =	vmul.f32 $1.442695020e+00, v6;
	v5 =	vadd.f32 v8, v5;
	v8 =	vld [tilespmem:s15+$0xC0];
	(erf) = vpow2.f32 v10  }
0x105: {  	s15 =	sadd.s32 $0x190, s15;
	v10 =	vsub.f32 v12, v4;
	v6 =	vpop (erf)  }
0x106: {  	_ =	sdelay $0x1  }
0x107: {  	v9 =	vmul.f32 $1.442695020e+00, v9  }
0x108: {  	(erf) = vpow2.f32 v11;
	v7 =	vsub.f32 v7, v4;
	v4 =	vsub.f32 v8, v4  }
0x109: {  	v10 =	vmul.f32 $1.442695020e+00, v10;
	(erf) = vpow2.f32 v9  }
0x10a: {  	v7 =	vmul.f32 $1.442695020e+00, v7;
	v4 =	vmul.f32 $1.442695020e+00, v4  }
0x10b: {  	(erf) = vpow2.f32 v10  }
0x10c: {  	(erf) = vpow2.f32 v7  }
0x10d: {  	(erf) = vpow2.f32 v4  }
0x10e: {  	v4 =	vpop (erf)  }
0x10f: {  	v7 =	vpop (erf)  }
0x110: {  	v8 =	vpop (erf)  }
0x111: {  	v9 =	vpop (erf)  }
0x112: {  	v10 =	vpop (erf)  }
0x113: {  	v11 =	vpop (erf)  }
0x114: {  	v12 =	vpop (erf)  }
0x115: {  	v13 =	vpop (erf)  }
0x116: {  	s13 =	sadd.s32 @!p0 $0x2EE0, s31;
	v14 =	vpop (erf)  }
0x117: {  	s15 =	sadd.s32 @!p0 s6, s13;
	_ =	swait.ge [sflag:s19], $0x7D0  }
0x118: {  	s15 =	sshrl.u32 @!p0 s15, $0x3;
	[sflag:s19] =	ssyncset.done $0x0  }
0x119: {  	s16 =	simm.s32 @!p0 $0x0;
	s15 =	sadd.s32 @!p0 s4, s15;
	[sflag:s19] =	ssyncadd.s32 $0xFFFFF830  }
0x11a: {  	[tilespmem:s13], [sflag:$0x2] =	stream.linear.gather @!p0 [hbm4b:s15+s16], $0x7D0, $0x38;
	[tilespmem:$0x18C80] =	vst v63  }
0x11b: {  	v15 =	vld [tilespmem:$0x18700]  }
0x11c: {  	s13 =	sadd.s32 $0x1, s11  }
0x11d: {  	s16 =	smul.u32 $0x7D0, s13;
	_ =	sdelay $0x1  }
0x11e: {  	s29 =	sadd.s32 $0x7D0, s16  }
0x11f: {  	vm0 =	vge.s32 v15, s16;
	vm1 =	vlt.s32 v15, s29  }
0x120: {  	vm0 =	vmand vm0, vm1  }
0x121: {  	v15 =	vnsel vm0, $0x0, v15;
	_ =	sdelay $0x4  }
0x122: {  	v16 =	vld.idx.msk [tilespmem:v15+s2+$0x0], vm0;
	_ =	sdelay $0x4  }
0x123: {  	vm6 =	vlt.f32 v16, $0.0e+00  }
0x124: {  	v17 =	vsel vm6, $0x3F99999A, v1  }
0x125: {  	v16 =	vmul.f32 v17, v16;
	_ =	sdelay $0x1  }
0x126: {  	[tilespmem:v15+s2+$0x0] =	vst.idx.msk vm0, v16  }
0x127: {  	v15 =	vld [tilespmem:$0x18710];
	_ =	sdelay $0x4  }
0x128: {  	vm7 =	vge.s32 v15, s16;
	vm8 =	vlt.s32 v15, s29  }
0x129: {  	vm0 =	vmand vm7, vm8  }
0x12a: {  	v15 =	vnsel vm0, $0x0, v15;
	_ =	sdelay $0x4  }
0x12b: {  	v16 =	vld.idx.msk [tilespmem:v15+s2+$0x0], vm0;
	_ =	sdelay $0x4  }
0x12c: {  	vm9 =	vlt.f32 v16, $0.0e+00  }
0x12d: {  	v55 =	vsel vm9, $0x3F99999A, v1  }
0x12e: {  	v16 =	vmul.f32 v55, v16;
	_ =	sdelay $0x1  }
0x12f: {  	[tilespmem:v15+s2+$0x0] =	vst.idx.msk vm0, v16  }
0x130: {  	v15 =	vld [tilespmem:$0x18720];
	_ =	sdelay $0x4  }
0x131: {  	vm10 =	vge.s32 v15, s16;
	vm11 =	vlt.s32 v15, s29  }
0x132: {  	vm0 =	vmand vm10, vm11  }
0x133: {  	v15 =	vnsel vm0, $0x0, v15;
	_ =	sdelay $0x4  }
0x134: {  	v16 =	vld.idx.msk [tilespmem:v15+s2+$0x0], vm0;
	_ =	sdelay $0x4  }
0x135: {  	vm12 =	vlt.f32 v16, $0.0e+00  }
0x136: {  	v56 =	vsel vm12, $0x3F99999A, v1  }
0x137: {  	v16 =	vmul.f32 v56, v16;
	_ =	sdelay $0x1  }
0x138: {  	[tilespmem:v15+s2+$0x0] =	vst.idx.msk vm0, v16  }
0x139: {  	v15 =	vld [tilespmem:$0x18730];
	_ =	sdelay $0x4  }
0x13a: {  	vm13 =	vge.s32 v15, s16;
	vm14 =	vlt.s32 v15, s29  }
0x13b: {  	vm0 =	vmand vm13, vm14  }
0x13c: {  	v15 =	vnsel vm0, $0x0, v15;
	_ =	sdelay $0x4  }
0x13d: {  	v16 =	vld.idx.msk [tilespmem:v15+s2+$0x0], vm0;
	_ =	sdelay $0x4  }
0x13e: {  	vm15 =	vlt.f32 v16, $0.0e+00  }
0x13f: {  	v57 =	vsel vm15, $0x3F99999A, v1  }
0x140: {  	v16 =	vmul.f32 v57, v16;
	_ =	sdelay $0x1  }
0x141: {  	[tilespmem:v15+s2+$0x0] =	vst.idx.msk vm0, v16  }
0x142: {  	v15 =	vld [tilespmem:s7+$0xFFFFFE80]  }
0x143: {  	v16 =	vld [tilespmem:s7+$0xFFFFFE90]  }
0x144: {  	v58 =	vld [tilespmem:s7+$0xFFFFFEA0]  }
0x145: {  	v18 =	vld [tilespmem:s7+$0xFFFFFEB0]  }
0x146: {  	v19 =	vimm.f32 $-3.000000010e+38;
	v20 =	vld [tilespmem:s7+$0xFFFFFEC0]  }
0x147: {  	v59 =	vld [tilespmem:s7+$0xFFFFFED0];
	v15 =	vmax.f32 v19, v15  }
0x148: {  	v5 =	vadd.f32 v6, v5;
	v60 =	vld [tilespmem:s7+$0xFFFFFEE0];
	v6 =	vmax.f32 v15, v16  }
0x149: {  	v61 =	vld [tilespmem:s7+$0xFFFFFEF0];
	v6 =	vmax.f32 v6, v58  }
0x14a: {  	v4 =	vadd.f32 v4, v5;
	v5 =	vmax.f32 v6, v18;
	v6 =	vld [tilespmem:s7+$0xFFFFFF00]  }
0x14b: {  	v62 =	vld [tilespmem:s7+$0xFFFFFF10];
	v5 =	vmax.f32 v5, v20  }
0x14c: {  	v4 =	vadd.f32 v7, v4;
	v7 =	vld [tilespmem:s7+$0xFFFFFF20];
	v5 =	vmax.f32 v5, v59  }
0x14d: {  	v63 =	vld [tilespmem:s7+$0xFFFFFF30];
	v5 =	vmax.f32 v5, v60  }
0x14e: {  	v4 =	vadd.f32 v8, v4;
	v8 =	vld [tilespmem:s7+$0xFFFFFF40];
	v5 =	vmax.f32 v5, v61  }
0x14f: {  	v5 =	vmax.f32 v5, v6;
	v6 =	vld [tilespmem:s7+$0xFFFFFF50]  }
0x150: {  	v4 =	vadd.f32 v9, v4;
	v9 =	vld [tilespmem:s7+$0xFFFFFF60];
	v5 =	vmax.f32 v5, v62  }
0x151: {  	v5 =	vmax.f32 v5, v7;
	v7 =	vld [tilespmem:s7+$0xFFFFFF70]  }
0x152: {  	v4 =	vadd.f32 v10, v4;
	v10 =	vld [tilespmem:s7+$0xFFFFFF80];
	v5 =	vmax.f32 v5, v63  }
0x153: {  	v5 =	vmax.f32 v5, v8;
	v8 =	vld [tilespmem:s7+$0xFFFFFF90]  }
0x154: {  	v4 =	vadd.f32 v11, v4;
	v11 =	vld [tilespmem:s7+$0xFFFFFFA0];
	v5 =	vmax.f32 v5, v6  }
0x155: {  	v5 =	vmax.f32 v5, v9;
	v9 =	vld [tilespmem:s7+$0xFFFFFFB0]  }
0x156: {  	v12 =	vadd.f32 v12, v4;
	v4 =	vld [tilespmem:s7+$0xFFFFFFC0];
	v5 =	vmax.f32 v5, v7  }
0x157: {  	v6 =	vld [tilespmem:s7+$0xFFFFFFD0];
	v5 =	vmax.f32 v5, v10  }
0x158: {  	v7 =	vld [tilespmem:s7+$0xFFFFFFE0];
	v10 =	vadd.f32 v13, v12;
	v5 =	vmax.f32 v5, v8  }
0x159: {  	v8 =	vld [tilespmem:s7+$0xFFFFFFF0];
	v11 =	vmax.f32 v5, v11  }
0x15a: {  	s15 =	simm.s32 $0x0;
	s16 =	sadd.s32 $0x190, s7;
	v5 =	vadd.f32 v14, v10;
	v10 =	vmax.f32 v11, v9;
	v9 =	vld [tilespmem:s7+$0x0]  }
.LBB2_8:
0x15b: {  	v11 =	vld [tilespmem:s16+$0xFFFFFE80];
	s15 =	sadd.s32 $0x19, s15;
	v4 =	vmax.f32 v10, v4  }
0x15c: {  	v10 =	vld [tilespmem:s16+$0xFFFFFE90];
	p1 =	slt.u32 s15, $0x64;
	v4 =	vmax.f32 v4, v6  }
0x15d: {  	v6 =	vld [tilespmem:s16+$0xFFFFFEA0];
	v4 =	vmax.f32 v4, v7  }
0x15e: {  	v7 =	vld [tilespmem:s16+$0xFFFFFEB0];
	v4 =	vmax.f32 v4, v8  }
0x15f: {  	v8 =	vld [tilespmem:s16+$0xFFFFFEC0];
	v4 =	vmax.f32 v4, v9  }
0x160: {  	v4 =	vmax.f32 v4, v11;
	v9 =	vld [tilespmem:s16+$0xFFFFFED0]  }
0x161: {  	v4 =	vmax.f32 v4, v10;
	v10 =	vld [tilespmem:s16+$0xFFFFFEE0]  }
0x162: {  	v4 =	vmax.f32 v4, v6;
	v6 =	vld [tilespmem:s16+$0xFFFFFEF0]  }
0x163: {  	v4 =	vmax.f32 v4, v7;
	v7 =	vld [tilespmem:s16+$0xFFFFFF00]  }
0x164: {  	v4 =	vmax.f32 v4, v8;
	v8 =	vld [tilespmem:s16+$0xFFFFFF10]  }
0x165: {  	v4 =	vmax.f32 v4, v9;
	v9 =	vld [tilespmem:s16+$0xFFFFFF20]  }
0x166: {  	v4 =	vmax.f32 v4, v10;
	v10 =	vld [tilespmem:s16+$0xFFFFFF30]  }
0x167: {  	v4 =	vmax.f32 v4, v6;
	v6 =	vld [tilespmem:s16+$0xFFFFFF40]  }
0x168: {  	v4 =	vmax.f32 v4, v7;
	v7 =	vld [tilespmem:s16+$0xFFFFFF50]  }
0x169: {  	v4 =	vmax.f32 v4, v8;
	v8 =	vld [tilespmem:s16+$0xFFFFFF60]  }
0x16a: {  	v4 =	vmax.f32 v4, v9;
	v9 =	vld [tilespmem:s16+$0xFFFFFF70]  }
0x16b: {  	v4 =	vmax.f32 v4, v10;
	v10 =	vld [tilespmem:s16+$0xFFFFFF80]  }
0x16c: {  	v4 =	vmax.f32 v4, v6;
	v11 =	vld [tilespmem:s16+$0xFFFFFF90]  }
0x16d: {  	v4 =	vmax.f32 v4, v7;
	v12 =	vld [tilespmem:s16+$0xFFFFFFA0]  }
0x16e: {  	v4 =	vmax.f32 v4, v8;
	v13 =	vld [tilespmem:s16+$0xFFFFFFB0]  }
.Ltmp2:
0x16f: {  	v6 =	vmax.f32 v4, v9;
	v4 =	vld [tilespmem:s16+$0xFFFFFFC0];
	(pc) =	sbr.rel @p1 .LBB2_8-.Ltmp2, $4  }
0x170: {  	v7 =	vmax.f32 v6, v10;
	v6 =	vld [tilespmem:s16+$0xFFFFFFD0]  }
0x171: {  	v8 =	vmax.f32 v7, v11;
	v7 =	vld [tilespmem:s16+$0xFFFFFFE0]  }
0x172: {  	v9 =	vmax.f32 v8, v12;
	v8 =	vld [tilespmem:s16+$0xFFFFFFF0]  }
0x173: {  	v10 =	vmax.f32 v9, v13;
	v9 =	vld [tilespmem:s16+$0x0];
	s16 =	sadd.s32 $0x190, s16  }
0x174: {  	v4 =	vmax.f32 v10, v4  }
0x175: {  	v4 =	vmax.f32 v4, v6  }
0x176: {  	v4 =	vmax.f32 v4, v7  }
0x177: {  	v4 =	vmax.f32 v4, v8  }
0x178: {  	v4 =	vmax.f32 v4, v9  }
0x179: {  	(xrf0) =	vmax.scan.msk.f32 $0xffff, v4;
	_ =	sdelay $0x5  }
0x17a: {  	v4, _, _ =	vpop (xrf0)  }
0x17b: {  	(v2sf) =	vpush v4, $0xF;
	_ =	sdelay $0xb  }
0x17c: {  	v6 =	vmov s13;
	_ =	sdelay $0x2  }
0x17d: {  	v4 =	vbroadcast v4, $0xF;
	s29 =	spop (v2sf)  }
0x17e: {  	s13 =	smax.f32 s14, s29  }
0x17f: {  	[tilespmem:v6+s18+$0x0] =	vst.idx.msk $0x1, v4;
	s14 =	ssub.f32 s14, s13  }
0x180: {  	v6 =	vld [tilespmem:s7+$0xFFFFFE80]  }
0x181: {  	v4 =	vmov s14  }
0x182: {  	v7 =	vld [tilespmem:s7+$0xFFFFFE90];
	v4 =	vmul.f32 $1.442695020e+00, v4;
	_ =	sdelay $0x1  }
0x183: {  	v9 =	vld [tilespmem:s7+$0xFFFFFEA0];
	v8 =	vbroadcast v4, $0x0;
	v4 =	vmov s13  }
0x184: {  	v6 =	vsub.f32 v6, v4  }
0x185: {  	(erf) = vpow2.f32 v8;
	v8 =	vld [tilespmem:s7+$0xFFFFFEB0]  }
0x186: {  	v10 =	vld [tilespmem:s7+$0xFFFFFEC0];
	v7 =	vsub.f32 v7, v4;
	v6 =	vmul.f32 $1.442695020e+00, v6;
	_ =	sdelay $0x1  }
0x187: {  	v9 =	vsub.f32 v9, v4;
	v7 =	vmul.f32 $1.442695020e+00, v7;
	(erf) = vpow2.f32 v6  }
0x188: {  	v6 =	vld [tilespmem:s7+$0xFFFFFED0]  }
0x189: {  	v9 =	vmul.f32 $1.442695020e+00, v9;
	(erf) = vpow2.f32 v7;
	v8 =	vsub.f32 v8, v4  }
0x18a: {  	v10 =	vsub.f32 v10, v4;
	v7 =	vld [tilespmem:s7+$0xFFFFFEE0]  }
0x18b: {  	v11 =	vld [tilespmem:s7+$0xFFFFFEF0];
	(erf) = vpow2.f32 v9;
	v8 =	vmul.f32 $1.442695020e+00, v8  }
0x18c: {  	v10 =	vmul.f32 $1.442695020e+00, v10  }
0x18d: {  	v12 =	vld [tilespmem:s7+$0xFFFFFF00];
	v6 =	vsub.f32 v6, v4;
	v9 =	vpop (erf);
	(erf) = vpow2.f32 v8  }
0x18e: {  	v5 =	vmul.f32 v9, v5  }
0x18f: {  	v7 =	vsub.f32 v7, v4;
	v8 =	vld [tilespmem:s7+$0xFFFFFF10];
	v6 =	vmul.f32 $1.442695020e+00, v6;
	(erf) = vpow2.f32 v10  }
0x190: {  	v9 =	vsub.f32 v11, v4;
	v10 =	vpop (erf)  }
0x191: {  	v7 =	vmul.f32 $1.442695020e+00, v7;
	(erf) = vpow2.f32 v6;
	v5 =	vadd.f32 v10, v5;
	v10 =	vld [tilespmem:s7+$0xFFFFFF20]  }
0x192: {  	v6 =	vsub.f32 v12, v4;
	v11 =	vpop (erf)  }
0x193: {  	v9 =	vmul.f32 $1.442695020e+00, v9;
	(erf) = vpow2.f32 v7;
	v5 =	vadd.f32 v11, v5;
	v11 =	vld [tilespmem:s7+$0xFFFFFF30]  }
0x194: {  	v7 =	vsub.f32 v8, v4;
	v8 =	vpop (erf)  }
0x195: {  	v6 =	vmul.f32 $1.442695020e+00, v6;
	(erf) = vpow2.f32 v9;
	v5 =	vadd.f32 v8, v5;
	v8 =	vld [tilespmem:s7+$0xFFFFFF40]  }
0x196: {  	v9 =	vsub.f32 v10, v4;
	v10 =	vpop (erf)  }
0x197: {  	(erf) = vpow2.f32 v6;
	v5 =	vadd.f32 v10, v5;
	v10 =	vld [tilespmem:s7+$0xFFFFFF50]  }
0x198: {  	v7 =	vmul.f32 $1.442695020e+00, v7;
	v6 =	vsub.f32 v11, v4;
	v11 =	vpop (erf)  }
0x199: {  	v5 =	vadd.f32 v11, v5  }
0x19a: {  	v9 =	vmul.f32 $1.442695020e+00, v9;
	(erf) = vpow2.f32 v7;
	v7 =	vsub.f32 v8, v4;
	v8 =	vpop (erf)  }
0x19b: {  	v5 =	vadd.f32 v8, v5;
	v8 =	vld [tilespmem:s7+$0xFFFFFF70]  }
0x19c: {  	v11 =	vld [tilespmem:s7+$0xFFFFFF60];
	v6 =	vmul.f32 $1.442695020e+00, v6;
	(erf) = vpow2.f32 v9;
	v9 =	vsub.f32 v10, v4;
	v10 =	vpop (erf)  }
0x19d: {  	v5 =	vadd.f32 v10, v5  }
0x19e: {  	v7 =	vmul.f32 $1.442695020e+00, v7;
	(erf) = vpow2.f32 v6;
	v10 =	vpop (erf)  }
0x19f: {  	v9 =	vmul.f32 $1.442695020e+00, v9;
	v5 =	vadd.f32 v10, v5  }
0x1a0: {  	(erf) = vpow2.f32 v7;
	v7 =	vsub.f32 v8, v4;
	v8 =	vpop (erf)  }
0x1a1: {  	v6 =	vsub.f32 v11, v4;
	(erf) = vpow2.f32 v9;
	v5 =	vadd.f32 v8, v5;
	v8 =	vld [tilespmem:s7+$0xFFFFFF80];
	_ =	sdelay $0x1  }
0x1a2: {  	v10 =	vld [tilespmem:s7+$0xFFFFFF90];
	v6 =	vmul.f32 $1.442695020e+00, v6;
	v9 =	vpop (erf);
	v7 =	vmul.f32 $1.442695020e+00, v7  }
0x1a3: {  	v5 =	vadd.f32 v9, v5  }
0x1a4: {  	(erf) = vpow2.f32 v6;
	v6 =	vld [tilespmem:s7+$0xFFFFFFA0];
	v9 =	vpop (erf)  }
0x1a5: {  	v11 =	vld [tilespmem:s7+$0xFFFFFFB0];
	v5 =	vadd.f32 v9, v5;
	v8 =	vsub.f32 v8, v4  }
0x1a6: {  	(erf) = vpow2.f32 v7;
	v7 =	vpop (erf)  }
0x1a7: {  	v5 =	vadd.f32 v7, v5;
	v7 =	vsub.f32 v10, v4;
	v8 =	vmul.f32 $1.442695020e+00, v8  }
0x1a8: {  	v9 =	vld [tilespmem:s7+$0xFFFFFFC0];
	v61 =	vpop (erf)  }
0x1a9: {  	v10 =	vld [tilespmem:s7+$0xFFFFFFD0];
	v6 =	vsub.f32 v6, v4;
	v7 =	vmul.f32 $1.442695020e+00, v7;
	v13 =	vpop (erf);
	(erf) = vpow2.f32 v8  }
0x1aa: {  	v11 =	vsub.f32 v11, v4  }
0x1ab: {  	v62 =	vld [tilespmem:s7+$0xFFFFFFE0];
	v5 =	vadd.f32 v61, v5;
	v6 =	vmul.f32 $1.442695020e+00, v6;
	(erf) = vpow2.f32 v7  }
0x1ac: {  	v63 =	vmul.f32 $1.442695020e+00, v11  }
0x1ad: {  	v8 =	vsub.f32 v9, v4;
	v5 =	vadd.f32 v13, v5;
	v7 =	vld [tilespmem:s7+$0xFFFFFFF0];
	(erf) = vpow2.f32 v6  }
0x1ae: {  	v11 =	vpop (erf);
	v9 =	vsub.f32 v10, v4  }
0x1af: {  	v5 =	vadd.f32 v11, v5;
	v11 =	vmul.f32 $1.442695020e+00, v8;
	v8 =	vld [tilespmem:s7+$0x0];
	(erf) = vpow2.f32 v63  }
0x1b0: {  	s15 =	sadd.s32 $0x190, s7;
	s14 =	simm.s32 $0x0;
	v10 =	vsub.f32 v62, v4;
	v6 =	vpop (erf)  }
.LBB2_10:
0x1b1: {  	v12 =	vld [tilespmem:s15+$0xFFFFFE80];
	v5 =	vadd.f32 v6, v5;
	v6 =	vmul.f32 $1.442695020e+00, v9;
	(erf) = vpow2.f32 v11  }
0x1b2: {  	s14 =	sadd.s32 $0x19, s14;
	v7 =	vsub.f32 v7, v4;
	v9 =	vpop (erf)  }
0x1b3: {  	p1 =	slt.u32 s14, $0x64;
	v13 =	vmul.f32 $1.442695020e+00, v10;
	v11 =	vld [tilespmem:s15+$0xFFFFFE90];
	v5 =	vadd.f32 v9, v5;
	(erf) = vpow2.f32 v6  }
0x1b4: {  	v6 =	vsub.f32 v8, v4;
	v8 =	vpop (erf)  }
0x1b5: {  	v7 =	vmul.f32 $1.442695020e+00, v7;
	v10 =	vld [tilespmem:s15+$0xFFFFFEA0];
	v5 =	vadd.f32 v8, v5;
	(erf) = vpow2.f32 v13  }
0x1b6: {  	v8 =	vsub.f32 v12, v4;
	v9 =	vpop (erf)  }
0x1b7: {  	v6 =	vmul.f32 $1.442695020e+00, v6;
	v12 =	vld [tilespmem:s15+$0xFFFFFEB0];
	v5 =	vadd.f32 v9, v5;
	(erf) = vpow2.f32 v7  }
0x1b8: {  	v7 =	vsub.f32 v11, v4;
	v9 =	vpop (erf)  }
0x1b9: {  	v8 =	vmul.f32 $1.442695020e+00, v8;
	v11 =	vld [tilespmem:s15+$0xFFFFFEC0];
	v5 =	vadd.f32 v9, v5;
	(erf) = vpow2.f32 v6  }
0x1ba: {  	v6 =	vsub.f32 v10, v4;
	v9 =	vpop (erf)  }
0x1bb: {  	v7 =	vmul.f32 $1.442695020e+00, v7;
	v10 =	vld [tilespmem:s15+$0xFFFFFED0];
	(erf) = vpow2.f32 v8;
	v5 =	vadd.f32 v9, v5  }
0x1bc: {  	v8 =	vsub.f32 v12, v4;
	v9 =	vpop (erf)  }
0x1bd: {  	v6 =	vmul.f32 $1.442695020e+00, v6;
	v12 =	vld [tilespmem:s15+$0xFFFFFEE0];
	(erf) = vpow2.f32 v7;
	v5 =	vadd.f32 v9, v5  }
0x1be: {  	v7 =	vsub.f32 v11, v4;
	v9 =	vpop (erf)  }
0x1bf: {  	v8 =	vmul.f32 $1.442695020e+00, v8;
	v11 =	vld [tilespmem:s15+$0xFFFFFEF0];
	(erf) = vpow2.f32 v6;
	v5 =	vadd.f32 v9, v5  }
0x1c0: {  	v6 =	vsub.f32 v10, v4;
	v9 =	vpop (erf)  }
0x1c1: {  	v7 =	vmul.f32 $1.442695020e+00, v7;
	v10 =	vld [tilespmem:s15+$0xFFFFFF00];
	(erf) = vpow2.f32 v8;
	v5 =	vadd.f32 v9, v5  }
0x1c2: {  	v8 =	vsub.f32 v12, v4;
	v9 =	vpop (erf)  }
0x1c3: {  	v6 =	vmul.f32 $1.442695020e+00, v6;
	v12 =	vld [tilespmem:s15+$0xFFFFFF10];
	(erf) = vpow2.f32 v7;
	v5 =	vadd.f32 v9, v5  }
0x1c4: {  	v7 =	vsub.f32 v11, v4;
	v9 =	vpop (erf)  }
0x1c5: {  	v8 =	vmul.f32 $1.442695020e+00, v8;
	v5 =	vadd.f32 v9, v5;
	v9 =	vld [tilespmem:s15+$0xFFFFFF20];
	(erf) = vpow2.f32 v6  }
0x1c6: {  	v6 =	vsub.f32 v10, v4;
	v10 =	vpop (erf)  }
0x1c7: {  	v7 =	vmul.f32 $1.442695020e+00, v7;
	v5 =	vadd.f32 v10, v5;
	v10 =	vld [tilespmem:s15+$0xFFFFFF30];
	(erf) = vpow2.f32 v8  }
0x1c8: {  	v8 =	vsub.f32 v12, v4;
	v11 =	vpop (erf)  }
0x1c9: {  	v6 =	vmul.f32 $1.442695020e+00, v6;
	v5 =	vadd.f32 v11, v5;
	v11 =	vld [tilespmem:s15+$0xFFFFFF40];
	(erf) = vpow2.f32 v7  }
0x1ca: {  	v7 =	vsub.f32 v9, v4;
	v9 =	vpop (erf)  }
0x1cb: {  	v8 =	vmul.f32 $1.442695020e+00, v8;
	v5 =	vadd.f32 v9, v5;
	v9 =	vld [tilespmem:s15+$0xFFFFFF50];
	(erf) = vpow2.f32 v6  }
0x1cc: {  	v6 =	vsub.f32 v10, v4;
	v10 =	vpop (erf)  }
0x1cd: {  	v7 =	vmul.f32 $1.442695020e+00, v7;
	v5 =	vadd.f32 v10, v5;
	v10 =	vld [tilespmem:s15+$0xFFFFFF60];
	(erf) = vpow2.f32 v8  }
0x1ce: {  	v8 =	vsub.f32 v11, v4;
	v11 =	vpop (erf)  }
0x1cf: {  	v6 =	vmul.f32 $1.442695020e+00, v6;
	v5 =	vadd.f32 v11, v5;
	v11 =	vld [tilespmem:s15+$0xFFFFFF70];
	(erf) = vpow2.f32 v7  }
0x1d0: {  	v7 =	vsub.f32 v9, v4;
	v9 =	vpop (erf)  }
0x1d1: {  	v8 =	vmul.f32 $1.442695020e+00, v8;
	v5 =	vadd.f32 v9, v5;
	v9 =	vld [tilespmem:s15+$0xFFFFFF80];
	(erf) = vpow2.f32 v6  }
0x1d2: {  	v6 =	vsub.f32 v10, v4;
	v10 =	vpop (erf)  }
0x1d3: {  	v7 =	vmul.f32 $1.442695020e+00, v7;
	v5 =	vadd.f32 v10, v5;
	v10 =	vld [tilespmem:s15+$0xFFFFFF90];
	(erf) = vpow2.f32 v8  }
0x1d4: {  	v8 =	vsub.f32 v11, v4;
	v11 =	vpop (erf)  }
0x1d5: {  	v6 =	vmul.f32 $1.442695020e+00, v6;
	v5 =	vadd.f32 v11, v5;
	v11 =	vld [tilespmem:s15+$0xFFFFFFA0];
	(erf) = vpow2.f32 v7  }
0x1d6: {  	v7 =	vsub.f32 v9, v4;
	v9 =	vpop (erf)  }
0x1d7: {  	v8 =	vmul.f32 $1.442695020e+00, v8;
	v5 =	vadd.f32 v9, v5;
	v9 =	vld [tilespmem:s15+$0xFFFFFFB0];
	(erf) = vpow2.f32 v6  }
0x1d8: {  	v6 =	vsub.f32 v10, v4;
	v10 =	vpop (erf)  }
0x1d9: {  	v7 =	vmul.f32 $1.442695020e+00, v7;
	v5 =	vadd.f32 v10, v5;
	v10 =	vld [tilespmem:s15+$0xFFFFFFC0];
	(erf) = vpow2.f32 v8  }
0x1da: {  	v8 =	vsub.f32 v11, v4;
	v11 =	vpop (erf)  }
0x1db: {  	v6 =	vmul.f32 $1.442695020e+00, v6;
	v5 =	vadd.f32 v11, v5;
	v11 =	vld [tilespmem:s15+$0xFFFFFFD0];
	(erf) = vpow2.f32 v7  }
0x1dc: {  	v7 =	vsub.f32 v9, v4;
	v9 =	vpop (erf)  }
0x1dd: {  	v13 =	vmul.f32 $1.442695020e+00, v8;
	v5 =	vadd.f32 v9, v5;
	v12 =	vld [tilespmem:s15+$0xFFFFFFE0];
	(erf) = vpow2.f32 v6  }
.Ltmp3:
0x1de: {  	v6 =	vsub.f32 v10, v4;
	v9 =	vpop (erf);
	(pc) =	sbr.rel @p1 .LBB2_10-.Ltmp3, $4  }
0x1df: {  	v10 =	vmul.f32 $1.442695020e+00, v7;
	v5 =	vadd.f32 v9, v5;
	v7 =	vld [tilespmem:s15+$0xFFFFFFF0];
	(erf) = vpow2.f32 v13  }
0x1e0: {  	v9 =	vsub.f32 v11, v4;
	v8 =	vpop (erf)  }
0x1e1: {  	v11 =	vmul.f32 $1.442695020e+00, v6;
	v5 =	vadd.f32 v8, v5;
	v8 =	vld [tilespmem:s15+$0x0];
	(erf) = vpow2.f32 v10  }
0x1e2: {  	s15 =	sadd.s32 $0x190, s15;
	v10 =	vsub.f32 v12, v4;
	v6 =	vpop (erf)  }
0x1e3: {  	_ =	sdelay $0x1  }
0x1e4: {  	v9 =	vmul.f32 $1.442695020e+00, v9  }
0x1e5: {  	(erf) = vpow2.f32 v11;
	v7 =	vsub.f32 v7, v4;
	v4 =	vsub.f32 v8, v4  }
0x1e6: {  	v10 =	vmul.f32 $1.442695020e+00, v10;
	(erf) = vpow2.f32 v9  }
0x1e7: {  	v7 =	vmul.f32 $1.442695020e+00, v7;
	v4 =	vmul.f32 $1.442695020e+00, v4  }
0x1e8: {  	(erf) = vpow2.f32 v10  }
0x1e9: {  	(erf) = vpow2.f32 v7  }
0x1ea: {  	(erf) = vpow2.f32 v4  }
0x1eb: {  	v4 =	vpop (erf)  }
0x1ec: {  	v7 =	vpop (erf)  }
0x1ed: {  	v8 =	vpop (erf)  }
0x1ee: {  	v9 =	vpop (erf)  }
0x1ef: {  	v10 =	vpop (erf)  }
0x1f0: {  	v11 =	vpop (erf)  }
0x1f1: {  	v12 =	vpop (erf)  }
0x1f2: {  	v13 =	vpop (erf)  }
0x1f3: {  	s14 =	sadd.s32 @!p0 $0x36B0, s31;
	v14 =	vpop (erf)  }
0x1f4: {  	s15 =	sadd.s32 @!p0 s6, s14;
	_ =	swait.ge [sflag:s20], $0x7D0  }
0x1f5: {  	s15 =	sshrl.u32 @!p0 s15, $0x3;
	[sflag:s20] =	ssyncset.done $0x0  }
0x1f6: {  	s16 =	simm.s32 @!p0 $0x0;
	s15 =	sadd.s32 @!p0 s4, s15;
	[sflag:s20] =	ssyncadd.s32 $0xFFFFF830  }
0x1f7: {  	[tilespmem:s14], [sflag:$0x3] =	stream.linear.gather @!p0 [hbm4b:s15+s16], $0x7D0, $0x38;
	[tilespmem:$0x18C80] =	vst v63  }
0x1f8: {  	v15 =	vld [tilespmem:$0x18700]  }
0x1f9: {  	s14 =	sadd.s32 $0x2, s11  }
0x1fa: {  	s16 =	smul.u32 $0x7D0, s14;
	_ =	sdelay $0x1  }
0x1fb: {  	s29 =	sadd.s32 $0x7D0, s16  }
0x1fc: {  	vm0 =	vge.s32 v15, s16;
	vm1 =	vlt.s32 v15, s29  }
0x1fd: {  	vm0 =	vmand vm0, vm1  }
0x1fe: {  	v15 =	vnsel vm0, $0x0, v15;
	_ =	sdelay $0x4  }
0x1ff: {  	v16 =	vld.idx.msk [tilespmem:v15+s2+$0x0], vm0;
	_ =	sdelay $0x4  }
0x200: {  	vm6 =	vlt.f32 v16, $0.0e+00  }
0x201: {  	v17 =	vsel vm6, $0x3F99999A, v1  }
0x202: {  	v16 =	vmul.f32 v17, v16;
	_ =	sdelay $0x1  }
0x203: {  	[tilespmem:v15+s2+$0x0] =	vst.idx.msk vm0, v16  }
0x204: {  	v15 =	vld [tilespmem:$0x18710];
	_ =	sdelay $0x4  }
0x205: {  	vm7 =	vge.s32 v15, s16;
	vm8 =	vlt.s32 v15, s29  }
0x206: {  	vm0 =	vmand vm7, vm8  }
0x207: {  	v15 =	vnsel vm0, $0x0, v15;
	_ =	sdelay $0x4  }
0x208: {  	v16 =	vld.idx.msk [tilespmem:v15+s2+$0x0], vm0;
	_ =	sdelay $0x4  }
0x209: {  	vm9 =	vlt.f32 v16, $0.0e+00  }
0x20a: {  	v55 =	vsel vm9, $0x3F99999A, v1  }
0x20b: {  	v16 =	vmul.f32 v55, v16;
	_ =	sdelay $0x1  }
0x20c: {  	[tilespmem:v15+s2+$0x0] =	vst.idx.msk vm0, v16  }
0x20d: {  	v15 =	vld [tilespmem:$0x18720];
	_ =	sdelay $0x4  }
0x20e: {  	vm10 =	vge.s32 v15, s16;
	vm11 =	vlt.s32 v15, s29  }
0x20f: {  	vm0 =	vmand vm10, vm11  }
0x210: {  	v15 =	vnsel vm0, $0x0, v15;
	_ =	sdelay $0x4  }
0x211: {  	v16 =	vld.idx.msk [tilespmem:v15+s2+$0x0], vm0;
	_ =	sdelay $0x4  }
0x212: {  	vm12 =	vlt.f32 v16, $0.0e+00  }
0x213: {  	v56 =	vsel vm12, $0x3F99999A, v1  }
0x214: {  	v16 =	vmul.f32 v56, v16;
	_ =	sdelay $0x1  }
0x215: {  	[tilespmem:v15+s2+$0x0] =	vst.idx.msk vm0, v16  }
0x216: {  	v15 =	vld [tilespmem:$0x18730];
	_ =	sdelay $0x4  }
0x217: {  	vm13 =	vge.s32 v15, s16;
	vm14 =	vlt.s32 v15, s29  }
0x218: {  	vm0 =	vmand vm13, vm14  }
0x219: {  	v15 =	vnsel vm0, $0x0, v15;
	_ =	sdelay $0x4  }
0x21a: {  	v16 =	vld.idx.msk [tilespmem:v15+s2+$0x0], vm0;
	_ =	sdelay $0x4  }
0x21b: {  	vm15 =	vlt.f32 v16, $0.0e+00  }
0x21c: {  	v57 =	vsel vm15, $0x3F99999A, v1  }
0x21d: {  	v16 =	vmul.f32 v57, v16;
	_ =	sdelay $0x1  }
0x21e: {  	[tilespmem:v15+s2+$0x0] =	vst.idx.msk vm0, v16  }
0x21f: {  	v15 =	vld [tilespmem:s8+$0xFFFFFE80]  }
0x220: {  	v16 =	vld [tilespmem:s8+$0xFFFFFE90]  }
0x221: {  	v58 =	vld [tilespmem:s8+$0xFFFFFEA0]  }
0x222: {  	v18 =	vld [tilespmem:s8+$0xFFFFFEB0]  }
0x223: {  	v19 =	vimm.f32 $-3.000000010e+38;
	v20 =	vld [tilespmem:s8+$0xFFFFFEC0]  }
0x224: {  	v59 =	vld [tilespmem:s8+$0xFFFFFED0];
	v15 =	vmax.f32 v19, v15  }
0x225: {  	v5 =	vadd.f32 v6, v5;
	v60 =	vld [tilespmem:s8+$0xFFFFFEE0];
	v6 =	vmax.f32 v15, v16  }
0x226: {  	v61 =	vld [tilespmem:s8+$0xFFFFFEF0];
	v6 =	vmax.f32 v6, v58  }
0x227: {  	v4 =	vadd.f32 v4, v5;
	v5 =	vmax.f32 v6, v18;
	v6 =	vld [tilespmem:s8+$0xFFFFFF00]  }
0x228: {  	v62 =	vld [tilespmem:s8+$0xFFFFFF10];
	v5 =	vmax.f32 v5, v20  }
0x229: {  	v4 =	vadd.f32 v7, v4;
	v7 =	vld [tilespmem:s8+$0xFFFFFF20];
	v5 =	vmax.f32 v5, v59  }
0x22a: {  	v63 =	vld [tilespmem:s8+$0xFFFFFF30];
	v5 =	vmax.f32 v5, v60  }
0x22b: {  	v4 =	vadd.f32 v8, v4;
	v8 =	vld [tilespmem:s8+$0xFFFFFF40];
	v5 =	vmax.f32 v5, v61  }
0x22c: {  	v5 =	vmax.f32 v5, v6;
	v6 =	vld [tilespmem:s8+$0xFFFFFF50]  }
0x22d: {  	v4 =	vadd.f32 v9, v4;
	v9 =	vld [tilespmem:s8+$0xFFFFFF60];
	v5 =	vmax.f32 v5, v62  }
0x22e: {  	v5 =	vmax.f32 v5, v7;
	v7 =	vld [tilespmem:s8+$0xFFFFFF70]  }
0x22f: {  	v4 =	vadd.f32 v10, v4;
	v10 =	vld [tilespmem:s8+$0xFFFFFF80];
	v5 =	vmax.f32 v5, v63  }
0x230: {  	v5 =	vmax.f32 v5, v8;
	v8 =	vld [tilespmem:s8+$0xFFFFFF90]  }
0x231: {  	v4 =	vadd.f32 v11, v4;
	v11 =	vld [tilespmem:s8+$0xFFFFFFA0];
	v5 =	vmax.f32 v5, v6  }
0x232: {  	v5 =	vmax.f32 v5, v9;
	v9 =	vld [tilespmem:s8+$0xFFFFFFB0]  }
0x233: {  	v12 =	vadd.f32 v12, v4;
	v4 =	vld [tilespmem:s8+$0xFFFFFFC0];
	v5 =	vmax.f32 v5, v7  }
0x234: {  	v6 =	vld [tilespmem:s8+$0xFFFFFFD0];
	v5 =	vmax.f32 v5, v10  }
0x235: {  	v7 =	vld [tilespmem:s8+$0xFFFFFFE0];
	v10 =	vadd.f32 v13, v12;
	v5 =	vmax.f32 v5, v8  }
0x236: {  	v8 =	vld [tilespmem:s8+$0xFFFFFFF0];
	v11 =	vmax.f32 v5, v11  }
0x237: {  	s15 =	simm.s32 $0x0;
	s16 =	sadd.s32 $0x190, s8;
	v5 =	vadd.f32 v14, v10;
	v10 =	vmax.f32 v11, v9;
	v9 =	vld [tilespmem:s8+$0x0]  }
.LBB2_12:
0x238: {  	v11 =	vld [tilespmem:s16+$0xFFFFFE80];
	s15 =	sadd.s32 $0x19, s15;
	v4 =	vmax.f32 v10, v4  }
0x239: {  	v10 =	vld [tilespmem:s16+$0xFFFFFE90];
	p1 =	slt.u32 s15, $0x64;
	v4 =	vmax.f32 v4, v6  }
0x23a: {  	v6 =	vld [tilespmem:s16+$0xFFFFFEA0];
	v4 =	vmax.f32 v4, v7  }
0x23b: {  	v7 =	vld [tilespmem:s16+$0xFFFFFEB0];
	v4 =	vmax.f32 v4, v8  }
0x23c: {  	v8 =	vld [tilespmem:s16+$0xFFFFFEC0];
	v4 =	vmax.f32 v4, v9  }
0x23d: {  	v4 =	vmax.f32 v4, v11;
	v9 =	vld [tilespmem:s16+$0xFFFFFED0]  }
0x23e: {  	v4 =	vmax.f32 v4, v10;
	v10 =	vld [tilespmem:s16+$0xFFFFFEE0]  }
0x23f: {  	v4 =	vmax.f32 v4, v6;
	v6 =	vld [tilespmem:s16+$0xFFFFFEF0]  }
0x240: {  	v4 =	vmax.f32 v4, v7;
	v7 =	vld [tilespmem:s16+$0xFFFFFF00]  }
0x241: {  	v4 =	vmax.f32 v4, v8;
	v8 =	vld [tilespmem:s16+$0xFFFFFF10]  }
0x242: {  	v4 =	vmax.f32 v4, v9;
	v9 =	vld [tilespmem:s16+$0xFFFFFF20]  }
0x243: {  	v4 =	vmax.f32 v4, v10;
	v10 =	vld [tilespmem:s16+$0xFFFFFF30]  }
0x244: {  	v4 =	vmax.f32 v4, v6;
	v6 =	vld [tilespmem:s16+$0xFFFFFF40]  }
0x245: {  	v4 =	vmax.f32 v4, v7;
	v7 =	vld [tilespmem:s16+$0xFFFFFF50]  }
0x246: {  	v4 =	vmax.f32 v4, v8;
	v8 =	vld [tilespmem:s16+$0xFFFFFF60]  }
0x247: {  	v4 =	vmax.f32 v4, v9;
	v9 =	vld [tilespmem:s16+$0xFFFFFF70]  }
0x248: {  	v4 =	vmax.f32 v4, v10;
	v10 =	vld [tilespmem:s16+$0xFFFFFF80]  }
0x249: {  	v4 =	vmax.f32 v4, v6;
	v11 =	vld [tilespmem:s16+$0xFFFFFF90]  }
0x24a: {  	v4 =	vmax.f32 v4, v7;
	v12 =	vld [tilespmem:s16+$0xFFFFFFA0]  }
0x24b: {  	v4 =	vmax.f32 v4, v8;
	v13 =	vld [tilespmem:s16+$0xFFFFFFB0]  }
.Ltmp4:
0x24c: {  	v6 =	vmax.f32 v4, v9;
	v4 =	vld [tilespmem:s16+$0xFFFFFFC0];
	(pc) =	sbr.rel @p1 .LBB2_12-.Ltmp4, $4  }
0x24d: {  	v7 =	vmax.f32 v6, v10;
	v6 =	vld [tilespmem:s16+$0xFFFFFFD0]  }
0x24e: {  	v8 =	vmax.f32 v7, v11;
	v7 =	vld [tilespmem:s16+$0xFFFFFFE0]  }
0x24f: {  	v9 =	vmax.f32 v8, v12;
	v8 =	vld [tilespmem:s16+$0xFFFFFFF0]  }
0x250: {  	v10 =	vmax.f32 v9, v13;
	v9 =	vld [tilespmem:s16+$0x0];
	s16 =	sadd.s32 $0x190, s16  }
0x251: {  	v4 =	vmax.f32 v10, v4  }
0x252: {  	v4 =	vmax.f32 v4, v6  }
0x253: {  	v4 =	vmax.f32 v4, v7  }
0x254: {  	v4 =	vmax.f32 v4, v8  }
0x255: {  	v4 =	vmax.f32 v4, v9  }
0x256: {  	(xrf0) =	vmax.scan.msk.f32 $0xffff, v4;
	_ =	sdelay $0x5  }
0x257: {  	v4, _, _ =	vpop (xrf0)  }
0x258: {  	(v2sf) =	vpush v4, $0xF;
	_ =	sdelay $0xb  }
0x259: {  	v6 =	vmov s14;
	_ =	sdelay $0x2  }
0x25a: {  	v4 =	vbroadcast v4, $0xF;
	s29 =	spop (v2sf)  }
0x25b: {  	s14 =	smax.f32 s13, s29  }
0x25c: {  	[tilespmem:v6+s18+$0x0] =	vst.idx.msk $0x1, v4;
	s13 =	ssub.f32 s13, s14  }
0x25d: {  	v6 =	vld [tilespmem:s8+$0xFFFFFE80]  }
0x25e: {  	v4 =	vmov s13  }
0x25f: {  	v7 =	vld [tilespmem:s8+$0xFFFFFE90];
	v4 =	vmul.f32 $1.442695020e+00, v4;
	_ =	sdelay $0x1  }
0x260: {  	v9 =	vld [tilespmem:s8+$0xFFFFFEA0];
	v8 =	vbroadcast v4, $0x0;
	v4 =	vmov s14  }
0x261: {  	v6 =	vsub.f32 v6, v4  }
0x262: {  	(erf) = vpow2.f32 v8;
	v8 =	vld [tilespmem:s8+$0xFFFFFEB0]  }
0x263: {  	v10 =	vld [tilespmem:s8+$0xFFFFFEC0];
	v7 =	vsub.f32 v7, v4;
	v6 =	vmul.f32 $1.442695020e+00, v6;
	_ =	sdelay $0x1  }
0x264: {  	v9 =	vsub.f32 v9, v4;
	v7 =	vmul.f32 $1.442695020e+00, v7;
	(erf) = vpow2.f32 v6  }
0x265: {  	v6 =	vld [tilespmem:s8+$0xFFFFFED0]  }
0x266: {  	v9 =	vmul.f32 $1.442695020e+00, v9;
	(erf) = vpow2.f32 v7;
	v8 =	vsub.f32 v8, v4  }
0x267: {  	v10 =	vsub.f32 v10, v4;
	v7 =	vld [tilespmem:s8+$0xFFFFFEE0]  }
0x268: {  	v11 =	vld [tilespmem:s8+$0xFFFFFEF0];
	(erf) = vpow2.f32 v9;
	v8 =	vmul.f32 $1.442695020e+00, v8  }
0x269: {  	v10 =	vmul.f32 $1.442695020e+00, v10  }
0x26a: {  	v12 =	vld [tilespmem:s8+$0xFFFFFF00];
	v6 =	vsub.f32 v6, v4;
	v9 =	vpop (erf);
	(erf) = vpow2.f32 v8  }
0x26b: {  	v5 =	vmul.f32 v9, v5  }
0x26c: {  	v7 =	vsub.f32 v7, v4;
	v8 =	vld [tilespmem:s8+$0xFFFFFF10];
	v6 =	vmul.f32 $1.442695020e+00, v6;
	(erf) = vpow2.f32 v10  }
0x26d: {  	v9 =	vsub.f32 v11, v4;
	v10 =	vpop (erf)  }
0x26e: {  	v7 =	vmul.f32 $1.442695020e+00, v7;
	(erf) = vpow2.f32 v6;
	v5 =	vadd.f32 v10, v5;
	v10 =	vld [tilespmem:s8+$0xFFFFFF20]  }
0x26f: {  	v6 =	vsub.f32 v12, v4;
	v11 =	vpop (erf)  }
0x270: {  	v9 =	vmul.f32 $1.442695020e+00, v9;
	(erf) = vpow2.f32 v7;
	v5 =	vadd.f32 v11, v5;
	v11 =	vld [tilespmem:s8+$0xFFFFFF30]  }
0x271: {  	v7 =	vsub.f32 v8, v4;
	v8 =	vpop (erf)  }
0x272: {  	v6 =	vmul.f32 $1.442695020e+00, v6;
	(erf) = vpow2.f32 v9;
	v5 =	vadd.f32 v8, v5;
	v8 =	vld [tilespmem:s8+$0xFFFFFF40]  }
0x273: {  	v9 =	vsub.f32 v10, v4;
	v10 =	vpop (erf)  }
0x274: {  	(erf) = vpow2.f32 v6;
	v5 =	vadd.f32 v10, v5;
	v10 =	vld [tilespmem:s8+$0xFFFFFF50]  }
0x275: {  	v7 =	vmul.f32 $1.442695020e+00, v7;
	v6 =	vsub.f32 v11, v4;
	v11 =	vpop (erf)  }
0x276: {  	v5 =	vadd.f32 v11, v5  }
0x277: {  	v9 =	vmul.f32 $1.442695020e+00, v9;
	(erf) = vpow2.f32 v7;
	v7 =	vsub.f32 v8, v4;
	v8 =	vpop (erf)  }
0x278: {  	v5 =	vadd.f32 v8, v5;
	v8 =	vld [tilespmem:s8+$0xFFFFFF70]  }
0x279: {  	v11 =	vld [tilespmem:s8+$0xFFFFFF60];
	v6 =	vmul.f32 $1.442695020e+00, v6;
	(erf) = vpow2.f32 v9;
	v9 =	vsub.f32 v10, v4;
	v10 =	vpop (erf)  }
0x27a: {  	v5 =	vadd.f32 v10, v5  }
0x27b: {  	v7 =	vmul.f32 $1.442695020e+00, v7;
	(erf) = vpow2.f32 v6;
	v10 =	vpop (erf)  }
0x27c: {  	v9 =	vmul.f32 $1.442695020e+00, v9;
	v5 =	vadd.f32 v10, v5  }
0x27d: {  	(erf) = vpow2.f32 v7;
	v7 =	vsub.f32 v8, v4;
	v8 =	vpop (erf)  }
0x27e: {  	v6 =	vsub.f32 v11, v4;
	(erf) = vpow2.f32 v9;
	v5 =	vadd.f32 v8, v5;
	v8 =	vld [tilespmem:s8+$0xFFFFFF80];
	_ =	sdelay $0x1  }
0x27f: {  	v10 =	vld [tilespmem:s8+$0xFFFFFF90];
	v6 =	vmul.f32 $1.442695020e+00, v6;
	v9 =	vpop (erf);
	v7 =	vmul.f32 $1.442695020e+00, v7  }
0x280: {  	v5 =	vadd.f32 v9, v5  }
0x281: {  	(erf) = vpow2.f32 v6;
	v6 =	vld [tilespmem:s8+$0xFFFFFFA0];
	v9 =	vpop (erf)  }
0x282: {  	v11 =	vld [tilespmem:s8+$0xFFFFFFB0];
	v5 =	vadd.f32 v9, v5;
	v8 =	vsub.f32 v8, v4  }
0x283: {  	(erf) = vpow2.f32 v7;
	v7 =	vpop (erf)  }
0x284: {  	v5 =	vadd.f32 v7, v5;
	v7 =	vsub.f32 v10, v4;
	v8 =	vmul.f32 $1.442695020e+00, v8  }
0x285: {  	v9 =	vld [tilespmem:s8+$0xFFFFFFC0];
	v61 =	vpop (erf)  }
0x286: {  	v10 =	vld [tilespmem:s8+$0xFFFFFFD0];
	v6 =	vsub.f32 v6, v4;
	v7 =	vmul.f32 $1.442695020e+00, v7;
	v13 =	vpop (erf);
	(erf) = vpow2.f32 v8  }
0x287: {  	v11 =	vsub.f32 v11, v4  }
0x288: {  	v62 =	vld [tilespmem:s8+$0xFFFFFFE0];
	v5 =	vadd.f32 v61, v5;
	v6 =	vmul.f32 $1.442695020e+00, v6;
	(erf) = vpow2.f32 v7  }
0x289: {  	v63 =	vmul.f32 $1.442695020e+00, v11  }
0x28a: {  	v8 =	vsub.f32 v9, v4;
	v5 =	vadd.f32 v13, v5;
	v7 =	vld [tilespmem:s8+$0xFFFFFFF0];
	(erf) = vpow2.f32 v6  }
0x28b: {  	v11 =	vpop (erf);
	v9 =	vsub.f32 v10, v4  }
0x28c: {  	v5 =	vadd.f32 v11, v5;
	v11 =	vmul.f32 $1.442695020e+00, v8;
	v8 =	vld [tilespmem:s8+$0x0];
	(erf) = vpow2.f32 v63  }
0x28d: {  	s15 =	sadd.s32 $0x190, s8;
	s13 =	simm.s32 $0x0;
	v10 =	vsub.f32 v62, v4;
	v6 =	vpop (erf)  }
.LBB2_14:
0x28e: {  	v12 =	vld [tilespmem:s15+$0xFFFFFE80];
	v5 =	vadd.f32 v6, v5;
	v6 =	vmul.f32 $1.442695020e+00, v9;
	(erf) = vpow2.f32 v11  }
0x28f: {  	s13 =	sadd.s32 $0x19, s13;
	v7 =	vsub.f32 v7, v4;
	v9 =	vpop (erf)  }
0x290: {  	p1 =	slt.u32 s13, $0x64;
	v13 =	vmul.f32 $1.442695020e+00, v10;
	v11 =	vld [tilespmem:s15+$0xFFFFFE90];
	v5 =	vadd.f32 v9, v5;
	(erf) = vpow2.f32 v6  }
0x291: {  	v6 =	vsub.f32 v8, v4;
	v8 =	vpop (erf)  }
0x292: {  	v7 =	vmul.f32 $1.442695020e+00, v7;
	v10 =	vld [tilespmem:s15+$0xFFFFFEA0];
	v5 =	vadd.f32 v8, v5;
	(erf) = vpow2.f32 v13  }
0x293: {  	v8 =	vsub.f32 v12, v4;
	v9 =	vpop (erf)  }
0x294: {  	v6 =	vmul.f32 $1.442695020e+00, v6;
	v12 =	vld [tilespmem:s15+$0xFFFFFEB0];
	v5 =	vadd.f32 v9, v5;
	(erf) = vpow2.f32 v7  }
0x295: {  	v7 =	vsub.f32 v11, v4;
	v9 =	vpop (erf)  }
0x296: {  	v8 =	vmul.f32 $1.442695020e+00, v8;
	v11 =	vld [tilespmem:s15+$0xFFFFFEC0];
	v5 =	vadd.f32 v9, v5;
	(erf) = vpow2.f32 v6  }
0x297: {  	v6 =	vsub.f32 v10, v4;
	v9 =	vpop (erf)  }
0x298: {  	v7 =	vmul.f32 $1.442695020e+00, v7;
	v10 =	vld [tilespmem:s15+$0xFFFFFED0];
	(erf) = vpow2.f32 v8;
	v5 =	vadd.f32 v9, v5  }
0x299: {  	v8 =	vsub.f32 v12, v4;
	v9 =	vpop (erf)  }
0x29a: {  	v6 =	vmul.f32 $1.442695020e+00, v6;
	v12 =	vld [tilespmem:s15+$0xFFFFFEE0];
	(erf) = vpow2.f32 v7;
	v5 =	vadd.f32 v9, v5  }
0x29b: {  	v7 =	vsub.f32 v11, v4;
	v9 =	vpop (erf)  }
0x29c: {  	v8 =	vmul.f32 $1.442695020e+00, v8;
	v11 =	vld [tilespmem:s15+$0xFFFFFEF0];
	(erf) = vpow2.f32 v6;
	v5 =	vadd.f32 v9, v5  }
0x29d: {  	v6 =	vsub.f32 v10, v4;
	v9 =	vpop (erf)  }
0x29e: {  	v7 =	vmul.f32 $1.442695020e+00, v7;
	v10 =	vld [tilespmem:s15+$0xFFFFFF00];
	(erf) = vpow2.f32 v8;
	v5 =	vadd.f32 v9, v5  }
0x29f: {  	v8 =	vsub.f32 v12, v4;
	v9 =	vpop (erf)  }
0x2a0: {  	v6 =	vmul.f32 $1.442695020e+00, v6;
	v12 =	vld [tilespmem:s15+$0xFFFFFF10];
	(erf) = vpow2.f32 v7;
	v5 =	vadd.f32 v9, v5  }
0x2a1: {  	v7 =	vsub.f32 v11, v4;
	v9 =	vpop (erf)  }
0x2a2: {  	v8 =	vmul.f32 $1.442695020e+00, v8;
	v5 =	vadd.f32 v9, v5;
	v9 =	vld [tilespmem:s15+$0xFFFFFF20];
	(erf) = vpow2.f32 v6  }
0x2a3: {  	v6 =	vsub.f32 v10, v4;
	v10 =	vpop (erf)  }
0x2a4: {  	v7 =	vmul.f32 $1.442695020e+00, v7;
	v5 =	vadd.f32 v10, v5;
	v10 =	vld [tilespmem:s15+$0xFFFFFF30];
	(erf) = vpow2.f32 v8  }
0x2a5: {  	v8 =	vsub.f32 v12, v4;
	v11 =	vpop (erf)  }
0x2a6: {  	v6 =	vmul.f32 $1.442695020e+00, v6;
	v5 =	vadd.f32 v11, v5;
	v11 =	vld [tilespmem:s15+$0xFFFFFF40];
	(erf) = vpow2.f32 v7  }
0x2a7: {  	v7 =	vsub.f32 v9, v4;
	v9 =	vpop (erf)  }
0x2a8: {  	v8 =	vmul.f32 $1.442695020e+00, v8;
	v5 =	vadd.f32 v9, v5;
	v9 =	vld [tilespmem:s15+$0xFFFFFF50];
	(erf) = vpow2.f32 v6  }
0x2a9: {  	v6 =	vsub.f32 v10, v4;
	v10 =	vpop (erf)  }
0x2aa: {  	v7 =	vmul.f32 $1.442695020e+00, v7;
	v5 =	vadd.f32 v10, v5;
	v10 =	vld [tilespmem:s15+$0xFFFFFF60];
	(erf) = vpow2.f32 v8  }
0x2ab: {  	v8 =	vsub.f32 v11, v4;
	v11 =	vpop (erf)  }
0x2ac: {  	v6 =	vmul.f32 $1.442695020e+00, v6;
	v5 =	vadd.f32 v11, v5;
	v11 =	vld [tilespmem:s15+$0xFFFFFF70];
	(erf) = vpow2.f32 v7  }
0x2ad: {  	v7 =	vsub.f32 v9, v4;
	v9 =	vpop (erf)  }
0x2ae: {  	v8 =	vmul.f32 $1.442695020e+00, v8;
	v5 =	vadd.f32 v9, v5;
	v9 =	vld [tilespmem:s15+$0xFFFFFF80];
	(erf) = vpow2.f32 v6  }
0x2af: {  	v6 =	vsub.f32 v10, v4;
	v10 =	vpop (erf)  }
0x2b0: {  	v7 =	vmul.f32 $1.442695020e+00, v7;
	v5 =	vadd.f32 v10, v5;
	v10 =	vld [tilespmem:s15+$0xFFFFFF90];
	(erf) = vpow2.f32 v8  }
0x2b1: {  	v8 =	vsub.f32 v11, v4;
	v11 =	vpop (erf)  }
0x2b2: {  	v6 =	vmul.f32 $1.442695020e+00, v6;
	v5 =	vadd.f32 v11, v5;
	v11 =	vld [tilespmem:s15+$0xFFFFFFA0];
	(erf) = vpow2.f32 v7  }
0x2b3: {  	v7 =	vsub.f32 v9, v4;
	v9 =	vpop (erf)  }
0x2b4: {  	v8 =	vmul.f32 $1.442695020e+00, v8;
	v5 =	vadd.f32 v9, v5;
	v9 =	vld [tilespmem:s15+$0xFFFFFFB0];
	(erf) = vpow2.f32 v6  }
0x2b5: {  	v6 =	vsub.f32 v10, v4;
	v10 =	vpop (erf)  }
0x2b6: {  	v7 =	vmul.f32 $1.442695020e+00, v7;
	v5 =	vadd.f32 v10, v5;
	v10 =	vld [tilespmem:s15+$0xFFFFFFC0];
	(erf) = vpow2.f32 v8  }
0x2b7: {  	v8 =	vsub.f32 v11, v4;
	v11 =	vpop (erf)  }
0x2b8: {  	v6 =	vmul.f32 $1.442695020e+00, v6;
	v5 =	vadd.f32 v11, v5;
	v11 =	vld [tilespmem:s15+$0xFFFFFFD0];
	(erf) = vpow2.f32 v7  }
0x2b9: {  	v7 =	vsub.f32 v9, v4;
	v9 =	vpop (erf)  }
0x2ba: {  	v13 =	vmul.f32 $1.442695020e+00, v8;
	v5 =	vadd.f32 v9, v5;
	v12 =	vld [tilespmem:s15+$0xFFFFFFE0];
	(erf) = vpow2.f32 v6  }
.Ltmp5:
0x2bb: {  	v6 =	vsub.f32 v10, v4;
	v9 =	vpop (erf);
	(pc) =	sbr.rel @p1 .LBB2_14-.Ltmp5, $4  }
0x2bc: {  	v10 =	vmul.f32 $1.442695020e+00, v7;
	v5 =	vadd.f32 v9, v5;
	v7 =	vld [tilespmem:s15+$0xFFFFFFF0];
	(erf) = vpow2.f32 v13  }
0x2bd: {  	v9 =	vsub.f32 v11, v4;
	v8 =	vpop (erf)  }
0x2be: {  	v11 =	vmul.f32 $1.442695020e+00, v6;
	v5 =	vadd.f32 v8, v5;
	v8 =	vld [tilespmem:s15+$0x0];
	(erf) = vpow2.f32 v10  }
0x2bf: {  	s15 =	sadd.s32 $0x190, s15;
	v10 =	vsub.f32 v12, v4;
	v6 =	vpop (erf)  }
0x2c0: {  	_ =	sdelay $0x1  }
0x2c1: {  	v9 =	vmul.f32 $1.442695020e+00, v9  }
0x2c2: {  	(erf) = vpow2.f32 v11;
	v7 =	vsub.f32 v7, v4;
	v4 =	vsub.f32 v8, v4  }
0x2c3: {  	v10 =	vmul.f32 $1.442695020e+00, v10;
	(erf) = vpow2.f32 v9  }
0x2c4: {  	v7 =	vmul.f32 $1.442695020e+00, v7;
	v4 =	vmul.f32 $1.442695020e+00, v4  }
0x2c5: {  	(erf) = vpow2.f32 v10  }
0x2c6: {  	(erf) = vpow2.f32 v7  }
0x2c7: {  	(erf) = vpow2.f32 v4  }
0x2c8: {  	v4 =	vpop (erf)  }
0x2c9: {  	v7 =	vpop (erf)  }
0x2ca: {  	v8 =	vpop (erf)  }
0x2cb: {  	v9 =	vpop (erf)  }
0x2cc: {  	v10 =	vpop (erf)  }
0x2cd: {  	v11 =	vpop (erf)  }
0x2ce: {  	v12 =	vpop (erf)  }
0x2cf: {  	v13 =	vpop (erf)  }
0x2d0: {  	s13 =	sadd.s32 @!p0 $0x3E80, s31;
	v14 =	vpop (erf)  }
0x2d1: {  	s15 =	sadd.s32 @!p0 s6, s13;
	_ =	swait.ge [sflag:s21], $0x7D0  }
0x2d2: {  	s15 =	sshrl.u32 @!p0 s15, $0x3;
	[sflag:s21] =	ssyncset.done $0x0  }
0x2d3: {  	s16 =	simm.s32 @!p0 $0x0;
	s15 =	sadd.s32 @!p0 s4, s15;
	[sflag:s21] =	ssyncadd.s32 $0xFFFFF830  }
0x2d4: {  	[tilespmem:s13], [sflag:$0x4] =	stream.linear.gather @!p0 [hbm4b:s15+s16], $0x7D0, $0x38;
	[tilespmem:$0x18C80] =	vst v63  }
0x2d5: {  	v15 =	vld [tilespmem:$0x18700]  }
0x2d6: {  	s13 =	sadd.s32 $0x3, s11  }
0x2d7: {  	s16 =	smul.u32 $0x7D0, s13;
	_ =	sdelay $0x1  }
0x2d8: {  	s29 =	sadd.s32 $0x7D0, s16  }
0x2d9: {  	vm0 =	vge.s32 v15, s16;
	vm1 =	vlt.s32 v15, s29  }
0x2da: {  	vm0 =	vmand vm0, vm1  }
0x2db: {  	v15 =	vnsel vm0, $0x0, v15;
	_ =	sdelay $0x4  }
0x2dc: {  	v16 =	vld.idx.msk [tilespmem:v15+s2+$0x0], vm0;
	_ =	sdelay $0x4  }
0x2dd: {  	vm6 =	vlt.f32 v16, $0.0e+00  }
0x2de: {  	v17 =	vsel vm6, $0x3F99999A, v1  }
0x2df: {  	v16 =	vmul.f32 v17, v16;
	_ =	sdelay $0x1  }
0x2e0: {  	[tilespmem:v15+s2+$0x0] =	vst.idx.msk vm0, v16  }
0x2e1: {  	v15 =	vld [tilespmem:$0x18710];
	_ =	sdelay $0x4  }
0x2e2: {  	vm7 =	vge.s32 v15, s16;
	vm8 =	vlt.s32 v15, s29  }
0x2e3: {  	vm0 =	vmand vm7, vm8  }
0x2e4: {  	v15 =	vnsel vm0, $0x0, v15;
	_ =	sdelay $0x4  }
0x2e5: {  	v16 =	vld.idx.msk [tilespmem:v15+s2+$0x0], vm0;
	_ =	sdelay $0x4  }
0x2e6: {  	vm9 =	vlt.f32 v16, $0.0e+00  }
0x2e7: {  	v55 =	vsel vm9, $0x3F99999A, v1  }
0x2e8: {  	v16 =	vmul.f32 v55, v16;
	_ =	sdelay $0x1  }
0x2e9: {  	[tilespmem:v15+s2+$0x0] =	vst.idx.msk vm0, v16  }
0x2ea: {  	v15 =	vld [tilespmem:$0x18720];
	_ =	sdelay $0x4  }
0x2eb: {  	vm10 =	vge.s32 v15, s16;
	vm11 =	vlt.s32 v15, s29  }
0x2ec: {  	vm0 =	vmand vm10, vm11  }
0x2ed: {  	v15 =	vnsel vm0, $0x0, v15;
	_ =	sdelay $0x4  }
0x2ee: {  	v16 =	vld.idx.msk [tilespmem:v15+s2+$0x0], vm0;
	_ =	sdelay $0x4  }
0x2ef: {  	vm12 =	vlt.f32 v16, $0.0e+00  }
0x2f0: {  	v56 =	vsel vm12, $0x3F99999A, v1  }
0x2f1: {  	v16 =	vmul.f32 v56, v16;
	_ =	sdelay $0x1  }
0x2f2: {  	[tilespmem:v15+s2+$0x0] =	vst.idx.msk vm0, v16  }
0x2f3: {  	v15 =	vld [tilespmem:$0x18730];
	_ =	sdelay $0x4  }
0x2f4: {  	vm13 =	vge.s32 v15, s16;
	vm14 =	vlt.s32 v15, s29  }
0x2f5: {  	vm0 =	vmand vm13, vm14  }
0x2f6: {  	v15 =	vnsel vm0, $0x0, v15;
	_ =	sdelay $0x4  }
0x2f7: {  	v16 =	vld.idx.msk [tilespmem:v15+s2+$0x0], vm0;
	_ =	sdelay $0x4  }
0x2f8: {  	vm15 =	vlt.f32 v16, $0.0e+00  }
0x2f9: {  	v57 =	vsel vm15, $0x3F99999A, v1  }
0x2fa: {  	v16 =	vmul.f32 v57, v16;
	_ =	sdelay $0x1  }
0x2fb: {  	[tilespmem:v15+s2+$0x0] =	vst.idx.msk vm0, v16  }
0x2fc: {  	v15 =	vld [tilespmem:s9+$0xFFFFFE80]  }
0x2fd: {  	v16 =	vld [tilespmem:s9+$0xFFFFFE90]  }
0x2fe: {  	v58 =	vld [tilespmem:s9+$0xFFFFFEA0]  }
0x2ff: {  	v18 =	vld [tilespmem:s9+$0xFFFFFEB0]  }
0x300: {  	v19 =	vimm.f32 $-3.000000010e+38;
	v20 =	vld [tilespmem:s9+$0xFFFFFEC0]  }
0x301: {  	v59 =	vld [tilespmem:s9+$0xFFFFFED0];
	v15 =	vmax.f32 v19, v15  }
0x302: {  	v5 =	vadd.f32 v6, v5;
	v60 =	vld [tilespmem:s9+$0xFFFFFEE0];
	v6 =	vmax.f32 v15, v16  }
0x303: {  	v61 =	vld [tilespmem:s9+$0xFFFFFEF0];
	v6 =	vmax.f32 v6, v58  }
0x304: {  	v4 =	vadd.f32 v4, v5;
	v5 =	vmax.f32 v6, v18;
	v6 =	vld [tilespmem:s9+$0xFFFFFF00]  }
0x305: {  	v62 =	vld [tilespmem:s9+$0xFFFFFF10];
	v5 =	vmax.f32 v5, v20  }
0x306: {  	v4 =	vadd.f32 v7, v4;
	v7 =	vld [tilespmem:s9+$0xFFFFFF20];
	v5 =	vmax.f32 v5, v59  }
0x307: {  	v63 =	vld [tilespmem:s9+$0xFFFFFF30];
	v5 =	vmax.f32 v5, v60  }
0x308: {  	v4 =	vadd.f32 v8, v4;
	v8 =	vld [tilespmem:s9+$0xFFFFFF40];
	v5 =	vmax.f32 v5, v61  }
0x309: {  	v5 =	vmax.f32 v5, v6;
	v6 =	vld [tilespmem:s9+$0xFFFFFF50]  }
0x30a: {  	v4 =	vadd.f32 v9, v4;
	v9 =	vld [tilespmem:s9+$0xFFFFFF60];
	v5 =	vmax.f32 v5, v62  }
0x30b: {  	v5 =	vmax.f32 v5, v7;
	v7 =	vld [tilespmem:s9+$0xFFFFFF70]  }
0x30c: {  	v4 =	vadd.f32 v10, v4;
	v10 =	vld [tilespmem:s9+$0xFFFFFF80];
	v5 =	vmax.f32 v5, v63  }
0x30d: {  	v5 =	vmax.f32 v5, v8;
	v8 =	vld [tilespmem:s9+$0xFFFFFF90]  }
0x30e: {  	v4 =	vadd.f32 v11, v4;
	v11 =	vld [tilespmem:s9+$0xFFFFFFA0];
	v5 =	vmax.f32 v5, v6  }
0x30f: {  	v5 =	vmax.f32 v5, v9;
	v9 =	vld [tilespmem:s9+$0xFFFFFFB0]  }
0x310: {  	v12 =	vadd.f32 v12, v4;
	v4 =	vld [tilespmem:s9+$0xFFFFFFC0];
	v5 =	vmax.f32 v5, v7  }
0x311: {  	v6 =	vld [tilespmem:s9+$0xFFFFFFD0];
	v5 =	vmax.f32 v5, v10  }
0x312: {  	v7 =	vld [tilespmem:s9+$0xFFFFFFE0];
	v10 =	vadd.f32 v13, v12;
	v5 =	vmax.f32 v5, v8  }
0x313: {  	v8 =	vld [tilespmem:s9+$0xFFFFFFF0];
	v11 =	vmax.f32 v5, v11  }
0x314: {  	s15 =	simm.s32 $0x0;
	s16 =	sadd.s32 $0x190, s9;
	v5 =	vadd.f32 v14, v10;
	v10 =	vmax.f32 v11, v9;
	v9 =	vld [tilespmem:s9+$0x0]  }
.LBB2_16:
0x315: {  	v11 =	vld [tilespmem:s16+$0xFFFFFE80];
	s15 =	sadd.s32 $0x19, s15;
	v4 =	vmax.f32 v10, v4  }
0x316: {  	v10 =	vld [tilespmem:s16+$0xFFFFFE90];
	p1 =	slt.u32 s15, $0x64;
	v4 =	vmax.f32 v4, v6  }
0x317: {  	v6 =	vld [tilespmem:s16+$0xFFFFFEA0];
	v4 =	vmax.f32 v4, v7  }
0x318: {  	v7 =	vld [tilespmem:s16+$0xFFFFFEB0];
	v4 =	vmax.f32 v4, v8  }
0x319: {  	v8 =	vld [tilespmem:s16+$0xFFFFFEC0];
	v4 =	vmax.f32 v4, v9  }
0x31a: {  	v4 =	vmax.f32 v4, v11;
	v9 =	vld [tilespmem:s16+$0xFFFFFED0]  }
0x31b: {  	v4 =	vmax.f32 v4, v10;
	v10 =	vld [tilespmem:s16+$0xFFFFFEE0]  }
0x31c: {  	v4 =	vmax.f32 v4, v6;
	v6 =	vld [tilespmem:s16+$0xFFFFFEF0]  }
0x31d: {  	v4 =	vmax.f32 v4, v7;
	v7 =	vld [tilespmem:s16+$0xFFFFFF00]  }
0x31e: {  	v4 =	vmax.f32 v4, v8;
	v8 =	vld [tilespmem:s16+$0xFFFFFF10]  }
0x31f: {  	v4 =	vmax.f32 v4, v9;
	v9 =	vld [tilespmem:s16+$0xFFFFFF20]  }
0x320: {  	v4 =	vmax.f32 v4, v10;
	v10 =	vld [tilespmem:s16+$0xFFFFFF30]  }
0x321: {  	v4 =	vmax.f32 v4, v6;
	v6 =	vld [tilespmem:s16+$0xFFFFFF40]  }
0x322: {  	v4 =	vmax.f32 v4, v7;
	v7 =	vld [tilespmem:s16+$0xFFFFFF50]  }
0x323: {  	v4 =	vmax.f32 v4, v8;
	v8 =	vld [tilespmem:s16+$0xFFFFFF60]  }
0x324: {  	v4 =	vmax.f32 v4, v9;
	v9 =	vld [tilespmem:s16+$0xFFFFFF70]  }
0x325: {  	v4 =	vmax.f32 v4, v10;
	v10 =	vld [tilespmem:s16+$0xFFFFFF80]  }
0x326: {  	v4 =	vmax.f32 v4, v6;
	v11 =	vld [tilespmem:s16+$0xFFFFFF90]  }
0x327: {  	v4 =	vmax.f32 v4, v7;
	v12 =	vld [tilespmem:s16+$0xFFFFFFA0]  }
0x328: {  	v4 =	vmax.f32 v4, v8;
	v13 =	vld [tilespmem:s16+$0xFFFFFFB0]  }
.Ltmp6:
0x329: {  	v6 =	vmax.f32 v4, v9;
	v4 =	vld [tilespmem:s16+$0xFFFFFFC0];
	(pc) =	sbr.rel @p1 .LBB2_16-.Ltmp6, $4  }
0x32a: {  	v7 =	vmax.f32 v6, v10;
	v6 =	vld [tilespmem:s16+$0xFFFFFFD0]  }
0x32b: {  	v8 =	vmax.f32 v7, v11;
	v7 =	vld [tilespmem:s16+$0xFFFFFFE0]  }
0x32c: {  	v9 =	vmax.f32 v8, v12;
	v8 =	vld [tilespmem:s16+$0xFFFFFFF0]  }
0x32d: {  	v10 =	vmax.f32 v9, v13;
	v9 =	vld [tilespmem:s16+$0x0];
	s16 =	sadd.s32 $0x190, s16  }
0x32e: {  	v4 =	vmax.f32 v10, v4  }
0x32f: {  	v4 =	vmax.f32 v4, v6  }
0x330: {  	v4 =	vmax.f32 v4, v7  }
0x331: {  	v4 =	vmax.f32 v4, v8  }
0x332: {  	v4 =	vmax.f32 v4, v9  }
0x333: {  	(xrf0) =	vmax.scan.msk.f32 $0xffff, v4;
	_ =	sdelay $0x5  }
0x334: {  	v4, _, _ =	vpop (xrf0)  }
0x335: {  	(v2sf) =	vpush v4, $0xF;
	_ =	sdelay $0xb  }
0x336: {  	v6 =	vmov s13;
	_ =	sdelay $0x2  }
0x337: {  	v4 =	vbroadcast v4, $0xF;
	s29 =	spop (v2sf)  }
0x338: {  	s15 =	smax.f32 s14, s29  }
0x339: {  	[tilespmem:v6+s18+$0x0] =	vst.idx.msk $0x1, v4;
	s13 =	ssub.f32 s14, s15  }
0x33a: {  	v6 =	vld [tilespmem:s9+$0xFFFFFE80]  }
0x33b: {  	v4 =	vmov s13  }
0x33c: {  	v7 =	vld [tilespmem:s9+$0xFFFFFE90];
	v4 =	vmul.f32 $1.442695020e+00, v4;
	_ =	sdelay $0x1  }
0x33d: {  	v9 =	vld [tilespmem:s9+$0xFFFFFEA0];
	v8 =	vbroadcast v4, $0x0;
	v4 =	vmov s15  }
0x33e: {  	v6 =	vsub.f32 v6, v4  }
0x33f: {  	(erf) = vpow2.f32 v8;
	v8 =	vld [tilespmem:s9+$0xFFFFFEB0]  }
0x340: {  	v10 =	vld [tilespmem:s9+$0xFFFFFEC0];
	v7 =	vsub.f32 v7, v4;
	v6 =	vmul.f32 $1.442695020e+00, v6;
	_ =	sdelay $0x1  }
0x341: {  	v9 =	vsub.f32 v9, v4;
	v7 =	vmul.f32 $1.442695020e+00, v7;
	(erf) = vpow2.f32 v6  }
0x342: {  	v6 =	vld [tilespmem:s9+$0xFFFFFED0]  }
0x343: {  	v9 =	vmul.f32 $1.442695020e+00, v9;
	(erf) = vpow2.f32 v7;
	v8 =	vsub.f32 v8, v4  }
0x344: {  	v10 =	vsub.f32 v10, v4;
	v7 =	vld [tilespmem:s9+$0xFFFFFEE0]  }
0x345: {  	v11 =	vld [tilespmem:s9+$0xFFFFFEF0];
	(erf) = vpow2.f32 v9;
	v8 =	vmul.f32 $1.442695020e+00, v8  }
0x346: {  	v10 =	vmul.f32 $1.442695020e+00, v10  }
0x347: {  	v12 =	vld [tilespmem:s9+$0xFFFFFF00];
	v6 =	vsub.f32 v6, v4;
	v9 =	vpop (erf);
	(erf) = vpow2.f32 v8  }
0x348: {  	v5 =	vmul.f32 v9, v5  }
0x349: {  	v7 =	vsub.f32 v7, v4;
	v8 =	vld [tilespmem:s9+$0xFFFFFF10];
	v6 =	vmul.f32 $1.442695020e+00, v6;
	(erf) = vpow2.f32 v10  }
0x34a: {  	v9 =	vsub.f32 v11, v4;
	v10 =	vpop (erf)  }
0x34b: {  	v7 =	vmul.f32 $1.442695020e+00, v7;
	(erf) = vpow2.f32 v6;
	v5 =	vadd.f32 v10, v5;
	v10 =	vld [tilespmem:s9+$0xFFFFFF20]  }
0x34c: {  	v6 =	vsub.f32 v12, v4;
	v11 =	vpop (erf)  }
0x34d: {  	v9 =	vmul.f32 $1.442695020e+00, v9;
	(erf) = vpow2.f32 v7;
	v5 =	vadd.f32 v11, v5;
	v11 =	vld [tilespmem:s9+$0xFFFFFF30]  }
0x34e: {  	v7 =	vsub.f32 v8, v4;
	v8 =	vpop (erf)  }
0x34f: {  	v6 =	vmul.f32 $1.442695020e+00, v6;
	(erf) = vpow2.f32 v9;
	v5 =	vadd.f32 v8, v5;
	v8 =	vld [tilespmem:s9+$0xFFFFFF40]  }
0x350: {  	v9 =	vsub.f32 v10, v4;
	v10 =	vpop (erf)  }
0x351: {  	(erf) = vpow2.f32 v6;
	v5 =	vadd.f32 v10, v5;
	v10 =	vld [tilespmem:s9+$0xFFFFFF50]  }
0x352: {  	v7 =	vmul.f32 $1.442695020e+00, v7;
	v6 =	vsub.f32 v11, v4;
	v11 =	vpop (erf)  }
0x353: {  	v5 =	vadd.f32 v11, v5  }
0x354: {  	v9 =	vmul.f32 $1.442695020e+00, v9;
	(erf) = vpow2.f32 v7;
	v7 =	vsub.f32 v8, v4;
	v8 =	vpop (erf)  }
0x355: {  	v5 =	vadd.f32 v8, v5;
	v8 =	vld [tilespmem:s9+$0xFFFFFF70]  }
0x356: {  	v11 =	vld [tilespmem:s9+$0xFFFFFF60];
	v6 =	vmul.f32 $1.442695020e+00, v6;
	(erf) = vpow2.f32 v9;
	v9 =	vsub.f32 v10, v4;
	v10 =	vpop (erf)  }
0x357: {  	v5 =	vadd.f32 v10, v5  }
0x358: {  	v7 =	vmul.f32 $1.442695020e+00, v7;
	(erf) = vpow2.f32 v6;
	v10 =	vpop (erf)  }
0x359: {  	v9 =	vmul.f32 $1.442695020e+00, v9;
	v5 =	vadd.f32 v10, v5  }
0x35a: {  	(erf) = vpow2.f32 v7;
	v7 =	vsub.f32 v8, v4;
	v8 =	vpop (erf)  }
0x35b: {  	v6 =	vsub.f32 v11, v4;
	(erf) = vpow2.f32 v9;
	v5 =	vadd.f32 v8, v5;
	v8 =	vld [tilespmem:s9+$0xFFFFFF80];
	_ =	sdelay $0x1  }
0x35c: {  	v10 =	vld [tilespmem:s9+$0xFFFFFF90];
	v6 =	vmul.f32 $1.442695020e+00, v6;
	v9 =	vpop (erf);
	v7 =	vmul.f32 $1.442695020e+00, v7  }
0x35d: {  	v5 =	vadd.f32 v9, v5  }
0x35e: {  	(erf) = vpow2.f32 v6;
	v6 =	vld [tilespmem:s9+$0xFFFFFFA0];
	v9 =	vpop (erf)  }
0x35f: {  	v11 =	vld [tilespmem:s9+$0xFFFFFFB0];
	v5 =	vadd.f32 v9, v5;
	v8 =	vsub.f32 v8, v4  }
0x360: {  	(erf) = vpow2.f32 v7;
	v7 =	vpop (erf)  }
0x361: {  	v5 =	vadd.f32 v7, v5;
	v7 =	vsub.f32 v10, v4;
	v8 =	vmul.f32 $1.442695020e+00, v8  }
0x362: {  	v9 =	vld [tilespmem:s9+$0xFFFFFFC0];
	v61 =	vpop (erf)  }
0x363: {  	v10 =	vld [tilespmem:s9+$0xFFFFFFD0];
	v6 =	vsub.f32 v6, v4;
	v7 =	vmul.f32 $1.442695020e+00, v7;
	v13 =	vpop (erf);
	(erf) = vpow2.f32 v8  }
0x364: {  	v11 =	vsub.f32 v11, v4  }
0x365: {  	v62 =	vld [tilespmem:s9+$0xFFFFFFE0];
	v5 =	vadd.f32 v61, v5;
	v6 =	vmul.f32 $1.442695020e+00, v6;
	(erf) = vpow2.f32 v7  }
0x366: {  	v63 =	vmul.f32 $1.442695020e+00, v11  }
0x367: {  	v8 =	vsub.f32 v9, v4;
	v5 =	vadd.f32 v13, v5;
	v7 =	vld [tilespmem:s9+$0xFFFFFFF0];
	(erf) = vpow2.f32 v6  }
0x368: {  	v11 =	vpop (erf);
	v9 =	vsub.f32 v10, v4  }
0x369: {  	v5 =	vadd.f32 v11, v5;
	v11 =	vmul.f32 $1.442695020e+00, v8;
	v8 =	vld [tilespmem:s9+$0x0];
	(erf) = vpow2.f32 v63  }
0x36a: {  	s14 =	sadd.s32 $0x190, s9;
	s13 =	simm.s32 $0x0;
	v10 =	vsub.f32 v62, v4;
	v6 =	vpop (erf)  }
.LBB2_18:
0x36b: {  	v12 =	vld [tilespmem:s14+$0xFFFFFE80];
	v5 =	vadd.f32 v6, v5;
	v6 =	vmul.f32 $1.442695020e+00, v9;
	(erf) = vpow2.f32 v11  }
0x36c: {  	s13 =	sadd.s32 $0x19, s13;
	v7 =	vsub.f32 v7, v4;
	v9 =	vpop (erf)  }
0x36d: {  	p1 =	slt.u32 s13, $0x64;
	v13 =	vmul.f32 $1.442695020e+00, v10;
	v11 =	vld [tilespmem:s14+$0xFFFFFE90];
	v5 =	vadd.f32 v9, v5;
	(erf) = vpow2.f32 v6  }
0x36e: {  	v6 =	vsub.f32 v8, v4;
	v8 =	vpop (erf)  }
0x36f: {  	v7 =	vmul.f32 $1.442695020e+00, v7;
	v10 =	vld [tilespmem:s14+$0xFFFFFEA0];
	v5 =	vadd.f32 v8, v5;
	(erf) = vpow2.f32 v13  }
0x370: {  	v8 =	vsub.f32 v12, v4;
	v9 =	vpop (erf)  }
0x371: {  	v6 =	vmul.f32 $1.442695020e+00, v6;
	v12 =	vld [tilespmem:s14+$0xFFFFFEB0];
	v5 =	vadd.f32 v9, v5;
	(erf) = vpow2.f32 v7  }
0x372: {  	v7 =	vsub.f32 v11, v4;
	v9 =	vpop (erf)  }
0x373: {  	v8 =	vmul.f32 $1.442695020e+00, v8;
	v11 =	vld [tilespmem:s14+$0xFFFFFEC0];
	v5 =	vadd.f32 v9, v5;
	(erf) = vpow2.f32 v6  }
0x374: {  	v6 =	vsub.f32 v10, v4;
	v9 =	vpop (erf)  }
0x375: {  	v7 =	vmul.f32 $1.442695020e+00, v7;
	v10 =	vld [tilespmem:s14+$0xFFFFFED0];
	(erf) = vpow2.f32 v8;
	v5 =	vadd.f32 v9, v5  }
0x376: {  	v8 =	vsub.f32 v12, v4;
	v9 =	vpop (erf)  }
0x377: {  	v6 =	vmul.f32 $1.442695020e+00, v6;
	v12 =	vld [tilespmem:s14+$0xFFFFFEE0];
	(erf) = vpow2.f32 v7;
	v5 =	vadd.f32 v9, v5  }
0x378: {  	v7 =	vsub.f32 v11, v4;
	v9 =	vpop (erf)  }
0x379: {  	v8 =	vmul.f32 $1.442695020e+00, v8;
	v11 =	vld [tilespmem:s14+$0xFFFFFEF0];
	(erf) = vpow2.f32 v6;
	v5 =	vadd.f32 v9, v5  }
0x37a: {  	v6 =	vsub.f32 v10, v4;
	v9 =	vpop (erf)  }
0x37b: {  	v7 =	vmul.f32 $1.442695020e+00, v7;
	v10 =	vld [tilespmem:s14+$0xFFFFFF00];
	(erf) = vpow2.f32 v8;
	v5 =	vadd.f32 v9, v5  }
0x37c: {  	v8 =	vsub.f32 v12, v4;
	v9 =	vpop (erf)  }
0x37d: {  	v6 =	vmul.f32 $1.442695020e+00, v6;
	v12 =	vld [tilespmem:s14+$0xFFFFFF10];
	(erf) = vpow2.f32 v7;
	v5 =	vadd.f32 v9, v5  }
0x37e: {  	v7 =	vsub.f32 v11, v4;
	v9 =	vpop (erf)  }
0x37f: {  	v8 =	vmul.f32 $1.442695020e+00, v8;
	v5 =	vadd.f32 v9, v5;
	v9 =	vld [tilespmem:s14+$0xFFFFFF20];
	(erf) = vpow2.f32 v6  }
0x380: {  	v6 =	vsub.f32 v10, v4;
	v10 =	vpop (erf)  }
0x381: {  	v7 =	vmul.f32 $1.442695020e+00, v7;
	v5 =	vadd.f32 v10, v5;
	v10 =	vld [tilespmem:s14+$0xFFFFFF30];
	(erf) = vpow2.f32 v8  }
0x382: {  	v8 =	vsub.f32 v12, v4;
	v11 =	vpop (erf)  }
0x383: {  	v6 =	vmul.f32 $1.442695020e+00, v6;
	v5 =	vadd.f32 v11, v5;
	v11 =	vld [tilespmem:s14+$0xFFFFFF40];
	(erf) = vpow2.f32 v7  }
0x384: {  	v7 =	vsub.f32 v9, v4;
	v9 =	vpop (erf)  }
0x385: {  	v8 =	vmul.f32 $1.442695020e+00, v8;
	v5 =	vadd.f32 v9, v5;
	v9 =	vld [tilespmem:s14+$0xFFFFFF50];
	(erf) = vpow2.f32 v6  }
0x386: {  	v6 =	vsub.f32 v10, v4;
	v10 =	vpop (erf)  }
0x387: {  	v7 =	vmul.f32 $1.442695020e+00, v7;
	v5 =	vadd.f32 v10, v5;
	v10 =	vld [tilespmem:s14+$0xFFFFFF60];
	(erf) = vpow2.f32 v8  }
0x388: {  	v8 =	vsub.f32 v11, v4;
	v11 =	vpop (erf)  }
0x389: {  	v6 =	vmul.f32 $1.442695020e+00, v6;
	v5 =	vadd.f32 v11, v5;
	v11 =	vld [tilespmem:s14+$0xFFFFFF70];
	(erf) = vpow2.f32 v7  }
0x38a: {  	v7 =	vsub.f32 v9, v4;
	v9 =	vpop (erf)  }
0x38b: {  	v8 =	vmul.f32 $1.442695020e+00, v8;
	v5 =	vadd.f32 v9, v5;
	v9 =	vld [tilespmem:s14+$0xFFFFFF80];
	(erf) = vpow2.f32 v6  }
0x38c: {  	v6 =	vsub.f32 v10, v4;
	v10 =	vpop (erf)  }
0x38d: {  	v7 =	vmul.f32 $1.442695020e+00, v7;
	v5 =	vadd.f32 v10, v5;
	v10 =	vld [tilespmem:s14+$0xFFFFFF90];
	(erf) = vpow2.f32 v8  }
0x38e: {  	v8 =	vsub.f32 v11, v4;
	v11 =	vpop (erf)  }
0x38f: {  	v6 =	vmul.f32 $1.442695020e+00, v6;
	v5 =	vadd.f32 v11, v5;
	v11 =	vld [tilespmem:s14+$0xFFFFFFA0];
	(erf) = vpow2.f32 v7  }
0x390: {  	v7 =	vsub.f32 v9, v4;
	v9 =	vpop (erf)  }
0x391: {  	v8 =	vmul.f32 $1.442695020e+00, v8;
	v5 =	vadd.f32 v9, v5;
	v9 =	vld [tilespmem:s14+$0xFFFFFFB0];
	(erf) = vpow2.f32 v6  }
0x392: {  	v6 =	vsub.f32 v10, v4;
	v10 =	vpop (erf)  }
0x393: {  	v7 =	vmul.f32 $1.442695020e+00, v7;
	v5 =	vadd.f32 v10, v5;
	v10 =	vld [tilespmem:s14+$0xFFFFFFC0];
	(erf) = vpow2.f32 v8  }
0x394: {  	v8 =	vsub.f32 v11, v4;
	v11 =	vpop (erf)  }
0x395: {  	v6 =	vmul.f32 $1.442695020e+00, v6;
	v5 =	vadd.f32 v11, v5;
	v11 =	vld [tilespmem:s14+$0xFFFFFFD0];
	(erf) = vpow2.f32 v7  }
0x396: {  	v7 =	vsub.f32 v9, v4;
	v9 =	vpop (erf)  }
0x397: {  	v13 =	vmul.f32 $1.442695020e+00, v8;
	v5 =	vadd.f32 v9, v5;
	v12 =	vld [tilespmem:s14+$0xFFFFFFE0];
	(erf) = vpow2.f32 v6  }
.Ltmp7:
0x398: {  	v6 =	vsub.f32 v10, v4;
	v9 =	vpop (erf);
	(pc) =	sbr.rel @p1 .LBB2_18-.Ltmp7, $4  }
0x399: {  	v10 =	vmul.f32 $1.442695020e+00, v7;
	v5 =	vadd.f32 v9, v5;
	v7 =	vld [tilespmem:s14+$0xFFFFFFF0];
	(erf) = vpow2.f32 v13  }
0x39a: {  	v9 =	vsub.f32 v11, v4;
	v8 =	vpop (erf)  }
0x39b: {  	v11 =	vmul.f32 $1.442695020e+00, v6;
	v5 =	vadd.f32 v8, v5;
	v8 =	vld [tilespmem:s14+$0x0];
	(erf) = vpow2.f32 v10  }
0x39c: {  	s14 =	sadd.s32 $0x190, s14;
	v10 =	vsub.f32 v12, v4;
	v6 =	vpop (erf)  }
0x39d: {  	_ =	sdelay $0x1  }
0x39e: {  	v9 =	vmul.f32 $1.442695020e+00, v9  }
0x39f: {  	(erf) = vpow2.f32 v11;
	v7 =	vsub.f32 v7, v4;
	v4 =	vsub.f32 v8, v4  }
0x3a0: {  	v10 =	vmul.f32 $1.442695020e+00, v10;
	(erf) = vpow2.f32 v9  }
0x3a1: {  	v7 =	vmul.f32 $1.442695020e+00, v7;
	v4 =	vmul.f32 $1.442695020e+00, v4  }
0x3a2: {  	(erf) = vpow2.f32 v10  }
0x3a3: {  	(erf) = vpow2.f32 v7  }
0x3a4: {  	(erf) = vpow2.f32 v4  }
0x3a5: {  	v4 =	vpop (erf)  }
0x3a6: {  	v7 =	vpop (erf)  }
0x3a7: {  	v8 =	vpop (erf)  }
0x3a8: {  	v9 =	vpop (erf)  }
0x3a9: {  	v10 =	vpop (erf)  }
0x3aa: {  	v11 =	vpop (erf)  }
0x3ab: {  	v12 =	vpop (erf)  }
0x3ac: {  	v13 =	vpop (erf)  }
0x3ad: {  	s13 =	sadd.s32 @!p0 $0x4650, s31;
	v14 =	vpop (erf)  }
0x3ae: {  	s14 =	sadd.s32 @!p0 s6, s13;
	_ =	swait.ge [sflag:s22], $0x7D0  }
0x3af: {  	s14 =	sshrl.u32 @!p0 s14, $0x3;
	[sflag:s22] =	ssyncset.done $0x0  }
0x3b0: {  	s16 =	simm.s32 @!p0 $0x0;
	s14 =	sadd.s32 @!p0 s4, s14;
	[sflag:s22] =	ssyncadd.s32 $0xFFFFF830  }
0x3b1: {  	[tilespmem:s13], [sflag:$0x5] =	stream.linear.gather @!p0 [hbm4b:s14+s16], $0x7D0, $0x38;
	[tilespmem:$0x18C80] =	vst v63  }
0x3b2: {  	v15 =	vld [tilespmem:$0x18700]  }
0x3b3: {  	s11 =	sadd.s32 $0x4, s11  }
0x3b4: {  	s29 =	smul.u32 $0x7D0, s11;
	_ =	sdelay $0x1  }
0x3b5: {  	s31 =	sadd.s32 $0x7D0, s29  }
0x3b6: {  	vm0 =	vge.s32 v15, s29;
	vm1 =	vlt.s32 v15, s31  }
0x3b7: {  	vm0 =	vmand vm0, vm1  }
0x3b8: {  	v15 =	vnsel vm0, $0x0, v15;
	_ =	sdelay $0x4  }
0x3b9: {  	v16 =	vld.idx.msk [tilespmem:v15+s2+$0x0], vm0;
	_ =	sdelay $0x4  }
0x3ba: {  	vm6 =	vlt.f32 v16, $0.0e+00  }
0x3bb: {  	v17 =	vsel vm6, $0x3F99999A, v1  }
0x3bc: {  	v16 =	vmul.f32 v17, v16;
	_ =	sdelay $0x1  }
0x3bd: {  	[tilespmem:v15+s2+$0x0] =	vst.idx.msk vm0, v16  }
0x3be: {  	v15 =	vld [tilespmem:$0x18710];
	_ =	sdelay $0x4  }
0x3bf: {  	vm7 =	vge.s32 v15, s29;
	vm8 =	vlt.s32 v15, s31  }
0x3c0: {  	vm0 =	vmand vm7, vm8  }
0x3c1: {  	v15 =	vnsel vm0, $0x0, v15;
	_ =	sdelay $0x4  }
0x3c2: {  	v16 =	vld.idx.msk [tilespmem:v15+s2+$0x0], vm0;
	_ =	sdelay $0x4  }
0x3c3: {  	vm9 =	vlt.f32 v16, $0.0e+00  }
0x3c4: {  	v55 =	vsel vm9, $0x3F99999A, v1  }
0x3c5: {  	v16 =	vmul.f32 v55, v16;
	_ =	sdelay $0x1  }
0x3c6: {  	[tilespmem:v15+s2+$0x0] =	vst.idx.msk vm0, v16  }
0x3c7: {  	v15 =	vld [tilespmem:$0x18720];
	_ =	sdelay $0x4  }
0x3c8: {  	vm10 =	vge.s32 v15, s29;
	vm11 =	vlt.s32 v15, s31  }
0x3c9: {  	vm0 =	vmand vm10, vm11  }
0x3ca: {  	v15 =	vnsel vm0, $0x0, v15;
	_ =	sdelay $0x4  }
0x3cb: {  	v16 =	vld.idx.msk [tilespmem:v15+s2+$0x0], vm0;
	_ =	sdelay $0x4  }
0x3cc: {  	vm12 =	vlt.f32 v16, $0.0e+00  }
0x3cd: {  	v56 =	vsel vm12, $0x3F99999A, v1  }
0x3ce: {  	v16 =	vmul.f32 v56, v16;
	_ =	sdelay $0x1  }
0x3cf: {  	[tilespmem:v15+s2+$0x0] =	vst.idx.msk vm0, v16  }
0x3d0: {  	v15 =	vld [tilespmem:$0x18730];
	_ =	sdelay $0x4  }
0x3d1: {  	vm13 =	vge.s32 v15, s29;
	vm14 =	vlt.s32 v15, s31  }
0x3d2: {  	vm0 =	vmand vm13, vm14  }
0x3d3: {  	v15 =	vnsel vm0, $0x0, v15;
	_ =	sdelay $0x4  }
0x3d4: {  	v16 =	vld.idx.msk [tilespmem:v15+s2+$0x0], vm0;
	_ =	sdelay $0x4  }
0x3d5: {  	vm15 =	vlt.f32 v16, $0.0e+00  }
0x3d6: {  	v57 =	vsel vm15, $0x3F99999A, v1  }
0x3d7: {  	v16 =	vmul.f32 v57, v16;
	_ =	sdelay $0x1  }
0x3d8: {  	[tilespmem:v15+s2+$0x0] =	vst.idx.msk vm0, v16  }
0x3d9: {  	v15 =	vld [tilespmem:s10+$0xFFFFFE80]  }
0x3da: {  	v16 =	vld [tilespmem:s10+$0xFFFFFE90]  }
0x3db: {  	v58 =	vld [tilespmem:s10+$0xFFFFFEA0]  }
0x3dc: {  	v18 =	vld [tilespmem:s10+$0xFFFFFEB0]  }
0x3dd: {  	v19 =	vimm.f32 $-3.000000010e+38;
	v20 =	vld [tilespmem:s10+$0xFFFFFEC0]  }
0x3de: {  	v59 =	vld [tilespmem:s10+$0xFFFFFED0];
	v15 =	vmax.f32 v19, v15  }
0x3df: {  	v5 =	vadd.f32 v6, v5;
	v60 =	vld [tilespmem:s10+$0xFFFFFEE0];
	v6 =	vmax.f32 v15, v16  }
0x3e0: {  	v61 =	vld [tilespmem:s10+$0xFFFFFEF0];
	v6 =	vmax.f32 v6, v58  }
0x3e1: {  	v4 =	vadd.f32 v4, v5;
	v5 =	vmax.f32 v6, v18;
	v6 =	vld [tilespmem:s10+$0xFFFFFF00]  }
0x3e2: {  	v62 =	vld [tilespmem:s10+$0xFFFFFF10];
	v5 =	vmax.f32 v5, v20  }
0x3e3: {  	v4 =	vadd.f32 v7, v4;
	v7 =	vld [tilespmem:s10+$0xFFFFFF20];
	v5 =	vmax.f32 v5, v59  }
0x3e4: {  	v63 =	vld [tilespmem:s10+$0xFFFFFF30];
	v5 =	vmax.f32 v5, v60  }
0x3e5: {  	v4 =	vadd.f32 v8, v4;
	v8 =	vld [tilespmem:s10+$0xFFFFFF40];
	v5 =	vmax.f32 v5, v61  }
0x3e6: {  	v5 =	vmax.f32 v5, v6;
	v6 =	vld [tilespmem:s10+$0xFFFFFF50]  }
0x3e7: {  	v4 =	vadd.f32 v9, v4;
	v9 =	vld [tilespmem:s10+$0xFFFFFF60];
	v5 =	vmax.f32 v5, v62  }
0x3e8: {  	v5 =	vmax.f32 v5, v7;
	v7 =	vld [tilespmem:s10+$0xFFFFFF70]  }
0x3e9: {  	v4 =	vadd.f32 v10, v4;
	v10 =	vld [tilespmem:s10+$0xFFFFFF80];
	v5 =	vmax.f32 v5, v63  }
0x3ea: {  	v5 =	vmax.f32 v5, v8;
	v8 =	vld [tilespmem:s10+$0xFFFFFF90]  }
0x3eb: {  	v4 =	vadd.f32 v11, v4;
	v11 =	vld [tilespmem:s10+$0xFFFFFFA0];
	v5 =	vmax.f32 v5, v6  }
0x3ec: {  	v5 =	vmax.f32 v5, v9;
	v9 =	vld [tilespmem:s10+$0xFFFFFFB0]  }
0x3ed: {  	v12 =	vadd.f32 v12, v4;
	v4 =	vld [tilespmem:s10+$0xFFFFFFC0];
	v5 =	vmax.f32 v5, v7  }
0x3ee: {  	v6 =	vld [tilespmem:s10+$0xFFFFFFD0];
	v5 =	vmax.f32 v5, v10  }
0x3ef: {  	v7 =	vld [tilespmem:s10+$0xFFFFFFE0];
	v10 =	vadd.f32 v13, v12;
	v5 =	vmax.f32 v5, v8  }
0x3f0: {  	v8 =	vld [tilespmem:s10+$0xFFFFFFF0];
	v11 =	vmax.f32 v5, v11  }
0x3f1: {  	s13 =	simm.s32 $0x0;
	s14 =	sadd.s32 $0x190, s10;
	v5 =	vadd.f32 v14, v10;
	v10 =	vmax.f32 v11, v9;
	v9 =	vld [tilespmem:s10+$0x0]  }
.LBB2_20:
0x3f2: {  	v11 =	vld [tilespmem:s14+$0xFFFFFE80];
	s13 =	sadd.s32 $0x19, s13;
	v4 =	vmax.f32 v10, v4  }
0x3f3: {  	v10 =	vld [tilespmem:s14+$0xFFFFFE90];
	p0 =	slt.u32 s13, $0x64;
	v4 =	vmax.f32 v4, v6  }
0x3f4: {  	v6 =	vld [tilespmem:s14+$0xFFFFFEA0];
	v4 =	vmax.f32 v4, v7  }
0x3f5: {  	v7 =	vld [tilespmem:s14+$0xFFFFFEB0];
	v4 =	vmax.f32 v4, v8  }
0x3f6: {  	v8 =	vld [tilespmem:s14+$0xFFFFFEC0];
	v4 =	vmax.f32 v4, v9  }
0x3f7: {  	v4 =	vmax.f32 v4, v11;
	v9 =	vld [tilespmem:s14+$0xFFFFFED0]  }
0x3f8: {  	v4 =	vmax.f32 v4, v10;
	v10 =	vld [tilespmem:s14+$0xFFFFFEE0]  }
0x3f9: {  	v4 =	vmax.f32 v4, v6;
	v6 =	vld [tilespmem:s14+$0xFFFFFEF0]  }
0x3fa: {  	v4 =	vmax.f32 v4, v7;
	v7 =	vld [tilespmem:s14+$0xFFFFFF00]  }
0x3fb: {  	v4 =	vmax.f32 v4, v8;
	v8 =	vld [tilespmem:s14+$0xFFFFFF10]  }
0x3fc: {  	v4 =	vmax.f32 v4, v9;
	v9 =	vld [tilespmem:s14+$0xFFFFFF20]  }
0x3fd: {  	v4 =	vmax.f32 v4, v10;
	v10 =	vld [tilespmem:s14+$0xFFFFFF30]  }
0x3fe: {  	v4 =	vmax.f32 v4, v6;
	v6 =	vld [tilespmem:s14+$0xFFFFFF40]  }
0x3ff: {  	v4 =	vmax.f32 v4, v7;
	v7 =	vld [tilespmem:s14+$0xFFFFFF50]  }
0x400: {  	v4 =	vmax.f32 v4, v8;
	v8 =	vld [tilespmem:s14+$0xFFFFFF60]  }
0x401: {  	v4 =	vmax.f32 v4, v9;
	v9 =	vld [tilespmem:s14+$0xFFFFFF70]  }
0x402: {  	v4 =	vmax.f32 v4, v10;
	v10 =	vld [tilespmem:s14+$0xFFFFFF80]  }
0x403: {  	v4 =	vmax.f32 v4, v6;
	v11 =	vld [tilespmem:s14+$0xFFFFFF90]  }
0x404: {  	v4 =	vmax.f32 v4, v7;
	v12 =	vld [tilespmem:s14+$0xFFFFFFA0]  }
0x405: {  	v4 =	vmax.f32 v4, v8;
	v13 =	vld [tilespmem:s14+$0xFFFFFFB0]  }
.Ltmp8:
0x406: {  	v6 =	vmax.f32 v4, v9;
	v4 =	vld [tilespmem:s14+$0xFFFFFFC0];
	(pc) =	sbr.rel @p0 .LBB2_20-.Ltmp8, $4  }
0x407: {  	v7 =	vmax.f32 v6, v10;
	v6 =	vld [tilespmem:s14+$0xFFFFFFD0]  }
0x408: {  	v8 =	vmax.f32 v7, v11;
	v7 =	vld [tilespmem:s14+$0xFFFFFFE0]  }
0x409: {  	v9 =	vmax.f32 v8, v12;
	v8 =	vld [tilespmem:s14+$0xFFFFFFF0]  }
0x40a: {  	v10 =	vmax.f32 v9, v13;
	v9 =	vld [tilespmem:s14+$0x0];
	s14 =	sadd.s32 $0x190, s14  }
0x40b: {  	v4 =	vmax.f32 v10, v4  }
0x40c: {  	v4 =	vmax.f32 v4, v6  }
0x40d: {  	v4 =	vmax.f32 v4, v7  }
0x40e: {  	v4 =	vmax.f32 v4, v8  }
0x40f: {  	v4 =	vmax.f32 v4, v9  }
0x410: {  	(xrf0) =	vmax.scan.msk.f32 $0xffff, v4;
	_ =	sdelay $0x5  }
0x411: {  	v4, _, _ =	vpop (xrf0)  }
0x412: {  	(v2sf) =	vpush v4, $0xF;
	_ =	sdelay $0xb  }
0x413: {  	v6 =	vmov s11;
	_ =	sdelay $0x2  }
0x414: {  	v4 =	vbroadcast v4, $0xF;
	s31 =	spop (v2sf)  }
0x415: {  	s13 =	smax.f32 s15, s31  }
0x416: {  	[tilespmem:v6+s18+$0x0] =	vst.idx.msk $0x1, v4;
	s11 =	ssub.f32 s15, s13  }
0x417: {  	v6 =	vld [tilespmem:s10+$0xFFFFFE80]  }
0x418: {  	v4 =	vmov s11  }
0x419: {  	v7 =	vld [tilespmem:s10+$0xFFFFFE90];
	v4 =	vmul.f32 $1.442695020e+00, v4;
	_ =	sdelay $0x1  }
0x41a: {  	v9 =	vld [tilespmem:s10+$0xFFFFFEA0];
	v8 =	vbroadcast v4, $0x0;
	v4 =	vmov s13  }
0x41b: {  	v6 =	vsub.f32 v6, v4  }
0x41c: {  	(erf) = vpow2.f32 v8;
	v8 =	vld [tilespmem:s10+$0xFFFFFEB0]  }
0x41d: {  	v10 =	vld [tilespmem:s10+$0xFFFFFEC0];
	v7 =	vsub.f32 v7, v4;
	v6 =	vmul.f32 $1.442695020e+00, v6;
	_ =	sdelay $0x1  }
0x41e: {  	v9 =	vsub.f32 v9, v4;
	v7 =	vmul.f32 $1.442695020e+00, v7;
	(erf) = vpow2.f32 v6  }
0x41f: {  	v6 =	vld [tilespmem:s10+$0xFFFFFED0]  }
0x420: {  	v9 =	vmul.f32 $1.442695020e+00, v9;
	(erf) = vpow2.f32 v7;
	v8 =	vsub.f32 v8, v4  }
0x421: {  	v10 =	vsub.f32 v10, v4;
	v7 =	vld [tilespmem:s10+$0xFFFFFEE0]  }
0x422: {  	v11 =	vld [tilespmem:s10+$0xFFFFFEF0];
	(erf) = vpow2.f32 v9;
	v8 =	vmul.f32 $1.442695020e+00, v8  }
0x423: {  	v10 =	vmul.f32 $1.442695020e+00, v10  }
0x424: {  	v12 =	vld [tilespmem:s10+$0xFFFFFF00];
	v6 =	vsub.f32 v6, v4;
	v9 =	vpop (erf);
	(erf) = vpow2.f32 v8  }
0x425: {  	v5 =	vmul.f32 v9, v5  }
0x426: {  	v7 =	vsub.f32 v7, v4;
	v8 =	vld [tilespmem:s10+$0xFFFFFF10];
	v6 =	vmul.f32 $1.442695020e+00, v6;
	(erf) = vpow2.f32 v10  }
0x427: {  	v9 =	vsub.f32 v11, v4;
	v10 =	vpop (erf)  }
0x428: {  	v7 =	vmul.f32 $1.442695020e+00, v7;
	(erf) = vpow2.f32 v6;
	v5 =	vadd.f32 v10, v5;
	v10 =	vld [tilespmem:s10+$0xFFFFFF20]  }
0x429: {  	v6 =	vsub.f32 v12, v4;
	v11 =	vpop (erf)  }
0x42a: {  	v9 =	vmul.f32 $1.442695020e+00, v9;
	(erf) = vpow2.f32 v7;
	v5 =	vadd.f32 v11, v5;
	v11 =	vld [tilespmem:s10+$0xFFFFFF30]  }
0x42b: {  	v7 =	vsub.f32 v8, v4;
	v8 =	vpop (erf)  }
0x42c: {  	v6 =	vmul.f32 $1.442695020e+00, v6;
	(erf) = vpow2.f32 v9;
	v5 =	vadd.f32 v8, v5;
	v8 =	vld [tilespmem:s10+$0xFFFFFF40]  }
0x42d: {  	v9 =	vsub.f32 v10, v4;
	v10 =	vpop (erf)  }
0x42e: {  	(erf) = vpow2.f32 v6;
	v5 =	vadd.f32 v10, v5;
	v10 =	vld [tilespmem:s10+$0xFFFFFF50]  }
0x42f: {  	v7 =	vmul.f32 $1.442695020e+00, v7;
	v6 =	vsub.f32 v11, v4;
	v11 =	vpop (erf)  }
0x430: {  	v5 =	vadd.f32 v11, v5  }
0x431: {  	v9 =	vmul.f32 $1.442695020e+00, v9;
	(erf) = vpow2.f32 v7;
	v11 =	vld [tilespmem:s10+$0xFFFFFF60];
	v7 =	vsub.f32 v8, v4;
	v8 =	vpop (erf)  }
0x432: {  	v5 =	vadd.f32 v8, v5;
	v8 =	vld [tilespmem:s10+$0xFFFFFF70]  }
0x433: {  	v6 =	vmul.f32 $1.442695020e+00, v6;
	(erf) = vpow2.f32 v9;
	v9 =	vsub.f32 v10, v4;
	v10 =	vpop (erf)  }
0x434: {  	v5 =	vadd.f32 v10, v5  }
0x435: {  	v7 =	vmul.f32 $1.442695020e+00, v7;
	(erf) = vpow2.f32 v6;
	v10 =	vpop (erf)  }
0x436: {  	v9 =	vmul.f32 $1.442695020e+00, v9;
	v5 =	vadd.f32 v10, v5  }
0x437: {  	v6 =	vsub.f32 v11, v4;
	(erf) = vpow2.f32 v7;
	v7 =	vsub.f32 v8, v4;
	v8 =	vpop (erf)  }
0x438: {  	v5 =	vadd.f32 v8, v5;
	v8 =	vld [tilespmem:s10+$0xFFFFFF80]  }
0x439: {  	v6 =	vmul.f32 $1.442695020e+00, v6  }
0x43a: {  	v10 =	vld [tilespmem:s10+$0xFFFFFF90];
	(erf) = vpow2.f32 v9;
	v9 =	vpop (erf);
	v7 =	vmul.f32 $1.442695020e+00, v7  }
0x43b: {  	v5 =	vadd.f32 v9, v5  }
0x43c: {  	(erf) = vpow2.f32 v6;
	v6 =	vld [tilespmem:s10+$0xFFFFFFA0];
	v9 =	vpop (erf)  }
0x43d: {  	v11 =	vld [tilespmem:s10+$0xFFFFFFB0];
	v5 =	vadd.f32 v9, v5;
	v8 =	vsub.f32 v8, v4  }
0x43e: {  	(erf) = vpow2.f32 v7;
	v7 =	vpop (erf)  }
0x43f: {  	v5 =	vadd.f32 v7, v5;
	v7 =	vsub.f32 v10, v4;
	v8 =	vmul.f32 $1.442695020e+00, v8  }
0x440: {  	v9 =	vld [tilespmem:s10+$0xFFFFFFC0]  }
0x441: {  	v10 =	vld [tilespmem:s10+$0xFFFFFFD0];
	v6 =	vsub.f32 v6, v4;
	v7 =	vmul.f32 $1.442695020e+00, v7;
	(erf) = vpow2.f32 v8  }
0x442: {  	v11 =	vsub.f32 v11, v4;
	v62 =	vpop (erf)  }
0x443: {  	v63 =	vld [tilespmem:s10+$0xFFFFFFE0];
	v5 =	vadd.f32 v62, v5;
	v13 =	vpop (erf);
	v6 =	vmul.f32 $1.442695020e+00, v6;
	(erf) = vpow2.f32 v7  }
0x444: {  	v11 =	vmul.f32 $1.442695020e+00, v11  }
0x445: {  	v5 =	vadd.f32 v13, v5;
	v7 =	vsub.f32 v9, v4;
	(erf) = vpow2.f32 v6;
	v6 =	vld [tilespmem:s10+$0xFFFFFFF0]  }
0x446: {  	v9 =	vpop (erf);
	v8 =	vsub.f32 v10, v4  }
0x447: {  	v10 =	vadd.f32 v9, v5;
	v9 =	vmul.f32 $1.442695020e+00, v7;
	v5 =	vld [tilespmem:s10+$0x0];
	(erf) = vpow2.f32 v11  }
0x448: {  	s14 =	sadd.s32 $0x190, s10;
	s11 =	simm.s32 $0x0;
	v7 =	vsub.f32 v63, v4;
	v11 =	vpop (erf)  }
.LBB2_22:
0x449: {  	v12 =	vld [tilespmem:s14+$0xFFFFFE80];
	v10 =	vadd.f32 v11, v10;
	v13 =	vmul.f32 $1.442695020e+00, v8;
	(erf) = vpow2.f32 v9  }
0x44a: {  	s11 =	sadd.s32 $0x19, s11;
	v6 =	vsub.f32 v6, v4;
	v9 =	vpop (erf)  }
0x44b: {  	p0 =	slt.u32 s11, $0x64;
	v7 =	vmul.f32 $1.442695020e+00, v7;
	v11 =	vld [tilespmem:s14+$0xFFFFFE90];
	v14 =	vadd.f32 v9, v10;
	(erf) = vpow2.f32 v13  }
0x44c: {  	v5 =	vsub.f32 v5, v4;
	v8 =	vpop (erf)  }
0x44d: {  	v6 =	vmul.f32 $1.442695020e+00, v6;
	v10 =	vld [tilespmem:s14+$0xFFFFFEA0];
	v8 =	vadd.f32 v8, v14;
	(erf) = vpow2.f32 v7  }
0x44e: {  	v7 =	vsub.f32 v12, v4;
	v9 =	vpop (erf)  }
0x44f: {  	v5 =	vmul.f32 $1.442695020e+00, v5;
	v12 =	vld [tilespmem:s14+$0xFFFFFEB0];
	v8 =	vadd.f32 v9, v8;
	(erf) = vpow2.f32 v6  }
0x450: {  	v6 =	vsub.f32 v11, v4;
	v9 =	vpop (erf)  }
0x451: {  	v7 =	vmul.f32 $1.442695020e+00, v7;
	v11 =	vld [tilespmem:s14+$0xFFFFFEC0];
	v8 =	vadd.f32 v9, v8;
	(erf) = vpow2.f32 v5  }
0x452: {  	v5 =	vsub.f32 v10, v4;
	v9 =	vpop (erf)  }
0x453: {  	v6 =	vmul.f32 $1.442695020e+00, v6;
	v10 =	vld [tilespmem:s14+$0xFFFFFED0];
	(erf) = vpow2.f32 v7;
	v7 =	vadd.f32 v9, v8  }
0x454: {  	v8 =	vsub.f32 v12, v4;
	v9 =	vpop (erf)  }
0x455: {  	v5 =	vmul.f32 $1.442695020e+00, v5;
	v12 =	vld [tilespmem:s14+$0xFFFFFEE0];
	(erf) = vpow2.f32 v6;
	v6 =	vadd.f32 v9, v7  }
0x456: {  	v7 =	vsub.f32 v11, v4;
	v9 =	vpop (erf)  }
0x457: {  	v8 =	vmul.f32 $1.442695020e+00, v8;
	v11 =	vld [tilespmem:s14+$0xFFFFFEF0];
	(erf) = vpow2.f32 v5;
	v5 =	vadd.f32 v9, v6  }
0x458: {  	v6 =	vsub.f32 v10, v4;
	v9 =	vpop (erf)  }
0x459: {  	v7 =	vmul.f32 $1.442695020e+00, v7;
	v10 =	vld [tilespmem:s14+$0xFFFFFF00];
	(erf) = vpow2.f32 v8;
	v5 =	vadd.f32 v9, v5  }
0x45a: {  	v8 =	vsub.f32 v12, v4;
	v9 =	vpop (erf)  }
0x45b: {  	v6 =	vmul.f32 $1.442695020e+00, v6;
	v12 =	vld [tilespmem:s14+$0xFFFFFF10];
	(erf) = vpow2.f32 v7;
	v5 =	vadd.f32 v9, v5  }
0x45c: {  	v7 =	vsub.f32 v11, v4;
	v9 =	vpop (erf)  }
0x45d: {  	v8 =	vmul.f32 $1.442695020e+00, v8;
	v5 =	vadd.f32 v9, v5;
	v9 =	vld [tilespmem:s14+$0xFFFFFF20];
	(erf) = vpow2.f32 v6  }
0x45e: {  	v6 =	vsub.f32 v10, v4;
	v10 =	vpop (erf)  }
0x45f: {  	v7 =	vmul.f32 $1.442695020e+00, v7;
	v5 =	vadd.f32 v10, v5;
	v10 =	vld [tilespmem:s14+$0xFFFFFF30];
	(erf) = vpow2.f32 v8  }
0x460: {  	v8 =	vsub.f32 v12, v4;
	v11 =	vpop (erf)  }
0x461: {  	v6 =	vmul.f32 $1.442695020e+00, v6;
	v5 =	vadd.f32 v11, v5;
	v11 =	vld [tilespmem:s14+$0xFFFFFF40];
	(erf) = vpow2.f32 v7  }
0x462: {  	v7 =	vsub.f32 v9, v4;
	v9 =	vpop (erf)  }
0x463: {  	v8 =	vmul.f32 $1.442695020e+00, v8;
	v5 =	vadd.f32 v9, v5;
	v9 =	vld [tilespmem:s14+$0xFFFFFF50];
	(erf) = vpow2.f32 v6  }
0x464: {  	v6 =	vsub.f32 v10, v4;
	v10 =	vpop (erf)  }
0x465: {  	v7 =	vmul.f32 $1.442695020e+00, v7;
	v5 =	vadd.f32 v10, v5;
	v10 =	vld [tilespmem:s14+$0xFFFFFF60];
	(erf) = vpow2.f32 v8  }
0x466: {  	v8 =	vsub.f32 v11, v4;
	v11 =	vpop (erf)  }
0x467: {  	v6 =	vmul.f32 $1.442695020e+00, v6;
	v5 =	vadd.f32 v11, v5;
	v11 =	vld [tilespmem:s14+$0xFFFFFF70];
	(erf) = vpow2.f32 v7  }
0x468: {  	v7 =	vsub.f32 v9, v4;
	v9 =	vpop (erf)  }
0x469: {  	v8 =	vmul.f32 $1.442695020e+00, v8;
	v5 =	vadd.f32 v9, v5;
	v9 =	vld [tilespmem:s14+$0xFFFFFF80];
	(erf) = vpow2.f32 v6  }
0x46a: {  	v6 =	vsub.f32 v10, v4;
	v10 =	vpop (erf)  }
0x46b: {  	v7 =	vmul.f32 $1.442695020e+00, v7;
	v5 =	vadd.f32 v10, v5;
	v10 =	vld [tilespmem:s14+$0xFFFFFF90];
	(erf) = vpow2.f32 v8  }
0x46c: {  	v8 =	vsub.f32 v11, v4;
	v11 =	vpop (erf)  }
0x46d: {  	v6 =	vmul.f32 $1.442695020e+00, v6;
	v5 =	vadd.f32 v11, v5;
	v11 =	vld [tilespmem:s14+$0xFFFFFFA0];
	(erf) = vpow2.f32 v7  }
0x46e: {  	v7 =	vsub.f32 v9, v4;
	v9 =	vpop (erf)  }
0x46f: {  	v8 =	vmul.f32 $1.442695020e+00, v8;
	v5 =	vadd.f32 v9, v5;
	v9 =	vld [tilespmem:s14+$0xFFFFFFB0];
	(erf) = vpow2.f32 v6  }
0x470: {  	v6 =	vsub.f32 v10, v4;
	v10 =	vpop (erf)  }
0x471: {  	v7 =	vmul.f32 $1.442695020e+00, v7;
	v5 =	vadd.f32 v10, v5;
	v10 =	vld [tilespmem:s14+$0xFFFFFFC0];
	(erf) = vpow2.f32 v8  }
0x472: {  	v8 =	vsub.f32 v11, v4;
	v11 =	vpop (erf)  }
0x473: {  	v13 =	vmul.f32 $1.442695020e+00, v6;
	v5 =	vadd.f32 v11, v5;
	v11 =	vld [tilespmem:s14+$0xFFFFFFD0];
	(erf) = vpow2.f32 v7  }
0x474: {  	v7 =	vsub.f32 v9, v4;
	v9 =	vpop (erf)  }
0x475: {  	v8 =	vmul.f32 $1.442695020e+00, v8;
	v5 =	vadd.f32 v9, v5;
	v12 =	vld [tilespmem:s14+$0xFFFFFFE0];
	(erf) = vpow2.f32 v13  }
.Ltmp9:
0x476: {  	v9 =	vsub.f32 v10, v4;
	v6 =	vpop (erf);
	(pc) =	sbr.rel @p0 .LBB2_22-.Ltmp9, $4  }
0x477: {  	v7 =	vmul.f32 $1.442695020e+00, v7;
	v5 =	vadd.f32 v6, v5;
	v6 =	vld [tilespmem:s14+$0xFFFFFFF0];
	(erf) = vpow2.f32 v8  }
0x478: {  	v8 =	vsub.f32 v11, v4;
	v10 =	vpop (erf)  }
0x479: {  	v9 =	vmul.f32 $1.442695020e+00, v9;
	v10 =	vadd.f32 v10, v5;
	v5 =	vld [tilespmem:s14+$0x0];
	(erf) = vpow2.f32 v7  }
0x47a: {  	s14 =	sadd.s32 $0x190, s14;
	v7 =	vsub.f32 v12, v4;
	v11 =	vpop (erf)  }
0x47b: {  	v10 =	vadd.f32 v11, v10;
	v8 =	vmul.f32 $1.442695020e+00, v8  }
0x47c: {  	(erf) = vpow2.f32 v9;
	v6 =	vsub.f32 v6, v4;
	v62 =	vpop (erf);
	v7 =	vmul.f32 $1.442695020e+00, v7  }
0x47d: {  	v9 =	vadd.f32 v62, v10  }
0x47e: {  	(erf) = vpow2.f32 v8;
	v63 =	vpop (erf);
	v6 =	vmul.f32 $1.442695020e+00, v6  }
0x47f: {  	v5 =	vsub.f32 v5, v4;
	v8 =	vadd.f32 v63, v9  }
0x480: {  	(erf) = vpow2.f32 v7;
	v7 =	vpop (erf)  }
0x481: {  	v5 =	vmul.f32 $1.442695020e+00, v5;
	v7 =	vadd.f32 v7, v8  }
0x482: {  	(erf) = vpow2.f32 v6;
	v6 =	vpop (erf)  }
0x483: {  	v6 =	vadd.f32 v6, v7  }
0x484: {  	(erf) = vpow2.f32 v5  }
0x485: {  	v5 =	vpop (erf)  }
0x486: {  	v5 =	vadd.f32 v5, v6  }
0x487: {  	v6 =	vpop (erf)  }
0x488: {  	s1 =	sadd.s32 $0x1, s1;
	v5 =	vadd.f32 v6, v5  }
0x489: {  	p0 =	sne.s32 s1, $0xA;
	v6 =	vpop (erf)  }
.Ltmp10:
0x48a: {  	v5 =	vadd.f32 v6, v5;
	(pc) =	sbr.rel @p0 .LBB2_3-.Ltmp10, $4  }
0x48b: {  	v6 =	vpop (erf)  }
0x48c: {  	v5 =	vadd.f32 v6, v5  }
0x48d: {  	s7 =	sadd.s32 $0x2710, s7;
	v6 =	vpop (erf)  }
0x48e: {  	s8 =	sadd.s32 $0x2710, s8;
	s9 =	sadd.s32 $0x2710, s9;
	s10 =	sadd.s32 $0x2710, s10;
	v5 =	vadd.f32 v6, v5  }
0x48f: {  	v6 =	vld [tilespmem:$0x18780]  }
0x490: {  	v7 =	vld [tilespmem:$0x18790]  }
0x491: {  	v8 =	vld [tilespmem:$0x187A0]  }
0x492: {  	v9 =	vld [tilespmem:$0x187B0];
	_ =	sdelay $0x1  }
0x493: {  	[tilespmem:$0x18800] =	vst v6  }
0x494: {  	[tilespmem:$0x18810] =	vst v7  }
0x495: {  	[tilespmem:$0x18820] =	vst v8  }
0x496: {  	v10 =	vld [tilespmem:$0x18780];
	s1 =	simm.s32 $0x7;
	[tilespmem:$0x18830] =	vst v9  }
.LBB2_25:
0x497: {  	p0 =	seq.s32 s1, $0x1;
	v8 =	vld [tilespmem:$0x18790]  }
0x498: {  	v9 =	vld [tilespmem:$0x187A0]  }
0x499: {  	v11 =	vld [tilespmem:$0x187B0];
	_ =	sdelay $0x1  }
0x49a: {  	v12 =	vmax.f32 v10, $-3.000000010e+38  }
0x49b: {  	v13 =	vmax.f32 v12, v8  }
0x49c: {  	v14 =	vmax.f32 v13, v9  }
0x49d: {  	v15 =	vmax.f32 v14, v11  }
0x49e: {  	(xrf0) =	vmax.scan.msk.f32 $0xffff, v15;
	_ =	sdelay $0x4  }
0x49f: {  	v6 =	vor.u32 $0x80000000, v2;
	v7 =	vor.u32 $0x80000020, v2;
	vm0 =	vgt.f32 v10, $-3.000000010e+38  }
0x4a0: {  	vm1 =	vgt.f32 v8, v12;
	v10 =	vnsel vm0, $0xC0000000, v6;
	v8 =	vor.u32 $0x80000010, v2;
	v12, _, _ =	vpop (xrf0)  }
0x4a1: {  	vm0 =	vgt.f32 v9, v13;
	v9 =	vsel vm1, v8, v10;
	v12 =	vbroadcast v12, $0xF  }
0x4a2: {  	vm1 =	vgt.f32 v11, v14;
	v10 =	vsel vm0, v7, v9;
	v9 =	vor.u32 $0x80000030, v2  }
0x4a3: {  	v10 =	vsel vm1, v9, v10;
	vm0 =	vge.f32 v15, v12  }
0x4a4: {  	v10 =	vnsel vm0, $0xC0000000, v10  }
0x4a5: {  	(xrf0) =	vmin.scan.msk.u32 $0xffff, v10;
	_ =	sdelay $0x5  }
0x4a6: {  	v10, _, _ =	vpop (xrf0)  }
0x4a7: {  	(v2sf) =	vpush v10, $0xF;
	_ =	sdelay $0xe  }
0x4a8: {  	s6 =	spop (v2sf)  }
0x4a9: {  	s6 =	sxor.u32 $0x80000000, s6  }
0x4aa: {  	v10 =	vmov s6;
	_ =	sdelay $0x1  }
.Ltmp11:
0x4ab: {  	(pc) =	sbr.rel @!p0 .LBB2_25-.Ltmp11, $3  }
0x4ac: {  	_ =	sdelay $0x1  }
0x4ad: {  	[tilespmem:v10+s18+$0x0] =	vst.idx.msk $0x1, v0  }
0x4ae: {  	s1 =	sadd.s32 $0xFFFFFFFF, s1;
	v10 =	vld [tilespmem:$0x18780]  }
0x4af: {  	v11 =	vld [tilespmem:$0x18790]  }
0x4b0: {  	v12 =	vld [tilespmem:$0x187A0]  }
0x4b1: {  	v13 =	vld [tilespmem:$0x187B0];
	_ =	sdelay $0x1  }
0x4b2: {  	v14 =	vmax.f32 v10, $-3.000000010e+38  }
0x4b3: {  	v15 =	vmax.f32 v14, v11  }
0x4b4: {  	v16 =	vmax.f32 v15, v12  }
0x4b5: {  	v17 =	vmax.f32 v16, v13  }
0x4b6: {  	(xrf0) =	vmax.scan.msk.f32 $0xffff, v17;
	_ =	sdelay $0x4  }
0x4b7: {  	vm0 =	vgt.f32 v10, $-3.000000010e+38  }
0x4b8: {  	vm1 =	vgt.f32 v11, v14;
	v62 =	vnsel vm0, $0xC0000000, v6;
	v63, _, _ =	vpop (xrf0)  }
0x4b9: {  	vm13 =	vgt.f32 v12, v15;
	v8 =	vsel vm1, v8, v62;
	v6 =	vbroadcast v63, $0xF  }
0x4ba: {  	vm14 =	vgt.f32 v13, v16;
	v7 =	vsel vm13, v7, v8  }
0x4bb: {  	v7 =	vsel vm14, v9, v7;
	vm15 =	vge.f32 v17, v6  }
0x4bc: {  	v7 =	vnsel vm15, $0xC0000000, v7  }
0x4bd: {  	(xrf0) =	vmin.scan.msk.u32 $0xffff, v7;
	_ =	sdelay $0x5  }
0x4be: {  	v7, _, _ =	vpop (xrf0)  }
0x4bf: {  	(v2sf) =	vpush v7, $0xF;
	_ =	sdelay $0xe  }
0x4c0: {  	s1 =	spop (v2sf);
	(v2sf) =	vpush v63, $0xF;
	_ =	sdelay $0x8  }
0x4c1: {  	s1 =	sxor.u32 $0x80000000, s1  }
0x4c2: {  	v7 =	vmov s1  }
.Ltmp12:
0x4c3: {  	_ = 	snop;
	(pc) =	sbr.rel .LBB2_27-.Ltmp12, $3  }
0x4c4: {  	_ =	sdelay $0x1  }
0x4c5: {  	s6 =	simm.s32 $0x0;
	s7 =	simm.s32 $0x0  }
0x4c6: {  	s9 =	simm.s32 $0x0;
	s8 =	simm.s32 $0x0;
	[tilespmem:v7+s18+$0x0] =	vst.idx.msk $0x1, v0;
	s1 =	spop (v2sf)  }
.LBB2_30:
0x4c7: {  	v8, _, _ =	vpop (xrf0)  }
0x4c8: {  	(v2sf) =	vpush v8, $0xF;
	_ =	sdelay $0xb  }
0x4c9: {  	s9 =	sadd.s32 s9, s13  }
0x4ca: {  	p0 =	slt.s32 s9, $0xF0  }
0x4cb: {  	s10 =	sadd.s32 $0x10, s10;
	s9 =	simm.s32 @!p0 $0xF0  }
0x4cc: {  	[tilespmem:s9+$0x18880] =	vst.msk vm0, v7;
	v7 =	vor.u32 s10, v2;
	s31 =	spop (v2sf)  }
0x4cd: {  	[tilespmem:s9+$0x18980] =	vst.msk vm0, v7;
	s9 =	sadd.s32 s9, s31  }
.LBB2_31:
0x4ce: {  	s8 =	sadd.s32 $0x1, s8  }
0x4cf: {  	p0 =	seq.s32 s8, $0x32  }
.Ltmp13:
0x4d0: {  	_ = 	snop;
	(pc) =	sbr.rel @p0 .LBB2_32-.Ltmp13, $2  }
0x4d1: {  	_ =	sdelay $0x2  }
0x4d2: {  	s7 =	sadd.s32 $0x7D0, s7;
	s6 =	sadd.s32 $0x7D0, s6  }
.LBB2_27:
0x4d3: {  	v7 =	vmov s8;
	_ =	sdelay $0x4  }
0x4d4: {  	v7 =	vld.idx.msk [tilespmem:v7+s23+$0x0], $0xffff;
	_ =	sdelay $0x4  }
0x4d5: {  	(xrf0) =	vmax.scan.msk.f32 $0xffff, v7;
	_ =	sdelay $0x5  }
0x4d6: {  	v7, _, _ =	vpop (xrf0)  }
0x4d7: {  	(v2sf) =	vpush v7, $0xF;
	_ =	sdelay $0xe  }
0x4d8: {  	s10 =	spop (v2sf)  }
0x4d9: {  	p0 =	sge.f32 s10, s1  }
.Ltmp14:
0x4da: {  	_ = 	snop;
	(pc) =	sbr.rel @!p0 .LBB2_31-.Ltmp14, $1  }
0x4db: {  	_ =	sdelay $0x3  }
0x4dc: {  	s10 =	sadd.s32 $0x0, s7  }
0x4dd: {  	v7 =	vld [tilespmem:s10+$0x0];
	_ =	sdelay $0x4  }
0x4de: {  	vm0 =	vge.f32 v7, v6  }
0x4df: {  	v8 =	vsel vm0, $0x1, v3  }
0x4e0: {  	(xrf0) =	vadd.scan.msk.s32 $0xffff, v8;
	_ =	sdelay $0x5  }
0x4e1: {  	v8, _, _ =	vpop (xrf0)  }
0x4e2: {  	(v2sf) =	vpush v8, $0xF  }
0x4e3: {  	p0 =	slt.s32 s9, $0xF0  }
0x4e4: {  	s9 =	simm.s32 @!p0 $0xF0  }
0x4e5: {  	[tilespmem:s9+$0x18880] =	vst.msk vm0, v7;
	v7 =	vor.u32 s6, v2  }
0x4e6: {  	s31 =	sadd.s32 $0x10, s7;
	[tilespmem:s9+$0x18980] =	vst.msk vm0, v7  }
0x4e7: {  	v7 =	vld [tilespmem:s31+$0x0];
	_ =	sdelay $0x4  }
0x4e8: {  	vm0 =	vge.f32 v7, v6  }
0x4e9: {  	v8 =	vsel vm0, $0x1, v3  }
0x4ea: {  	(xrf0) =	vadd.scan.msk.s32 $0xffff, v8;
	_ =	sdelay $0x2  }
0x4eb: {  	s11 =	simm.s32 $0x80;
	s10 =	smov.u32 s6;
	s13 =	spop (v2sf)  }
.LBB2_29:
0x4ec: {  	s9 =	sadd.s32 s9, s13  }
0x4ed: {  	s10 =	sadd.s32 $0x10, s10;
	s13 =	smov.u32 s11;
	s14 =	sadd.s32 $0x40, s11  }
0x4ee: {  	p0 =	sne.s32 s11, $0x1F00;
	p1 =	slt.s32 s9, $0xF0;
	v8, _, _ =	vpop (xrf0)  }
0x4ef: {  	(v2sf) =	vpush v8, $0xF  }
0x4f0: {  	s9 =	simm.s32 @!p1 $0xF0  }
0x4f1: {  	s11 =	sshra.s32 s13, $0x2;
	[tilespmem:s9+$0x18880] =	vst.msk vm0, v7;
	v7 =	vor.u32 s10, v2  }
0x4f2: {  	s11 =	sadd.s32 s11, s7;
	[tilespmem:s9+$0x18980] =	vst.msk vm0, v7  }
0x4f3: {  	v7 =	vld [tilespmem:s11+$0x0];
	_ =	sdelay $0x4  }
0x4f4: {  	vm0 =	vge.f32 v7, v6  }
0x4f5: {  	v8 =	vsel vm0, $0x1, v3  }
.Ltmp15:
0x4f6: {  	(xrf0) =	vadd.scan.msk.s32 $0xffff, v8;
	(pc) =	sbr.rel @p0 .LBB2_29-.Ltmp15, $2  }
0x4f7: {  	_ =	sdelay $0x2  }
0x4f8: {  	s11 =	smov.u32 s14;
	s13 =	spop (v2sf)  }
.Ltmp16:
0x4f9: {  	_ = 	snop;
	(pc) =	sbr.rel .LBB2_30-.Ltmp16, $1  }
0x4fa: {  	_ =	sdelay $0x3  }
.LBB2_32:
0x4fb: {  	s1 =	sshll.u32 s0, $0x3;
	s6 =	simm.s32 $0x0;
	s7 =	simm.s32 $0x0  }
.LBB2_33:
0x4fc: {  	s8 =	simm.s32 $0x188A0  }
0x4fd: {  	v6 =	vld [tilespmem:s8+$0xFFFFFFE0]  }
0x4fe: {  	v7 =	vld [tilespmem:s8+$0xFFFFFFF0]  }
0x4ff: {  	v8 =	vld [tilespmem:s8+$0x0]  }
0x500: {  	v9 =	vimm.f32 $-3.000000010e+38;
	s14 =	simm.s32 $0x188E0;
	s31 =	simm.s32 $0x10;
	v10 =	vld [tilespmem:s8+$0x10]  }
0x501: {  	v11 =	vimm.s32 $0x40000000;
	s9 =	simm.s32 $0x20;
	v15 =	vor.u32 s6, v2;
	v12 =	vld [tilespmem:s14+$0xFFFFFFE0];
	v13 =	vor.u32 s31, v2  }
0x502: {  	s10 =	simm.s32 $0x30;
	v14 =	vor.u32 s9, v2;
	vm0 =	vgt.f32 v6, v9;
	v9 =	vmax.f32 v9, v6  }
0x503: {  	v6 =	vor.u32 s10, v2;
	vm1 =	vgt.f32 v7, v9;
	v9 =	vmax.f32 v9, v7  }
0x504: {  	s11 =	simm.s32 $0x60;
	v7 =	vld [tilespmem:s14+$0xFFFFFFF0];
	v11 =	vsel vm0, v15, v11;
	vm2 =	vgt.f32 v8, v9;
	v9 =	vmax.f32 v9, v8  }
0x505: {  	s13 =	simm.s32 $0x4;
	s15 =	simm.s32 $0x18920;
	s8 =	simm.s32 $0x50;
	v8 =	vld [tilespmem:s14+$0x0];
	v11 =	vsel vm1, v13, v11;
	vm1 =	vgt.f32 v10, v9;
	v9 =	vmax.f32 v9, v10  }
0x506: {  	s9 =	simm.s32 $0x70;
	s10 =	simm.s32 $0x40;
	v11 =	vsel vm2, v14, v11;
	vm0 =	vgt.f32 v12, v9;
	v10 =	vmax.f32 v9, v12;
	v9 =	vld [tilespmem:s14+$0x10];
	s14 =	simm.s32 $0x80  }
.LBB2_34:
0x507: {  	s16 =	sadd.s32 $0x10, s14;
	s13 =	sadd.s32 $0x4, s13  }
0x508: {  	v12 =	vld [tilespmem:s15+$0xFFFFFFE0];
	s31 =	sadd.s32 $0x20, s14;
	s29 =	sadd.s32 $0x30, s14;
	v11 =	vsel vm1, v6, v11;
	p0 =	slt.u32 s13, $0xC  }
.Ltmp17:
0x509: {  	v13 =	vor.u32 s8, v2;
	v14 =	vor.u32 s11, v2;
	v6 =	vor.u32 s9, v2;
	s8 =	smov.u32 s16;
	(pc) =	sbr.rel @p0 .LBB2_34-.Ltmp17, $4  }
0x50a: {  	v15 =	vor.u32 s10, v2;
	s11 =	smov.u32 s31;
	s9 =	smov.u32 s29;
	vm1 =	vgt.f32 v7, v10;
	v10 =	vmax.f32 v10, v7  }
0x50b: {  	s10 =	smov.u32 s14;
	v11 =	vsel vm0, v15, v11;
	v7 =	vld [tilespmem:s15+$0xFFFFFFF0];
	vm2 =	vgt.f32 v8, v10;
	v10 =	vmax.f32 v10, v8  }
0x50c: {  	v11 =	vsel vm1, v13, v11;
	v8 =	vld [tilespmem:s15+$0x0];
	vm1 =	vgt.f32 v9, v10;
	v9 =	vmax.f32 v10, v9  }
0x50d: {  	s14 =	sadd.s32 $0x40, s14;
	v11 =	vsel vm2, v14, v11;
	vm0 =	vgt.f32 v12, v9;
	v10 =	vmax.f32 v9, v12;
	v9 =	vld [tilespmem:s15+$0x10];
	s15 =	sadd.s32 $0x40, s15  }
0x50e: {  	_ =	sdelay $0x1  }
0x50f: {  	v12 =	vmax.f32 v10, v7  }
0x510: {  	v13 =	vmax.f32 v12, v8  }
0x511: {  	v14 =	vmax.f32 v13, v9  }
0x512: {  	(xrf0) =	vmax.scan.msk.f32 $0xffff, v14;
	_ =	sdelay $0x2  }
0x513: {  	vm12 =	vgt.f32 v7, v10;
	v7 =	vor.u32 s8, v2  }
0x514: {  	v6 =	vsel vm1, v6, v11;
	v59 =	vor.u32 s10, v2  }
0x515: {  	v60 =	vor.u32 s11, v2;
	v6 =	vsel vm0, v59, v6  }
0x516: {  	v61 =	vor.u32 s9, v2;
	vm13 =	vgt.f32 v8, v12;
	v6 =	vsel vm12, v7, v6;
	v7, _, _ =	vpop (xrf0)  }
0x517: {  	vm14 =	vgt.f32 v9, v13;
	v6 =	vsel vm13, v60, v6;
	v7 =	vbroadcast v7, $0xF  }
0x518: {  	v6 =	vsel vm14, v61, v6  }
0x519: {  	v6 =	vxor.u32 $0x80000000, v6;
	vm15 =	vge.f32 v14, v7  }
0x51a: {  	v6 =	vnsel vm15, $0xC0000000, v6  }
0x51b: {  	(xrf0) =	vmin.scan.msk.u32 $0xffff, v6;
	_ =	sdelay $0x5  }
0x51c: {  	v6, _, _ =	vpop (xrf0)  }
0x51d: {  	(v2sf) =	vpush v6, $0xF;
	_ =	sdelay $0xe  }
0x51e: {  	s16 =	spop (v2sf)  }
0x51f: {  	s8 =	sxor.u32 $0x80000000, s16  }
0x520: {  	v6 =	vmov s8;
	_ =	sdelay $0x4  }
0x521: {  	v62 =	vld.idx.msk [tilespmem:v6+s24+$0x0], $0xffff;
	_ =	sdelay $0x4  }
0x522: {  	v8 =	vxor.u32 $0x80000000, v62  }
0x523: {  	(xrf0) =	vmax.scan.msk.u32 $0xffff, v8;
	_ =	sdelay $0x5  }
0x524: {  	v8, _, _ =	vpop (xrf0)  }
0x525: {  	(v2sf) =	vpush v8, $0xF;
	_ =	sdelay $0xa  }
0x526: {  	s29 =	sadd.s32 s1, s7  }
0x527: {  	s7 =	sadd.s32 $0x1, s7;
	v63 =	vmov s29  }
0x528: {  	p0 =	sne.s32 s7, $0x8  }
.Ltmp18:
0x529: {  	_ = 	snop;
	(pc) =	sbr.rel @p0 .LBB2_33-.Ltmp18, $4  }
0x52a: {  	s31 =	spop (v2sf)  }
0x52b: {  	[tilespmem:v6+s25+$0x0] =	vst.idx.msk $0x1, v0;
	s8 =	sxor.u32 $0x80000000, s31  }
0x52c: {  	[tilespmem:v63+s26+$0x0] =	vst.idx.msk $0x1, v7;
	v6 =	vmov s8  }
0x52d: {  	[tilespmem:v63+s28+$0x0] =	vst.idx.msk $0x1, v6  }
0x52e: {  	(xrf2) =	vadd.scan.msk.f32 $0xffff, v5;
	_ =	sdelay $0x6  }
0x52f: {  	v5 =	vmov s0;
	s0 =	sadd.s32 $0x1, s0  }
0x530: {  	p0 =	sne.s32 s0, $0x8  }
.Ltmp19:
0x531: {  	_ = 	snop;
	(pc) =	sbr.rel @p0 .LBB2_2-.Ltmp19, $4  }
0x532: {  	v6, _, _ =	vpop (xrf2)  }
0x533: {  	s1 =	simm.s32 $0x18B80;
	v6 =	vbroadcast v6, $0xF  }
0x534: {  	[tilespmem:v5+s1+$0x0] =	vst.idx.msk $0x1, v4  }
0x535: {  	[tilespmem:v5+s30+$0x0] =	vst.idx.msk $0x1, v6  }
0x536: {  	s0 =	rddreg [dreg:$0x4]  }
0x537: {  	[hbm4b:s0+s2] =	stream.linear.scatter [tilespmem:s26], [sflag:$0x6], $0x40, $0x38;
	[tilespmem:$0x18C80] =	vst v63  }
0x538: {  	_ =	swait.ge [sflag:s12], $0x40  }
0x539: {  	[sflag:s12] =	ssyncset.done $0x0  }
0x53a: {  	s14 =	rddreg [dreg:$0x5];
	[sflag:s12] =	ssyncadd.s32 $0xFFFFFFC0  }
0x53b: {  	[hbm4b:s14+s2] =	stream.linear.scatter [tilespmem:s28], [sflag:$0x6], $0x40, $0x38;
	[tilespmem:$0x18C80] =	vst v63  }
0x53c: {  	_ =	swait.ge [sflag:s12], $0x40  }
0x53d: {  	[sflag:s12] =	ssyncset.done $0x0  }
0x53e: {  	s1 =	simm.s32 $0x18B80;
	s15 =	rddreg [dreg:$0x6];
	[sflag:s12] =	ssyncadd.s32 $0xFFFFFFC0  }
0x53f: {  	[hbm4b:s15+s2] =	stream.linear.scatter [tilespmem:s1], [sflag:$0x6], $0x8, $0x38;
	[tilespmem:$0x18C80] =	vst v63  }
0x540: {  	_ =	swait.ge [sflag:s12], $0x8  }
0x541: {  	[sflag:s12] =	ssyncset.done $0x0  }
0x542: {  	s16 =	rddreg [dreg:$0x7];
	[sflag:s12] =	ssyncadd.s32 $0xFFFFFFF8  }
0x543: {  	[hbm4b:s16+s2] =	stream.linear.scatter [tilespmem:s30], [sflag:$0x6], $0x8, $0x38;
	[tilespmem:$0x18C80] =	vst v63  }
0x544: {  	_ =	swait.ge [sflag:s12], $0x8  }
0x545: {  	s29 =	rddreg [dreg:$0x9]  }
0x546: {  	s31 =	rddreg [dreg:$0x8];
	s1 =	sadd.s32 $0x1, s29  }
0x547: {  	p0 =	sne.s32 s1, s31  }
.Ltmp20:
0x548: {  	_ = 	snop;
	(pc) =	sbr.rel @p0 .LBB2_1-.Ltmp20, $3  }
0x549: {  	_ =	sdelay $0x1  }
0x54a: {  	[sflag:s12] =	ssyncset.done $0x0  }
0x54b: {  	[sflag:s12] =	ssyncadd.s32 $0xFFFFFFF8  }
0x54c: {  	_ =	sfence.sel $0x180000  }
0x54d: {  	[bflag:$0x0] =	sbarrier.arrive $0xFFFF  }
0x54e: {  	_ =	strace $0x90000047  }
0x54f: {  	s0 =	stileid.u32;
	[bflag:$0x2] =	sbarrier.arrive $0xFFFF  }
0x550: {  	p0 =	sne.s32 s0, $0x0;
	s0 =	rddreg [dreg:$0x3]  }
0x551: {  	s0 =	sadd.s32 @!p0 $0x100000, s0  }
0x552: {  	[sflag:s0] =	ssyncadd.tile.s32 @!p0 $0x1;
	_ =	shalt  }
.Lfunc_end2:
_tile_overlayer_lowered:
.L_overlay_start_2:
0x553: {  	(tag) =	ssettag $0x2  }
0x554: {  	s0 =	rddreg [dreg:$0x0];
	s2 =	stileid.u32  }
0x555: {  	s1 =	rddreg [dreg:$0x1];
	p0 =	sne.s32 s2, $0x0  }
0x556: {  	s3 =	rddreg [dreg:$0x2];
	[bflag:$0x3] =	sbarrier.arrive $0xFFFF;
	s2 =	simm.s32 @!p0 $0x1C06  }
0x557: {  	[timem:s3], [sflag:s2] =	dma.local @!p0 [hbm:s0], s1  }
0x558: {  	s0 =	simm.s32 @!p0 $0x6  }
0x559: {  	_ =	swait.ge @!p0 [sflag:s0], s1  }
0x55a: {  	s1 =	ssub.s32 @!p0 $0x0, s1;
	[sflag:s0] =	ssyncset.done @!p0 $0x0  }
0x55b: {  	[sflag:s0] =	ssyncadd.s32 @!p0 s1  }
0x55c: {  	[bflag:$0x3] =	sbarrier.arrive $0xFFFF  }
0x55d: {  	_ =	shalt  }

</sc_bundles>
